<compile_context>
chip_gen: v7x
topology: tpu7x:2x2x1
jax: 0.10.2.dev20260603
libtpu: 0.0.44.dev20260713+nightly
codegen_flags: <defaults>
</compile_context>

<pallas_src>
import jax
import jax.numpy as jnp
from jax import lax
from jax.experimental import pallas as pl
from jax.experimental.pallas import tpu as pltpu

P_MASK = 0.5
TIME_MASKING_PARA = 100
TIME_MASK_NUM = 1

NBUF = 8
ROWS = 64
NPRI = 2


def _mask_bounds(B, T):
    key = jax.random.key(42)
    key, k_apply = jax.random.split(key)
    apply_mask = jax.random.uniform(k_apply) <= P_MASK
    starts_l, ends_l = [], []
    for _ in range(TIME_MASK_NUM):
        key, k_t, k_t0 = jax.random.split(key, 3)
        t = jax.random.randint(k_t, (), 0, TIME_MASKING_PARA + 1)
        t0s = jax.random.randint(k_t0, (B,), 0, T - TIME_MASKING_PARA)
        t_eff = jnp.where(apply_mask, t, 0)
        starts_l.append(t0s.astype(jnp.int32))
        ends_l.append((t0s + t_eff).astype(jnp.int32))
    return starts_l[0], ends_l[0]


def _make_body(B, F, T):
    nchunks = B * F // ROWS
    per_sample = F // ROWS

    def body(m_ref, x_hbm, o_hbm, *rest):
        in_bufs = rest[0:NBUF]
        out_bufs = rest[NBUF:2 * NBUF]
        in_sems = rest[2 * NBUF:3 * NBUF]
        out_sems = rest[3 * NBUF:4 * NBUF]

        def in_copy(i, slot):
            return pltpu.make_async_copy(
                x_hbm.at[pl.ds(i * ROWS, ROWS), :], in_bufs[slot], in_sems[slot])

        def out_copy(i, slot):
            return pltpu.make_async_copy(
                out_bufs[slot], o_hbm.at[pl.ds(i * ROWS, ROWS), :], out_sems[slot])

        for i in range(NBUF):
            in_copy(i, i).start(priority=i % NPRI)
        for i in range(nchunks):
            slot = i % NBUF
            in_copy(i, slot).wait()
            s = i // per_sample
            mrow = m_ref[s:s + 1, :]
            if i >= NBUF:
                out_copy(i - NBUF, slot).wait()
            out_bufs[slot][...] = in_bufs[slot][...] * mrow
            out_copy(i, slot).start(priority=slot % NPRI)
            nxt = i + NBUF
            if nxt < nchunks:
                in_copy(nxt, slot).start(priority=slot % NPRI)
        for i in range(nchunks - NBUF, nchunks):
            out_copy(i, i % NBUF).wait()

    return body


def kernel(mel_batch):
    B, F, T = mel_batch.shape
    starts, ends = _mask_bounds(B, T)
    idx = lax.broadcasted_iota(jnp.int32, (B, T), 1)
    m = jnp.where((idx >= starts[:, None]) & (idx < ends[:, None]),
                  jnp.float32(0.0), jnp.float32(1.0))
    x2d = mel_batch.reshape(B * F, T)
    out = pl.pallas_call(
        _make_body(B, F, T),
        grid=(),
        in_specs=[
            pl.BlockSpec(memory_space=pltpu.VMEM),
            pl.BlockSpec(memory_space=pl.ANY),
        ],
        out_specs=pl.BlockSpec(memory_space=pl.ANY),
        out_shape=jax.ShapeDtypeStruct((B * F, T), jnp.float32),
        scratch_shapes=(
            [pltpu.VMEM((ROWS, T), jnp.float32) for _ in range(2 * NBUF)]
            + [pltpu.SemaphoreType.DMA for _ in range(2 * NBUF)]
        ),
    )(m, x2d)
    return out.reshape(B, F, T)

# --- scband reference (transcript-rebuilt; emitter-appended) ---
"""Pipeline reference for scband-spec-augment-68375879353009 (READ-ONLY COPY).

The authoritative reference and input builder live on the scoring server;
editing this copy changes nothing except your own understanding.
"""

import jax, jax.numpy as jnp
import numpy as np

P_MASK = 0.5
TIME_MASKING_PARA = 100
TIME_MASK_NUM = 1


def setup_inputs(seed: int = 0) -> dict:
    key = jax.random.key(seed)
    mel_batch = jax.random.normal(key, (64, 128, 3000), dtype=jnp.float32)
    return {"mel_batch": mel_batch}


def reference(mel_batch):
    # Faithful (determinized) SpecAugment forward: time masking only, as in the
    # original forward(). Randomness is drawn from a fixed jax PRNG stream in
    # place of python's `random` so the op is reproducible.
    B, F, T = mel_batch.shape
    key = jax.random.key(42)
    key, k_apply = jax.random.split(key)
    apply_mask = jax.random.uniform(k_apply) <= P_MASK
    out = mel_batch
    idx = jnp.arange(T)
    for _ in range(TIME_MASK_NUM):
        key, k_t, k_t0 = jax.random.split(key, 3)
        t = jax.random.randint(k_t, (), 0, TIME_MASKING_PARA + 1)
        t0s = jax.random.randint(k_t0, (B,), 0, T - TIME_MASKING_PARA)
        mask = (idx[None, :] >= t0s[:, None]) & (idx[None, :] < (t0s[:, None] + t))
        out = jnp.where(mask[:, None, :], jnp.float32(0.0), out)
    out = jnp.where(apply_mask, out, mel_batch)
    return out

if __name__ == "__main__":
    import jax
    _d = setup_inputs()
    print(jax.jit(kernel)(*tuple(_d.values())))

</pallas_src>

<mosaic_0001>
module attributes {stable_mosaic.version = 14 : i64} {
  func.func @body(%arg0: memref<64x3000xf32, #tpu.memory_space<vmem>>, %arg1: memref<8192x3000xf32, #tpu.memory_space<any>>, %arg2: memref<8192x3000xf32, #tpu.memory_space<any>>, %arg3: memref<64x3000xf32, #tpu.memory_space<vmem>>, %arg4: memref<64x3000xf32, #tpu.memory_space<vmem>>, %arg5: memref<64x3000xf32, #tpu.memory_space<vmem>>, %arg6: memref<64x3000xf32, #tpu.memory_space<vmem>>, %arg7: memref<64x3000xf32, #tpu.memory_space<vmem>>, %arg8: memref<64x3000xf32, #tpu.memory_space<vmem>>, %arg9: memref<64x3000xf32, #tpu.memory_space<vmem>>, %arg10: memref<64x3000xf32, #tpu.memory_space<vmem>>, %arg11: memref<64x3000xf32, #tpu.memory_space<vmem>>, %arg12: memref<64x3000xf32, #tpu.memory_space<vmem>>, %arg13: memref<64x3000xf32, #tpu.memory_space<vmem>>, %arg14: memref<64x3000xf32, #tpu.memory_space<vmem>>, %arg15: memref<64x3000xf32, #tpu.memory_space<vmem>>, %arg16: memref<64x3000xf32, #tpu.memory_space<vmem>>, %arg17: memref<64x3000xf32, #tpu.memory_space<vmem>>, %arg18: memref<64x3000xf32, #tpu.memory_space<vmem>>, %arg19: memref<!tpu.dma_semaphore, #tpu.memory_space<semaphore_mem>>, %arg20: memref<!tpu.dma_semaphore, #tpu.memory_space<semaphore_mem>>, %arg21: memref<!tpu.dma_semaphore, #tpu.memory_space<semaphore_mem>>, %arg22: memref<!tpu.dma_semaphore, #tpu.memory_space<semaphore_mem>>, %arg23: memref<!tpu.dma_semaphore, #tpu.memory_space<semaphore_mem>>, %arg24: memref<!tpu.dma_semaphore, #tpu.memory_space<semaphore_mem>>, %arg25: memref<!tpu.dma_semaphore, #tpu.memory_space<semaphore_mem>>, %arg26: memref<!tpu.dma_semaphore, #tpu.memory_space<semaphore_mem>>, %arg27: memref<!tpu.dma_semaphore, #tpu.memory_space<semaphore_mem>>, %arg28: memref<!tpu.dma_semaphore, #tpu.memory_space<semaphore_mem>>, %arg29: memref<!tpu.dma_semaphore, #tpu.memory_space<semaphore_mem>>, %arg30: memref<!tpu.dma_semaphore, #tpu.memory_space<semaphore_mem>>, %arg31: memref<!tpu.dma_semaphore, #tpu.memory_space<semaphore_mem>>, %arg32: memref<!tpu.dma_semaphore, #tpu.memory_space<semaphore_mem>>, %arg33: memref<!tpu.dma_semaphore, #tpu.memory_space<semaphore_mem>>, %arg34: memref<!tpu.dma_semaphore, #tpu.memory_space<semaphore_mem>>) attributes {dimension_semantics = [], scalar_prefetch = 0 : i64, scratch_operands = 32 : i64, tpu.core_type = #tpu.core_type<tc>} {
    %dma_start3A = arith.constant 0 : i32
    %dma_start3A_0 = arith.constant 0 : i32
    %dma_start3A_1 = tpu.memref_slice %arg1[%dma_start3A, %dma_start3A_0] : memref<8192x3000xf32, #tpu.memory_space<any>> -> memref<64x3000xf32, #tpu.memory_space<any>>
    tpu.enqueue_dma source(%dma_start3A_1 : memref<64x3000xf32, #tpu.memory_space<any>>) target(%arg3 : memref<64x3000xf32, #tpu.memory_space<vmem>>) target_semaphore(%arg19 : memref<!tpu.dma_semaphore, #tpu.memory_space<semaphore_mem>>)
    %dma_start3A_2 = arith.constant 64 : i32
    %dma_start3A_3 = arith.constant 0 : i32
    %dma_start3A_4 = tpu.memref_slice %arg1[%dma_start3A_2, %dma_start3A_3] : memref<8192x3000xf32, #tpu.memory_space<any>> -> memref<64x3000xf32, #tpu.memory_space<any>>
    tpu.enqueue_dma source(%dma_start3A_4 : memref<64x3000xf32, #tpu.memory_space<any>>) target(%arg4 : memref<64x3000xf32, #tpu.memory_space<vmem>>) target_semaphore(%arg20 : memref<!tpu.dma_semaphore, #tpu.memory_space<semaphore_mem>>) {priority = 1 : i32}
    %dma_start3A_5 = arith.constant 128 : i32
    %dma_start3A_6 = arith.constant 0 : i32
    %dma_start3A_7 = tpu.memref_slice %arg1[%dma_start3A_5, %dma_start3A_6] : memref<8192x3000xf32, #tpu.memory_space<any>> -> memref<64x3000xf32, #tpu.memory_space<any>>
    tpu.enqueue_dma source(%dma_start3A_7 : memref<64x3000xf32, #tpu.memory_space<any>>) target(%arg5 : memref<64x3000xf32, #tpu.memory_space<vmem>>) target_semaphore(%arg21 : memref<!tpu.dma_semaphore, #tpu.memory_space<semaphore_mem>>)
    %dma_start3A_8 = arith.constant 192 : i32
    %dma_start3A_9 = arith.constant 0 : i32
    %dma_start3A_10 = tpu.memref_slice %arg1[%dma_start3A_8, %dma_start3A_9] : memref<8192x3000xf32, #tpu.memory_space<any>> -> memref<64x3000xf32, #tpu.memory_space<any>>
    tpu.enqueue_dma source(%dma_start3A_10 : memref<64x3000xf32, #tpu.memory_space<any>>) target(%arg6 : memref<64x3000xf32, #tpu.memory_space<vmem>>) target_semaphore(%arg22 : memref<!tpu.dma_semaphore, #tpu.memory_space<semaphore_mem>>) {priority = 1 : i32}
    %dma_start3A_11 = arith.constant 256 : i32
    %dma_start3A_12 = arith.constant 0 : i32
    %dma_start3A_13 = tpu.memref_slice %arg1[%dma_start3A_11, %dma_start3A_12] : memref<8192x3000xf32, #tpu.memory_space<any>> -> memref<64x3000xf32, #tpu.memory_space<any>>
    tpu.enqueue_dma source(%dma_start3A_13 : memref<64x3000xf32, #tpu.memory_space<any>>) target(%arg7 : memref<64x3000xf32, #tpu.memory_space<vmem>>) target_semaphore(%arg23 : memref<!tpu.dma_semaphore, #tpu.memory_space<semaphore_mem>>)
    %dma_start3A_14 = arith.constant 320 : i32
    %dma_start3A_15 = arith.constant 0 : i32
    %dma_start3A_16 = tpu.memref_slice %arg1[%dma_start3A_14, %dma_start3A_15] : memref<8192x3000xf32, #tpu.memory_space<any>> -> memref<64x3000xf32, #tpu.memory_space<any>>
    tpu.enqueue_dma source(%dma_start3A_16 : memref<64x3000xf32, #tpu.memory_space<any>>) target(%arg8 : memref<64x3000xf32, #tpu.memory_space<vmem>>) target_semaphore(%arg24 : memref<!tpu.dma_semaphore, #tpu.memory_space<semaphore_mem>>) {priority = 1 : i32}
    %dma_start3A_17 = arith.constant 384 : i32
    %dma_start3A_18 = arith.constant 0 : i32
    %dma_start3A_19 = tpu.memref_slice %arg1[%dma_start3A_17, %dma_start3A_18] : memref<8192x3000xf32, #tpu.memory_space<any>> -> memref<64x3000xf32, #tpu.memory_space<any>>
    tpu.enqueue_dma source(%dma_start3A_19 : memref<64x3000xf32, #tpu.memory_space<any>>) target(%arg9 : memref<64x3000xf32, #tpu.memory_space<vmem>>) target_semaphore(%arg25 : memref<!tpu.dma_semaphore, #tpu.memory_space<semaphore_mem>>)
    %dma_start3A_20 = arith.constant 448 : i32
    %dma_start3A_21 = arith.constant 0 : i32
    %dma_start3A_22 = tpu.memref_slice %arg1[%dma_start3A_20, %dma_start3A_21] : memref<8192x3000xf32, #tpu.memory_space<any>> -> memref<64x3000xf32, #tpu.memory_space<any>>
    tpu.enqueue_dma source(%dma_start3A_22 : memref<64x3000xf32, #tpu.memory_space<any>>) target(%arg10 : memref<64x3000xf32, #tpu.memory_space<vmem>>) target_semaphore(%arg26 : memref<!tpu.dma_semaphore, #tpu.memory_space<semaphore_mem>>) {priority = 1 : i32}
    %dma_wait3A = arith.constant 0 : i32
    %dma_wait3A_23 = arith.constant 0 : i32
    %dma_wait3A_24 = tpu.memref_slice %arg1[%dma_wait3A, %dma_wait3A_23] : memref<8192x3000xf32, #tpu.memory_space<any>> -> memref<64x3000xf32, #tpu.memory_space<any>>
    tpu.wait_dma2 semaphore(%arg19 : memref<!tpu.dma_semaphore, #tpu.memory_space<semaphore_mem>>) src(%dma_wait3A_24 : memref<64x3000xf32, #tpu.memory_space<any>>) dst(%arg3 : memref<64x3000xf32, #tpu.memory_space<vmem>>)
    %get3A = arith.constant 0 : index
    %get3A_25 = arith.constant 0 : index
    %get3A_26 = vector.load %arg0[%get3A, %get3A_25] : memref<64x3000xf32, #tpu.memory_space<vmem>>, vector<1x3000xf32>
    %get3A_27 = arith.constant 0 : index
    %get3A_28 = arith.constant 0 : index
    %get3A_29 = vector.load %arg3[%get3A_27, %get3A_28] : memref<64x3000xf32, #tpu.memory_space<vmem>>, vector<64x3000xf32>
    %mul3A = vector.broadcast %get3A_26 : vector<1x3000xf32> to vector<64x3000xf32>
    %mul3A_30 = arith.mulf %get3A_29, %mul3A : vector<64x3000xf32>
    %swap3A = arith.constant 0 : index
    %swap3A_31 = arith.constant 0 : index
    %swap3A_32 = vector.load %arg11[%swap3A, %swap3A_31] : memref<64x3000xf32, #tpu.memory_space<vmem>>, vector<64x3000xf32>
    tpu.vector_store %arg11[%swap3A, %swap3A_31], %mul3A_30 {strides = array<i32>} : memref<64x3000xf32, #tpu.memory_space<vmem>>, vector<64x3000xf32>,
    %dma_start3A_33 = arith.constant 0 : i32
    %dma_start3A_34 = arith.constant 0 : i32
    %dma_start3A_35 = tpu.memref_slice %arg2[%dma_start3A_33, %dma_start3A_34] : memref<8192x3000xf32, #tpu.memory_space<any>> -> memref<64x3000xf32, #tpu.memory_space<any>>
    tpu.enqueue_dma source(%arg11 : memref<64x3000xf32, #tpu.memory_space<vmem>>) target(%dma_start3A_35 : memref<64x3000xf32, #tpu.memory_space<any>>) target_semaphore(%arg27 : memref<!tpu.dma_semaphore, #tpu.memory_space<semaphore_mem>>)
    %dma_start3A_36 = arith.constant 512 : i32
    %dma_start3A_37 = arith.constant 0 : i32
    %dma_start3A_38 = tpu.memref_slice %arg1[%dma_start3A_36, %dma_start3A_37] : memref<8192x3000xf32, #tpu.memory_space<any>> -> memref<64x3000xf32, #tpu.memory_space<any>>
    tpu.enqueue_dma source(%dma_start3A_38 : memref<64x3000xf32, #tpu.memory_space<any>>) target(%arg3 : memref<64x3000xf32, #tpu.memory_space<vmem>>) target_semaphore(%arg19 : memref<!tpu.dma_semaphore, #tpu.memory_space<semaphore_mem>>)
    %dma_wait3A_39 = arith.constant 64 : i32
    %dma_wait3A_40 = arith.constant 0 : i32
    %dma_wait3A_41 = tpu.memref_slice %arg1[%dma_wait3A_39, %dma_wait3A_40] : memref<8192x3000xf32, #tpu.memory_space<any>> -> memref<64x3000xf32, #tpu.memory_space<any>>
    tpu.wait_dma2 semaphore(%arg20 : memref<!tpu.dma_semaphore, #tpu.memory_space<semaphore_mem>>) src(%dma_wait3A_41 : memref<64x3000xf32, #tpu.memory_space<any>>) dst(%arg4 : memref<64x3000xf32, #tpu.memory_space<vmem>>)
    %get3A_42 = arith.constant 0 : index
    %get3A_43 = arith.constant 0 : index
    %get3A_44 = vector.load %arg0[%get3A_42, %get3A_43] : memref<64x3000xf32, #tpu.memory_space<vmem>>, vector<1x3000xf32>
    %get3A_45 = arith.constant 0 : index
    %get3A_46 = arith.constant 0 : index
    %get3A_47 = vector.load %arg4[%get3A_45, %get3A_46] : memref<64x3000xf32, #tpu.memory_space<vmem>>, vector<64x3000xf32>
    %mul3A_48 = vector.broadcast %get3A_44 : vector<1x3000xf32> to vector<64x3000xf32>
    %mul3A_49 = arith.mulf %get3A_47, %mul3A_48 : vector<64x3000xf32>
    %swap3A_50 = arith.constant 0 : index
    %swap3A_51 = arith.constant 0 : index
    %swap3A_52 = vector.load %arg12[%swap3A_50, %swap3A_51] : memref<64x3000xf32, #tpu.memory_space<vmem>>, vector<64x3000xf32>
    tpu.vector_store %arg12[%swap3A_50, %swap3A_51], %mul3A_49 {strides = array<i32>} : memref<64x3000xf32, #tpu.memory_space<vmem>>, vector<64x3000xf32>,
    %dma_start3A_53 = arith.constant 64 : i32
    %dma_start3A_54 = arith.constant 0 : i32
    %dma_start3A_55 = tpu.memref_slice %arg2[%dma_start3A_53, %dma_start3A_54] : memref<8192x3000xf32, #tpu.memory_space<any>> -> memref<64x3000xf32, #tpu.memory_space<any>>
    tpu.enqueue_dma source(%arg12 : memref<64x3000xf32, #tpu.memory_space<vmem>>) target(%dma_start3A_55 : memref<64x3000xf32, #tpu.memory_space<any>>) target_semaphore(%arg28 : memref<!tpu.dma_semaphore, #tpu.memory_space<semaphore_mem>>) {priority = 1 : i32}
    %dma_start3A_56 = arith.constant 576 : i32
    %dma_start3A_57 = arith.constant 0 : i32
    %dma_start3A_58 = tpu.memref_slice %arg1[%dma_start3A_56, %dma_start3A_57] : memref<8192x3000xf32, #tpu.memory_space<any>> -> memref<64x3000xf32, #tpu.memory_space<any>>
    tpu.enqueue_dma source(%dma_start3A_58 : memref<64x3000xf32, #tpu.memory_space<any>>) target(%arg4 : memref<64x3000xf32, #tpu.memory_space<vmem>>) target_semaphore(%arg20 : memref<!tpu.dma_semaphore, #tpu.memory_space<semaphore_mem>>) {priority = 1 : i32}
    %dma_wait3A_59 = arith.constant 128 : i32
    %dma_wait3A_60 = arith.constant 0 : i32
    %dma_wait3A_61 = tpu.memref_slice %arg1[%dma_wait3A_59, %dma_wait3A_60] : memref<8192x3000xf32, #tpu.memory_space<any>> -> memref<64x3000xf32, #tpu.memory_space<any>>
    tpu.wait_dma2 semaphore(%arg21 : memref<!tpu.dma_semaphore, #tpu.memory_space<semaphore_mem>>) src(%dma_wait3A_61 : memref<64x3000xf32, #tpu.memory_space<any>>) dst(%arg5 : memref<64x3000xf32, #tpu.memory_space<vmem>>)
    %get3A_62 = arith.constant 1 : index
    %get3A_63 = arith.constant 0 : index
    %get3A_64 = vector.load %arg0[%get3A_62, %get3A_63] : memref<64x3000xf32, #tpu.memory_space<vmem>>, vector<1x3000xf32>
    %get3A_65 = arith.constant 0 : index
    %get3A_66 = arith.constant 0 : index
    %get3A_67 = vector.load %arg5[%get3A_65, %get3A_66] : memref<64x3000xf32, #tpu.memory_space<vmem>>, vector<64x3000xf32>
    %mul3A_68 = vector.broadcast %get3A_64 : vector<1x3000xf32> to vector<64x3000xf32>
    %mul3A_69 = arith.mulf %get3A_67, %mul3A_68 : vector<64x3000xf32>
    %swap3A_70 = arith.constant 0 : index
    %swap3A_71 = arith.constant 0 : index
    %swap3A_72 = vector.load %arg13[%swap3A_70, %swap3A_71] : memref<64x3000xf32, #tpu.memory_space<vmem>>, vector<64x3000xf32>
    tpu.vector_store %arg13[%swap3A_70, %swap3A_71], %mul3A_69 {strides = array<i32>} : memref<64x3000xf32, #tpu.memory_space<vmem>>, vector<64x3000xf32>,
    %dma_start3A_73 = arith.constant 128 : i32
    %dma_start3A_74 = arith.constant 0 : i32
    %dma_start3A_75 = tpu.memref_slice %arg2[%dma_start3A_73, %dma_start3A_74] : memref<8192x3000xf32, #tpu.memory_space<any>> -> memref<64x3000xf32, #tpu.memory_space<any>>
    tpu.enqueue_dma source(%arg13 : memref<64x3000xf32, #tpu.memory_space<vmem>>) target(%dma_start3A_75 : memref<64x3000xf32, #tpu.memory_space<any>>) target_semaphore(%arg29 : memref<!tpu.dma_semaphore, #tpu.memory_space<semaphore_mem>>)
    %dma_start3A_76 = arith.constant 640 : i32
    %dma_start3A_77 = arith.constant 0 : i32
    %dma_start3A_78 = tpu.memref_slice %arg1[%dma_start3A_76, %dma_start3A_77] : memref<8192x3000xf32, #tpu.memory_space<any>> -> memref<64x3000xf32, #tpu.memory_space<any>>
    tpu.enqueue_dma source(%dma_start3A_78 : memref<64x3000xf32, #tpu.memory_space<any>>) target(%arg5 : memref<64x3000xf32, #tpu.memory_space<vmem>>) target_semaphore(%arg21 : memref<!tpu.dma_semaphore, #tpu.memory_space<semaphore_mem>>)
    %dma_wait3A_79 = arith.constant 192 : i32
    %dma_wait3A_80 = arith.constant 0 : i32
    %dma_wait3A_81 = tpu.memref_slice %arg1[%dma_wait3A_79, %dma_wait3A_80] : memref<8192x3000xf32, #tpu.memory_space<any>> -> memref<64x3000xf32, #tpu.memory_space<any>>
    tpu.wait_dma2 semaphore(%arg22 : memref<!tpu.dma_semaphore, #tpu.memory_space<semaphore_mem>>) src(%dma_wait3A_81 : memref<64x3000xf32, #tpu.memory_space<any>>) dst(%arg6 : memref<64x3000xf32, #tpu.memory_space<vmem>>)
    %get3A_82 = arith.constant 1 : index
    %get3A_83 = arith.constant 0 : index
    %get3A_84 = vector.load %arg0[%get3A_82, %get3A_83] : memref<64x3000xf32, #tpu.memory_space<vmem>>, vector<1x3000xf32>
    %get3A_85 = arith.constant 0 : index
    %get3A_86 = arith.constant 0 : index
    %get3A_87 = vector.load %arg6[%get3A_85, %get3A_86] : memref<64x3000xf32, #tpu.memory_space<vmem>>, vector<64x3000xf32>
    %mul3A_88 = vector.broadcast %get3A_84 : vector<1x3000xf32> to vector<64x3000xf32>
    %mul3A_89 = arith.mulf %get3A_87, %mul3A_88 : vector<64x3000xf32>
    %swap3A_90 = arith.constant 0 : index
    %swap3A_91 = arith.constant 0 : index
    %swap3A_92 = vector.load %arg14[%swap3A_90, %swap3A_91] : memref<64x3000xf32, #tpu.memory_space<vmem>>, vector<64x3000xf32>
    tpu.vector_store %arg14[%swap3A_90, %swap3A_91], %mul3A_89 {strides = array<i32>} : memref<64x3000xf32, #tpu.memory_space<vmem>>, vector<64x3000xf32>,
    %dma_start3A_93 = arith.constant 192 : i32
    %dma_start3A_94 = arith.constant 0 : i32
    %dma_start3A_95 = tpu.memref_slice %arg2[%dma_start3A_93, %dma_start3A_94] : memref<8192x3000xf32, #tpu.memory_space<any>> -> memref<64x3000xf32, #tpu.memory_space<any>>
    tpu.enqueue_dma source(%arg14 : memref<64x3000xf32, #tpu.memory_space<vmem>>) target(%dma_start3A_95 : memref<64x3000xf32, #tpu.memory_space<any>>) target_semaphore(%arg30 : memref<!tpu.dma_semaphore, #tpu.memory_space<semaphore_mem>>) {priority = 1 : i32}
    %dma_start3A_96 = arith.constant 704 : i32
    %dma_start3A_97 = arith.constant 0 : i32
    %dma_start3A_98 = tpu.memref_slice %arg1[%dma_start3A_96, %dma_start3A_97] : memref<8192x3000xf32, #tpu.memory_space<any>> -> memref<64x3000xf32, #tpu.memory_space<any>>
    tpu.enqueue_dma source(%dma_start3A_98 : memref<64x3000xf32, #tpu.memory_space<any>>) target(%arg6 : memref<64x3000xf32, #tpu.memory_space<vmem>>) target_semaphore(%arg22 : memref<!tpu.dma_semaphore, #tpu.memory_space<semaphore_mem>>) {priority = 1 : i32}
    %dma_wait3A_99 = arith.constant 256 : i32
    %dma_wait3A_100 = arith.constant 0 : i32
    %dma_wait3A_101 = tpu.memref_slice %arg1[%dma_wait3A_99, %dma_wait3A_100] : memref<8192x3000xf32, #tpu.memory_space<any>> -> memref<64x3000xf32, #tpu.memory_space<any>>
    tpu.wait_dma2 semaphore(%arg23 : memref<!tpu.dma_semaphore, #tpu.memory_space<semaphore_mem>>) src(%dma_wait3A_101 : memref<64x3000xf32, #tpu.memory_space<any>>) dst(%arg7 : memref<64x3000xf32, #tpu.memory_space<vmem>>)
    %get3A_102 = arith.constant 2 : index
    %get3A_103 = arith.constant 0 : index
    %get3A_104 = vector.load %arg0[%get3A_102, %get3A_103] : memref<64x3000xf32, #tpu.memory_space<vmem>>, vector<1x3000xf32>
    %get3A_105 = arith.constant 0 : index
    %get3A_106 = arith.constant 0 : index
    %get3A_107 = vector.load %arg7[%get3A_105, %get3A_106] : memref<64x3000xf32, #tpu.memory_space<vmem>>, vector<64x3000xf32>
    %mul3A_108 = vector.broadcast %get3A_104 : vector<1x3000xf32> to vector<64x3000xf32>
    %mul3A_109 = arith.mulf %get3A_107, %mul3A_108 : vector<64x3000xf32>
    %swap3A_110 = arith.constant 0 : index
    %swap3A_111 = arith.constant 0 : index
    %swap3A_112 = vector.load %arg15[%swap3A_110, %swap3A_111] : memref<64x3000xf32, #tpu.memory_space<vmem>>, vector<64x3000xf32>
    tpu.vector_store %arg15[%swap3A_110, %swap3A_111], %mul3A_109 {strides = array<i32>} : memref<64x3000xf32, #tpu.memory_space<vmem>>, vector<64x3000xf32>,
    %dma_start3A_113 = arith.constant 256 : i32
    %dma_start3A_114 = arith.constant 0 : i32
    %dma_start3A_115 = tpu.memref_slice %arg2[%dma_start3A_113, %dma_start3A_114] : memref<8192x3000xf32, #tpu.memory_space<any>> -> memref<64x3000xf32, #tpu.memory_space<any>>
    tpu.enqueue_dma source(%arg15 : memref<64x3000xf32, #tpu.memory_space<vmem>>) target(%dma_start3A_115 : memref<64x3000xf32, #tpu.memory_space<any>>) target_semaphore(%arg31 : memref<!tpu.dma_semaphore, #tpu.memory_space<semaphore_mem>>)
    %dma_start3A_116 = arith.constant 768 : i32
    %dma_start3A_117 = arith.constant 0 : i32
    %dma_start3A_118 = tpu.memref_slice %arg1[%dma_start3A_116, %dma_start3A_117] : memref<8192x3000xf32, #tpu.memory_space<any>> -> memref<64x3000xf32, #tpu.memory_space<any>>
    tpu.enqueue_dma source(%dma_start3A_118 : memref<64x3000xf32, #tpu.memory_space<any>>) target(%arg7 : memref<64x3000xf32, #tpu.memory_space<vmem>>) target_semaphore(%arg23 : memref<!tpu.dma_semaphore, #tpu.memory_space<semaphore_mem>>)
    %dma_wait3A_119 = arith.constant 320 : i32
    %dma_wait3A_120 = arith.constant 0 : i32
    %dma_wait3A_121 = tpu.memref_slice %arg1[%dma_wait3A_119, %dma_wait3A_120] : memref<8192x3000xf32, #tpu.memory_space<any>> -> memref<64x3000xf32, #tpu.memory_space<any>>
    tpu.wait_dma2 semaphore(%arg24 : memref<!tpu.dma_semaphore, #tpu.memory_space<semaphore_mem>>) src(%dma_wait3A_121 : memref<64x3000xf32, #tpu.memory_space<any>>) dst(%arg8 : memref<64x3000xf32, #tpu.memory_space<vmem>>)
    %get3A_122 = arith.constant 2 : index
    %get3A_123 = arith.constant 0 : index
    %get3A_124 = vector.load %arg0[%get3A_122, %get3A_123] : memref<64x3000xf32, #tpu.memory_space<vmem>>, vector<1x3000xf32>
    %get3A_125 = arith.constant 0 : index
    %get3A_126 = arith.constant 0 : index
    %get3A_127 = vector.load %arg8[%get3A_125, %get3A_126] : memref<64x3000xf32, #tpu.memory_space<vmem>>, vector<64x3000xf32>
    %mul3A_128 = vector.broadcast %get3A_124 : vector<1x3000xf32> to vector<64x3000xf32>
    %mul3A_129 = arith.mulf %get3A_127, %mul3A_128 : vector<64x3000xf32>
    %swap3A_130 = arith.constant 0 : index
    %swap3A_131 = arith.constant 0 : index
    %swap3A_132 = vector.load %arg16[%swap3A_130, %swap3A_131] : memref<64x3000xf32, #tpu.memory_space<vmem>>, vector<64x3000xf32>
    tpu.vector_store %arg16[%swap3A_130, %swap3A_131], %mul3A_129 {strides = array<i32>} : memref<64x3000xf32, #tpu.memory_space<vmem>>, vector<64x3000xf32>,
    %dma_start3A_133 = arith.constant 320 : i32
    %dma_start3A_134 = arith.constant 0 : i32
    %dma_start3A_135 = tpu.memref_slice %arg2[%dma_start3A_133, %dma_start3A_134] : memref<8192x3000xf32, #tpu.memory_space<any>> -> memref<64x3000xf32, #tpu.memory_space<any>>
    tpu.enqueue_dma source(%arg16 : memref<64x3000xf32, #tpu.memory_space<vmem>>) target(%dma_start3A_135 : memref<64x3000xf32, #tpu.memory_space<any>>) target_semaphore(%arg32 : memref<!tpu.dma_semaphore, #tpu.memory_space<semaphore_mem>>) {priority = 1 : i32}
    %dma_start3A_136 = arith.constant 832 : i32
    %dma_start3A_137 = arith.constant 0 : i32
    %dma_start3A_138 = tpu.memref_slice %arg1[%dma_start3A_136, %dma_start3A_137] : memref<8192x3000xf32, #tpu.memory_space<any>> -> memref<64x3000xf32, #tpu.memory_space<any>>
    tpu.enqueue_dma source(%dma_start3A_138 : memref<64x3000xf32, #tpu.memory_space<any>>) target(%arg8 : memref<64x3000xf32, #tpu.memory_space<vmem>>) target_semaphore(%arg24 : memref<!tpu.dma_semaphore, #tpu.memory_space<semaphore_mem>>) {priority = 1 : i32}
    %dma_wait3A_139 = arith.constant 384 : i32
    %dma_wait3A_140 = arith.constant 0 : i32
    %dma_wait3A_141 = tpu.memref_slice %arg1[%dma_wait3A_139, %dma_wait3A_140] : memref<8192x3000xf32, #tpu.memory_space<any>> -> memref<64x3000xf32, #tpu.memory_space<any>>
    tpu.wait_dma2 semaphore(%arg25 : memref<!tpu.dma_semaphore, #tpu.memory_space<semaphore_mem>>) src(%dma_wait3A_141 : memref<64x3000xf32, #tpu.memory_space<any>>) dst(%arg9 : memref<64x3000xf32, #tpu.memory_space<vmem>>)
    %get3A_142 = arith.constant 3 : index
    %get3A_143 = arith.constant 0 : index
    %get3A_144 = vector.load %arg0[%get3A_142, %get3A_143] : memref<64x3000xf32, #tpu.memory_space<vmem>>, vector<1x3000xf32>
    %get3A_145 = arith.constant 0 : index
    %get3A_146 = arith.constant 0 : index
    %get3A_147 = vector.load %arg9[%get3A_145, %get3A_146] : memref<64x3000xf32, #tpu.memory_space<vmem>>, vector<64x3000xf32>
    %mul3A_148 = vector.broadcast %get3A_144 : vector<1x3000xf32> to vector<64x3000xf32>
    %mul3A_149 = arith.mulf %get3A_147, %mul3A_148 : vector<64x3000xf32>
    %swap3A_150 = arith.constant 0 : index
    %swap3A_151 = arith.constant 0 : index
    %swap3A_152 = vector.load %arg17[%swap3A_150, %swap3A_151] : memref<64x3000xf32, #tpu.memory_space<vmem>>, vector<64x3000xf32>
    tpu.vector_store %arg17[%swap3A_150, %swap3A_151], %mul3A_149 {strides = array<i32>} : memref<64x3000xf32, #tpu.memory_space<vmem>>, vector<64x3000xf32>,
    %dma_start3A_153 = arith.constant 384 : i32
    %dma_start3A_154 = arith.constant 0 : i32
    %dma_start3A_155 = tpu.memref_slice %arg2[%dma_start3A_153, %dma_start3A_154] : memref<8192x3000xf32, #tpu.memory_space<any>> -> memref<64x3000xf32, #tpu.memory_space<any>>
    tpu.enqueue_dma source(%arg17 : memref<64x3000xf32, #tpu.memory_space<vmem>>) target(%dma_start3A_155 : memref<64x3000xf32, #tpu.memory_space<any>>) target_semaphore(%arg33 : memref<!tpu.dma_semaphore, #tpu.memory_space<semaphore_mem>>)
    %dma_start3A_156 = arith.constant 896 : i32
    %dma_start3A_157 = arith.constant 0 : i32
    %dma_start3A_158 = tpu.memref_slice %arg1[%dma_start3A_156, %dma_start3A_157] : memref<8192x3000xf32, #tpu.memory_space<any>> -> memref<64x3000xf32, #tpu.memory_space<any>>
    tpu.enqueue_dma source(%dma_start3A_158 : memref<64x3000xf32, #tpu.memory_space<any>>) target(%arg9 : memref<64x3000xf32, #tpu.memory_space<vmem>>) target_semaphore(%arg25 : memref<!tpu.dma_semaphore, #tpu.memory_space<semaphore_mem>>)
    %dma_wait3A_159 = arith.constant 448 : i32
    %dma_wait3A_160 = arith.constant 0 : i32
    %dma_wait3A_161 = tpu.memref_slice %arg1[%dma_wait3A_159, %dma_wait3A_160] : memref<8192x3000xf32, #tpu.memory_space<any>> -> memref<64x3000xf32, #tpu.memory_space<any>>
    tpu.wait_dma2 semaphore(%arg26 : memref<!tpu.dma_semaphore, #tpu.memory_space<semaphore_mem>>) src(%dma_wait3A_161 : memref<64x3000xf32, #tpu.memory_space<any>>) dst(%arg10 : memref<64x3000xf32, #tpu.memory_space<vmem>>)
    %get3A_162 = arith.constant 3 : index
    %get3A_163 = arith.constant 0 : index
    %get3A_164 = vector.load %arg0[%get3A_162, %get3A_163] : memref<64x3000xf32, #tpu.memory_space<vmem>>, vector<1x3000xf32>
    %get3A_165 = arith.constant 0 : index
    %get3A_166 = arith.constant 0 : index
    %get3A_167 = vector.load %arg10[%get3A_165, %get3A_166] : memref<64x3000xf32, #tpu.memory_space<vmem>>, vector<64x3000xf32>
    %mul3A_168 = vector.broadcast %get3A_164 : vector<1x3000xf32> to vector<64x3000xf32>
    %mul3A_169 = arith.mulf %get3A_167, %mul3A_168 : vector<64x3000xf32>
    %swap3A_170 = arith.constant 0 : index
    %swap3A_171 = arith.constant 0 : index
    %swap3A_172 = vector.load %arg18[%swap3A_170, %swap3A_171] : memref<64x3000xf32, #tpu.memory_space<vmem>>, vector<64x3000xf32>
    tpu.vector_store %arg18[%swap3A_170, %swap3A_171], %mul3A_169 {strides = array<i32>} : memref<64x3000xf32, #tpu.memory_space<vmem>>, vector<64x3000xf32>,
    %dma_start3A_173 = arith.constant 448 : i32
    %dma_start3A_174 = arith.constant 0 : i32
    %dma_start3A_175 = tpu.memref_slice %arg2[%dma_start3A_173, %dma_start3A_174] : memref<8192x3000xf32, #tpu.memory_space<any>> -> memref<64x3000xf32, #tpu.memory_space<any>>
    tpu.enqueue_dma source(%arg18 : memref<64x3000xf32, #tpu.memory_space<vmem>>) target(%dma_start3A_175 : memref<64x3000xf32, #tpu.memory_space<any>>) target_semaphore(%arg34 : memref<!tpu.dma_semaphore, #tpu.memory_space<semaphore_mem>>) {priority = 1 : i32}
    %dma_start3A_176 = arith.constant 960 : i32
    %dma_start3A_177 = arith.constant 0 : i32
    %dma_start3A_178 = tpu.memref_slice %arg1[%dma_start3A_176, %dma_start3A_177] : memref<8192x3000xf32, #tpu.memory_space<any>> -> memref<64x3000xf32, #tpu.memory_space<any>>
    tpu.enqueue_dma source(%dma_start3A_178 : memref<64x3000xf32, #tpu.memory_space<any>>) target(%arg10 : memref<64x3000xf32, #tpu.memory_space<vmem>>) target_semaphore(%arg26 : memref<!tpu.dma_semaphore, #tpu.memory_space<semaphore_mem>>) {priority = 1 : i32}
    %dma_wait3A_179 = arith.constant 512 : i32
    %dma_wait3A_180 = arith.constant 0 : i32
    %dma_wait3A_181 = tpu.memref_slice %arg1[%dma_wait3A_179, %dma_wait3A_180] : memref<8192x3000xf32, #tpu.memory_space<any>> -> memref<64x3000xf32, #tpu.memory_space<any>>
    tpu.wait_dma2 semaphore(%arg19 : memref<!tpu.dma_semaphore, #tpu.memory_space<semaphore_mem>>) src(%dma_wait3A_181 : memref<64x3000xf32, #tpu.memory_space<any>>) dst(%arg3 : memref<64x3000xf32, #tpu.memory_space<vmem>>)
    %get3A_182 = arith.constant 4 : index
    %get3A_183 = arith.constant 0 : index
    %get3A_184 = vector.load %arg0[%get3A_182, %get3A_183] : memref<64x3000xf32, #tpu.memory_space<vmem>>, vector<1x3000xf32>
    %dma_wait3A_185 = arith.constant 0 : i32
    %dma_wait3A_186 = arith.constant 0 : i32
    %dma_wait3A_187 = tpu.memref_slice %arg2[%dma_wait3A_185, %dma_wait3A_186] : memref<8192x3000xf32, #tpu.memory_space<any>> -> memref<64x3000xf32, #tpu.memory_space<any>>
    tpu.wait_dma2 semaphore(%arg27 : memref<!tpu.dma_semaphore, #tpu.memory_space<semaphore_mem>>) src(%arg11 : memref<64x3000xf32, #tpu.memory_space<vmem>>) dst(%dma_wait3A_187 : memref<64x3000xf32, #tpu.memory_space<any>>)
    %get3A_188 = arith.constant 0 : index
    %get3A_189 = arith.constant 0 : index
    %get3A_190 = vector.load %arg3[%get3A_188, %get3A_189] : memref<64x3000xf32, #tpu.memory_space<vmem>>, vector<64x3000xf32>
    %mul3A_191 = vector.broadcast %get3A_184 : vector<1x3000xf32> to vector<64x3000xf32>
    %mul3A_192 = arith.mulf %get3A_190, %mul3A_191 : vector<64x3000xf32>
    %swap3A_193 = arith.constant 0 : index
    %swap3A_194 = arith.constant 0 : index
    %swap3A_195 = vector.load %arg11[%swap3A_193, %swap3A_194] : memref<64x3000xf32, #tpu.memory_space<vmem>>, vector<64x3000xf32>
    tpu.vector_store %arg11[%swap3A_193, %swap3A_194], %mul3A_192 {strides = array<i32>} : memref<64x3000xf32, #tpu.memory_space<vmem>>, vector<64x3000xf32>,
    %dma_start3A_196 = arith.constant 512 : i32
    %dma_start3A_197 = arith.constant 0 : i32
    %dma_start3A_198 = tpu.memref_slice %arg2[%dma_start3A_196, %dma_start3A_197] : memref<8192x3000xf32, #tpu.memory_space<any>> -> memref<64x3000xf32, #tpu.memory_space<any>>
    tpu.enqueue_dma source(%arg11 : memref<64x3000xf32, #tpu.memory_space<vmem>>) target(%dma_start3A_198 : memref<64x3000xf32, #tpu.memory_space<any>>) target_semaphore(%arg27 : memref<!tpu.dma_semaphore, #tpu.memory_space<semaphore_mem>>)
    %dma_start3A_199 = arith.constant 1024 : i32
    %dma_start3A_200 = arith.constant 0 : i32
    %dma_start3A_201 = tpu.memref_slice %arg1[%dma_start3A_199, %dma_start3A_200] : memref<8192x3000xf32, #tpu.memory_space<any>> -> memref<64x3000xf32, #tpu.memory_space<any>>
    tpu.enqueue_dma source(%dma_start3A_201 : memref<64x3000xf32, #tpu.memory_space<any>>) target(%arg3 : memref<64x3000xf32, #tpu.memory_space<vmem>>) target_semaphore(%arg19 : memref<!tpu.dma_semaphore, #tpu.memory_space<semaphore_mem>>)
    %dma_wait3A_202 = arith.constant 576 : i32
    %dma_wait3A_203 = arith.constant 0 : i32
    %dma_wait3A_204 = tpu.memref_slice %arg1[%dma_wait3A_202, %dma_wait3A_203] : memref<8192x3000xf32, #tpu.memory_space<any>> -> memref<64x3000xf32, #tpu.memory_space<any>>
    tpu.wait_dma2 semaphore(%arg20 : memref<!tpu.dma_semaphore, #tpu.memory_space<semaphore_mem>>) src(%dma_wait3A_204 : memref<64x3000xf32, #tpu.memory_space<any>>) dst(%arg4 : memref<64x3000xf32, #tpu.memory_space<vmem>>)
    %get3A_205 = arith.constant 4 : index
    %get3A_206 = arith.constant 0 : index
    %get3A_207 = vector.load %arg0[%get3A_205, %get3A_206] : memref<64x3000xf32, #tpu.memory_space<vmem>>, vector<1x3000xf32>
    %dma_wait3A_208 = arith.constant 64 : i32
    %dma_wait3A_209 = arith.constant 0 : i32
    %dma_wait3A_210 = tpu.memref_slice %arg2[%dma_wait3A_208, %dma_wait3A_209] : memref<8192x3000xf32, #tpu.memory_space<any>> -> memref<64x3000xf32, #tpu.memory_space<any>>
    tpu.wait_dma2 semaphore(%arg28 : memref<!tpu.dma_semaphore, #tpu.memory_space<semaphore_mem>>) src(%arg12 : memref<64x3000xf32, #tpu.memory_space<vmem>>) dst(%dma_wait3A_210 : memref<64x3000xf32, #tpu.memory_space<any>>)
    %get3A_211 = arith.constant 0 : index
    %get3A_212 = arith.constant 0 : index
    %get3A_213 = vector.load %arg4[%get3A_211, %get3A_212] : memref<64x3000xf32, #tpu.memory_space<vmem>>, vector<64x3000xf32>
    %mul3A_214 = vector.broadcast %get3A_207 : vector<1x3000xf32> to vector<64x3000xf32>
    %mul3A_215 = arith.mulf %get3A_213, %mul3A_214 : vector<64x3000xf32>
    %swap3A_216 = arith.constant 0 : index
    %swap3A_217 = arith.constant 0 : index
    %swap3A_218 = vector.load %arg12[%swap3A_216, %swap3A_217] : memref<64x3000xf32, #tpu.memory_space<vmem>>, vector<64x3000xf32>
    tpu.vector_store %arg12[%swap3A_216, %swap3A_217], %mul3A_215 {strides = array<i32>} : memref<64x3000xf32, #tpu.memory_space<vmem>>, vector<64x3000xf32>,
    %dma_start3A_219 = arith.constant 576 : i32
    %dma_start3A_220 = arith.constant 0 : i32
    %dma_start3A_221 = tpu.memref_slice %arg2[%dma_start3A_219, %dma_start3A_220] : memref<8192x3000xf32, #tpu.memory_space<any>> -> memref<64x3000xf32, #tpu.memory_space<any>>
    tpu.enqueue_dma source(%arg12 : memref<64x3000xf32, #tpu.memory_space<vmem>>) target(%dma_start3A_221 : memref<64x3000xf32, #tpu.memory_space<any>>) target_semaphore(%arg28 : memref<!tpu.dma_semaphore, #tpu.memory_space<semaphore_mem>>) {priority = 1 : i32}
    %dma_start3A_222 = arith.constant 1088 : i32
    %dma_start3A_223 = arith.constant 0 : i32
    %dma_start3A_224 = tpu.memref_slice %arg1[%dma_start3A_222, %dma_start3A_223] : memref<8192x3000xf32, #tpu.memory_space<any>> -> memref<64x3000xf32, #tpu.memory_space<any>>
    tpu.enqueue_dma source(%dma_start3A_224 : memref<64x3000xf32, #tpu.memory_space<any>>) target(%arg4 : memref<64x3000xf32, #tpu.memory_space<vmem>>) target_semaphore(%arg20 : memref<!tpu.dma_semaphore, #tpu.memory_space<semaphore_mem>>) {priority = 1 : i32}
    %dma_wait3A_225 = arith.constant 640 : i32
    %dma_wait3A_226 = arith.constant 0 : i32
    %dma_wait3A_227 = tpu.memref_slice %arg1[%dma_wait3A_225, %dma_wait3A_226] : memref<8192x3000xf32, #tpu.memory_space<any>> -> memref<64x3000xf32, #tpu.memory_space<any>>
    tpu.wait_dma2 semaphore(%arg21 : memref<!tpu.dma_semaphore, #tpu.memory_space<semaphore_mem>>) src(%dma_wait3A_227 : memref<64x3000xf32, #tpu.memory_space<any>>) dst(%arg5 : memref<64x3000xf32, #tpu.memory_space<vmem>>)
    %get3A_228 = arith.constant 5 : index
    %get3A_229 = arith.constant 0 : index
    %get3A_230 = vector.load %arg0[%get3A_228, %get3A_229] : memref<64x3000xf32, #tpu.memory_space<vmem>>, vector<1x3000xf32>
    %dma_wait3A_231 = arith.constant 128 : i32
    %dma_wait3A_232 = arith.constant 0 : i32
    %dma_wait3A_233 = tpu.memref_slice %arg2[%dma_wait3A_231, %dma_wait3A_232] : memref<8192x3000xf32, #tpu.memory_space<any>> -> memref<64x3000xf32, #tpu.memory_space<any>>
    tpu.wait_dma2 semaphore(%arg29 : memref<!tpu.dma_semaphore, #tpu.memory_space<semaphore_mem>>) src(%arg13 : memref<64x3000xf32, #tpu.memory_space<vmem>>) dst(%dma_wait3A_233 : memref<64x3000xf32, #tpu.memory_space<any>>)
    %get3A_234 = arith.constant 0 : index
    %get3A_235 = arith.constant 0 : index
    %get3A_236 = vector.load %arg5[%get3A_234, %get3A_235] : memref<64x3000xf32, #tpu.memory_space<vmem>>, vector<64x3000xf32>
    %mul3A_237 = vector.broadcast %get3A_230 : vector<1x3000xf32> to vector<64x3000xf32>
    %mul3A_238 = arith.mulf %get3A_236, %mul3A_237 : vector<64x3000xf32>
    %swap3A_239 = arith.constant 0 : index
    %swap3A_240 = arith.constant 0 : index
    %swap3A_241 = vector.load %arg13[%swap3A_239, %swap3A_240] : memref<64x3000xf32, #tpu.memory_space<vmem>>, vector<64x3000xf32>
    tpu.vector_store %arg13[%swap3A_239, %swap3A_240], %mul3A_238 {strides = array<i32>} : memref<64x3000xf32, #tpu.memory_space<vmem>>, vector<64x3000xf32>,
    %dma_start3A_242 = arith.constant 640 : i32
    %dma_start3A_243 = arith.constant 0 : i32
    %dma_start3A_244 = tpu.memref_slice %arg2[%dma_start3A_242, %dma_start3A_243] : memref<8192x3000xf32, #tpu.memory_space<any>> -> memref<64x3000xf32, #tpu.memory_space<any>>
    tpu.enqueue_dma source(%arg13 : memref<64x3000xf32, #tpu.memory_space<vmem>>) target(%dma_start3A_244 : memref<64x3000xf32, #tpu.memory_space<any>>) target_semaphore(%arg29 : memref<!tpu.dma_semaphore, #tpu.memory_space<semaphore_mem>>)
    %dma_start3A_245 = arith.constant 1152 : i32
    %dma_start3A_246 = arith.constant 0 : i32
    %dma_start3A_247 = tpu.memref_slice %arg1[%dma_start3A_245, %dma_start3A_246] : memref<8192x3000xf32, #tpu.memory_space<any>> -> memref<64x3000xf32, #tpu.memory_space<any>>
    tpu.enqueue_dma source(%dma_start3A_247 : memref<64x3000xf32, #tpu.memory_space<any>>) target(%arg5 : memref<64x3000xf32, #tpu.memory_space<vmem>>) target_semaphore(%arg21 : memref<!tpu.dma_semaphore, #tpu.memory_space<semaphore_mem>>)
    %dma_wait3A_248 = arith.constant 704 : i32
    %dma_wait3A_249 = arith.constant 0 : i32
    %dma_wait3A_250 = tpu.memref_slice %arg1[%dma_wait3A_248, %dma_wait3A_249] : memref<8192x3000xf32, #tpu.memory_space<any>> -> memref<64x3000xf32, #tpu.memory_space<any>>
    tpu.wait_dma2 semaphore(%arg22 : memref<!tpu.dma_semaphore, #tpu.memory_space<semaphore_mem>>) src(%dma_wait3A_250 : memref<64x3000xf32, #tpu.memory_space<any>>) dst(%arg6 : memref<64x3000xf32, #tpu.memory_space<vmem>>)
    %get3A_251 = arith.constant 5 : index
    %get3A_252 = arith.constant 0 : index
    %get3A_253 = vector.load %arg0[%get3A_251, %get3A_252] : memref<64x3000xf32, #tpu.memory_space<vmem>>, vector<1x3000xf32>
    %dma_wait3A_254 = arith.constant 192 : i32
    %dma_wait3A_255 = arith.constant 0 : i32
    %dma_wait3A_256 = tpu.memref_slice %arg2[%dma_wait3A_254, %dma_wait3A_255] : memref<8192x3000xf32, #tpu.memory_space<any>> -> memref<64x3000xf32, #tpu.memory_space<any>>
    tpu.wait_dma2 semaphore(%arg30 : memref<!tpu.dma_semaphore, #tpu.memory_space<semaphore_mem>>) src(%arg14 : memref<64x3000xf32, #tpu.memory_space<vmem>>) dst(%dma_wait3A_256 : memref<64x3000xf32, #tpu.memory_space<any>>)
    %get3A_257 = arith.constant 0 : index
    %get3A_258 = arith.constant 0 : index
    %get3A_259 = vector.load %arg6[%get3A_257, %get3A_258] : memref<64x3000xf32, #tpu.memory_space<vmem>>, vector<64x3000xf32>
    %mul3A_260 = vector.broadcast %get3A_253 : vector<1x3000xf32> to vector<64x3000xf32>
    %mul3A_261 = arith.mulf %get3A_259, %mul3A_260 : vector<64x3000xf32>
    %swap3A_262 = arith.constant 0 : index
    %swap3A_263 = arith.constant 0 : index
    %swap3A_264 = vector.load %arg14[%swap3A_262, %swap3A_263] : memref<64x3000xf32, #tpu.memory_space<vmem>>, vector<64x3000xf32>
    tpu.vector_store %arg14[%swap3A_262, %swap3A_263], %mul3A_261 {strides = array<i32>} : memref<64x3000xf32, #tpu.memory_space<vmem>>, vector<64x3000xf32>,
    %dma_start3A_265 = arith.constant 704 : i32
    %dma_start3A_266 = arith.constant 0 : i32
    %dma_start3A_267 = tpu.memref_slice %arg2[%dma_start3A_265, %dma_start3A_266] : memref<8192x3000xf32, #tpu.memory_space<any>> -> memref<64x3000xf32, #tpu.memory_space<any>>
    tpu.enqueue_dma source(%arg14 : memref<64x3000xf32, #tpu.memory_space<vmem>>) target(%dma_start3A_267 : memref<64x3000xf32, #tpu.memory_space<any>>) target_semaphore(%arg30 : memref<!tpu.dma_semaphore, #tpu.memory_space<semaphore_mem>>) {priority = 1 : i32}
    %dma_start3A_268 = arith.constant 1216 : i32
    %dma_start3A_269 = arith.constant 0 : i32
    %dma_start3A_270 = tpu.memref_slice %arg1[%dma_start3A_268, %dma_start3A_269] : memref<8192x3000xf32, #tpu.memory_space<any>> -> memref<64x3000xf32, #tpu.memory_space<any>>
    tpu.enqueue_dma source(%dma_start3A_270 : memref<64x3000xf32, #tpu.memory_space<any>>) target(%arg6 : memref<64x3000xf32, #tpu.memory_space<vmem>>) target_semaphore(%arg22 : memref<!tpu.dma_semaphore, #tpu.memory_space<semaphore_mem>>) {priority = 1 : i32}
    %dma_wait3A_271 = arith.constant 768 : i32
    %dma_wait3A_272 = arith.constant 0 : i32
    %dma_wait3A_273 = tpu.memref_slice %arg1[%dma_wait3A_271, %dma_wait3A_272] : memref<8192x3000xf32, #tpu.memory_space<any>> -> memref<64x3000xf32, #tpu.memory_space<any>>
    tpu.wait_dma2 semaphore(%arg23 : memref<!tpu.dma_semaphore, #tpu.memory_space<semaphore_mem>>) src(%dma_wait3A_273 : memref<64x3000xf32, #tpu.memory_space<any>>) dst(%arg7 : memref<64x3000xf32, #tpu.memory_space<vmem>>)
    %get3A_274 = arith.constant 6 : index
    %get3A_275 = arith.constant 0 : index
    %get3A_276 = vector.load %arg0[%get3A_274, %get3A_275] : memref<64x3000xf32, #tpu.memory_space<vmem>>, vector<1x3000xf32>
    %dma_wait3A_277 = arith.constant 256 : i32
    %dma_wait3A_278 = arith.constant 0 : i32
    %dma_wait3A_279 = tpu.memref_slice %arg2[%dma_wait3A_277, %dma_wait3A_278] : memref<8192x3000xf32, #tpu.memory_space<any>> -> memref<64x3000xf32, #tpu.memory_space<any>>
    tpu.wait_dma2 semaphore(%arg31 : memref<!tpu.dma_semaphore, #tpu.memory_space<semaphore_mem>>) src(%arg15 : memref<64x3000xf32, #tpu.memory_space<vmem>>) dst(%dma_wait3A_279 : memref<64x3000xf32, #tpu.memory_space<any>>)
    %get3A_280 = arith.constant 0 : index
    %get3A_281 = arith.constant 0 : index
    %get3A_282 = vector.load %arg7[%get3A_280, %get3A_281] : memref<64x3000xf32, #tpu.memory_space<vmem>>, vector<64x3000xf32>
    %mul3A_283 = vector.broadcast %get3A_276 : vector<1x3000xf32> to vector<64x3000xf32>
    %mul3A_284 = arith.mulf %get3A_282, %mul3A_283 : vector<64x3000xf32>
    %swap3A_285 = arith.constant 0 : index
    %swap3A_286 = arith.constant 0 : index
    %swap3A_287 = vector.load %arg15[%swap3A_285, %swap3A_286] : memref<64x3000xf32, #tpu.memory_space<vmem>>, vector<64x3000xf32>
    tpu.vector_store %arg15[%swap3A_285, %swap3A_286], %mul3A_284 {strides = array<i32>} : memref<64x3000xf32, #tpu.memory_space<vmem>>, vector<64x3000xf32>,
    %dma_start3A_288 = arith.constant 768 : i32
    %dma_start3A_289 = arith.constant 0 : i32
    %dma_start3A_290 = tpu.memref_slice %arg2[%dma_start3A_288, %dma_start3A_289] : memref<8192x3000xf32, #tpu.memory_space<any>> -> memref<64x3000xf32, #tpu.memory_space<any>>
    tpu.enqueue_dma source(%arg15 : memref<64x3000xf32, #tpu.memory_space<vmem>>) target(%dma_start3A_290 : memref<64x3000xf32, #tpu.memory_space<any>>) target_semaphore(%arg31 : memref<!tpu.dma_semaphore, #tpu.memory_space<semaphore_mem>>)
    %dma_start3A_291 = arith.constant 1280 : i32
    %dma_start3A_292 = arith.constant 0 : i32
    %dma_start3A_293 = tpu.memref_slice %arg1[%dma_start3A_291, %dma_start3A_292] : memref<8192x3000xf32, #tpu.memory_space<any>> -> memref<64x3000xf32, #tpu.memory_space<any>>
    tpu.enqueue_dma source(%dma_start3A_293 : memref<64x3000xf32, #tpu.memory_space<any>>) target(%arg7 : memref<64x3000xf32, #tpu.memory_space<vmem>>) target_semaphore(%arg23 : memref<!tpu.dma_semaphore, #tpu.memory_space<semaphore_mem>>)
    %dma_wait3A_294 = arith.constant 832 : i32
    %dma_wait3A_295 = arith.constant 0 : i32
    %dma_wait3A_296 = tpu.memref_slice %arg1[%dma_wait3A_294, %dma_wait3A_295] : memref<8192x3000xf32, #tpu.memory_space<any>> -> memref<64x3000xf32, #tpu.memory_space<any>>
    tpu.wait_dma2 semaphore(%arg24 : memref<!tpu.dma_semaphore, #tpu.memory_space<semaphore_mem>>) src(%dma_wait3A_296 : memref<64x3000xf32, #tpu.memory_space<any>>) dst(%arg8 : memref<64x3000xf32, #tpu.memory_space<vmem>>)
    %get3A_297 = arith.constant 6 : index
    %get3A_298 = arith.constant 0 : index
    %get3A_299 = vector.load %arg0[%get3A_297, %get3A_298] : memref<64x3000xf32, #tpu.memory_space<vmem>>, vector<1x3000xf32>
    %dma_wait3A_300 = arith.constant 320 : i32
    %dma_wait3A_301 = arith.constant 0 : i32
    %dma_wait3A_302 = tpu.memref_slice %arg2[%dma_wait3A_300, %dma_wait3A_301] : memref<8192x3000xf32, #tpu.memory_space<any>> -> memref<64x3000xf32, #tpu.memory_space<any>>
    tpu.wait_dma2 semaphore(%arg32 : memref<!tpu.dma_semaphore, #tpu.memory_space<semaphore_mem>>) src(%arg16 : memref<64x3000xf32, #tpu.memory_space<vmem>>) dst(%dma_wait3A_302 : memref<64x3000xf32, #tpu.memory_space<any>>)
    %get3A_303 = arith.constant 0 : index
    %get3A_304 = arith.constant 0 : index
    %get3A_305 = vector.load %arg8[%get3A_303, %get3A_304] : memref<64x3000xf32, #tpu.memory_space<vmem>>, vector<64x3000xf32>
    %mul3A_306 = vector.broadcast %get3A_299 : vector<1x3000xf32> to vector<64x3000xf32>
    %mul3A_307 = arith.mulf %get3A_305, %mul3A_306 : vector<64x3000xf32>
    %swap3A_308 = arith.constant 0 : index
    %swap3A_309 = arith.constant 0 : index
    %swap3A_310 = vector.load %arg16[%swap3A_308, %swap3A_309] : memref<64x3000xf32, #tpu.memory_space<vmem>>, vector<64x3000xf32>
    tpu.vector_store %arg16[%swap3A_308, %swap3A_309], %mul3A_307 {strides = array<i32>} : memref<64x3000xf32, #tpu.memory_space<vmem>>, vector<64x3000xf32>,
    %dma_start3A_311 = arith.constant 832 : i32
    %dma_start3A_312 = arith.constant 0 : i32
    %dma_start3A_313 = tpu.memref_slice %arg2[%dma_start3A_311, %dma_start3A_312] : memref<8192x3000xf32, #tpu.memory_space<any>> -> memref<64x3000xf32, #tpu.memory_space<any>>
    tpu.enqueue_dma source(%arg16 : memref<64x3000xf32, #tpu.memory_space<vmem>>) target(%dma_start3A_313 : memref<64x3000xf32, #tpu.memory_space<any>>) target_semaphore(%arg32 : memref<!tpu.dma_semaphore, #tpu.memory_space<semaphore_mem>>) {priority = 1 : i32}
    %dma_start3A_314 = arith.constant 1344 : i32
    %dma_start3A_315 = arith.constant 0 : i32
    %dma_start3A_316 = tpu.memref_slice %arg1[%dma_start3A_314, %dma_start3A_315] : memref<8192x3000xf32, #tpu.memory_space<any>> -> memref<64x3000xf32, #tpu.memory_space<any>>
    tpu.enqueue_dma source(%dma_start3A_316 : memref<64x3000xf32, #tpu.memory_space<any>>) target(%arg8 : memref<64x3000xf32, #tpu.memory_space<vmem>>) target_semaphore(%arg24 : memref<!tpu.dma_semaphore, #tpu.memory_space<semaphore_mem>>) {priority = 1 : i32}
    %dma_wait3A_317 = arith.constant 896 : i32
    %dma_wait3A_318 = arith.constant 0 : i32
    %dma_wait3A_319 = tpu.memref_slice %arg1[%dma_wait3A_317, %dma_wait3A_318] : memref<8192x3000xf32, #tpu.memory_space<any>> -> memref<64x3000xf32, #tpu.memory_space<any>>
    tpu.wait_dma2 semaphore(%arg25 : memref<!tpu.dma_semaphore, #tpu.memory_space<semaphore_mem>>) src(%dma_wait3A_319 : memref<64x3000xf32, #tpu.memory_space<any>>) dst(%arg9 : memref<64x3000xf32, #tpu.memory_space<vmem>>)
    %get3A_320 = arith.constant 7 : index
    %get3A_321 = arith.constant 0 : index
    %get3A_322 = vector.load %arg0[%get3A_320, %get3A_321] : memref<64x3000xf32, #tpu.memory_space<vmem>>, vector<1x3000xf32>
    %dma_wait3A_323 = arith.constant 384 : i32
    %dma_wait3A_324 = arith.constant 0 : i32
    %dma_wait3A_325 = tpu.memref_slice %arg2[%dma_wait3A_323, %dma_wait3A_324] : memref<8192x3000xf32, #tpu.memory_space<any>> -> memref<64x3000xf32, #tpu.memory_space<any>>
    tpu.wait_dma2 semaphore(%arg33 : memref<!tpu.dma_semaphore, #tpu.memory_space<semaphore_mem>>) src(%arg17 : memref<64x3000xf32, #tpu.memory_space<vmem>>) dst(%dma_wait3A_325 : memref<64x3000xf32, #tpu.memory_space<any>>)
    %get3A_326 = arith.constant 0 : index
    %get3A_327 = arith.constant 0 : index
    %get3A_328 = vector.load %arg9[%get3A_326, %get3A_327] : memref<64x3000xf32, #tpu.memory_space<vmem>>, vector<64x3000xf32>
    %mul3A_329 = vector.broadcast %get3A_322 : vector<1x3000xf32> to vector<64x3000xf32>
    %mul3A_330 = arith.mulf %get3A_328, %mul3A_329 : vector<64x3000xf32>
    %swap3A_331 = arith.constant 0 : index
    %swap3A_332 = arith.constant 0 : index
    %swap3A_333 = vector.load %arg17[%swap3A_331, %swap3A_332] : memref<64x3000xf32, #tpu.memory_space<vmem>>, vector<64x3000xf32>
    tpu.vector_store %arg17[%swap3A_331, %swap3A_332], %mul3A_330 {strides = array<i32>} : memref<64x3000xf32, #tpu.memory_space<vmem>>, vector<64x3000xf32>,
    %dma_start3A_334 = arith.constant 896 : i32
    %dma_start3A_335 = arith.constant 0 : i32
    %dma_start3A_336 = tpu.memref_slice %arg2[%dma_start3A_334, %dma_start3A_335] : memref<8192x3000xf32, #tpu.memory_space<any>> -> memref<64x3000xf32, #tpu.memory_space<any>>
    tpu.enqueue_dma source(%arg17 : memref<64x3000xf32, #tpu.memory_space<vmem>>) target(%dma_start3A_336 : memref<64x3000xf32, #tpu.memory_space<any>>) target_semaphore(%arg33 : memref<!tpu.dma_semaphore, #tpu.memory_space<semaphore_mem>>)
    %dma_start3A_337 = arith.constant 1408 : i32
    %dma_start3A_338 = arith.constant 0 : i32
    %dma_start3A_339 = tpu.memref_slice %arg1[%dma_start3A_337, %dma_start3A_338] : memref<8192x3000xf32, #tpu.memory_space<any>> -> memref<64x3000xf32, #tpu.memory_space<any>>
    tpu.enqueue_dma source(%dma_start3A_339 : memref<64x3000xf32, #tpu.memory_space<any>>) target(%arg9 : memref<64x3000xf32, #tpu.memory_space<vmem>>) target_semaphore(%arg25 : memref<!tpu.dma_semaphore, #tpu.memory_space<semaphore_mem>>)
    %dma_wait3A_340 = arith.constant 960 : i32
    %dma_wait3A_341 = arith.constant 0 : i32
    %dma_wait3A_342 = tpu.memref_slice %arg1[%dma_wait3A_340, %dma_wait3A_341] : memref<8192x3000xf32, #tpu.memory_space<any>> -> memref<64x3000xf32, #tpu.memory_space<any>>
    tpu.wait_dma2 semaphore(%arg26 : memref<!tpu.dma_semaphore, #tpu.memory_space<semaphore_mem>>) src(%dma_wait3A_342 : memref<64x3000xf32, #tpu.memory_space<any>>) dst(%arg10 : memref<64x3000xf32, #tpu.memory_space<vmem>>)
    %get3A_343 = arith.constant 7 : index
    %get3A_344 = arith.constant 0 : index
    %get3A_345 = vector.load %arg0[%get3A_343, %get3A_344] : memref<64x3000xf32, #tpu.memory_space<vmem>>, vector<1x3000xf32>
    %dma_wait3A_346 = arith.constant 448 : i32
    %dma_wait3A_347 = arith.constant 0 : i32
    %dma_wait3A_348 = tpu.memref_slice %arg2[%dma_wait3A_346, %dma_wait3A_347] : memref<8192x3000xf32, #tpu.memory_space<any>> -> memref<64x3000xf32, #tpu.memory_space<any>>
    tpu.wait_dma2 semaphore(%arg34 : memref<!tpu.dma_semaphore, #tpu.memory_space<semaphore_mem>>) src(%arg18 : memref<64x3000xf32, #tpu.memory_space<vmem>>) dst(%dma_wait3A_348 : memref<64x3000xf32, #tpu.memory_space<any>>)
    %get3A_349 = arith.constant 0 : index
    %get3A_350 = arith.constant 0 : index
    %get3A_351 = vector.load %arg10[%get3A_349, %get3A_350] : memref<64x3000xf32, #tpu.memory_space<vmem>>, vector<64x3000xf32>
    %mul3A_352 = vector.broadcast %get3A_345 : vector<1x3000xf32> to vector<64x3000xf32>
    %mul3A_353 = arith.mulf %get3A_351, %mul3A_352 : vector<64x3000xf32>
    %swap3A_354 = arith.constant 0 : index
    %swap3A_355 = arith.constant 0 : index
    %swap3A_356 = vector.load %arg18[%swap3A_354, %swap3A_355] : memref<64x3000xf32, #tpu.memory_space<vmem>>, vector<64x3000xf32>
    tpu.vector_store %arg18[%swap3A_354, %swap3A_355], %mul3A_353 {strides = array<i32>} : memref<64x3000xf32, #tpu.memory_space<vmem>>, vector<64x3000xf32>,
    %dma_start3A_357 = arith.constant 960 : i32
    %dma_start3A_358 = arith.constant 0 : i32
    %dma_start3A_359 = tpu.memref_slice %arg2[%dma_start3A_357, %dma_start3A_358] : memref<8192x3000xf32, #tpu.memory_space<any>> -> memref<64x3000xf32, #tpu.memory_space<any>>
    tpu.enqueue_dma source(%arg18 : memref<64x3000xf32, #tpu.memory_space<vmem>>) target(%dma_start3A_359 : memref<64x3000xf32, #tpu.memory_space<any>>) target_semaphore(%arg34 : memref<!tpu.dma_semaphore, #tpu.memory_space<semaphore_mem>>) {priority = 1 : i32}
    %dma_start3A_360 = arith.constant 1472 : i32
    %dma_start3A_361 = arith.constant 0 : i32
    %dma_start3A_362 = tpu.memref_slice %arg1[%dma_start3A_360, %dma_start3A_361] : memref<8192x3000xf32, #tpu.memory_space<any>> -> memref<64x3000xf32, #tpu.memory_space<any>>
    tpu.enqueue_dma source(%dma_start3A_362 : memref<64x3000xf32, #tpu.memory_space<any>>) target(%arg10 : memref<64x3000xf32, #tpu.memory_space<vmem>>) target_semaphore(%arg26 : memref<!tpu.dma_semaphore, #tpu.memory_space<semaphore_mem>>) {priority = 1 : i32}
    %dma_wait3A_363 = arith.constant 1024 : i32
    %dma_wait3A_364 = arith.constant 0 : i32
    %dma_wait3A_365 = tpu.memref_slice %arg1[%dma_wait3A_363, %dma_wait3A_364] : memref<8192x3000xf32, #tpu.memory_space<any>> -> memref<64x3000xf32, #tpu.memory_space<any>>
    tpu.wait_dma2 semaphore(%arg19 : memref<!tpu.dma_semaphore, #tpu.memory_space<semaphore_mem>>) src(%dma_wait3A_365 : memref<64x3000xf32, #tpu.memory_space<any>>) dst(%arg3 : memref<64x3000xf32, #tpu.memory_space<vmem>>)
    %get3A_366 = arith.constant 8 : index
    %get3A_367 = arith.constant 0 : index
    %get3A_368 = vector.load %arg0[%get3A_366, %get3A_367] : memref<64x3000xf32, #tpu.memory_space<vmem>>, vector<1x3000xf32>
    %dma_wait3A_369 = arith.constant 512 : i32
    %dma_wait3A_370 = arith.constant 0 : i32
    %dma_wait3A_371 = tpu.memref_slice %arg2[%dma_wait3A_369, %dma_wait3A_370] : memref<8192x3000xf32, #tpu.memory_space<any>> -> memref<64x3000xf32, #tpu.memory_space<any>>
    tpu.wait_dma2 semaphore(%arg27 : memref<!tpu.dma_semaphore, #tpu.memory_space<semaphore_mem>>) src(%arg11 : memref<64x3000xf32, #tpu.memory_space<vmem>>) dst(%dma_wait3A_371 : memref<64x3000xf32, #tpu.memory_space<any>>)
    %get3A_372 = arith.constant 0 : index
    %get3A_373 = arith.constant 0 : index
    %get3A_374 = vector.load %arg3[%get3A_372, %get3A_373] : memref<64x3000xf32, #tpu.memory_space<vmem>>, vector<64x3000xf32>
    %mul3A_375 = vector.broadcast %get3A_368 : vector<1x3000xf32> to vector<64x3000xf32>
    %mul3A_376 = arith.mulf %get3A_374, %mul3A_375 : vector<64x3000xf32>
    %swap3A_377 = arith.constant 0 : index
    %swap3A_378 = arith.constant 0 : index
    %swap3A_379 = vector.load %arg11[%swap3A_377, %swap3A_378] : memref<64x3000xf32, #tpu.memory_space<vmem>>, vector<64x3000xf32>
    tpu.vector_store %arg11[%swap3A_377, %swap3A_378], %mul3A_376 {strides = array<i32>} : memref<64x3000xf32, #tpu.memory_space<vmem>>, vector<64x3000xf32>,
    %dma_start3A_380 = arith.constant 1024 : i32
    %dma_start3A_381 = arith.constant 0 : i32
    %dma_start3A_382 = tpu.memref_slice %arg2[%dma_start3A_380, %dma_start3A_381] : memref<8192x3000xf32, #tpu.memory_space<any>> -> memref<64x3000xf32, #tpu.memory_space<any>>
    tpu.enqueue_dma source(%arg11 : memref<64x3000xf32, #tpu.memory_space<vmem>>) target(%dma_start3A_382 : memref<64x3000xf32, #tpu.memory_space<any>>) target_semaphore(%arg27 : memref<!tpu.dma_semaphore, #tpu.memory_space<semaphore_mem>>)
    %dma_start3A_383 = arith.constant 1536 : i32
    %dma_start3A_384 = arith.constant 0 : i32
    %dma_start3A_385 = tpu.memref_slice %arg1[%dma_start3A_383, %dma_start3A_384] : memref<8192x3000xf32, #tpu.memory_space<any>> -> memref<64x3000xf32, #tpu.memory_space<any>>
    tpu.enqueue_dma source(%dma_start3A_385 : memref<64x3000xf32, #tpu.memory_space<any>>) target(%arg3 : memref<64x3000xf32, #tpu.memory_space<vmem>>) target_semaphore(%arg19 : memref<!tpu.dma_semaphore, #tpu.memory_space<semaphore_mem>>)
    %dma_wait3A_386 = arith.constant 1088 : i32
    %dma_wait3A_387 = arith.constant 0 : i32
    %dma_wait3A_388 = tpu.memref_slice %arg1[%dma_wait3A_386, %dma_wait3A_387] : memref<8192x3000xf32, #tpu.memory_space<any>> -> memref<64x3000xf32, #tpu.memory_space<any>>
    tpu.wait_dma2 semaphore(%arg20 : memref<!tpu.dma_semaphore, #tpu.memory_space<semaphore_mem>>) src(%dma_wait3A_388 : memref<64x3000xf32, #tpu.memory_space<any>>) dst(%arg4 : memref<64x3000xf32, #tpu.memory_space<vmem>>)
    %get3A_389 = arith.constant 8 : index
    %get3A_390 = arith.constant 0 : index
    %get3A_391 = vector.load %arg0[%get3A_389, %get3A_390] : memref<64x3000xf32, #tpu.memory_space<vmem>>, vector<1x3000xf32>
    %dma_wait3A_392 = arith.constant 576 : i32
    %dma_wait3A_393 = arith.constant 0 : i32
    %dma_wait3A_394 = tpu.memref_slice %arg2[%dma_wait3A_392, %dma_wait3A_393] : memref<8192x3000xf32, #tpu.memory_space<any>> -> memref<64x3000xf32, #tpu.memory_space<any>>
    tpu.wait_dma2 semaphore(%arg28 : memref<!tpu.dma_semaphore, #tpu.memory_space<semaphore_mem>>) src(%arg12 : memref<64x3000xf32, #tpu.memory_space<vmem>>) dst(%dma_wait3A_394 : memref<64x3000xf32, #tpu.memory_space<any>>)
    %get3A_395 = arith.constant 0 : index
    %get3A_396 = arith.constant 0 : index
    %get3A_397 = vector.load %arg4[%get3A_395, %get3A_396] : memref<64x3000xf32, #tpu.memory_space<vmem>>, vector<64x3000xf32>
    %mul3A_398 = vector.broadcast %get3A_391 : vector<1x3000xf32> to vector<64x3000xf32>
    %mul3A_399 = arith.mulf %get3A_397, %mul3A_398 : vector<64x3000xf32>
    %swap3A_400 = arith.constant 0 : index
    %swap3A_401 = arith.constant 0 : index
    %swap3A_402 = vector.load %arg12[%swap3A_400, %swap3A_401] : memref<64x3000xf32, #tpu.memory_space<vmem>>, vector<64x3000xf32>
    tpu.vector_store %arg12[%swap3A_400, %swap3A_401], %mul3A_399 {strides = array<i32>} : memref<64x3000xf32, #tpu.memory_space<vmem>>, vector<64x3000xf32>,
    %dma_start3A_403 = arith.constant 1088 : i32
    %dma_start3A_404 = arith.constant 0 : i32
    %dma_start3A_405 = tpu.memref_slice %arg2[%dma_start3A_403, %dma_start3A_404] : memref<8192x3000xf32, #tpu.memory_space<any>> -> memref<64x3000xf32, #tpu.memory_space<any>>
    tpu.enqueue_dma source(%arg12 : memref<64x3000xf32, #tpu.memory_space<vmem>>) target(%dma_start3A_405 : memref<64x3000xf32, #tpu.memory_space<any>>) target_semaphore(%arg28 : memref<!tpu.dma_semaphore, #tpu.memory_space<semaphore_mem>>) {priority = 1 : i32}
    %dma_start3A_406 = arith.constant 1600 : i32
    %dma_start3A_407 = arith.constant 0 : i32
    %dma_start3A_408 = tpu.memref_slice %arg1[%dma_start3A_406, %dma_start3A_407] : memref<8192x3000xf32, #tpu.memory_space<any>> -> memref<64x3000xf32, #tpu.memory_space<any>>
    tpu.enqueue_dma source(%dma_start3A_408 : memref<64x3000xf32, #tpu.memory_space<any>>) target(%arg4 : memref<64x3000xf32, #tpu.memory_space<vmem>>) target_semaphore(%arg20 : memref<!tpu.dma_semaphore, #tpu.memory_space<semaphore_mem>>) {priority = 1 : i32}
    %dma_wait3A_409 = arith.constant 1152 : i32
    %dma_wait3A_410 = arith.constant 0 : i32
    %dma_wait3A_411 = tpu.memref_slice %arg1[%dma_wait3A_409, %dma_wait3A_410] : memref<8192x3000xf32, #tpu.memory_space<any>> -> memref<64x3000xf32, #tpu.memory_space<any>>
    tpu.wait_dma2 semaphore(%arg21 : memref<!tpu.dma_semaphore, #tpu.memory_space<semaphore_mem>>) src(%dma_wait3A_411 : memref<64x3000xf32, #tpu.memory_space<any>>) dst(%arg5 : memref<64x3000xf32, #tpu.memory_space<vmem>>)
    %get3A_412 = arith.constant 9 : index
    %get3A_413 = arith.constant 0 : index
    %get3A_414 = vector.load %arg0[%get3A_412, %get3A_413] : memref<64x3000xf32, #tpu.memory_space<vmem>>, vector<1x3000xf32>
    %dma_wait3A_415 = arith.constant 640 : i32
    %dma_wait3A_416 = arith.constant 0 : i32
    %dma_wait3A_417 = tpu.memref_slice %arg2[%dma_wait3A_415, %dma_wait3A_416] : memref<8192x3000xf32, #tpu.memory_space<any>> -> memref<64x3000xf32, #tpu.memory_space<any>>
    tpu.wait_dma2 semaphore(%arg29 : memref<!tpu.dma_semaphore, #tpu.memory_space<semaphore_mem>>) src(%arg13 : memref<64x3000xf32, #tpu.memory_space<vmem>>) dst(%dma_wait3A_417 : memref<64x3000xf32, #tpu.memory_space<any>>)
    %get3A_418 = arith.constant 0 : index
    %get3A_419 = arith.constant 0 : index
    %get3A_420 = vector.load %arg5[%get3A_418, %get3A_419] : memref<64x3000xf32, #tpu.memory_space<vmem>>, vector<64x3000xf32>
    %mul3A_421 = vector.broadcast %get3A_414 : vector<1x3000xf32> to vector<64x3000xf32>
    %mul3A_422 = arith.mulf %get3A_420, %mul3A_421 : vector<64x3000xf32>
    %swap3A_423 = arith.constant 0 : index
    %swap3A_424 = arith.constant 0 : index
    %swap3A_425 = vector.load %arg13[%swap3A_423, %swap3A_424] : memref<64x3000xf32, #tpu.memory_space<vmem>>, vector<64x3000xf32>
    tpu.vector_store %arg13[%swap3A_423, %swap3A_424], %mul3A_422 {strides = array<i32>} : memref<64x3000xf32, #tpu.memory_space<vmem>>, vector<64x3000xf32>,
    %dma_start3A_426 = arith.constant 1152 : i32
    %dma_start3A_427 = arith.constant 0 : i32
    %dma_start3A_428 = tpu.memref_slice %arg2[%dma_start3A_426, %dma_start3A_427] : memref<8192x3000xf32, #tpu.memory_space<any>> -> memref<64x3000xf32, #tpu.memory_space<any>>
    tpu.enqueue_dma source(%arg13 : memref<64x3000xf32, #tpu.memory_space<vmem>>) target(%dma_start3A_428 : memref<64x3000xf32, #tpu.memory_space<any>>) target_semaphore(%arg29 : memref<!tpu.dma_semaphore, #tpu.memory_space<semaphore_mem>>)
    %dma_start3A_429 = arith.constant 1664 : i32
    %dma_start3A_430 = arith.constant 0 : i32
    %dma_start3A_431 = tpu.memref_slice %arg1[%dma_start3A_429, %dma_start3A_430] : memref<8192x3000xf32, #tpu.memory_space<any>> -> memref<64x3000xf32, #tpu.memory_space<any>>
    tpu.enqueue_dma source(%dma_start3A_431 : memref<64x3000xf32, #tpu.memory_space<any>>) target(%arg5 : memref<64x3000xf32, #tpu.memory_space<vmem>>) target_semaphore(%arg21 : memref<!tpu.dma_semaphore, #tpu.memory_space<semaphore_mem>>)
    %dma_wait3A_432 = arith.constant 1216 : i32
    %dma_wait3A_433 = arith.constant 0 : i32
    %dma_wait3A_434 = tpu.memref_slice %arg1[%dma_wait3A_432, %dma_wait3A_433] : memref<8192x3000xf32, #tpu.memory_space<any>> -> memref<64x3000xf32, #tpu.memory_space<any>>
    tpu.wait_dma2 semaphore(%arg22 : memref<!tpu.dma_semaphore, #tpu.memory_space<semaphore_mem>>) src(%dma_wait3A_434 : memref<64x3000xf32, #tpu.memory_space<any>>) dst(%arg6 : memref<64x3000xf32, #tpu.memory_space<vmem>>)
    %get3A_435 = arith.constant 9 : index
    %get3A_436 = arith.constant 0 : index
    %get3A_437 = vector.load %arg0[%get3A_435, %get3A_436] : memref<64x3000xf32, #tpu.memory_space<vmem>>, vector<1x3000xf32>
    %dma_wait3A_438 = arith.constant 704 : i32
    %dma_wait3A_439 = arith.constant 0 : i32
    %dma_wait3A_440 = tpu.memref_slice %arg2[%dma_wait3A_438, %dma_wait3A_439] : memref<8192x3000xf32, #tpu.memory_space<any>> -> memref<64x3000xf32, #tpu.memory_space<any>>
    tpu.wait_dma2 semaphore(%arg30 : memref<!tpu.dma_semaphore, #tpu.memory_space<semaphore_mem>>) src(%arg14 : memref<64x3000xf32, #tpu.memory_space<vmem>>) dst(%dma_wait3A_440 : memref<64x3000xf32, #tpu.memory_space<any>>)
    %get3A_441 = arith.constant 0 : index
    %get3A_442 = arith.constant 0 : index
    %get3A_443 = vector.load %arg6[%get3A_441, %get3A_442] : memref<64x3000xf32, #tpu.memory_space<vmem>>, vector<64x3000xf32>
    %mul3A_444 = vector.broadcast %get3A_437 : vector<1x3000xf32> to vector<64x3000xf32>
    %mul3A_445 = arith.mulf %get3A_443, %mul3A_444 : vector<64x3000xf32>
    %swap3A_446 = arith.constant 0 : index
    %swap3A_447 = arith.constant 0 : index
    %swap3A_448 = vector.load %arg14[%swap3A_446, %swap3A_447] : memref<64x3000xf32, #tpu.memory_space<vmem>>, vector<64x3000xf32>
    tpu.vector_store %arg14[%swap3A_446, %swap3A_447], %mul3A_445 {strides = array<i32>} : memref<64x3000xf32, #tpu.memory_space<vmem>>, vector<64x3000xf32>,
    %dma_start3A_449 = arith.constant 1216 : i32
    %dma_start3A_450 = arith.constant 0 : i32
    %dma_start3A_451 = tpu.memref_slice %arg2[%dma_start3A_449, %dma_start3A_450] : memref<8192x3000xf32, #tpu.memory_space<any>> -> memref<64x3000xf32, #tpu.memory_space<any>>
    tpu.enqueue_dma source(%arg14 : memref<64x3000xf32, #tpu.memory_space<vmem>>) target(%dma_start3A_451 : memref<64x3000xf32, #tpu.memory_space<any>>) target_semaphore(%arg30 : memref<!tpu.dma_semaphore, #tpu.memory_space<semaphore_mem>>) {priority = 1 : i32}
    %dma_start3A_452 = arith.constant 1728 : i32
    %dma_start3A_453 = arith.constant 0 : i32
    %dma_start3A_454 = tpu.memref_slice %arg1[%dma_start3A_452, %dma_start3A_453] : memref<8192x3000xf32, #tpu.memory_space<any>> -> memref<64x3000xf32, #tpu.memory_space<any>>
    tpu.enqueue_dma source(%dma_start3A_454 : memref<64x3000xf32, #tpu.memory_space<any>>) target(%arg6 : memref<64x3000xf32, #tpu.memory_space<vmem>>) target_semaphore(%arg22 : memref<!tpu.dma_semaphore, #tpu.memory_space<semaphore_mem>>) {priority = 1 : i32}
    %dma_wait3A_455 = arith.constant 1280 : i32
    %dma_wait3A_456 = arith.constant 0 : i32
    %dma_wait3A_457 = tpu.memref_slice %arg1[%dma_wait3A_455, %dma_wait3A_456] : memref<8192x3000xf32, #tpu.memory_space<any>> -> memref<64x3000xf32, #tpu.memory_space<any>>
    tpu.wait_dma2 semaphore(%arg23 : memref<!tpu.dma_semaphore, #tpu.memory_space<semaphore_mem>>) src(%dma_wait3A_457 : memref<64x3000xf32, #tpu.memory_space<any>>) dst(%arg7 : memref<64x3000xf32, #tpu.memory_space<vmem>>)
    %get3A_458 = arith.constant 10 : index
    %get3A_459 = arith.constant 0 : index
    %get3A_460 = vector.load %arg0[%get3A_458, %get3A_459] : memref<64x3000xf32, #tpu.memory_space<vmem>>, vector<1x3000xf32>
    %dma_wait3A_461 = arith.constant 768 : i32
    %dma_wait3A_462 = arith.constant 0 : i32
    %dma_wait3A_463 = tpu.memref_slice %arg2[%dma_wait3A_461, %dma_wait3A_462] : memref<8192x3000xf32, #tpu.memory_space<any>> -> memref<64x3000xf32, #tpu.memory_space<any>>
    tpu.wait_dma2 semaphore(%arg31 : memref<!tpu.dma_semaphore, #tpu.memory_space<semaphore_mem>>) src(%arg15 : memref<64x3000xf32, #tpu.memory_space<vmem>>) dst(%dma_wait3A_463 : memref<64x3000xf32, #tpu.memory_space<any>>)
    %get3A_464 = arith.constant 0 : index
    %get3A_465 = arith.constant 0 : index
    %get3A_466 = vector.load %arg7[%get3A_464, %get3A_465] : memref<64x3000xf32, #tpu.memory_space<vmem>>, vector<64x3000xf32>
    %mul3A_467 = vector.broadcast %get3A_460 : vector<1x3000xf32> to vector<64x3000xf32>
    %mul3A_468 = arith.mulf %get3A_466, %mul3A_467 : vector<64x3000xf32>
    %swap3A_469 = arith.constant 0 : index
    %swap3A_470 = arith.constant 0 : index
    %swap3A_471 = vector.load %arg15[%swap3A_469, %swap3A_470] : memref<64x3000xf32, #tpu.memory_space<vmem>>, vector<64x3000xf32>
    tpu.vector_store %arg15[%swap3A_469, %swap3A_470], %mul3A_468 {strides = array<i32>} : memref<64x3000xf32, #tpu.memory_space<vmem>>, vector<64x3000xf32>,
    %dma_start3A_472 = arith.constant 1280 : i32
    %dma_start3A_473 = arith.constant 0 : i32
    %dma_start3A_474 = tpu.memref_slice %arg2[%dma_start3A_472, %dma_start3A_473] : memref<8192x3000xf32, #tpu.memory_space<any>> -> memref<64x3000xf32, #tpu.memory_space<any>>
    tpu.enqueue_dma source(%arg15 : memref<64x3000xf32, #tpu.memory_space<vmem>>) target(%dma_start3A_474 : memref<64x3000xf32, #tpu.memory_space<any>>) target_semaphore(%arg31 : memref<!tpu.dma_semaphore, #tpu.memory_space<semaphore_mem>>)
    %dma_start3A_475 = arith.constant 1792 : i32
    %dma_start3A_476 = arith.constant 0 : i32
    %dma_start3A_477 = tpu.memref_slice %arg1[%dma_start3A_475, %dma_start3A_476] : memref<8192x3000xf32, #tpu.memory_space<any>> -> memref<64x3000xf32, #tpu.memory_space<any>>
    tpu.enqueue_dma source(%dma_start3A_477 : memref<64x3000xf32, #tpu.memory_space<any>>) target(%arg7 : memref<64x3000xf32, #tpu.memory_space<vmem>>) target_semaphore(%arg23 : memref<!tpu.dma_semaphore, #tpu.memory_space<semaphore_mem>>)
    %dma_wait3A_478 = arith.constant 1344 : i32
    %dma_wait3A_479 = arith.constant 0 : i32
    %dma_wait3A_480 = tpu.memref_slice %arg1[%dma_wait3A_478, %dma_wait3A_479] : memref<8192x3000xf32, #tpu.memory_space<any>> -> memref<64x3000xf32, #tpu.memory_space<any>>
    tpu.wait_dma2 semaphore(%arg24 : memref<!tpu.dma_semaphore, #tpu.memory_space<semaphore_mem>>) src(%dma_wait3A_480 : memref<64x3000xf32, #tpu.memory_space<any>>) dst(%arg8 : memref<64x3000xf32, #tpu.memory_space<vmem>>)
    %get3A_481 = arith.constant 10 : index
    %get3A_482 = arith.constant 0 : index
    %get3A_483 = vector.load %arg0[%get3A_481, %get3A_482] : memref<64x3000xf32, #tpu.memory_space<vmem>>, vector<1x3000xf32>
    %dma_wait3A_484 = arith.constant 832 : i32
    %dma_wait3A_485 = arith.constant 0 : i32
    %dma_wait3A_486 = tpu.memref_slice %arg2[%dma_wait3A_484, %dma_wait3A_485] : memref<8192x3000xf32, #tpu.memory_space<any>> -> memref<64x3000xf32, #tpu.memory_space<any>>
    tpu.wait_dma2 semaphore(%arg32 : memref<!tpu.dma_semaphore, #tpu.memory_space<semaphore_mem>>) src(%arg16 : memref<64x3000xf32, #tpu.memory_space<vmem>>) dst(%dma_wait3A_486 : memref<64x3000xf32, #tpu.memory_space<any>>)
    %get3A_487 = arith.constant 0 : index
    %get3A_488 = arith.constant 0 : index
    %get3A_489 = vector.load %arg8[%get3A_487, %get3A_488] : memref<64x3000xf32, #tpu.memory_space<vmem>>, vector<64x3000xf32>
    %mul3A_490 = vector.broadcast %get3A_483 : vector<1x3000xf32> to vector<64x3000xf32>
    %mul3A_491 = arith.mulf %get3A_489, %mul3A_490 : vector<64x3000xf32>
    %swap3A_492 = arith.constant 0 : index
    %swap3A_493 = arith.constant 0 : index
    %swap3A_494 = vector.load %arg16[%swap3A_492, %swap3A_493] : memref<64x3000xf32, #tpu.memory_space<vmem>>, vector<64x3000xf32>
    tpu.vector_store %arg16[%swap3A_492, %swap3A_493], %mul3A_491 {strides = array<i32>} : memref<64x3000xf32, #tpu.memory_space<vmem>>, vector<64x3000xf32>,
    %dma_start3A_495 = arith.constant 1344 : i32
    %dma_start3A_496 = arith.constant 0 : i32
    %dma_start3A_497 = tpu.memref_slice %arg2[%dma_start3A_495, %dma_start3A_496] : memref<8192x3000xf32, #tpu.memory_space<any>> -> memref<64x3000xf32, #tpu.memory_space<any>>
    tpu.enqueue_dma source(%arg16 : memref<64x3000xf32, #tpu.memory_space<vmem>>) target(%dma_start3A_497 : memref<64x3000xf32, #tpu.memory_space<any>>) target_semaphore(%arg32 : memref<!tpu.dma_semaphore, #tpu.memory_space<semaphore_mem>>) {priority = 1 : i32}
    %dma_start3A_498 = arith.constant 1856 : i32
    %dma_start3A_499 = arith.constant 0 : i32
    %dma_start3A_500 = tpu.memref_slice %arg1[%dma_start3A_498, %dma_start3A_499] : memref<8192x3000xf32, #tpu.memory_space<any>> -> memref<64x3000xf32, #tpu.memory_space<any>>
    tpu.enqueue_dma source(%dma_start3A_500 : memref<64x3000xf32, #tpu.memory_space<any>>) target(%arg8 : memref<64x3000xf32, #tpu.memory_space<vmem>>) target_semaphore(%arg24 : memref<!tpu.dma_semaphore, #tpu.memory_space<semaphore_mem>>) {priority = 1 : i32}
    %dma_wait3A_501 = arith.constant 1408 : i32
    %dma_wait3A_502 = arith.constant 0 : i32
    %dma_wait3A_503 = tpu.memref_slice %arg1[%dma_wait3A_501, %dma_wait3A_502] : memref<8192x3000xf32, #tpu.memory_space<any>> -> memref<64x3000xf32, #tpu.memory_space<any>>
    tpu.wait_dma2 semaphore(%arg25 : memref<!tpu.dma_semaphore, #tpu.memory_space<semaphore_mem>>) src(%dma_wait3A_503 : memref<64x3000xf32, #tpu.memory_space<any>>) dst(%arg9 : memref<64x3000xf32, #tpu.memory_space<vmem>>)
    %get3A_504 = arith.constant 11 : index
    %get3A_505 = arith.constant 0 : index
    %get3A_506 = vector.load %arg0[%get3A_504, %get3A_505] : memref<64x3000xf32, #tpu.memory_space<vmem>>, vector<1x3000xf32>
    %dma_wait3A_507 = arith.constant 896 : i32
    %dma_wait3A_508 = arith.constant 0 : i32
    %dma_wait3A_509 = tpu.memref_slice %arg2[%dma_wait3A_507, %dma_wait3A_508] : memref<8192x3000xf32, #tpu.memory_space<any>> -> memref<64x3000xf32, #tpu.memory_space<any>>
    tpu.wait_dma2 semaphore(%arg33 : memref<!tpu.dma_semaphore, #tpu.memory_space<semaphore_mem>>) src(%arg17 : memref<64x3000xf32, #tpu.memory_space<vmem>>) dst(%dma_wait3A_509 : memref<64x3000xf32, #tpu.memory_space<any>>)
    %get3A_510 = arith.constant 0 : index
    %get3A_511 = arith.constant 0 : index
    %get3A_512 = vector.load %arg9[%get3A_510, %get3A_511] : memref<64x3000xf32, #tpu.memory_space<vmem>>, vector<64x3000xf32>
    %mul3A_513 = vector.broadcast %get3A_506 : vector<1x3000xf32> to vector<64x3000xf32>
    %mul3A_514 = arith.mulf %get3A_512, %mul3A_513 : vector<64x3000xf32>
    %swap3A_515 = arith.constant 0 : index
    %swap3A_516 = arith.constant 0 : index
    %swap3A_517 = vector.load %arg17[%swap3A_515, %swap3A_516] : memref<64x3000xf32, #tpu.memory_space<vmem>>, vector<64x3000xf32>
    tpu.vector_store %arg17[%swap3A_515, %swap3A_516], %mul3A_514 {strides = array<i32>} : memref<64x3000xf32, #tpu.memory_space<vmem>>, vector<64x3000xf32>,
    %dma_start3A_518 = arith.constant 1408 : i32
    %dma_start3A_519 = arith.constant 0 : i32
    %dma_start3A_520 = tpu.memref_slice %arg2[%dma_start3A_518, %dma_start3A_519] : memref<8192x3000xf32, #tpu.memory_space<any>> -> memref<64x3000xf32, #tpu.memory_space<any>>
    tpu.enqueue_dma source(%arg17 : memref<64x3000xf32, #tpu.memory_space<vmem>>) target(%dma_start3A_520 : memref<64x3000xf32, #tpu.memory_space<any>>) target_semaphore(%arg33 : memref<!tpu.dma_semaphore, #tpu.memory_space<semaphore_mem>>)
    %dma_start3A_521 = arith.constant 1920 : i32
    %dma_start3A_522 = arith.constant 0 : i32
    %dma_start3A_523 = tpu.memref_slice %arg1[%dma_start3A_521, %dma_start3A_522] : memref<8192x3000xf32, #tpu.memory_space<any>> -> memref<64x3000xf32, #tpu.memory_space<any>>
    tpu.enqueue_dma source(%dma_start3A_523 : memref<64x3000xf32, #tpu.memory_space<any>>) target(%arg9 : memref<64x3000xf32, #tpu.memory_space<vmem>>) target_semaphore(%arg25 : memref<!tpu.dma_semaphore, #tpu.memory_space<semaphore_mem>>)
    %dma_wait3A_524 = arith.constant 1472 : i32
    %dma_wait3A_525 = arith.constant 0 : i32
    %dma_wait3A_526 = tpu.memref_slice %arg1[%dma_wait3A_524, %dma_wait3A_525] : memref<8192x3000xf32, #tpu.memory_space<any>> -> memref<64x3000xf32, #tpu.memory_space<any>>
    tpu.wait_dma2 semaphore(%arg26 : memref<!tpu.dma_semaphore, #tpu.memory_space<semaphore_mem>>) src(%dma_wait3A_526 : memref<64x3000xf32, #tpu.memory_space<any>>) dst(%arg10 : memref<64x3000xf32, #tpu.memory_space<vmem>>)
    %get3A_527 = arith.constant 11 : index
    %get3A_528 = arith.constant 0 : index
    %get3A_529 = vector.load %arg0[%get3A_527, %get3A_528] : memref<64x3000xf32, #tpu.memory_space<vmem>>, vector<1x3000xf32>
    %dma_wait3A_530 = arith.constant 960 : i32
    %dma_wait3A_531 = arith.constant 0 : i32
    %dma_wait3A_532 = tpu.memref_slice %arg2[%dma_wait3A_530, %dma_wait3A_531] : memref<8192x3000xf32, #tpu.memory_space<any>> -> memref<64x3000xf32, #tpu.memory_space<any>>
    tpu.wait_dma2 semaphore(%arg34 : memref<!tpu.dma_semaphore, #tpu.memory_space<semaphore_mem>>) src(%arg18 : memref<64x3000xf32, #tpu.memory_space<vmem>>) dst(%dma_wait3A_532 : memref<64x3000xf32, #tpu.memory_space<any>>)
    %get3A_533 = arith.constant 0 : index
    %get3A_534 = arith.constant 0 : index
    %get3A_535 = vector.load %arg10[%get3A_533, %get3A_534] : memref<64x3000xf32, #tpu.memory_space<vmem>>, vector<64x3000xf32>
    %mul3A_536 = vector.broadcast %get3A_529 : vector<1x3000xf32> to vector<64x3000xf32>
    %mul3A_537 = arith.mulf %get3A_535, %mul3A_536 : vector<64x3000xf32>
    %swap3A_538 = arith.constant 0 : index
    %swap3A_539 = arith.constant 0 : index
    %swap3A_540 = vector.load %arg18[%swap3A_538, %swap3A_539] : memref<64x3000xf32, #tpu.memory_space<vmem>>, vector<64x3000xf32>
    tpu.vector_store %arg18[%swap3A_538, %swap3A_539], %mul3A_537 {strides = array<i32>} : memref<64x3000xf32, #tpu.memory_space<vmem>>, vector<64x3000xf32>,
    %dma_start3A_541 = arith.constant 1472 : i32
    %dma_start3A_542 = arith.constant 0 : i32
    %dma_start3A_543 = tpu.memref_slice %arg2[%dma_start3A_541, %dma_start3A_542] : memref<8192x3000xf32, #tpu.memory_space<any>> -> memref<64x3000xf32, #tpu.memory_space<any>>
    tpu.enqueue_dma source(%arg18 : memref<64x3000xf32, #tpu.memory_space<vmem>>) target(%dma_start3A_543 : memref<64x3000xf32, #tpu.memory_space<any>>) target_semaphore(%arg34 : memref<!tpu.dma_semaphore, #tpu.memory_space<semaphore_mem>>) {priority = 1 : i32}
    %dma_start3A_544 = arith.constant 1984 : i32
    %dma_start3A_545 = arith.constant 0 : i32
    %dma_start3A_546 = tpu.memref_slice %arg1[%dma_start3A_544, %dma_start3A_545] : memref<8192x3000xf32, #tpu.memory_space<any>> -> memref<64x3000xf32, #tpu.memory_space<any>>
    tpu.enqueue_dma source(%dma_start3A_546 : memref<64x3000xf32, #tpu.memory_space<any>>) target(%arg10 : memref<64x3000xf32, #tpu.memory_space<vmem>>) target_semaphore(%arg26 : memref<!tpu.dma_semaphore, #tpu.memory_space<semaphore_mem>>) {priority = 1 : i32}
    %dma_wait3A_547 = arith.constant 1536 : i32
    %dma_wait3A_548 = arith.constant 0 : i32
    %dma_wait3A_549 = tpu.memref_slice %arg1[%dma_wait3A_547, %dma_wait3A_548] : memref<8192x3000xf32, #tpu.memory_space<any>> -> memref<64x3000xf32, #tpu.memory_space<any>>
    tpu.wait_dma2 semaphore(%arg19 : memref<!tpu.dma_semaphore, #tpu.memory_space<semaphore_mem>>) src(%dma_wait3A_549 : memref<64x3000xf32, #tpu.memory_space<any>>) dst(%arg3 : memref<64x3000xf32, #tpu.memory_space<vmem>>)
    %get3A_550 = arith.constant 12 : index
    %get3A_551 = arith.constant 0 : index
    %get3A_552 = vector.load %arg0[%get3A_550, %get3A_551] : memref<64x3000xf32, #tpu.memory_space<vmem>>, vector<1x3000xf32>
    %dma_wait3A_553 = arith.constant 1024 : i32
    %dma_wait3A_554 = arith.constant 0 : i32
    %dma_wait3A_555 = tpu.memref_slice %arg2[%dma_wait3A_553, %dma_wait3A_554] : memref<8192x3000xf32, #tpu.memory_space<any>> -> memref<64x3000xf32, #tpu.memory_space<any>>
    tpu.wait_dma2 semaphore(%arg27 : memref<!tpu.dma_semaphore, #tpu.memory_space<semaphore_mem>>) src(%arg11 : memref<64x3000xf32, #tpu.memory_space<vmem>>) dst(%dma_wait3A_555 : memref<64x3000xf32, #tpu.memory_space<any>>)
    %get3A_556 = arith.constant 0 : index
    %get3A_557 = arith.constant 0 : index
    %get3A_558 = vector.load %arg3[%get3A_556, %get3A_557] : memref<64x3000xf32, #tpu.memory_space<vmem>>, vector<64x3000xf32>
    %mul3A_559 = vector.broadcast %get3A_552 : vector<1x3000xf32> to vector<64x3000xf32>
    %mul3A_560 = arith.mulf %get3A_558, %mul3A_559 : vector<64x3000xf32>
    %swap3A_561 = arith.constant 0 : index
    %swap3A_562 = arith.constant 0 : index
    %swap3A_563 = vector.load %arg11[%swap3A_561, %swap3A_562] : memref<64x3000xf32, #tpu.memory_space<vmem>>, vector<64x3000xf32>
    tpu.vector_store %arg11[%swap3A_561, %swap3A_562], %mul3A_560 {strides = array<i32>} : memref<64x3000xf32, #tpu.memory_space<vmem>>, vector<64x3000xf32>,
    %dma_start3A_564 = arith.constant 1536 : i32
    %dma_start3A_565 = arith.constant 0 : i32
    %dma_start3A_566 = tpu.memref_slice %arg2[%dma_start3A_564, %dma_start3A_565] : memref<8192x3000xf32, #tpu.memory_space<any>> -> memref<64x3000xf32, #tpu.memory_space<any>>
    tpu.enqueue_dma source(%arg11 : memref<64x3000xf32, #tpu.memory_space<vmem>>) target(%dma_start3A_566 : memref<64x3000xf32, #tpu.memory_space<any>>) target_semaphore(%arg27 : memref<!tpu.dma_semaphore, #tpu.memory_space<semaphore_mem>>)
    %dma_start3A_567 = arith.constant 2048 : i32
    %dma_start3A_568 = arith.constant 0 : i32
    %dma_start3A_569 = tpu.memref_slice %arg1[%dma_start3A_567, %dma_start3A_568] : memref<8192x3000xf32, #tpu.memory_space<any>> -> memref<64x3000xf32, #tpu.memory_space<any>>
    tpu.enqueue_dma source(%dma_start3A_569 : memref<64x3000xf32, #tpu.memory_space<any>>) target(%arg3 : memref<64x3000xf32, #tpu.memory_space<vmem>>) target_semaphore(%arg19 : memref<!tpu.dma_semaphore, #tpu.memory_space<semaphore_mem>>)
    %dma_wait3A_570 = arith.constant 1600 : i32
    %dma_wait3A_571 = arith.constant 0 : i32
    %dma_wait3A_572 = tpu.memref_slice %arg1[%dma_wait3A_570, %dma_wait3A_571] : memref<8192x3000xf32, #tpu.memory_space<any>> -> memref<64x3000xf32, #tpu.memory_space<any>>
    tpu.wait_dma2 semaphore(%arg20 : memref<!tpu.dma_semaphore, #tpu.memory_space<semaphore_mem>>) src(%dma_wait3A_572 : memref<64x3000xf32, #tpu.memory_space<any>>) dst(%arg4 : memref<64x3000xf32, #tpu.memory_space<vmem>>)
    %get3A_573 = arith.constant 12 : index
    %get3A_574 = arith.constant 0 : index
    %get3A_575 = vector.load %arg0[%get3A_573, %get3A_574] : memref<64x3000xf32, #tpu.memory_space<vmem>>, vector<1x3000xf32>
    %dma_wait3A_576 = arith.constant 1088 : i32
    %dma_wait3A_577 = arith.constant 0 : i32
    %dma_wait3A_578 = tpu.memref_slice %arg2[%dma_wait3A_576, %dma_wait3A_577] : memref<8192x3000xf32, #tpu.memory_space<any>> -> memref<64x3000xf32, #tpu.memory_space<any>>
    tpu.wait_dma2 semaphore(%arg28 : memref<!tpu.dma_semaphore, #tpu.memory_space<semaphore_mem>>) src(%arg12 : memref<64x3000xf32, #tpu.memory_space<vmem>>) dst(%dma_wait3A_578 : memref<64x3000xf32, #tpu.memory_space<any>>)
    %get3A_579 = arith.constant 0 : index
    %get3A_580 = arith.constant 0 : index
    %get3A_581 = vector.load %arg4[%get3A_579, %get3A_580] : memref<64x3000xf32, #tpu.memory_space<vmem>>, vector<64x3000xf32>
    %mul3A_582 = vector.broadcast %get3A_575 : vector<1x3000xf32> to vector<64x3000xf32>
    %mul3A_583 = arith.mulf %get3A_581, %mul3A_582 : vector<64x3000xf32>
    %swap3A_584 = arith.constant 0 : index
    %swap3A_585 = arith.constant 0 : index
    %swap3A_586 = vector.load %arg12[%swap3A_584, %swap3A_585] : memref<64x3000xf32, #tpu.memory_space<vmem>>, vector<64x3000xf32>
    tpu.vector_store %arg12[%swap3A_584, %swap3A_585], %mul3A_583 {strides = array<i32>} : memref<64x3000xf32, #tpu.memory_space<vmem>>, vector<64x3000xf32>,
    %dma_start3A_587 = arith.constant 1600 : i32
    %dma_start3A_588 = arith.constant 0 : i32
    %dma_start3A_589 = tpu.memref_slice %arg2[%dma_start3A_587, %dma_start3A_588] : memref<8192x3000xf32, #tpu.memory_space<any>> -> memref<64x3000xf32, #tpu.memory_space<any>>
    tpu.enqueue_dma source(%arg12 : memref<64x3000xf32, #tpu.memory_space<vmem>>) target(%dma_start3A_589 : memref<64x3000xf32, #tpu.memory_space<any>>) target_semaphore(%arg28 : memref<!tpu.dma_semaphore, #tpu.memory_space<semaphore_mem>>) {priority = 1 : i32}
    %dma_start3A_590 = arith.constant 2112 : i32
    %dma_start3A_591 = arith.constant 0 : i32
    %dma_start3A_592 = tpu.memref_slice %arg1[%dma_start3A_590, %dma_start3A_591] : memref<8192x3000xf32, #tpu.memory_space<any>> -> memref<64x3000xf32, #tpu.memory_space<any>>
    tpu.enqueue_dma source(%dma_start3A_592 : memref<64x3000xf32, #tpu.memory_space<any>>) target(%arg4 : memref<64x3000xf32, #tpu.memory_space<vmem>>) target_semaphore(%arg20 : memref<!tpu.dma_semaphore, #tpu.memory_space<semaphore_mem>>) {priority = 1 : i32}
    %dma_wait3A_593 = arith.constant 1664 : i32
    %dma_wait3A_594 = arith.constant 0 : i32
    %dma_wait3A_595 = tpu.memref_slice %arg1[%dma_wait3A_593, %dma_wait3A_594] : memref<8192x3000xf32, #tpu.memory_space<any>> -> memref<64x3000xf32, #tpu.memory_space<any>>
    tpu.wait_dma2 semaphore(%arg21 : memref<!tpu.dma_semaphore, #tpu.memory_space<semaphore_mem>>) src(%dma_wait3A_595 : memref<64x3000xf32, #tpu.memory_space<any>>) dst(%arg5 : memref<64x3000xf32, #tpu.memory_space<vmem>>)
    %get3A_596 = arith.constant 13 : index
    %get3A_597 = arith.constant 0 : index
    %get3A_598 = vector.load %arg0[%get3A_596, %get3A_597] : memref<64x3000xf32, #tpu.memory_space<vmem>>, vector<1x3000xf32>
    %dma_wait3A_599 = arith.constant 1152 : i32
    %dma_wait3A_600 = arith.constant 0 : i32
    %dma_wait3A_601 = tpu.memref_slice %arg2[%dma_wait3A_599, %dma_wait3A_600] : memref<8192x3000xf32, #tpu.memory_space<any>> -> memref<64x3000xf32, #tpu.memory_space<any>>
    tpu.wait_dma2 semaphore(%arg29 : memref<!tpu.dma_semaphore, #tpu.memory_space<semaphore_mem>>) src(%arg13 : memref<64x3000xf32, #tpu.memory_space<vmem>>) dst(%dma_wait3A_601 : memref<64x3000xf32, #tpu.memory_space<any>>)
    %get3A_602 = arith.constant 0 : index
    %get3A_603 = arith.constant 0 : index
    %get3A_604 = vector.load %arg5[%get3A_602, %get3A_603] : memref<64x3000xf32, #tpu.memory_space<vmem>>, vector<64x3000xf32>
    %mul3A_605 = vector.broadcast %get3A_598 : vector<1x3000xf32> to vector<64x3000xf32>
    %mul3A_606 = arith.mulf %get3A_604, %mul3A_605 : vector<64x3000xf32>
    %swap3A_607 = arith.constant 0 : index
    %swap3A_608 = arith.constant 0 : index
    %swap3A_609 = vector.load %arg13[%swap3A_607, %swap3A_608] : memref<64x3000xf32, #tpu.memory_space<vmem>>, vector<64x3000xf32>
    tpu.vector_store %arg13[%swap3A_607, %swap3A_608], %mul3A_606 {strides = array<i32>} : memref<64x3000xf32, #tpu.memory_space<vmem>>, vector<64x3000xf32>,
    %dma_start3A_610 = arith.constant 1664 : i32
    %dma_start3A_611 = arith.constant 0 : i32
    %dma_start3A_612 = tpu.memref_slice %arg2[%dma_start3A_610, %dma_start3A_611] : memref<8192x3000xf32, #tpu.memory_space<any>> -> memref<64x3000xf32, #tpu.memory_space<any>>
    tpu.enqueue_dma source(%arg13 : memref<64x3000xf32, #tpu.memory_space<vmem>>) target(%dma_start3A_612 : memref<64x3000xf32, #tpu.memory_space<any>>) target_semaphore(%arg29 : memref<!tpu.dma_semaphore, #tpu.memory_space<semaphore_mem>>)
    %dma_start3A_613 = arith.constant 2176 : i32
    %dma_start3A_614 = arith.constant 0 : i32
    %dma_start3A_615 = tpu.memref_slice %arg1[%dma_start3A_613, %dma_start3A_614] : memref<8192x3000xf32, #tpu.memory_space<any>> -> memref<64x3000xf32, #tpu.memory_space<any>>
    tpu.enqueue_dma source(%dma_start3A_615 : memref<64x3000xf32, #tpu.memory_space<any>>) target(%arg5 : memref<64x3000xf32, #tpu.memory_space<vmem>>) target_semaphore(%arg21 : memref<!tpu.dma_semaphore, #tpu.memory_space<semaphore_mem>>)
    %dma_wait3A_616 = arith.constant 1728 : i32
    %dma_wait3A_617 = arith.constant 0 : i32
    %dma_wait3A_618 = tpu.memref_slice %arg1[%dma_wait3A_616, %dma_wait3A_617] : memref<8192x3000xf32, #tpu.memory_space<any>> -> memref<64x3000xf32, #tpu.memory_space<any>>
    tpu.wait_dma2 semaphore(%arg22 : memref<!tpu.dma_semaphore, #tpu.memory_space<semaphore_mem>>) src(%dma_wait3A_618 : memref<64x3000xf32, #tpu.memory_space<any>>) dst(%arg6 : memref<64x3000xf32, #tpu.memory_space<vmem>>)
    %get3A_619 = arith.constant 13 : index
    %get3A_620 = arith.constant 0 : index
    %get3A_621 = vector.load %arg0[%get3A_619, %get3A_620] : memref<64x3000xf32, #tpu.memory_space<vmem>>, vector<1x3000xf32>
    %dma_wait3A_622 = arith.constant 1216 : i32
    %dma_wait3A_623 = arith.constant 0 : i32
    %dma_wait3A_624 = tpu.memref_slice %arg2[%dma_wait3A_622, %dma_wait3A_623] : memref<8192x3000xf32, #tpu.memory_space<any>> -> memref<64x3000xf32, #tpu.memory_space<any>>
    tpu.wait_dma2 semaphore(%arg30 : memref<!tpu.dma_semaphore, #tpu.memory_space<semaphore_mem>>) src(%arg14 : memref<64x3000xf32, #tpu.memory_space<vmem>>) dst(%dma_wait3A_624 : memref<64x3000xf32, #tpu.memory_space<any>>)
    %get3A_625 = arith.constant 0 : index
    %get3A_626 = arith.constant 0 : index
    %get3A_627 = vector.load %arg6[%get3A_625, %get3A_626] : memref<64x3000xf32, #tpu.memory_space<vmem>>, vector<64x3000xf32>
    %mul3A_628 = vector.broadcast %get3A_621 : vector<1x3000xf32> to vector<64x3000xf32>
    %mul3A_629 = arith.mulf %get3A_627, %mul3A_628 : vector<64x3000xf32>
    %swap3A_630 = arith.constant 0 : index
    %swap3A_631 = arith.constant 0 : index
    %swap3A_632 = vector.load %arg14[%swap3A_630, %swap3A_631] : memref<64x3000xf32, #tpu.memory_space<vmem>>, vector<64x3000xf32>
    tpu.vector_store %arg14[%swap3A_630, %swap3A_631], %mul3A_629 {strides = array<i32>} : memref<64x3000xf32, #tpu.memory_space<vmem>>, vector<64x3000xf32>,
    %dma_start3A_633 = arith.constant 1728 : i32
    %dma_start3A_634 = arith.constant 0 : i32
    %dma_start3A_635 = tpu.memref_slice %arg2[%dma_start3A_633, %dma_start3A_634] : memref<8192x3000xf32, #tpu.memory_space<any>> -> memref<64x3000xf32, #tpu.memory_space<any>>
    tpu.enqueue_dma source(%arg14 : memref<64x3000xf32, #tpu.memory_space<vmem>>) target(%dma_start3A_635 : memref<64x3000xf32, #tpu.memory_space<any>>) target_semaphore(%arg30 : memref<!tpu.dma_semaphore, #tpu.memory_space<semaphore_mem>>) {priority = 1 : i32}
    %dma_start3A_636 = arith.constant 2240 : i32
    %dma_start3A_637 = arith.constant 0 : i32
    %dma_start3A_638 = tpu.memref_slice %arg1[%dma_start3A_636, %dma_start3A_637] : memref<8192x3000xf32, #tpu.memory_space<any>> -> memref<64x3000xf32, #tpu.memory_space<any>>
    tpu.enqueue_dma source(%dma_start3A_638 : memref<64x3000xf32, #tpu.memory_space<any>>) target(%arg6 : memref<64x3000xf32, #tpu.memory_space<vmem>>) target_semaphore(%arg22 : memref<!tpu.dma_semaphore, #tpu.memory_space<semaphore_mem>>) {priority = 1 : i32}
    %dma_wait3A_639 = arith.constant 1792 : i32
    %dma_wait3A_640 = arith.constant 0 : i32
    %dma_wait3A_641 = tpu.memref_slice %arg1[%dma_wait3A_639, %dma_wait3A_640] : memref<8192x3000xf32, #tpu.memory_space<any>> -> memref<64x3000xf32, #tpu.memory_space<any>>
    tpu.wait_dma2 semaphore(%arg23 : memref<!tpu.dma_semaphore, #tpu.memory_space<semaphore_mem>>) src(%dma_wait3A_641 : memref<64x3000xf32, #tpu.memory_space<any>>) dst(%arg7 : memref<64x3000xf32, #tpu.memory_space<vmem>>)
    %get3A_642 = arith.constant 14 : index
    %get3A_643 = arith.constant 0 : index
    %get3A_644 = vector.load %arg0[%get3A_642, %get3A_643] : memref<64x3000xf32, #tpu.memory_space<vmem>>, vector<1x3000xf32>
    %dma_wait3A_645 = arith.constant 1280 : i32
    %dma_wait3A_646 = arith.constant 0 : i32
    %dma_wait3A_647 = tpu.memref_slice %arg2[%dma_wait3A_645, %dma_wait3A_646] : memref<8192x3000xf32, #tpu.memory_space<any>> -> memref<64x3000xf32, #tpu.memory_space<any>>
    tpu.wait_dma2 semaphore(%arg31 : memref<!tpu.dma_semaphore, #tpu.memory_space<semaphore_mem>>) src(%arg15 : memref<64x3000xf32, #tpu.memory_space<vmem>>) dst(%dma_wait3A_647 : memref<64x3000xf32, #tpu.memory_space<any>>)
    %get3A_648 = arith.constant 0 : index
    %get3A_649 = arith.constant 0 : index
    %get3A_650 = vector.load %arg7[%get3A_648, %get3A_649] : memref<64x3000xf32, #tpu.memory_space<vmem>>, vector<64x3000xf32>
    %mul3A_651 = vector.broadcast %get3A_644 : vector<1x3000xf32> to vector<64x3000xf32>
    %mul3A_652 = arith.mulf %get3A_650, %mul3A_651 : vector<64x3000xf32>
    %swap3A_653 = arith.constant 0 : index
    %swap3A_654 = arith.constant 0 : index
    %swap3A_655 = vector.load %arg15[%swap3A_653, %swap3A_654] : memref<64x3000xf32, #tpu.memory_space<vmem>>, vector<64x3000xf32>
    tpu.vector_store %arg15[%swap3A_653, %swap3A_654], %mul3A_652 {strides = array<i32>} : memref<64x3000xf32, #tpu.memory_space<vmem>>, vector<64x3000xf32>,
    %dma_start3A_656 = arith.constant 1792 : i32
    %dma_start3A_657 = arith.constant 0 : i32
    %dma_start3A_658 = tpu.memref_slice %arg2[%dma_start3A_656, %dma_start3A_657] : memref<8192x3000xf32, #tpu.memory_space<any>> -> memref<64x3000xf32, #tpu.memory_space<any>>
    tpu.enqueue_dma source(%arg15 : memref<64x3000xf32, #tpu.memory_space<vmem>>) target(%dma_start3A_658 : memref<64x3000xf32, #tpu.memory_space<any>>) target_semaphore(%arg31 : memref<!tpu.dma_semaphore, #tpu.memory_space<semaphore_mem>>)
    %dma_start3A_659 = arith.constant 2304 : i32
    %dma_start3A_660 = arith.constant 0 : i32
    %dma_start3A_661 = tpu.memref_slice %arg1[%dma_start3A_659, %dma_start3A_660] : memref<8192x3000xf32, #tpu.memory_space<any>> -> memref<64x3000xf32, #tpu.memory_space<any>>
    tpu.enqueue_dma source(%dma_start3A_661 : memref<64x3000xf32, #tpu.memory_space<any>>) target(%arg7 : memref<64x3000xf32, #tpu.memory_space<vmem>>) target_semaphore(%arg23 : memref<!tpu.dma_semaphore, #tpu.memory_space<semaphore_mem>>)
    %dma_wait3A_662 = arith.constant 1856 : i32
    %dma_wait3A_663 = arith.constant 0 : i32
    %dma_wait3A_664 = tpu.memref_slice %arg1[%dma_wait3A_662, %dma_wait3A_663] : memref<8192x3000xf32, #tpu.memory_space<any>> -> memref<64x3000xf32, #tpu.memory_space<any>>
    tpu.wait_dma2 semaphore(%arg24 : memref<!tpu.dma_semaphore, #tpu.memory_space<semaphore_mem>>) src(%dma_wait3A_664 : memref<64x3000xf32, #tpu.memory_space<any>>) dst(%arg8 : memref<64x3000xf32, #tpu.memory_space<vmem>>)
    %get3A_665 = arith.constant 14 : index
    %get3A_666 = arith.constant 0 : index
    %get3A_667 = vector.load %arg0[%get3A_665, %get3A_666] : memref<64x3000xf32, #tpu.memory_space<vmem>>, vector<1x3000xf32>
    %dma_wait3A_668 = arith.constant 1344 : i32
    %dma_wait3A_669 = arith.constant 0 : i32
    %dma_wait3A_670 = tpu.memref_slice %arg2[%dma_wait3A_668, %dma_wait3A_669] : memref<8192x3000xf32, #tpu.memory_space<any>> -> memref<64x3000xf32, #tpu.memory_space<any>>
    tpu.wait_dma2 semaphore(%arg32 : memref<!tpu.dma_semaphore, #tpu.memory_space<semaphore_mem>>) src(%arg16 : memref<64x3000xf32, #tpu.memory_space<vmem>>) dst(%dma_wait3A_670 : memref<64x3000xf32, #tpu.memory_space<any>>)
    %get3A_671 = arith.constant 0 : index
    %get3A_672 = arith.constant 0 : index
    %get3A_673 = vector.load %arg8[%get3A_671, %get3A_672] : memref<64x3000xf32, #tpu.memory_space<vmem>>, vector<64x3000xf32>
    %mul3A_674 = vector.broadcast %get3A_667 : vector<1x3000xf32> to vector<64x3000xf32>
    %mul3A_675 = arith.mulf %get3A_673, %mul3A_674 : vector<64x3000xf32>
    %swap3A_676 = arith.constant 0 : index
    %swap3A_677 = arith.constant 0 : index
    %swap3A_678 = vector.load %arg16[%swap3A_676, %swap3A_677] : memref<64x3000xf32, #tpu.memory_space<vmem>>, vector<64x3000xf32>
    tpu.vector_store %arg16[%swap3A_676, %swap3A_677], %mul3A_675 {strides = array<i32>} : memref<64x3000xf32, #tpu.memory_space<vmem>>, vector<64x3000xf32>,
    %dma_start3A_679 = arith.constant 1856 : i32
    %dma_start3A_680 = arith.constant 0 : i32
    %dma_start3A_681 = tpu.memref_slice %arg2[%dma_start3A_679, %dma_start3A_680] : memref<8192x3000xf32, #tpu.memory_space<any>> -> memref<64x3000xf32, #tpu.memory_space<any>>
    tpu.enqueue_dma source(%arg16 : memref<64x3000xf32, #tpu.memory_space<vmem>>) target(%dma_start3A_681 : memref<64x3000xf32, #tpu.memory_space<any>>) target_semaphore(%arg32 : memref<!tpu.dma_semaphore, #tpu.memory_space<semaphore_mem>>) {priority = 1 : i32}
    %dma_start3A_682 = arith.constant 2368 : i32
    %dma_start3A_683 = arith.constant 0 : i32
    %dma_start3A_684 = tpu.memref_slice %arg1[%dma_start3A_682, %dma_start3A_683] : memref<8192x3000xf32, #tpu.memory_space<any>> -> memref<64x3000xf32, #tpu.memory_space<any>>
    tpu.enqueue_dma source(%dma_start3A_684 : memref<64x3000xf32, #tpu.memory_space<any>>) target(%arg8 : memref<64x3000xf32, #tpu.memory_space<vmem>>) target_semaphore(%arg24 : memref<!tpu.dma_semaphore, #tpu.memory_space<semaphore_mem>>) {priority = 1 : i32}
    %dma_wait3A_685 = arith.constant 1920 : i32
    %dma_wait3A_686 = arith.constant 0 : i32
    %dma_wait3A_687 = tpu.memref_slice %arg1[%dma_wait3A_685, %dma_wait3A_686] : memref<8192x3000xf32, #tpu.memory_space<any>> -> memref<64x3000xf32, #tpu.memory_space<any>>
    tpu.wait_dma2 semaphore(%arg25 : memref<!tpu.dma_semaphore, #tpu.memory_space<semaphore_mem>>) src(%dma_wait3A_687 : memref<64x3000xf32, #tpu.memory_space<any>>) dst(%arg9 : memref<64x3000xf32, #tpu.memory_space<vmem>>)
    %get3A_688 = arith.constant 15 : index
    %get3A_689 = arith.constant 0 : index
    %get3A_690 = vector.load %arg0[%get3A_688, %get3A_689] : memref<64x3000xf32, #tpu.memory_space<vmem>>, vector<1x3000xf32>
    %dma_wait3A_691 = arith.constant 1408 : i32
    %dma_wait3A_692 = arith.constant 0 : i32
    %dma_wait3A_693 = tpu.memref_slice %arg2[%dma_wait3A_691, %dma_wait3A_692] : memref<8192x3000xf32, #tpu.memory_space<any>> -> memref<64x3000xf32, #tpu.memory_space<any>>
    tpu.wait_dma2 semaphore(%arg33 : memref<!tpu.dma_semaphore, #tpu.memory_space<semaphore_mem>>) src(%arg17 : memref<64x3000xf32, #tpu.memory_space<vmem>>) dst(%dma_wait3A_693 : memref<64x3000xf32, #tpu.memory_space<any>>)
    %get3A_694 = arith.constant 0 : index
    %get3A_695 = arith.constant 0 : index
    %get3A_696 = vector.load %arg9[%get3A_694, %get3A_695] : memref<64x3000xf32, #tpu.memory_space<vmem>>, vector<64x3000xf32>
    %mul3A_697 = vector.broadcast %get3A_690 : vector<1x3000xf32> to vector<64x3000xf32>
    %mul3A_698 = arith.mulf %get3A_696, %mul3A_697 : vector<64x3000xf32>
    %swap3A_699 = arith.constant 0 : index
    %swap3A_700 = arith.constant 0 : index
    %swap3A_701 = vector.load %arg17[%swap3A_699, %swap3A_700] : memref<64x3000xf32, #tpu.memory_space<vmem>>, vector<64x3000xf32>
    tpu.vector_store %arg17[%swap3A_699, %swap3A_700], %mul3A_698 {strides = array<i32>} : memref<64x3000xf32, #tpu.memory_space<vmem>>, vector<64x3000xf32>,
    %dma_start3A_702 = arith.constant 1920 : i32
    %dma_start3A_703 = arith.constant 0 : i32
    %dma_start3A_704 = tpu.memref_slice %arg2[%dma_start3A_702, %dma_start3A_703] : memref<8192x3000xf32, #tpu.memory_space<any>> -> memref<64x3000xf32, #tpu.memory_space<any>>
    tpu.enqueue_dma source(%arg17 : memref<64x3000xf32, #tpu.memory_space<vmem>>) target(%dma_start3A_704 : memref<64x3000xf32, #tpu.memory_space<any>>) target_semaphore(%arg33 : memref<!tpu.dma_semaphore, #tpu.memory_space<semaphore_mem>>)
    %dma_start3A_705 = arith.constant 2432 : i32
    %dma_start3A_706 = arith.constant 0 : i32
    %dma_start3A_707 = tpu.memref_slice %arg1[%dma_start3A_705, %dma_start3A_706] : memref<8192x3000xf32, #tpu.memory_space<any>> -> memref<64x3000xf32, #tpu.memory_space<any>>
    tpu.enqueue_dma source(%dma_start3A_707 : memref<64x3000xf32, #tpu.memory_space<any>>) target(%arg9 : memref<64x3000xf32, #tpu.memory_space<vmem>>) target_semaphore(%arg25 : memref<!tpu.dma_semaphore, #tpu.memory_space<semaphore_mem>>)
    %dma_wait3A_708 = arith.constant 1984 : i32
    %dma_wait3A_709 = arith.constant 0 : i32
    %dma_wait3A_710 = tpu.memref_slice %arg1[%dma_wait3A_708, %dma_wait3A_709] : memref<8192x3000xf32, #tpu.memory_space<any>> -> memref<64x3000xf32, #tpu.memory_space<any>>
    tpu.wait_dma2 semaphore(%arg26 : memref<!tpu.dma_semaphore, #tpu.memory_space<semaphore_mem>>) src(%dma_wait3A_710 : memref<64x3000xf32, #tpu.memory_space<any>>) dst(%arg10 : memref<64x3000xf32, #tpu.memory_space<vmem>>)
    %get3A_711 = arith.constant 15 : index
    %get3A_712 = arith.constant 0 : index
    %get3A_713 = vector.load %arg0[%get3A_711, %get3A_712] : memref<64x3000xf32, #tpu.memory_space<vmem>>, vector<1x3000xf32>
    %dma_wait3A_714 = arith.constant 1472 : i32
    %dma_wait3A_715 = arith.constant 0 : i32
    %dma_wait3A_716 = tpu.memref_slice %arg2[%dma_wait3A_714, %dma_wait3A_715] : memref<8192x3000xf32, #tpu.memory_space<any>> -> memref<64x3000xf32, #tpu.memory_space<any>>
    tpu.wait_dma2 semaphore(%arg34 : memref<!tpu.dma_semaphore, #tpu.memory_space<semaphore_mem>>) src(%arg18 : memref<64x3000xf32, #tpu.memory_space<vmem>>) dst(%dma_wait3A_716 : memref<64x3000xf32, #tpu.memory_space<any>>)
    %get3A_717 = arith.constant 0 : index
    %get3A_718 = arith.constant 0 : index
    %get3A_719 = vector.load %arg10[%get3A_717, %get3A_718] : memref<64x3000xf32, #tpu.memory_space<vmem>>, vector<64x3000xf32>
    %mul3A_720 = vector.broadcast %get3A_713 : vector<1x3000xf32> to vector<64x3000xf32>
    %mul3A_721 = arith.mulf %get3A_719, %mul3A_720 : vector<64x3000xf32>
    %swap3A_722 = arith.constant 0 : index
    %swap3A_723 = arith.constant 0 : index
    %swap3A_724 = vector.load %arg18[%swap3A_722, %swap3A_723] : memref<64x3000xf32, #tpu.memory_space<vmem>>, vector<64x3000xf32>
    tpu.vector_store %arg18[%swap3A_722, %swap3A_723], %mul3A_721 {strides = array<i32>} : memref<64x3000xf32, #tpu.memory_space<vmem>>, vector<64x3000xf32>,
    %dma_start3A_725 = arith.constant 1984 : i32
    %dma_start3A_726 = arith.constant 0 : i32
    %dma_start3A_727 = tpu.memref_slice %arg2[%dma_start3A_725, %dma_start3A_726] : memref<8192x3000xf32, #tpu.memory_space<any>> -> memref<64x3000xf32, #tpu.memory_space<any>>
    tpu.enqueue_dma source(%arg18 : memref<64x3000xf32, #tpu.memory_space<vmem>>) target(%dma_start3A_727 : memref<64x3000xf32, #tpu.memory_space<any>>) target_semaphore(%arg34 : memref<!tpu.dma_semaphore, #tpu.memory_space<semaphore_mem>>) {priority = 1 : i32}
    %dma_start3A_728 = arith.constant 2496 : i32
    %dma_start3A_729 = arith.constant 0 : i32
    %dma_start3A_730 = tpu.memref_slice %arg1[%dma_start3A_728, %dma_start3A_729] : memref<8192x3000xf32, #tpu.memory_space<any>> -> memref<64x3000xf32, #tpu.memory_space<any>>
    tpu.enqueue_dma source(%dma_start3A_730 : memref<64x3000xf32, #tpu.memory_space<any>>) target(%arg10 : memref<64x3000xf32, #tpu.memory_space<vmem>>) target_semaphore(%arg26 : memref<!tpu.dma_semaphore, #tpu.memory_space<semaphore_mem>>) {priority = 1 : i32}
    %dma_wait3A_731 = arith.constant 2048 : i32
    %dma_wait3A_732 = arith.constant 0 : i32
    %dma_wait3A_733 = tpu.memref_slice %arg1[%dma_wait3A_731, %dma_wait3A_732] : memref<8192x3000xf32, #tpu.memory_space<any>> -> memref<64x3000xf32, #tpu.memory_space<any>>
    tpu.wait_dma2 semaphore(%arg19 : memref<!tpu.dma_semaphore, #tpu.memory_space<semaphore_mem>>) src(%dma_wait3A_733 : memref<64x3000xf32, #tpu.memory_space<any>>) dst(%arg3 : memref<64x3000xf32, #tpu.memory_space<vmem>>)
    %get3A_734 = arith.constant 16 : index
    %get3A_735 = arith.constant 0 : index
    %get3A_736 = vector.load %arg0[%get3A_734, %get3A_735] : memref<64x3000xf32, #tpu.memory_space<vmem>>, vector<1x3000xf32>
    %dma_wait3A_737 = arith.constant 1536 : i32
    %dma_wait3A_738 = arith.constant 0 : i32
    %dma_wait3A_739 = tpu.memref_slice %arg2[%dma_wait3A_737, %dma_wait3A_738] : memref<8192x3000xf32, #tpu.memory_space<any>> -> memref<64x3000xf32, #tpu.memory_space<any>>
    tpu.wait_dma2 semaphore(%arg27 : memref<!tpu.dma_semaphore, #tpu.memory_space<semaphore_mem>>) src(%arg11 : memref<64x3000xf32, #tpu.memory_space<vmem>>) dst(%dma_wait3A_739 : memref<64x3000xf32, #tpu.memory_space<any>>)
    %get3A_740 = arith.constant 0 : index
    %get3A_741 = arith.constant 0 : index
    %get3A_742 = vector.load %arg3[%get3A_740, %get3A_741] : memref<64x3000xf32, #tpu.memory_space<vmem>>, vector<64x3000xf32>
    %mul3A_743 = vector.broadcast %get3A_736 : vector<1x3000xf32> to vector<64x3000xf32>
    %mul3A_744 = arith.mulf %get3A_742, %mul3A_743 : vector<64x3000xf32>
    %swap3A_745 = arith.constant 0 : index
    %swap3A_746 = arith.constant 0 : index
    %swap3A_747 = vector.load %arg11[%swap3A_745, %swap3A_746] : memref<64x3000xf32, #tpu.memory_space<vmem>>, vector<64x3000xf32>
    tpu.vector_store %arg11[%swap3A_745, %swap3A_746], %mul3A_744 {strides = array<i32>} : memref<64x3000xf32, #tpu.memory_space<vmem>>, vector<64x3000xf32>,
    %dma_start3A_748 = arith.constant 2048 : i32
    %dma_start3A_749 = arith.constant 0 : i32
    %dma_start3A_750 = tpu.memref_slice %arg2[%dma_start3A_748, %dma_start3A_749] : memref<8192x3000xf32, #tpu.memory_space<any>> -> memref<64x3000xf32, #tpu.memory_space<any>>
    tpu.enqueue_dma source(%arg11 : memref<64x3000xf32, #tpu.memory_space<vmem>>) target(%dma_start3A_750 : memref<64x3000xf32, #tpu.memory_space<any>>) target_semaphore(%arg27 : memref<!tpu.dma_semaphore, #tpu.memory_space<semaphore_mem>>)
    %dma_start3A_751 = arith.constant 2560 : i32
    %dma_start3A_752 = arith.constant 0 : i32
    %dma_start3A_753 = tpu.memref_slice %arg1[%dma_start3A_751, %dma_start3A_752] : memref<8192x3000xf32, #tpu.memory_space<any>> -> memref<64x3000xf32, #tpu.memory_space<any>>
    tpu.enqueue_dma source(%dma_start3A_753 : memref<64x3000xf32, #tpu.memory_space<any>>) target(%arg3 : memref<64x3000xf32, #tpu.memory_space<vmem>>) target_semaphore(%arg19 : memref<!tpu.dma_semaphore, #tpu.memory_space<semaphore_mem>>)
    %dma_wait3A_754 = arith.constant 2112 : i32
    %dma_wait3A_755 = arith.constant 0 : i32
    %dma_wait3A_756 = tpu.memref_slice %arg1[%dma_wait3A_754, %dma_wait3A_755] : memref<8192x3000xf32, #tpu.memory_space<any>> -> memref<64x3000xf32, #tpu.memory_space<any>>
    tpu.wait_dma2 semaphore(%arg20 : memref<!tpu.dma_semaphore, #tpu.memory_space<semaphore_mem>>) src(%dma_wait3A_756 : memref<64x3000xf32, #tpu.memory_space<any>>) dst(%arg4 : memref<64x3000xf32, #tpu.memory_space<vmem>>)
    %get3A_757 = arith.constant 16 : index
    %get3A_758 = arith.constant 0 : index
    %get3A_759 = vector.load %arg0[%get3A_757, %get3A_758] : memref<64x3000xf32, #tpu.memory_space<vmem>>, vector<1x3000xf32>
    %dma_wait3A_760 = arith.constant 1600 : i32
    %dma_wait3A_761 = arith.constant 0 : i32
    %dma_wait3A_762 = tpu.memref_slice %arg2[%dma_wait3A_760, %dma_wait3A_761] : memref<8192x3000xf32, #tpu.memory_space<any>> -> memref<64x3000xf32, #tpu.memory_space<any>>
    tpu.wait_dma2 semaphore(%arg28 : memref<!tpu.dma_semaphore, #tpu.memory_space<semaphore_mem>>) src(%arg12 : memref<64x3000xf32, #tpu.memory_space<vmem>>) dst(%dma_wait3A_762 : memref<64x3000xf32, #tpu.memory_space<any>>)
    %get3A_763 = arith.constant 0 : index
    %get3A_764 = arith.constant 0 : index
    %get3A_765 = vector.load %arg4[%get3A_763, %get3A_764] : memref<64x3000xf32, #tpu.memory_space<vmem>>, vector<64x3000xf32>
    %mul3A_766 = vector.broadcast %get3A_759 : vector<1x3000xf32> to vector<64x3000xf32>
    %mul3A_767 = arith.mulf %get3A_765, %mul3A_766 : vector<64x3000xf32>
    %swap3A_768 = arith.constant 0 : index
    %swap3A_769 = arith.constant 0 : index
    %swap3A_770 = vector.load %arg12[%swap3A_768, %swap3A_769] : memref<64x3000xf32, #tpu.memory_space<vmem>>, vector<64x3000xf32>
    tpu.vector_store %arg12[%swap3A_768, %swap3A_769], %mul3A_767 {strides = array<i32>} : memref<64x3000xf32, #tpu.memory_space<vmem>>, vector<64x3000xf32>,
    %dma_start3A_771 = arith.constant 2112 : i32
    %dma_start3A_772 = arith.constant 0 : i32
    %dma_start3A_773 = tpu.memref_slice %arg2[%dma_start3A_771, %dma_start3A_772] : memref<8192x3000xf32, #tpu.memory_space<any>> -> memref<64x3000xf32, #tpu.memory_space<any>>
    tpu.enqueue_dma source(%arg12 : memref<64x3000xf32, #tpu.memory_space<vmem>>) target(%dma_start3A_773 : memref<64x3000xf32, #tpu.memory_space<any>>) target_semaphore(%arg28 : memref<!tpu.dma_semaphore, #tpu.memory_space<semaphore_mem>>) {priority = 1 : i32}
    %dma_start3A_774 = arith.constant 2624 : i32
    %dma_start3A_775 = arith.constant 0 : i32
    %dma_start3A_776 = tpu.memref_slice %arg1[%dma_start3A_774, %dma_start3A_775] : memref<8192x3000xf32, #tpu.memory_space<any>> -> memref<64x3000xf32, #tpu.memory_space<any>>
    tpu.enqueue_dma source(%dma_start3A_776 : memref<64x3000xf32, #tpu.memory_space<any>>) target(%arg4 : memref<64x3000xf32, #tpu.memory_space<vmem>>) target_semaphore(%arg20 : memref<!tpu.dma_semaphore, #tpu.memory_space<semaphore_mem>>) {priority = 1 : i32}
    %dma_wait3A_777 = arith.constant 2176 : i32
    %dma_wait3A_778 = arith.constant 0 : i32
    %dma_wait3A_779 = tpu.memref_slice %arg1[%dma_wait3A_777, %dma_wait3A_778] : memref<8192x3000xf32, #tpu.memory_space<any>> -> memref<64x3000xf32, #tpu.memory_space<any>>
    tpu.wait_dma2 semaphore(%arg21 : memref<!tpu.dma_semaphore, #tpu.memory_space<semaphore_mem>>) src(%dma_wait3A_779 : memref<64x3000xf32, #tpu.memory_space<any>>) dst(%arg5 : memref<64x3000xf32, #tpu.memory_space<vmem>>)
    %get3A_780 = arith.constant 17 : index
    %get3A_781 = arith.constant 0 : index
    %get3A_782 = vector.load %arg0[%get3A_780, %get3A_781] : memref<64x3000xf32, #tpu.memory_space<vmem>>, vector<1x3000xf32>
    %dma_wait3A_783 = arith.constant 1664 : i32
    %dma_wait3A_784 = arith.constant 0 : i32
    %dma_wait3A_785 = tpu.memref_slice %arg2[%dma_wait3A_783, %dma_wait3A_784] : memref<8192x3000xf32, #tpu.memory_space<any>> -> memref<64x3000xf32, #tpu.memory_space<any>>
    tpu.wait_dma2 semaphore(%arg29 : memref<!tpu.dma_semaphore, #tpu.memory_space<semaphore_mem>>) src(%arg13 : memref<64x3000xf32, #tpu.memory_space<vmem>>) dst(%dma_wait3A_785 : memref<64x3000xf32, #tpu.memory_space<any>>)
    %get3A_786 = arith.constant 0 : index
    %get3A_787 = arith.constant 0 : index
    %get3A_788 = vector.load %arg5[%get3A_786, %get3A_787] : memref<64x3000xf32, #tpu.memory_space<vmem>>, vector<64x3000xf32>
    %mul3A_789 = vector.broadcast %get3A_782 : vector<1x3000xf32> to vector<64x3000xf32>
    %mul3A_790 = arith.mulf %get3A_788, %mul3A_789 : vector<64x3000xf32>
    %swap3A_791 = arith.constant 0 : index
    %swap3A_792 = arith.constant 0 : index
    %swap3A_793 = vector.load %arg13[%swap3A_791, %swap3A_792] : memref<64x3000xf32, #tpu.memory_space<vmem>>, vector<64x3000xf32>
    tpu.vector_store %arg13[%swap3A_791, %swap3A_792], %mul3A_790 {strides = array<i32>} : memref<64x3000xf32, #tpu.memory_space<vmem>>, vector<64x3000xf32>,
    %dma_start3A_794 = arith.constant 2176 : i32
    %dma_start3A_795 = arith.constant 0 : i32
    %dma_start3A_796 = tpu.memref_slice %arg2[%dma_start3A_794, %dma_start3A_795] : memref<8192x3000xf32, #tpu.memory_space<any>> -> memref<64x3000xf32, #tpu.memory_space<any>>
    tpu.enqueue_dma source(%arg13 : memref<64x3000xf32, #tpu.memory_space<vmem>>) target(%dma_start3A_796 : memref<64x3000xf32, #tpu.memory_space<any>>) target_semaphore(%arg29 : memref<!tpu.dma_semaphore, #tpu.memory_space<semaphore_mem>>)
    %dma_start3A_797 = arith.constant 2688 : i32
    %dma_start3A_798 = arith.constant 0 : i32
    %dma_start3A_799 = tpu.memref_slice %arg1[%dma_start3A_797, %dma_start3A_798] : memref<8192x3000xf32, #tpu.memory_space<any>> -> memref<64x3000xf32, #tpu.memory_space<any>>
    tpu.enqueue_dma source(%dma_start3A_799 : memref<64x3000xf32, #tpu.memory_space<any>>) target(%arg5 : memref<64x3000xf32, #tpu.memory_space<vmem>>) target_semaphore(%arg21 : memref<!tpu.dma_semaphore, #tpu.memory_space<semaphore_mem>>)
    %dma_wait3A_800 = arith.constant 2240 : i32
    %dma_wait3A_801 = arith.constant 0 : i32
    %dma_wait3A_802 = tpu.memref_slice %arg1[%dma_wait3A_800, %dma_wait3A_801] : memref<8192x3000xf32, #tpu.memory_space<any>> -> memref<64x3000xf32, #tpu.memory_space<any>>
    tpu.wait_dma2 semaphore(%arg22 : memref<!tpu.dma_semaphore, #tpu.memory_space<semaphore_mem>>) src(%dma_wait3A_802 : memref<64x3000xf32, #tpu.memory_space<any>>) dst(%arg6 : memref<64x3000xf32, #tpu.memory_space<vmem>>)
    %get3A_803 = arith.constant 17 : index
    %get3A_804 = arith.constant 0 : index
    %get3A_805 = vector.load %arg0[%get3A_803, %get3A_804] : memref<64x3000xf32, #tpu.memory_space<vmem>>, vector<1x3000xf32>
    %dma_wait3A_806 = arith.constant 1728 : i32
    %dma_wait3A_807 = arith.constant 0 : i32
    %dma_wait3A_808 = tpu.memref_slice %arg2[%dma_wait3A_806, %dma_wait3A_807] : memref<8192x3000xf32, #tpu.memory_space<any>> -> memref<64x3000xf32, #tpu.memory_space<any>>
    tpu.wait_dma2 semaphore(%arg30 : memref<!tpu.dma_semaphore, #tpu.memory_space<semaphore_mem>>) src(%arg14 : memref<64x3000xf32, #tpu.memory_space<vmem>>) dst(%dma_wait3A_808 : memref<64x3000xf32, #tpu.memory_space<any>>)
    %get3A_809 = arith.constant 0 : index
    %get3A_810 = arith.constant 0 : index
    %get3A_811 = vector.load %arg6[%get3A_809, %get3A_810] : memref<64x3000xf32, #tpu.memory_space<vmem>>, vector<64x3000xf32>
    %mul3A_812 = vector.broadcast %get3A_805 : vector<1x3000xf32> to vector<64x3000xf32>
    %mul3A_813 = arith.mulf %get3A_811, %mul3A_812 : vector<64x3000xf32>
    %swap3A_814 = arith.constant 0 : index
    %swap3A_815 = arith.constant 0 : index
    %swap3A_816 = vector.load %arg14[%swap3A_814, %swap3A_815] : memref<64x3000xf32, #tpu.memory_space<vmem>>, vector<64x3000xf32>
    tpu.vector_store %arg14[%swap3A_814, %swap3A_815], %mul3A_813 {strides = array<i32>} : memref<64x3000xf32, #tpu.memory_space<vmem>>, vector<64x3000xf32>,
    %dma_start3A_817 = arith.constant 2240 : i32
    %dma_start3A_818 = arith.constant 0 : i32
    %dma_start3A_819 = tpu.memref_slice %arg2[%dma_start3A_817, %dma_start3A_818] : memref<8192x3000xf32, #tpu.memory_space<any>> -> memref<64x3000xf32, #tpu.memory_space<any>>
    tpu.enqueue_dma source(%arg14 : memref<64x3000xf32, #tpu.memory_space<vmem>>) target(%dma_start3A_819 : memref<64x3000xf32, #tpu.memory_space<any>>) target_semaphore(%arg30 : memref<!tpu.dma_semaphore, #tpu.memory_space<semaphore_mem>>) {priority = 1 : i32}
    %dma_start3A_820 = arith.constant 2752 : i32
    %dma_start3A_821 = arith.constant 0 : i32
    %dma_start3A_822 = tpu.memref_slice %arg1[%dma_start3A_820, %dma_start3A_821] : memref<8192x3000xf32, #tpu.memory_space<any>> -> memref<64x3000xf32, #tpu.memory_space<any>>
    tpu.enqueue_dma source(%dma_start3A_822 : memref<64x3000xf32, #tpu.memory_space<any>>) target(%arg6 : memref<64x3000xf32, #tpu.memory_space<vmem>>) target_semaphore(%arg22 : memref<!tpu.dma_semaphore, #tpu.memory_space<semaphore_mem>>) {priority = 1 : i32}
    %dma_wait3A_823 = arith.constant 2304 : i32
    %dma_wait3A_824 = arith.constant 0 : i32
    %dma_wait3A_825 = tpu.memref_slice %arg1[%dma_wait3A_823, %dma_wait3A_824] : memref<8192x3000xf32, #tpu.memory_space<any>> -> memref<64x3000xf32, #tpu.memory_space<any>>
    tpu.wait_dma2 semaphore(%arg23 : memref<!tpu.dma_semaphore, #tpu.memory_space<semaphore_mem>>) src(%dma_wait3A_825 : memref<64x3000xf32, #tpu.memory_space<any>>) dst(%arg7 : memref<64x3000xf32, #tpu.memory_space<vmem>>)
    %get3A_826 = arith.constant 18 : index
    %get3A_827 = arith.constant 0 : index
    %get3A_828 = vector.load %arg0[%get3A_826, %get3A_827] : memref<64x3000xf32, #tpu.memory_space<vmem>>, vector<1x3000xf32>
    %dma_wait3A_829 = arith.constant 1792 : i32
    %dma_wait3A_830 = arith.constant 0 : i32
    %dma_wait3A_831 = tpu.memref_slice %arg2[%dma_wait3A_829, %dma_wait3A_830] : memref<8192x3000xf32, #tpu.memory_space<any>> -> memref<64x3000xf32, #tpu.memory_space<any>>
    tpu.wait_dma2 semaphore(%arg31 : memref<!tpu.dma_semaphore, #tpu.memory_space<semaphore_mem>>) src(%arg15 : memref<64x3000xf32, #tpu.memory_space<vmem>>) dst(%dma_wait3A_831 : memref<64x3000xf32, #tpu.memory_space<any>>)
    %get3A_832 = arith.constant 0 : index
    %get3A_833 = arith.constant 0 : index
    %get3A_834 = vector.load %arg7[%get3A_832, %get3A_833] : memref<64x3000xf32, #tpu.memory_space<vmem>>, vector<64x3000xf32>
    %mul3A_835 = vector.broadcast %get3A_828 : vector<1x3000xf32> to vector<64x3000xf32>
    %mul3A_836 = arith.mulf %get3A_834, %mul3A_835 : vector<64x3000xf32>
    %swap3A_837 = arith.constant 0 : index
    %swap3A_838 = arith.constant 0 : index
    %swap3A_839 = vector.load %arg15[%swap3A_837, %swap3A_838] : memref<64x3000xf32, #tpu.memory_space<vmem>>, vector<64x3000xf32>
    tpu.vector_store %arg15[%swap3A_837, %swap3A_838], %mul3A_836 {strides = array<i32>} : memref<64x3000xf32, #tpu.memory_space<vmem>>, vector<64x3000xf32>,
    %dma_start3A_840 = arith.constant 2304 : i32
    %dma_start3A_841 = arith.constant 0 : i32
    %dma_start3A_842 = tpu.memref_slice %arg2[%dma_start3A_840, %dma_start3A_841] : memref<8192x3000xf32, #tpu.memory_space<any>> -> memref<64x3000xf32, #tpu.memory_space<any>>
    tpu.enqueue_dma source(%arg15 : memref<64x3000xf32, #tpu.memory_space<vmem>>) target(%dma_start3A_842 : memref<64x3000xf32, #tpu.memory_space<any>>) target_semaphore(%arg31 : memref<!tpu.dma_semaphore, #tpu.memory_space<semaphore_mem>>)
    %dma_start3A_843 = arith.constant 2816 : i32
    %dma_start3A_844 = arith.constant 0 : i32
    %dma_start3A_845 = tpu.memref_slice %arg1[%dma_start3A_843, %dma_start3A_844] : memref<8192x3000xf32, #tpu.memory_space<any>> -> memref<64x3000xf32, #tpu.memory_space<any>>
    tpu.enqueue_dma source(%dma_start3A_845 : memref<64x3000xf32, #tpu.memory_space<any>>) target(%arg7 : memref<64x3000xf32, #tpu.memory_space<vmem>>) target_semaphore(%arg23 : memref<!tpu.dma_semaphore, #tpu.memory_space<semaphore_mem>>)
    %dma_wait3A_846 = arith.constant 2368 : i32
    %dma_wait3A_847 = arith.constant 0 : i32
    %dma_wait3A_848 = tpu.memref_slice %arg1[%dma_wait3A_846, %dma_wait3A_847] : memref<8192x3000xf32, #tpu.memory_space<any>> -> memref<64x3000xf32, #tpu.memory_space<any>>
    tpu.wait_dma2 semaphore(%arg24 : memref<!tpu.dma_semaphore, #tpu.memory_space<semaphore_mem>>) src(%dma_wait3A_848 : memref<64x3000xf32, #tpu.memory_space<any>>) dst(%arg8 : memref<64x3000xf32, #tpu.memory_space<vmem>>)
    %get3A_849 = arith.constant 18 : index
    %get3A_850 = arith.constant 0 : index
    %get3A_851 = vector.load %arg0[%get3A_849, %get3A_850] : memref<64x3000xf32, #tpu.memory_space<vmem>>, vector<1x3000xf32>
    %dma_wait3A_852 = arith.constant 1856 : i32
    %dma_wait3A_853 = arith.constant 0 : i32
    %dma_wait3A_854 = tpu.memref_slice %arg2[%dma_wait3A_852, %dma_wait3A_853] : memref<8192x3000xf32, #tpu.memory_space<any>> -> memref<64x3000xf32, #tpu.memory_space<any>>
    tpu.wait_dma2 semaphore(%arg32 : memref<!tpu.dma_semaphore, #tpu.memory_space<semaphore_mem>>) src(%arg16 : memref<64x3000xf32, #tpu.memory_space<vmem>>) dst(%dma_wait3A_854 : memref<64x3000xf32, #tpu.memory_space<any>>)
    %get3A_855 = arith.constant 0 : index
    %get3A_856 = arith.constant 0 : index
    %get3A_857 = vector.load %arg8[%get3A_855, %get3A_856] : memref<64x3000xf32, #tpu.memory_space<vmem>>, vector<64x3000xf32>
    %mul3A_858 = vector.broadcast %get3A_851 : vector<1x3000xf32> to vector<64x3000xf32>
    %mul3A_859 = arith.mulf %get3A_857, %mul3A_858 : vector<64x3000xf32>
    %swap3A_860 = arith.constant 0 : index
    %swap3A_861 = arith.constant 0 : index
    %swap3A_862 = vector.load %arg16[%swap3A_860, %swap3A_861] : memref<64x3000xf32, #tpu.memory_space<vmem>>, vector<64x3000xf32>
    tpu.vector_store %arg16[%swap3A_860, %swap3A_861], %mul3A_859 {strides = array<i32>} : memref<64x3000xf32, #tpu.memory_space<vmem>>, vector<64x3000xf32>,
    %dma_start3A_863 = arith.constant 2368 : i32
    %dma_start3A_864 = arith.constant 0 : i32
    %dma_start3A_865 = tpu.memref_slice %arg2[%dma_start3A_863, %dma_start3A_864] : memref<8192x3000xf32, #tpu.memory_space<any>> -> memref<64x3000xf32, #tpu.memory_space<any>>
    tpu.enqueue_dma source(%arg16 : memref<64x3000xf32, #tpu.memory_space<vmem>>) target(%dma_start3A_865 : memref<64x3000xf32, #tpu.memory_space<any>>) target_semaphore(%arg32 : memref<!tpu.dma_semaphore, #tpu.memory_space<semaphore_mem>>) {priority = 1 : i32}
    %dma_start3A_866 = arith.constant 2880 : i32
    %dma_start3A_867 = arith.constant 0 : i32
    %dma_start3A_868 = tpu.memref_slice %arg1[%dma_start3A_866, %dma_start3A_867] : memref<8192x3000xf32, #tpu.memory_space<any>> -> memref<64x3000xf32, #tpu.memory_space<any>>
    tpu.enqueue_dma source(%dma_start3A_868 : memref<64x3000xf32, #tpu.memory_space<any>>) target(%arg8 : memref<64x3000xf32, #tpu.memory_space<vmem>>) target_semaphore(%arg24 : memref<!tpu.dma_semaphore, #tpu.memory_space<semaphore_mem>>) {priority = 1 : i32}
    %dma_wait3A_869 = arith.constant 2432 : i32
    %dma_wait3A_870 = arith.constant 0 : i32
    %dma_wait3A_871 = tpu.memref_slice %arg1[%dma_wait3A_869, %dma_wait3A_870] : memref<8192x3000xf32, #tpu.memory_space<any>> -> memref<64x3000xf32, #tpu.memory_space<any>>
    tpu.wait_dma2 semaphore(%arg25 : memref<!tpu.dma_semaphore, #tpu.memory_space<semaphore_mem>>) src(%dma_wait3A_871 : memref<64x3000xf32, #tpu.memory_space<any>>) dst(%arg9 : memref<64x3000xf32, #tpu.memory_space<vmem>>)
    %get3A_872 = arith.constant 19 : index
    %get3A_873 = arith.constant 0 : index
    %get3A_874 = vector.load %arg0[%get3A_872, %get3A_873] : memref<64x3000xf32, #tpu.memory_space<vmem>>, vector<1x3000xf32>
    %dma_wait3A_875 = arith.constant 1920 : i32
    %dma_wait3A_876 = arith.constant 0 : i32
    %dma_wait3A_877 = tpu.memref_slice %arg2[%dma_wait3A_875, %dma_wait3A_876] : memref<8192x3000xf32, #tpu.memory_space<any>> -> memref<64x3000xf32, #tpu.memory_space<any>>
    tpu.wait_dma2 semaphore(%arg33 : memref<!tpu.dma_semaphore, #tpu.memory_space<semaphore_mem>>) src(%arg17 : memref<64x3000xf32, #tpu.memory_space<vmem>>) dst(%dma_wait3A_877 : memref<64x3000xf32, #tpu.memory_space<any>>)
    %get3A_878 = arith.constant 0 : index
    %get3A_879 = arith.constant 0 : index
    %get3A_880 = vector.load %arg9[%get3A_878, %get3A_879] : memref<64x3000xf32, #tpu.memory_space<vmem>>, vector<64x3000xf32>
    %mul3A_881 = vector.broadcast %get3A_874 : vector<1x3000xf32> to vector<64x3000xf32>
    %mul3A_882 = arith.mulf %get3A_880, %mul3A_881 : vector<64x3000xf32>
    %swap3A_883 = arith.constant 0 : index
    %swap3A_884 = arith.constant 0 : index
    %swap3A_885 = vector.load %arg17[%swap3A_883, %swap3A_884] : memref<64x3000xf32, #tpu.memory_space<vmem>>, vector<64x3000xf32>
    tpu.vector_store %arg17[%swap3A_883, %swap3A_884], %mul3A_882 {strides = array<i32>} : memref<64x3000xf32, #tpu.memory_space<vmem>>, vector<64x3000xf32>,
    %dma_start3A_886 = arith.constant 2432 : i32
    %dma_start3A_887 = arith.constant 0 : i32
    %dma_start3A_888 = tpu.memref_slice %arg2[%dma_start3A_886, %dma_start3A_887] : memref<8192x3000xf32, #tpu.memory_space<any>> -> memref<64x3000xf32, #tpu.memory_space<any>>
    tpu.enqueue_dma source(%arg17 : memref<64x3000xf32, #tpu.memory_space<vmem>>) target(%dma_start3A_888 : memref<64x3000xf32, #tpu.memory_space<any>>) target_semaphore(%arg33 : memref<!tpu.dma_semaphore, #tpu.memory_space<semaphore_mem>>)
    %dma_start3A_889 = arith.constant 2944 : i32
    %dma_start3A_890 = arith.constant 0 : i32
    %dma_start3A_891 = tpu.memref_slice %arg1[%dma_start3A_889, %dma_start3A_890] : memref<8192x3000xf32, #tpu.memory_space<any>> -> memref<64x3000xf32, #tpu.memory_space<any>>
    tpu.enqueue_dma source(%dma_start3A_891 : memref<64x3000xf32, #tpu.memory_space<any>>) target(%arg9 : memref<64x3000xf32, #tpu.memory_space<vmem>>) target_semaphore(%arg25 : memref<!tpu.dma_semaphore, #tpu.memory_space<semaphore_mem>>)
    %dma_wait3A_892 = arith.constant 2496 : i32
    %dma_wait3A_893 = arith.constant 0 : i32
    %dma_wait3A_894 = tpu.memref_slice %arg1[%dma_wait3A_892, %dma_wait3A_893] : memref<8192x3000xf32, #tpu.memory_space<any>> -> memref<64x3000xf32, #tpu.memory_space<any>>
    tpu.wait_dma2 semaphore(%arg26 : memref<!tpu.dma_semaphore, #tpu.memory_space<semaphore_mem>>) src(%dma_wait3A_894 : memref<64x3000xf32, #tpu.memory_space<any>>) dst(%arg10 : memref<64x3000xf32, #tpu.memory_space<vmem>>)
    %get3A_895 = arith.constant 19 : index
    %get3A_896 = arith.constant 0 : index
    %get3A_897 = vector.load %arg0[%get3A_895, %get3A_896] : memref<64x3000xf32, #tpu.memory_space<vmem>>, vector<1x3000xf32>
    %dma_wait3A_898 = arith.constant 1984 : i32
    %dma_wait3A_899 = arith.constant 0 : i32
    %dma_wait3A_900 = tpu.memref_slice %arg2[%dma_wait3A_898, %dma_wait3A_899] : memref<8192x3000xf32, #tpu.memory_space<any>> -> memref<64x3000xf32, #tpu.memory_space<any>>
    tpu.wait_dma2 semaphore(%arg34 : memref<!tpu.dma_semaphore, #tpu.memory_space<semaphore_mem>>) src(%arg18 : memref<64x3000xf32, #tpu.memory_space<vmem>>) dst(%dma_wait3A_900 : memref<64x3000xf32, #tpu.memory_space<any>>)
    %get3A_901 = arith.constant 0 : index
    %get3A_902 = arith.constant 0 : index
    %get3A_903 = vector.load %arg10[%get3A_901, %get3A_902] : memref<64x3000xf32, #tpu.memory_space<vmem>>, vector<64x3000xf32>
    %mul3A_904 = vector.broadcast %get3A_897 : vector<1x3000xf32> to vector<64x3000xf32>
    %mul3A_905 = arith.mulf %get3A_903, %mul3A_904 : vector<64x3000xf32>
    %swap3A_906 = arith.constant 0 : index
    %swap3A_907 = arith.constant 0 : index
    %swap3A_908 = vector.load %arg18[%swap3A_906, %swap3A_907] : memref<64x3000xf32, #tpu.memory_space<vmem>>, vector<64x3000xf32>
    tpu.vector_store %arg18[%swap3A_906, %swap3A_907], %mul3A_905 {strides = array<i32>} : memref<64x3000xf32, #tpu.memory_space<vmem>>, vector<64x3000xf32>,
    %dma_start3A_909 = arith.constant 2496 : i32
    %dma_start3A_910 = arith.constant 0 : i32
    %dma_start3A_911 = tpu.memref_slice %arg2[%dma_start3A_909, %dma_start3A_910] : memref<8192x3000xf32, #tpu.memory_space<any>> -> memref<64x3000xf32, #tpu.memory_space<any>>
    tpu.enqueue_dma source(%arg18 : memref<64x3000xf32, #tpu.memory_space<vmem>>) target(%dma_start3A_911 : memref<64x3000xf32, #tpu.memory_space<any>>) target_semaphore(%arg34 : memref<!tpu.dma_semaphore, #tpu.memory_space<semaphore_mem>>) {priority = 1 : i32}
    %dma_start3A_912 = arith.constant 3008 : i32
    %dma_start3A_913 = arith.constant 0 : i32
    %dma_start3A_914 = tpu.memref_slice %arg1[%dma_start3A_912, %dma_start3A_913] : memref<8192x3000xf32, #tpu.memory_space<any>> -> memref<64x3000xf32, #tpu.memory_space<any>>
    tpu.enqueue_dma source(%dma_start3A_914 : memref<64x3000xf32, #tpu.memory_space<any>>) target(%arg10 : memref<64x3000xf32, #tpu.memory_space<vmem>>) target_semaphore(%arg26 : memref<!tpu.dma_semaphore, #tpu.memory_space<semaphore_mem>>) {priority = 1 : i32}
    %dma_wait3A_915 = arith.constant 2560 : i32
    %dma_wait3A_916 = arith.constant 0 : i32
    %dma_wait3A_917 = tpu.memref_slice %arg1[%dma_wait3A_915, %dma_wait3A_916] : memref<8192x3000xf32, #tpu.memory_space<any>> -> memref<64x3000xf32, #tpu.memory_space<any>>
    tpu.wait_dma2 semaphore(%arg19 : memref<!tpu.dma_semaphore, #tpu.memory_space<semaphore_mem>>) src(%dma_wait3A_917 : memref<64x3000xf32, #tpu.memory_space<any>>) dst(%arg3 : memref<64x3000xf32, #tpu.memory_space<vmem>>)
    %get3A_918 = arith.constant 20 : index
    %get3A_919 = arith.constant 0 : index
    %get3A_920 = vector.load %arg0[%get3A_918, %get3A_919] : memref<64x3000xf32, #tpu.memory_space<vmem>>, vector<1x3000xf32>
    %dma_wait3A_921 = arith.constant 2048 : i32
    %dma_wait3A_922 = arith.constant 0 : i32
    %dma_wait3A_923 = tpu.memref_slice %arg2[%dma_wait3A_921, %dma_wait3A_922] : memref<8192x3000xf32, #tpu.memory_space<any>> -> memref<64x3000xf32, #tpu.memory_space<any>>
    tpu.wait_dma2 semaphore(%arg27 : memref<!tpu.dma_semaphore, #tpu.memory_space<semaphore_mem>>) src(%arg11 : memref<64x3000xf32, #tpu.memory_space<vmem>>) dst(%dma_wait3A_923 : memref<64x3000xf32, #tpu.memory_space<any>>)
    %get3A_924 = arith.constant 0 : index
    %get3A_925 = arith.constant 0 : index
    %get3A_926 = vector.load %arg3[%get3A_924, %get3A_925] : memref<64x3000xf32, #tpu.memory_space<vmem>>, vector<64x3000xf32>
    %mul3A_927 = vector.broadcast %get3A_920 : vector<1x3000xf32> to vector<64x3000xf32>
    %mul3A_928 = arith.mulf %get3A_926, %mul3A_927 : vector<64x3000xf32>
    %swap3A_929 = arith.constant 0 : index
    %swap3A_930 = arith.constant 0 : index
    %swap3A_931 = vector.load %arg11[%swap3A_929, %swap3A_930] : memref<64x3000xf32, #tpu.memory_space<vmem>>, vector<64x3000xf32>
    tpu.vector_store %arg11[%swap3A_929, %swap3A_930], %mul3A_928 {strides = array<i32>} : memref<64x3000xf32, #tpu.memory_space<vmem>>, vector<64x3000xf32>,
    %dma_start3A_932 = arith.constant 2560 : i32
    %dma_start3A_933 = arith.constant 0 : i32
    %dma_start3A_934 = tpu.memref_slice %arg2[%dma_start3A_932, %dma_start3A_933] : memref<8192x3000xf32, #tpu.memory_space<any>> -> memref<64x3000xf32, #tpu.memory_space<any>>
    tpu.enqueue_dma source(%arg11 : memref<64x3000xf32, #tpu.memory_space<vmem>>) target(%dma_start3A_934 : memref<64x3000xf32, #tpu.memory_space<any>>) target_semaphore(%arg27 : memref<!tpu.dma_semaphore, #tpu.memory_space<semaphore_mem>>)
    %dma_start3A_935 = arith.constant 3072 : i32
    %dma_start3A_936 = arith.constant 0 : i32
    %dma_start3A_937 = tpu.memref_slice %arg1[%dma_start3A_935, %dma_start3A_936] : memref<8192x3000xf32, #tpu.memory_space<any>> -> memref<64x3000xf32, #tpu.memory_space<any>>
    tpu.enqueue_dma source(%dma_start3A_937 : memref<64x3000xf32, #tpu.memory_space<any>>) target(%arg3 : memref<64x3000xf32, #tpu.memory_space<vmem>>) target_semaphore(%arg19 : memref<!tpu.dma_semaphore, #tpu.memory_space<semaphore_mem>>)
    %dma_wait3A_938 = arith.constant 2624 : i32
    %dma_wait3A_939 = arith.constant 0 : i32
    %dma_wait3A_940 = tpu.memref_slice %arg1[%dma_wait3A_938, %dma_wait3A_939] : memref<8192x3000xf32, #tpu.memory_space<any>> -> memref<64x3000xf32, #tpu.memory_space<any>>
    tpu.wait_dma2 semaphore(%arg20 : memref<!tpu.dma_semaphore, #tpu.memory_space<semaphore_mem>>) src(%dma_wait3A_940 : memref<64x3000xf32, #tpu.memory_space<any>>) dst(%arg4 : memref<64x3000xf32, #tpu.memory_space<vmem>>)
    %get3A_941 = arith.constant 20 : index
    %get3A_942 = arith.constant 0 : index
    %get3A_943 = vector.load %arg0[%get3A_941, %get3A_942] : memref<64x3000xf32, #tpu.memory_space<vmem>>, vector<1x3000xf32>
    %dma_wait3A_944 = arith.constant 2112 : i32
    %dma_wait3A_945 = arith.constant 0 : i32
    %dma_wait3A_946 = tpu.memref_slice %arg2[%dma_wait3A_944, %dma_wait3A_945] : memref<8192x3000xf32, #tpu.memory_space<any>> -> memref<64x3000xf32, #tpu.memory_space<any>>
    tpu.wait_dma2 semaphore(%arg28 : memref<!tpu.dma_semaphore, #tpu.memory_space<semaphore_mem>>) src(%arg12 : memref<64x3000xf32, #tpu.memory_space<vmem>>) dst(%dma_wait3A_946 : memref<64x3000xf32, #tpu.memory_space<any>>)
    %get3A_947 = arith.constant 0 : index
    %get3A_948 = arith.constant 0 : index
    %get3A_949 = vector.load %arg4[%get3A_947, %get3A_948] : memref<64x3000xf32, #tpu.memory_space<vmem>>, vector<64x3000xf32>
    %mul3A_950 = vector.broadcast %get3A_943 : vector<1x3000xf32> to vector<64x3000xf32>
    %mul3A_951 = arith.mulf %get3A_949, %mul3A_950 : vector<64x3000xf32>
    %swap3A_952 = arith.constant 0 : index
    %swap3A_953 = arith.constant 0 : index
    %swap3A_954 = vector.load %arg12[%swap3A_952, %swap3A_953] : memref<64x3000xf32, #tpu.memory_space<vmem>>, vector<64x3000xf32>
    tpu.vector_store %arg12[%swap3A_952, %swap3A_953], %mul3A_951 {strides = array<i32>} : memref<64x3000xf32, #tpu.memory_space<vmem>>, vector<64x3000xf32>,
    %dma_start3A_955 = arith.constant 2624 : i32
    %dma_start3A_956 = arith.constant 0 : i32
    %dma_start3A_957 = tpu.memref_slice %arg2[%dma_start3A_955, %dma_start3A_956] : memref<8192x3000xf32, #tpu.memory_space<any>> -> memref<64x3000xf32, #tpu.memory_space<any>>
    tpu.enqueue_dma source(%arg12 : memref<64x3000xf32, #tpu.memory_space<vmem>>) target(%dma_start3A_957 : memref<64x3000xf32, #tpu.memory_space<any>>) target_semaphore(%arg28 : memref<!tpu.dma_semaphore, #tpu.memory_space<semaphore_mem>>) {priority = 1 : i32}
    %dma_start3A_958 = arith.constant 3136 : i32
    %dma_start3A_959 = arith.constant 0 : i32
    %dma_start3A_960 = tpu.memref_slice %arg1[%dma_start3A_958, %dma_start3A_959] : memref<8192x3000xf32, #tpu.memory_space<any>> -> memref<64x3000xf32, #tpu.memory_space<any>>
    tpu.enqueue_dma source(%dma_start3A_960 : memref<64x3000xf32, #tpu.memory_space<any>>) target(%arg4 : memref<64x3000xf32, #tpu.memory_space<vmem>>) target_semaphore(%arg20 : memref<!tpu.dma_semaphore, #tpu.memory_space<semaphore_mem>>) {priority = 1 : i32}
    %dma_wait3A_961 = arith.constant 2688 : i32
    %dma_wait3A_962 = arith.constant 0 : i32
    %dma_wait3A_963 = tpu.memref_slice %arg1[%dma_wait3A_961, %dma_wait3A_962] : memref<8192x3000xf32, #tpu.memory_space<any>> -> memref<64x3000xf32, #tpu.memory_space<any>>
    tpu.wait_dma2 semaphore(%arg21 : memref<!tpu.dma_semaphore, #tpu.memory_space<semaphore_mem>>) src(%dma_wait3A_963 : memref<64x3000xf32, #tpu.memory_space<any>>) dst(%arg5 : memref<64x3000xf32, #tpu.memory_space<vmem>>)
    %get3A_964 = arith.constant 21 : index
    %get3A_965 = arith.constant 0 : index
    %get3A_966 = vector.load %arg0[%get3A_964, %get3A_965] : memref<64x3000xf32, #tpu.memory_space<vmem>>, vector<1x3000xf32>
    %dma_wait3A_967 = arith.constant 2176 : i32
    %dma_wait3A_968 = arith.constant 0 : i32
    %dma_wait3A_969 = tpu.memref_slice %arg2[%dma_wait3A_967, %dma_wait3A_968] : memref<8192x3000xf32, #tpu.memory_space<any>> -> memref<64x3000xf32, #tpu.memory_space<any>>
    tpu.wait_dma2 semaphore(%arg29 : memref<!tpu.dma_semaphore, #tpu.memory_space<semaphore_mem>>) src(%arg13 : memref<64x3000xf32, #tpu.memory_space<vmem>>) dst(%dma_wait3A_969 : memref<64x3000xf32, #tpu.memory_space<any>>)
    %get3A_970 = arith.constant 0 : index
    %get3A_971 = arith.constant 0 : index
    %get3A_972 = vector.load %arg5[%get3A_970, %get3A_971] : memref<64x3000xf32, #tpu.memory_space<vmem>>, vector<64x3000xf32>
    %mul3A_973 = vector.broadcast %get3A_966 : vector<1x3000xf32> to vector<64x3000xf32>
    %mul3A_974 = arith.mulf %get3A_972, %mul3A_973 : vector<64x3000xf32>
    %swap3A_975 = arith.constant 0 : index
    %swap3A_976 = arith.constant 0 : index
    %swap3A_977 = vector.load %arg13[%swap3A_975, %swap3A_976] : memref<64x3000xf32, #tpu.memory_space<vmem>>, vector<64x3000xf32>
    tpu.vector_store %arg13[%swap3A_975, %swap3A_976], %mul3A_974 {strides = array<i32>} : memref<64x3000xf32, #tpu.memory_space<vmem>>, vector<64x3000xf32>,
    %dma_start3A_978 = arith.constant 2688 : i32
    %dma_start3A_979 = arith.constant 0 : i32
    %dma_start3A_980 = tpu.memref_slice %arg2[%dma_start3A_978, %dma_start3A_979] : memref<8192x3000xf32, #tpu.memory_space<any>> -> memref<64x3000xf32, #tpu.memory_space<any>>
    tpu.enqueue_dma source(%arg13 : memref<64x3000xf32, #tpu.memory_space<vmem>>) target(%dma_start3A_980 : memref<64x3000xf32, #tpu.memory_space<any>>) target_semaphore(%arg29 : memref<!tpu.dma_semaphore, #tpu.memory_space<semaphore_mem>>)
    %dma_start3A_981 = arith.constant 3200 : i32
    %dma_start3A_982 = arith.constant 0 : i32
    %dma_start3A_983 = tpu.memref_slice %arg1[%dma_start3A_981, %dma_start3A_982] : memref<8192x3000xf32, #tpu.memory_space<any>> -> memref<64x3000xf32, #tpu.memory_space<any>>
    tpu.enqueue_dma source(%dma_start3A_983 : memref<64x3000xf32, #tpu.memory_space<any>>) target(%arg5 : memref<64x3000xf32, #tpu.memory_space<vmem>>) target_semaphore(%arg21 : memref<!tpu.dma_semaphore, #tpu.memory_space<semaphore_mem>>)
    %dma_wait3A_984 = arith.constant 2752 : i32
    %dma_wait3A_985 = arith.constant 0 : i32
    %dma_wait3A_986 = tpu.memref_slice %arg1[%dma_wait3A_984, %dma_wait3A_985] : memref<8192x3000xf32, #tpu.memory_space<any>> -> memref<64x3000xf32, #tpu.memory_space<any>>
    tpu.wait_dma2 semaphore(%arg22 : memref<!tpu.dma_semaphore, #tpu.memory_space<semaphore_mem>>) src(%dma_wait3A_986 : memref<64x3000xf32, #tpu.memory_space<any>>) dst(%arg6 : memref<64x3000xf32, #tpu.memory_space<vmem>>)
    %get3A_987 = arith.constant 21 : index
    %get3A_988 = arith.constant 0 : index
    %get3A_989 = vector.load %arg0[%get3A_987, %get3A_988] : memref<64x3000xf32, #tpu.memory_space<vmem>>, vector<1x3000xf32>
    %dma_wait3A_990 = arith.constant 2240 : i32
    %dma_wait3A_991 = arith.constant 0 : i32
    %dma_wait3A_992 = tpu.memref_slice %arg2[%dma_wait3A_990, %dma_wait3A_991] : memref<8192x3000xf32, #tpu.memory_space<any>> -> memref<64x3000xf32, #tpu.memory_space<any>>
    tpu.wait_dma2 semaphore(%arg30 : memref<!tpu.dma_semaphore, #tpu.memory_space<semaphore_mem>>) src(%arg14 : memref<64x3000xf32, #tpu.memory_space<vmem>>) dst(%dma_wait3A_992 : memref<64x3000xf32, #tpu.memory_space<any>>)
    %get3A_993 = arith.constant 0 : index
    %get3A_994 = arith.constant 0 : index
    %get3A_995 = vector.load %arg6[%get3A_993, %get3A_994] : memref<64x3000xf32, #tpu.memory_space<vmem>>, vector<64x3000xf32>
    %mul3A_996 = vector.broadcast %get3A_989 : vector<1x3000xf32> to vector<64x3000xf32>
    %mul3A_997 = arith.mulf %get3A_995, %mul3A_996 : vector<64x3000xf32>
    %swap3A_998 = arith.constant 0 : index
    %swap3A_999 = arith.constant 0 : index
    %swap3A_1000 = vector.load %arg14[%swap3A_998, %swap3A_999] : memref<64x3000xf32, #tpu.memory_space<vmem>>, vector<64x3000xf32>
    tpu.vector_store %arg14[%swap3A_998, %swap3A_999], %mul3A_997 {strides = array<i32>} : memref<64x3000xf32, #tpu.memory_space<vmem>>, vector<64x3000xf32>,
    %dma_start3A_1001 = arith.constant 2752 : i32
    %dma_start3A_1002 = arith.constant 0 : i32
    %dma_start3A_1003 = tpu.memref_slice %arg2[%dma_start3A_1001, %dma_start3A_1002] : memref<8192x3000xf32, #tpu.memory_space<any>> -> memref<64x3000xf32, #tpu.memory_space<any>>
    tpu.enqueue_dma source(%arg14 : memref<64x3000xf32, #tpu.memory_space<vmem>>) target(%dma_start3A_1003 : memref<64x3000xf32, #tpu.memory_space<any>>) target_semaphore(%arg30 : memref<!tpu.dma_semaphore, #tpu.memory_space<semaphore_mem>>) {priority = 1 : i32}
    %dma_start3A_1004 = arith.constant 3264 : i32
    %dma_start3A_1005 = arith.constant 0 : i32
    %dma_start3A_1006 = tpu.memref_slice %arg1[%dma_start3A_1004, %dma_start3A_1005] : memref<8192x3000xf32, #tpu.memory_space<any>> -> memref<64x3000xf32, #tpu.memory_space<any>>
    tpu.enqueue_dma source(%dma_start3A_1006 : memref<64x3000xf32, #tpu.memory_space<any>>) target(%arg6 : memref<64x3000xf32, #tpu.memory_space<vmem>>) target_semaphore(%arg22 : memref<!tpu.dma_semaphore, #tpu.memory_space<semaphore_mem>>) {priority = 1 : i32}
    %dma_wait3A_1007 = arith.constant 2816 : i32
    %dma_wait3A_1008 = arith.constant 0 : i32
    %dma_wait3A_1009 = tpu.memref_slice %arg1[%dma_wait3A_1007, %dma_wait3A_1008] : memref<8192x3000xf32, #tpu.memory_space<any>> -> memref<64x3000xf32, #tpu.memory_space<any>>
    tpu.wait_dma2 semaphore(%arg23 : memref<!tpu.dma_semaphore, #tpu.memory_space<semaphore_mem>>) src(%dma_wait3A_1009 : memref<64x3000xf32, #tpu.memory_space<any>>) dst(%arg7 : memref<64x3000xf32, #tpu.memory_space<vmem>>)
    %get3A_1010 = arith.constant 22 : index
    %get3A_1011 = arith.constant 0 : index
    %get3A_1012 = vector.load %arg0[%get3A_1010, %get3A_1011] : memref<64x3000xf32, #tpu.memory_space<vmem>>, vector<1x3000xf32>
    %dma_wait3A_1013 = arith.constant 2304 : i32
    %dma_wait3A_1014 = arith.constant 0 : i32
    %dma_wait3A_1015 = tpu.memref_slice %arg2[%dma_wait3A_1013, %dma_wait3A_1014] : memref<8192x3000xf32, #tpu.memory_space<any>> -> memref<64x3000xf32, #tpu.memory_space<any>>
    tpu.wait_dma2 semaphore(%arg31 : memref<!tpu.dma_semaphore, #tpu.memory_space<semaphore_mem>>) src(%arg15 : memref<64x3000xf32, #tpu.memory_space<vmem>>) dst(%dma_wait3A_1015 : memref<64x3000xf32, #tpu.memory_space<any>>)
    %get3A_1016 = arith.constant 0 : index
    %get3A_1017 = arith.constant 0 : index
    %get3A_1018 = vector.load %arg7[%get3A_1016, %get3A_1017] : memref<64x3000xf32, #tpu.memory_space<vmem>>, vector<64x3000xf32>
    %mul3A_1019 = vector.broadcast %get3A_1012 : vector<1x3000xf32> to vector<64x3000xf32>
    %mul3A_1020 = arith.mulf %get3A_1018, %mul3A_1019 : vector<64x3000xf32>
    %swap3A_1021 = arith.constant 0 : index
    %swap3A_1022 = arith.constant 0 : index
    %swap3A_1023 = vector.load %arg15[%swap3A_1021, %swap3A_1022] : memref<64x3000xf32, #tpu.memory_space<vmem>>, vector<64x3000xf32>
    tpu.vector_store %arg15[%swap3A_1021, %swap3A_1022], %mul3A_1020 {strides = array<i32>} : memref<64x3000xf32, #tpu.memory_space<vmem>>, vector<64x3000xf32>,
    %dma_start3A_1024 = arith.constant 2816 : i32
    %dma_start3A_1025 = arith.constant 0 : i32
    %dma_start3A_1026 = tpu.memref_slice %arg2[%dma_start3A_1024, %dma_start3A_1025] : memref<8192x3000xf32, #tpu.memory_space<any>> -> memref<64x3000xf32, #tpu.memory_space<any>>
    tpu.enqueue_dma source(%arg15 : memref<64x3000xf32, #tpu.memory_space<vmem>>) target(%dma_start3A_1026 : memref<64x3000xf32, #tpu.memory_space<any>>) target_semaphore(%arg31 : memref<!tpu.dma_semaphore, #tpu.memory_space<semaphore_mem>>)
    %dma_start3A_1027 = arith.constant 3328 : i32
    %dma_start3A_1028 = arith.constant 0 : i32
    %dma_start3A_1029 = tpu.memref_slice %arg1[%dma_start3A_1027, %dma_start3A_1028] : memref<8192x3000xf32, #tpu.memory_space<any>> -> memref<64x3000xf32, #tpu.memory_space<any>>
    tpu.enqueue_dma source(%dma_start3A_1029 : memref<64x3000xf32, #tpu.memory_space<any>>) target(%arg7 : memref<64x3000xf32, #tpu.memory_space<vmem>>) target_semaphore(%arg23 : memref<!tpu.dma_semaphore, #tpu.memory_space<semaphore_mem>>)
    %dma_wait3A_1030 = arith.constant 2880 : i32
    %dma_wait3A_1031 = arith.constant 0 : i32
    %dma_wait3A_1032 = tpu.memref_slice %arg1[%dma_wait3A_1030, %dma_wait3A_1031] : memref<8192x3000xf32, #tpu.memory_space<any>> -> memref<64x3000xf32, #tpu.memory_space<any>>
    tpu.wait_dma2 semaphore(%arg24 : memref<!tpu.dma_semaphore, #tpu.memory_space<semaphore_mem>>) src(%dma_wait3A_1032 : memref<64x3000xf32, #tpu.memory_space<any>>) dst(%arg8 : memref<64x3000xf32, #tpu.memory_space<vmem>>)
    %get3A_1033 = arith.constant 22 : index
    %get3A_1034 = arith.constant 0 : index
    %get3A_1035 = vector.load %arg0[%get3A_1033, %get3A_1034] : memref<64x3000xf32, #tpu.memory_space<vmem>>, vector<1x3000xf32>
    %dma_wait3A_1036 = arith.constant 2368 : i32
    %dma_wait3A_1037 = arith.constant 0 : i32
    %dma_wait3A_1038 = tpu.memref_slice %arg2[%dma_wait3A_1036, %dma_wait3A_1037] : memref<8192x3000xf32, #tpu.memory_space<any>> -> memref<64x3000xf32, #tpu.memory_space<any>>
    tpu.wait_dma2 semaphore(%arg32 : memref<!tpu.dma_semaphore, #tpu.memory_space<semaphore_mem>>) src(%arg16 : memref<64x3000xf32, #tpu.memory_space<vmem>>) dst(%dma_wait3A_1038 : memref<64x3000xf32, #tpu.memory_space<any>>)
    %get3A_1039 = arith.constant 0 : index
    %get3A_1040 = arith.constant 0 : index
    %get3A_1041 = vector.load %arg8[%get3A_1039, %get3A_1040] : memref<64x3000xf32, #tpu.memory_space<vmem>>, vector<64x3000xf32>
    %mul3A_1042 = vector.broadcast %get3A_1035 : vector<1x3000xf32> to vector<64x3000xf32>
    %mul3A_1043 = arith.mulf %get3A_1041, %mul3A_1042 : vector<64x3000xf32>
    %swap3A_1044 = arith.constant 0 : index
    %swap3A_1045 = arith.constant 0 : index
    %swap3A_1046 = vector.load %arg16[%swap3A_1044, %swap3A_1045] : memref<64x3000xf32, #tpu.memory_space<vmem>>, vector<64x3000xf32>
    tpu.vector_store %arg16[%swap3A_1044, %swap3A_1045], %mul3A_1043 {strides = array<i32>} : memref<64x3000xf32, #tpu.memory_space<vmem>>, vector<64x3000xf32>,
    %dma_start3A_1047 = arith.constant 2880 : i32
    %dma_start3A_1048 = arith.constant 0 : i32
    %dma_start3A_1049 = tpu.memref_slice %arg2[%dma_start3A_1047, %dma_start3A_1048] : memref<8192x3000xf32, #tpu.memory_space<any>> -> memref<64x3000xf32, #tpu.memory_space<any>>
    tpu.enqueue_dma source(%arg16 : memref<64x3000xf32, #tpu.memory_space<vmem>>) target(%dma_start3A_1049 : memref<64x3000xf32, #tpu.memory_space<any>>) target_semaphore(%arg32 : memref<!tpu.dma_semaphore, #tpu.memory_space<semaphore_mem>>) {priority = 1 : i32}
    %dma_start3A_1050 = arith.constant 3392 : i32
    %dma_start3A_1051 = arith.constant 0 : i32
    %dma_start3A_1052 = tpu.memref_slice %arg1[%dma_start3A_1050, %dma_start3A_1051] : memref<8192x3000xf32, #tpu.memory_space<any>> -> memref<64x3000xf32, #tpu.memory_space<any>>
    tpu.enqueue_dma source(%dma_start3A_1052 : memref<64x3000xf32, #tpu.memory_space<any>>) target(%arg8 : memref<64x3000xf32, #tpu.memory_space<vmem>>) target_semaphore(%arg24 : memref<!tpu.dma_semaphore, #tpu.memory_space<semaphore_mem>>) {priority = 1 : i32}
    %dma_wait3A_1053 = arith.constant 2944 : i32
    %dma_wait3A_1054 = arith.constant 0 : i32
    %dma_wait3A_1055 = tpu.memref_slice %arg1[%dma_wait3A_1053, %dma_wait3A_1054] : memref<8192x3000xf32, #tpu.memory_space<any>> -> memref<64x3000xf32, #tpu.memory_space<any>>
    tpu.wait_dma2 semaphore(%arg25 : memref<!tpu.dma_semaphore, #tpu.memory_space<semaphore_mem>>) src(%dma_wait3A_1055 : memref<64x3000xf32, #tpu.memory_space<any>>) dst(%arg9 : memref<64x3000xf32, #tpu.memory_space<vmem>>)
    %get3A_1056 = arith.constant 23 : index
    %get3A_1057 = arith.constant 0 : index
    %get3A_1058 = vector.load %arg0[%get3A_1056, %get3A_1057] : memref<64x3000xf32, #tpu.memory_space<vmem>>, vector<1x3000xf32>
    %dma_wait3A_1059 = arith.constant 2432 : i32
    %dma_wait3A_1060 = arith.constant 0 : i32
    %dma_wait3A_1061 = tpu.memref_slice %arg2[%dma_wait3A_1059, %dma_wait3A_1060] : memref<8192x3000xf32, #tpu.memory_space<any>> -> memref<64x3000xf32, #tpu.memory_space<any>>
    tpu.wait_dma2 semaphore(%arg33 : memref<!tpu.dma_semaphore, #tpu.memory_space<semaphore_mem>>) src(%arg17 : memref<64x3000xf32, #tpu.memory_space<vmem>>) dst(%dma_wait3A_1061 : memref<64x3000xf32, #tpu.memory_space<any>>)
    %get3A_1062 = arith.constant 0 : index
    %get3A_1063 = arith.constant 0 : index
    %get3A_1064 = vector.load %arg9[%get3A_1062, %get3A_1063] : memref<64x3000xf32, #tpu.memory_space<vmem>>, vector<64x3000xf32>
    %mul3A_1065 = vector.broadcast %get3A_1058 : vector<1x3000xf32> to vector<64x3000xf32>
    %mul3A_1066 = arith.mulf %get3A_1064, %mul3A_1065 : vector<64x3000xf32>
    %swap3A_1067 = arith.constant 0 : index
    %swap3A_1068 = arith.constant 0 : index
    %swap3A_1069 = vector.load %arg17[%swap3A_1067, %swap3A_1068] : memref<64x3000xf32, #tpu.memory_space<vmem>>, vector<64x3000xf32>
    tpu.vector_store %arg17[%swap3A_1067, %swap3A_1068], %mul3A_1066 {strides = array<i32>} : memref<64x3000xf32, #tpu.memory_space<vmem>>, vector<64x3000xf32>,
    %dma_start3A_1070 = arith.constant 2944 : i32
    %dma_start3A_1071 = arith.constant 0 : i32
    %dma_start3A_1072 = tpu.memref_slice %arg2[%dma_start3A_1070, %dma_start3A_1071] : memref<8192x3000xf32, #tpu.memory_space<any>> -> memref<64x3000xf32, #tpu.memory_space<any>>
    tpu.enqueue_dma source(%arg17 : memref<64x3000xf32, #tpu.memory_space<vmem>>) target(%dma_start3A_1072 : memref<64x3000xf32, #tpu.memory_space<any>>) target_semaphore(%arg33 : memref<!tpu.dma_semaphore, #tpu.memory_space<semaphore_mem>>)
    %dma_start3A_1073 = arith.constant 3456 : i32
    %dma_start3A_1074 = arith.constant 0 : i32
    %dma_start3A_1075 = tpu.memref_slice %arg1[%dma_start3A_1073, %dma_start3A_1074] : memref<8192x3000xf32, #tpu.memory_space<any>> -> memref<64x3000xf32, #tpu.memory_space<any>>
    tpu.enqueue_dma source(%dma_start3A_1075 : memref<64x3000xf32, #tpu.memory_space<any>>) target(%arg9 : memref<64x3000xf32, #tpu.memory_space<vmem>>) target_semaphore(%arg25 : memref<!tpu.dma_semaphore, #tpu.memory_space<semaphore_mem>>)
    %dma_wait3A_1076 = arith.constant 3008 : i32
    %dma_wait3A_1077 = arith.constant 0 : i32
    %dma_wait3A_1078 = tpu.memref_slice %arg1[%dma_wait3A_1076, %dma_wait3A_1077] : memref<8192x3000xf32, #tpu.memory_space<any>> -> memref<64x3000xf32, #tpu.memory_space<any>>
    tpu.wait_dma2 semaphore(%arg26 : memref<!tpu.dma_semaphore, #tpu.memory_space<semaphore_mem>>) src(%dma_wait3A_1078 : memref<64x3000xf32, #tpu.memory_space<any>>) dst(%arg10 : memref<64x3000xf32, #tpu.memory_space<vmem>>)
    %get3A_1079 = arith.constant 23 : index
    %get3A_1080 = arith.constant 0 : index
    %get3A_1081 = vector.load %arg0[%get3A_1079, %get3A_1080] : memref<64x3000xf32, #tpu.memory_space<vmem>>, vector<1x3000xf32>
    %dma_wait3A_1082 = arith.constant 2496 : i32
    %dma_wait3A_1083 = arith.constant 0 : i32
    %dma_wait3A_1084 = tpu.memref_slice %arg2[%dma_wait3A_1082, %dma_wait3A_1083] : memref<8192x3000xf32, #tpu.memory_space<any>> -> memref<64x3000xf32, #tpu.memory_space<any>>
    tpu.wait_dma2 semaphore(%arg34 : memref<!tpu.dma_semaphore, #tpu.memory_space<semaphore_mem>>) src(%arg18 : memref<64x3000xf32, #tpu.memory_space<vmem>>) dst(%dma_wait3A_1084 : memref<64x3000xf32, #tpu.memory_space<any>>)
    %get3A_1085 = arith.constant 0 : index
    %get3A_1086 = arith.constant 0 : index
    %get3A_1087 = vector.load %arg10[%get3A_1085, %get3A_1086] : memref<64x3000xf32, #tpu.memory_space<vmem>>, vector<64x3000xf32>
    %mul3A_1088 = vector.broadcast %get3A_1081 : vector<1x3000xf32> to vector<64x3000xf32>
    %mul3A_1089 = arith.mulf %get3A_1087, %mul3A_1088 : vector<64x3000xf32>
    %swap3A_1090 = arith.constant 0 : index
    %swap3A_1091 = arith.constant 0 : index
    %swap3A_1092 = vector.load %arg18[%swap3A_1090, %swap3A_1091] : memref<64x3000xf32, #tpu.memory_space<vmem>>, vector<64x3000xf32>
    tpu.vector_store %arg18[%swap3A_1090, %swap3A_1091], %mul3A_1089 {strides = array<i32>} : memref<64x3000xf32, #tpu.memory_space<vmem>>, vector<64x3000xf32>,
    %dma_start3A_1093 = arith.constant 3008 : i32
    %dma_start3A_1094 = arith.constant 0 : i32
    %dma_start3A_1095 = tpu.memref_slice %arg2[%dma_start3A_1093, %dma_start3A_1094] : memref<8192x3000xf32, #tpu.memory_space<any>> -> memref<64x3000xf32, #tpu.memory_space<any>>
    tpu.enqueue_dma source(%arg18 : memref<64x3000xf32, #tpu.memory_space<vmem>>) target(%dma_start3A_1095 : memref<64x3000xf32, #tpu.memory_space<any>>) target_semaphore(%arg34 : memref<!tpu.dma_semaphore, #tpu.memory_space<semaphore_mem>>) {priority = 1 : i32}
    %dma_start3A_1096 = arith.constant 3520 : i32
    %dma_start3A_1097 = arith.constant 0 : i32
    %dma_start3A_1098 = tpu.memref_slice %arg1[%dma_start3A_1096, %dma_start3A_1097] : memref<8192x3000xf32, #tpu.memory_space<any>> -> memref<64x3000xf32, #tpu.memory_space<any>>
    tpu.enqueue_dma source(%dma_start3A_1098 : memref<64x3000xf32, #tpu.memory_space<any>>) target(%arg10 : memref<64x3000xf32, #tpu.memory_space<vmem>>) target_semaphore(%arg26 : memref<!tpu.dma_semaphore, #tpu.memory_space<semaphore_mem>>) {priority = 1 : i32}
    %dma_wait3A_1099 = arith.constant 3072 : i32
    %dma_wait3A_1100 = arith.constant 0 : i32
    %dma_wait3A_1101 = tpu.memref_slice %arg1[%dma_wait3A_1099, %dma_wait3A_1100] : memref<8192x3000xf32, #tpu.memory_space<any>> -> memref<64x3000xf32, #tpu.memory_space<any>>
    tpu.wait_dma2 semaphore(%arg19 : memref<!tpu.dma_semaphore, #tpu.memory_space<semaphore_mem>>) src(%dma_wait3A_1101 : memref<64x3000xf32, #tpu.memory_space<any>>) dst(%arg3 : memref<64x3000xf32, #tpu.memory_space<vmem>>)
    %get3A_1102 = arith.constant 24 : index
    %get3A_1103 = arith.constant 0 : index
    %get3A_1104 = vector.load %arg0[%get3A_1102, %get3A_1103] : memref<64x3000xf32, #tpu.memory_space<vmem>>, vector<1x3000xf32>
    %dma_wait3A_1105 = arith.constant 2560 : i32
    %dma_wait3A_1106 = arith.constant 0 : i32
    %dma_wait3A_1107 = tpu.memref_slice %arg2[%dma_wait3A_1105, %dma_wait3A_1106] : memref<8192x3000xf32, #tpu.memory_space<any>> -> memref<64x3000xf32, #tpu.memory_space<any>>
    tpu.wait_dma2 semaphore(%arg27 : memref<!tpu.dma_semaphore, #tpu.memory_space<semaphore_mem>>) src(%arg11 : memref<64x3000xf32, #tpu.memory_space<vmem>>) dst(%dma_wait3A_1107 : memref<64x3000xf32, #tpu.memory_space<any>>)
    %get3A_1108 = arith.constant 0 : index
    %get3A_1109 = arith.constant 0 : index
    %get3A_1110 = vector.load %arg3[%get3A_1108, %get3A_1109] : memref<64x3000xf32, #tpu.memory_space<vmem>>, vector<64x3000xf32>
    %mul3A_1111 = vector.broadcast %get3A_1104 : vector<1x3000xf32> to vector<64x3000xf32>
    %mul3A_1112 = arith.mulf %get3A_1110, %mul3A_1111 : vector<64x3000xf32>
    %swap3A_1113 = arith.constant 0 : index
    %swap3A_1114 = arith.constant 0 : index
    %swap3A_1115 = vector.load %arg11[%swap3A_1113, %swap3A_1114] : memref<64x3000xf32, #tpu.memory_space<vmem>>, vector<64x3000xf32>
    tpu.vector_store %arg11[%swap3A_1113, %swap3A_1114], %mul3A_1112 {strides = array<i32>} : memref<64x3000xf32, #tpu.memory_space<vmem>>, vector<64x3000xf32>,
    %dma_start3A_1116 = arith.constant 3072 : i32
    %dma_start3A_1117 = arith.constant 0 : i32
    %dma_start3A_1118 = tpu.memref_slice %arg2[%dma_start3A_1116, %dma_start3A_1117] : memref<8192x3000xf32, #tpu.memory_space<any>> -> memref<64x3000xf32, #tpu.memory_space<any>>
    tpu.enqueue_dma source(%arg11 : memref<64x3000xf32, #tpu.memory_space<vmem>>) target(%dma_start3A_1118 : memref<64x3000xf32, #tpu.memory_space<any>>) target_semaphore(%arg27 : memref<!tpu.dma_semaphore, #tpu.memory_space<semaphore_mem>>)
    %dma_start3A_1119 = arith.constant 3584 : i32
    %dma_start3A_1120 = arith.constant 0 : i32
    %dma_start3A_1121 = tpu.memref_slice %arg1[%dma_start3A_1119, %dma_start3A_1120] : memref<8192x3000xf32, #tpu.memory_space<any>> -> memref<64x3000xf32, #tpu.memory_space<any>>
    tpu.enqueue_dma source(%dma_start3A_1121 : memref<64x3000xf32, #tpu.memory_space<any>>) target(%arg3 : memref<64x3000xf32, #tpu.memory_space<vmem>>) target_semaphore(%arg19 : memref<!tpu.dma_semaphore, #tpu.memory_space<semaphore_mem>>)
    %dma_wait3A_1122 = arith.constant 3136 : i32
    %dma_wait3A_1123 = arith.constant 0 : i32
    %dma_wait3A_1124 = tpu.memref_slice %arg1[%dma_wait3A_1122, %dma_wait3A_1123] : memref<8192x3000xf32, #tpu.memory_space<any>> -> memref<64x3000xf32, #tpu.memory_space<any>>
    tpu.wait_dma2 semaphore(%arg20 : memref<!tpu.dma_semaphore, #tpu.memory_space<semaphore_mem>>) src(%dma_wait3A_1124 : memref<64x3000xf32, #tpu.memory_space<any>>) dst(%arg4 : memref<64x3000xf32, #tpu.memory_space<vmem>>)
    %get3A_1125 = arith.constant 24 : index
    %get3A_1126 = arith.constant 0 : index
    %get3A_1127 = vector.load %arg0[%get3A_1125, %get3A_1126] : memref<64x3000xf32, #tpu.memory_space<vmem>>, vector<1x3000xf32>
    %dma_wait3A_1128 = arith.constant 2624 : i32
    %dma_wait3A_1129 = arith.constant 0 : i32
    %dma_wait3A_1130 = tpu.memref_slice %arg2[%dma_wait3A_1128, %dma_wait3A_1129] : memref<8192x3000xf32, #tpu.memory_space<any>> -> memref<64x3000xf32, #tpu.memory_space<any>>
    tpu.wait_dma2 semaphore(%arg28 : memref<!tpu.dma_semaphore, #tpu.memory_space<semaphore_mem>>) src(%arg12 : memref<64x3000xf32, #tpu.memory_space<vmem>>) dst(%dma_wait3A_1130 : memref<64x3000xf32, #tpu.memory_space<any>>)
    %get3A_1131 = arith.constant 0 : index
    %get3A_1132 = arith.constant 0 : index
    %get3A_1133 = vector.load %arg4[%get3A_1131, %get3A_1132] : memref<64x3000xf32, #tpu.memory_space<vmem>>, vector<64x3000xf32>
    %mul3A_1134 = vector.broadcast %get3A_1127 : vector<1x3000xf32> to vector<64x3000xf32>
    %mul3A_1135 = arith.mulf %get3A_1133, %mul3A_1134 : vector<64x3000xf32>
    %swap3A_1136 = arith.constant 0 : index
    %swap3A_1137 = arith.constant 0 : index
    %swap3A_1138 = vector.load %arg12[%swap3A_1136, %swap3A_1137] : memref<64x3000xf32, #tpu.memory_space<vmem>>, vector<64x3000xf32>
    tpu.vector_store %arg12[%swap3A_1136, %swap3A_1137], %mul3A_1135 {strides = array<i32>} : memref<64x3000xf32, #tpu.memory_space<vmem>>, vector<64x3000xf32>,
    %dma_start3A_1139 = arith.constant 3136 : i32
    %dma_start3A_1140 = arith.constant 0 : i32
    %dma_start3A_1141 = tpu.memref_slice %arg2[%dma_start3A_1139, %dma_start3A_1140] : memref<8192x3000xf32, #tpu.memory_space<any>> -> memref<64x3000xf32, #tpu.memory_space<any>>
    tpu.enqueue_dma source(%arg12 : memref<64x3000xf32, #tpu.memory_space<vmem>>) target(%dma_start3A_1141 : memref<64x3000xf32, #tpu.memory_space<any>>) target_semaphore(%arg28 : memref<!tpu.dma_semaphore, #tpu.memory_space<semaphore_mem>>) {priority = 1 : i32}
    %dma_start3A_1142 = arith.constant 3648 : i32
    %dma_start3A_1143 = arith.constant 0 : i32
    %dma_start3A_1144 = tpu.memref_slice %arg1[%dma_start3A_1142, %dma_start3A_1143] : memref<8192x3000xf32, #tpu.memory_space<any>> -> memref<64x3000xf32, #tpu.memory_space<any>>
    tpu.enqueue_dma source(%dma_start3A_1144 : memref<64x3000xf32, #tpu.memory_space<any>>) target(%arg4 : memref<64x3000xf32, #tpu.memory_space<vmem>>) target_semaphore(%arg20 : memref<!tpu.dma_semaphore, #tpu.memory_space<semaphore_mem>>) {priority = 1 : i32}
    %dma_wait3A_1145 = arith.constant 3200 : i32
    %dma_wait3A_1146 = arith.constant 0 : i32
    %dma_wait3A_1147 = tpu.memref_slice %arg1[%dma_wait3A_1145, %dma_wait3A_1146] : memref<8192x3000xf32, #tpu.memory_space<any>> -> memref<64x3000xf32, #tpu.memory_space<any>>
    tpu.wait_dma2 semaphore(%arg21 : memref<!tpu.dma_semaphore, #tpu.memory_space<semaphore_mem>>) src(%dma_wait3A_1147 : memref<64x3000xf32, #tpu.memory_space<any>>) dst(%arg5 : memref<64x3000xf32, #tpu.memory_space<vmem>>)
    %get3A_1148 = arith.constant 25 : index
    %get3A_1149 = arith.constant 0 : index
    %get3A_1150 = vector.load %arg0[%get3A_1148, %get3A_1149] : memref<64x3000xf32, #tpu.memory_space<vmem>>, vector<1x3000xf32>
    %dma_wait3A_1151 = arith.constant 2688 : i32
    %dma_wait3A_1152 = arith.constant 0 : i32
    %dma_wait3A_1153 = tpu.memref_slice %arg2[%dma_wait3A_1151, %dma_wait3A_1152] : memref<8192x3000xf32, #tpu.memory_space<any>> -> memref<64x3000xf32, #tpu.memory_space<any>>
    tpu.wait_dma2 semaphore(%arg29 : memref<!tpu.dma_semaphore, #tpu.memory_space<semaphore_mem>>) src(%arg13 : memref<64x3000xf32, #tpu.memory_space<vmem>>) dst(%dma_wait3A_1153 : memref<64x3000xf32, #tpu.memory_space<any>>)
    %get3A_1154 = arith.constant 0 : index
    %get3A_1155 = arith.constant 0 : index
    %get3A_1156 = vector.load %arg5[%get3A_1154, %get3A_1155] : memref<64x3000xf32, #tpu.memory_space<vmem>>, vector<64x3000xf32>
    %mul3A_1157 = vector.broadcast %get3A_1150 : vector<1x3000xf32> to vector<64x3000xf32>
    %mul3A_1158 = arith.mulf %get3A_1156, %mul3A_1157 : vector<64x3000xf32>
    %swap3A_1159 = arith.constant 0 : index
    %swap3A_1160 = arith.constant 0 : index
    %swap3A_1161 = vector.load %arg13[%swap3A_1159, %swap3A_1160] : memref<64x3000xf32, #tpu.memory_space<vmem>>, vector<64x3000xf32>
    tpu.vector_store %arg13[%swap3A_1159, %swap3A_1160], %mul3A_1158 {strides = array<i32>} : memref<64x3000xf32, #tpu.memory_space<vmem>>, vector<64x3000xf32>,
    %dma_start3A_1162 = arith.constant 3200 : i32
    %dma_start3A_1163 = arith.constant 0 : i32
    %dma_start3A_1164 = tpu.memref_slice %arg2[%dma_start3A_1162, %dma_start3A_1163] : memref<8192x3000xf32, #tpu.memory_space<any>> -> memref<64x3000xf32, #tpu.memory_space<any>>
    tpu.enqueue_dma source(%arg13 : memref<64x3000xf32, #tpu.memory_space<vmem>>) target(%dma_start3A_1164 : memref<64x3000xf32, #tpu.memory_space<any>>) target_semaphore(%arg29 : memref<!tpu.dma_semaphore, #tpu.memory_space<semaphore_mem>>)
    %dma_start3A_1165 = arith.constant 3712 : i32
    %dma_start3A_1166 = arith.constant 0 : i32
    %dma_start3A_1167 = tpu.memref_slice %arg1[%dma_start3A_1165, %dma_start3A_1166] : memref<8192x3000xf32, #tpu.memory_space<any>> -> memref<64x3000xf32, #tpu.memory_space<any>>
    tpu.enqueue_dma source(%dma_start3A_1167 : memref<64x3000xf32, #tpu.memory_space<any>>) target(%arg5 : memref<64x3000xf32, #tpu.memory_space<vmem>>) target_semaphore(%arg21 : memref<!tpu.dma_semaphore, #tpu.memory_space<semaphore_mem>>)
    %dma_wait3A_1168 = arith.constant 3264 : i32
    %dma_wait3A_1169 = arith.constant 0 : i32
    %dma_wait3A_1170 = tpu.memref_slice %arg1[%dma_wait3A_1168, %dma_wait3A_1169] : memref<8192x3000xf32, #tpu.memory_space<any>> -> memref<64x3000xf32, #tpu.memory_space<any>>
    tpu.wait_dma2 semaphore(%arg22 : memref<!tpu.dma_semaphore, #tpu.memory_space<semaphore_mem>>) src(%dma_wait3A_1170 : memref<64x3000xf32, #tpu.memory_space<any>>) dst(%arg6 : memref<64x3000xf32, #tpu.memory_space<vmem>>)
    %get3A_1171 = arith.constant 25 : index
    %get3A_1172 = arith.constant 0 : index
    %get3A_1173 = vector.load %arg0[%get3A_1171, %get3A_1172] : memref<64x3000xf32, #tpu.memory_space<vmem>>, vector<1x3000xf32>
    %dma_wait3A_1174 = arith.constant 2752 : i32
    %dma_wait3A_1175 = arith.constant 0 : i32
    %dma_wait3A_1176 = tpu.memref_slice %arg2[%dma_wait3A_1174, %dma_wait3A_1175] : memref<8192x3000xf32, #tpu.memory_space<any>> -> memref<64x3000xf32, #tpu.memory_space<any>>
    tpu.wait_dma2 semaphore(%arg30 : memref<!tpu.dma_semaphore, #tpu.memory_space<semaphore_mem>>) src(%arg14 : memref<64x3000xf32, #tpu.memory_space<vmem>>) dst(%dma_wait3A_1176 : memref<64x3000xf32, #tpu.memory_space<any>>)
    %get3A_1177 = arith.constant 0 : index
    %get3A_1178 = arith.constant 0 : index
    %get3A_1179 = vector.load %arg6[%get3A_1177, %get3A_1178] : memref<64x3000xf32, #tpu.memory_space<vmem>>, vector<64x3000xf32>
    %mul3A_1180 = vector.broadcast %get3A_1173 : vector<1x3000xf32> to vector<64x3000xf32>
    %mul3A_1181 = arith.mulf %get3A_1179, %mul3A_1180 : vector<64x3000xf32>
    %swap3A_1182 = arith.constant 0 : index
    %swap3A_1183 = arith.constant 0 : index
    %swap3A_1184 = vector.load %arg14[%swap3A_1182, %swap3A_1183] : memref<64x3000xf32, #tpu.memory_space<vmem>>, vector<64x3000xf32>
    tpu.vector_store %arg14[%swap3A_1182, %swap3A_1183], %mul3A_1181 {strides = array<i32>} : memref<64x3000xf32, #tpu.memory_space<vmem>>, vector<64x3000xf32>,
    %dma_start3A_1185 = arith.constant 3264 : i32
    %dma_start3A_1186 = arith.constant 0 : i32
    %dma_start3A_1187 = tpu.memref_slice %arg2[%dma_start3A_1185, %dma_start3A_1186] : memref<8192x3000xf32, #tpu.memory_space<any>> -> memref<64x3000xf32, #tpu.memory_space<any>>
    tpu.enqueue_dma source(%arg14 : memref<64x3000xf32, #tpu.memory_space<vmem>>) target(%dma_start3A_1187 : memref<64x3000xf32, #tpu.memory_space<any>>) target_semaphore(%arg30 : memref<!tpu.dma_semaphore, #tpu.memory_space<semaphore_mem>>) {priority = 1 : i32}
    %dma_start3A_1188 = arith.constant 3776 : i32
    %dma_start3A_1189 = arith.constant 0 : i32
    %dma_start3A_1190 = tpu.memref_slice %arg1[%dma_start3A_1188, %dma_start3A_1189] : memref<8192x3000xf32, #tpu.memory_space<any>> -> memref<64x3000xf32, #tpu.memory_space<any>>
    tpu.enqueue_dma source(%dma_start3A_1190 : memref<64x3000xf32, #tpu.memory_space<any>>) target(%arg6 : memref<64x3000xf32, #tpu.memory_space<vmem>>) target_semaphore(%arg22 : memref<!tpu.dma_semaphore, #tpu.memory_space<semaphore_mem>>) {priority = 1 : i32}
    %dma_wait3A_1191 = arith.constant 3328 : i32
    %dma_wait3A_1192 = arith.constant 0 : i32
    %dma_wait3A_1193 = tpu.memref_slice %arg1[%dma_wait3A_1191, %dma_wait3A_1192] : memref<8192x3000xf32, #tpu.memory_space<any>> -> memref<64x3000xf32, #tpu.memory_space<any>>
    tpu.wait_dma2 semaphore(%arg23 : memref<!tpu.dma_semaphore, #tpu.memory_space<semaphore_mem>>) src(%dma_wait3A_1193 : memref<64x3000xf32, #tpu.memory_space<any>>) dst(%arg7 : memref<64x3000xf32, #tpu.memory_space<vmem>>)
    %get3A_1194 = arith.constant 26 : index
    %get3A_1195 = arith.constant 0 : index
    %get3A_1196 = vector.load %arg0[%get3A_1194, %get3A_1195] : memref<64x3000xf32, #tpu.memory_space<vmem>>, vector<1x3000xf32>
    %dma_wait3A_1197 = arith.constant 2816 : i32
    %dma_wait3A_1198 = arith.constant 0 : i32
    %dma_wait3A_1199 = tpu.memref_slice %arg2[%dma_wait3A_1197, %dma_wait3A_1198] : memref<8192x3000xf32, #tpu.memory_space<any>> -> memref<64x3000xf32, #tpu.memory_space<any>>
    tpu.wait_dma2 semaphore(%arg31 : memref<!tpu.dma_semaphore, #tpu.memory_space<semaphore_mem>>) src(%arg15 : memref<64x3000xf32, #tpu.memory_space<vmem>>) dst(%dma_wait3A_1199 : memref<64x3000xf32, #tpu.memory_space<any>>)
    %get3A_1200 = arith.constant 0 : index
    %get3A_1201 = arith.constant 0 : index
    %get3A_1202 = vector.load %arg7[%get3A_1200, %get3A_1201] : memref<64x3000xf32, #tpu.memory_space<vmem>>, vector<64x3000xf32>
    %mul3A_1203 = vector.broadcast %get3A_1196 : vector<1x3000xf32> to vector<64x3000xf32>
    %mul3A_1204 = arith.mulf %get3A_1202, %mul3A_1203 : vector<64x3000xf32>
    %swap3A_1205 = arith.constant 0 : index
    %swap3A_1206 = arith.constant 0 : index
    %swap3A_1207 = vector.load %arg15[%swap3A_1205, %swap3A_1206] : memref<64x3000xf32, #tpu.memory_space<vmem>>, vector<64x3000xf32>
    tpu.vector_store %arg15[%swap3A_1205, %swap3A_1206], %mul3A_1204 {strides = array<i32>} : memref<64x3000xf32, #tpu.memory_space<vmem>>, vector<64x3000xf32>,
    %dma_start3A_1208 = arith.constant 3328 : i32
    %dma_start3A_1209 = arith.constant 0 : i32
    %dma_start3A_1210 = tpu.memref_slice %arg2[%dma_start3A_1208, %dma_start3A_1209] : memref<8192x3000xf32, #tpu.memory_space<any>> -> memref<64x3000xf32, #tpu.memory_space<any>>
    tpu.enqueue_dma source(%arg15 : memref<64x3000xf32, #tpu.memory_space<vmem>>) target(%dma_start3A_1210 : memref<64x3000xf32, #tpu.memory_space<any>>) target_semaphore(%arg31 : memref<!tpu.dma_semaphore, #tpu.memory_space<semaphore_mem>>)
    %dma_start3A_1211 = arith.constant 3840 : i32
    %dma_start3A_1212 = arith.constant 0 : i32
    %dma_start3A_1213 = tpu.memref_slice %arg1[%dma_start3A_1211, %dma_start3A_1212] : memref<8192x3000xf32, #tpu.memory_space<any>> -> memref<64x3000xf32, #tpu.memory_space<any>>
    tpu.enqueue_dma source(%dma_start3A_1213 : memref<64x3000xf32, #tpu.memory_space<any>>) target(%arg7 : memref<64x3000xf32, #tpu.memory_space<vmem>>) target_semaphore(%arg23 : memref<!tpu.dma_semaphore, #tpu.memory_space<semaphore_mem>>)
    %dma_wait3A_1214 = arith.constant 3392 : i32
    %dma_wait3A_1215 = arith.constant 0 : i32
    %dma_wait3A_1216 = tpu.memref_slice %arg1[%dma_wait3A_1214, %dma_wait3A_1215] : memref<8192x3000xf32, #tpu.memory_space<any>> -> memref<64x3000xf32, #tpu.memory_space<any>>
    tpu.wait_dma2 semaphore(%arg24 : memref<!tpu.dma_semaphore, #tpu.memory_space<semaphore_mem>>) src(%dma_wait3A_1216 : memref<64x3000xf32, #tpu.memory_space<any>>) dst(%arg8 : memref<64x3000xf32, #tpu.memory_space<vmem>>)
    %get3A_1217 = arith.constant 26 : index
    %get3A_1218 = arith.constant 0 : index
    %get3A_1219 = vector.load %arg0[%get3A_1217, %get3A_1218] : memref<64x3000xf32, #tpu.memory_space<vmem>>, vector<1x3000xf32>
    %dma_wait3A_1220 = arith.constant 2880 : i32
    %dma_wait3A_1221 = arith.constant 0 : i32
    %dma_wait3A_1222 = tpu.memref_slice %arg2[%dma_wait3A_1220, %dma_wait3A_1221] : memref<8192x3000xf32, #tpu.memory_space<any>> -> memref<64x3000xf32, #tpu.memory_space<any>>
    tpu.wait_dma2 semaphore(%arg32 : memref<!tpu.dma_semaphore, #tpu.memory_space<semaphore_mem>>) src(%arg16 : memref<64x3000xf32, #tpu.memory_space<vmem>>) dst(%dma_wait3A_1222 : memref<64x3000xf32, #tpu.memory_space<any>>)
    %get3A_1223 = arith.constant 0 : index
    %get3A_1224 = arith.constant 0 : index
    %get3A_1225 = vector.load %arg8[%get3A_1223, %get3A_1224] : memref<64x3000xf32, #tpu.memory_space<vmem>>, vector<64x3000xf32>
    %mul3A_1226 = vector.broadcast %get3A_1219 : vector<1x3000xf32> to vector<64x3000xf32>
    %mul3A_1227 = arith.mulf %get3A_1225, %mul3A_1226 : vector<64x3000xf32>
    %swap3A_1228 = arith.constant 0 : index
    %swap3A_1229 = arith.constant 0 : index
    %swap3A_1230 = vector.load %arg16[%swap3A_1228, %swap3A_1229] : memref<64x3000xf32, #tpu.memory_space<vmem>>, vector<64x3000xf32>
    tpu.vector_store %arg16[%swap3A_1228, %swap3A_1229], %mul3A_1227 {strides = array<i32>} : memref<64x3000xf32, #tpu.memory_space<vmem>>, vector<64x3000xf32>,
    %dma_start3A_1231 = arith.constant 3392 : i32
    %dma_start3A_1232 = arith.constant 0 : i32
    %dma_start3A_1233 = tpu.memref_slice %arg2[%dma_start3A_1231, %dma_start3A_1232] : memref<8192x3000xf32, #tpu.memory_space<any>> -> memref<64x3000xf32, #tpu.memory_space<any>>
    tpu.enqueue_dma source(%arg16 : memref<64x3000xf32, #tpu.memory_space<vmem>>) target(%dma_start3A_1233 : memref<64x3000xf32, #tpu.memory_space<any>>) target_semaphore(%arg32 : memref<!tpu.dma_semaphore, #tpu.memory_space<semaphore_mem>>) {priority = 1 : i32}
    %dma_start3A_1234 = arith.constant 3904 : i32
    %dma_start3A_1235 = arith.constant 0 : i32
    %dma_start3A_1236 = tpu.memref_slice %arg1[%dma_start3A_1234, %dma_start3A_1235] : memref<8192x3000xf32, #tpu.memory_space<any>> -> memref<64x3000xf32, #tpu.memory_space<any>>
    tpu.enqueue_dma source(%dma_start3A_1236 : memref<64x3000xf32, #tpu.memory_space<any>>) target(%arg8 : memref<64x3000xf32, #tpu.memory_space<vmem>>) target_semaphore(%arg24 : memref<!tpu.dma_semaphore, #tpu.memory_space<semaphore_mem>>) {priority = 1 : i32}
    %dma_wait3A_1237 = arith.constant 3456 : i32
    %dma_wait3A_1238 = arith.constant 0 : i32
    %dma_wait3A_1239 = tpu.memref_slice %arg1[%dma_wait3A_1237, %dma_wait3A_1238] : memref<8192x3000xf32, #tpu.memory_space<any>> -> memref<64x3000xf32, #tpu.memory_space<any>>
    tpu.wait_dma2 semaphore(%arg25 : memref<!tpu.dma_semaphore, #tpu.memory_space<semaphore_mem>>) src(%dma_wait3A_1239 : memref<64x3000xf32, #tpu.memory_space<any>>) dst(%arg9 : memref<64x3000xf32, #tpu.memory_space<vmem>>)
    %get3A_1240 = arith.constant 27 : index
    %get3A_1241 = arith.constant 0 : index
    %get3A_1242 = vector.load %arg0[%get3A_1240, %get3A_1241] : memref<64x3000xf32, #tpu.memory_space<vmem>>, vector<1x3000xf32>
    %dma_wait3A_1243 = arith.constant 2944 : i32
    %dma_wait3A_1244 = arith.constant 0 : i32
    %dma_wait3A_1245 = tpu.memref_slice %arg2[%dma_wait3A_1243, %dma_wait3A_1244] : memref<8192x3000xf32, #tpu.memory_space<any>> -> memref<64x3000xf32, #tpu.memory_space<any>>
    tpu.wait_dma2 semaphore(%arg33 : memref<!tpu.dma_semaphore, #tpu.memory_space<semaphore_mem>>) src(%arg17 : memref<64x3000xf32, #tpu.memory_space<vmem>>) dst(%dma_wait3A_1245 : memref<64x3000xf32, #tpu.memory_space<any>>)
    %get3A_1246 = arith.constant 0 : index
    %get3A_1247 = arith.constant 0 : index
    %get3A_1248 = vector.load %arg9[%get3A_1246, %get3A_1247] : memref<64x3000xf32, #tpu.memory_space<vmem>>, vector<64x3000xf32>
    %mul3A_1249 = vector.broadcast %get3A_1242 : vector<1x3000xf32> to vector<64x3000xf32>
    %mul3A_1250 = arith.mulf %get3A_1248, %mul3A_1249 : vector<64x3000xf32>
    %swap3A_1251 = arith.constant 0 : index
    %swap3A_1252 = arith.constant 0 : index
    %swap3A_1253 = vector.load %arg17[%swap3A_1251, %swap3A_1252] : memref<64x3000xf32, #tpu.memory_space<vmem>>, vector<64x3000xf32>
    tpu.vector_store %arg17[%swap3A_1251, %swap3A_1252], %mul3A_1250 {strides = array<i32>} : memref<64x3000xf32, #tpu.memory_space<vmem>>, vector<64x3000xf32>,
    %dma_start3A_1254 = arith.constant 3456 : i32
    %dma_start3A_1255 = arith.constant 0 : i32
    %dma_start3A_1256 = tpu.memref_slice %arg2[%dma_start3A_1254, %dma_start3A_1255] : memref<8192x3000xf32, #tpu.memory_space<any>> -> memref<64x3000xf32, #tpu.memory_space<any>>
    tpu.enqueue_dma source(%arg17 : memref<64x3000xf32, #tpu.memory_space<vmem>>) target(%dma_start3A_1256 : memref<64x3000xf32, #tpu.memory_space<any>>) target_semaphore(%arg33 : memref<!tpu.dma_semaphore, #tpu.memory_space<semaphore_mem>>)
    %dma_start3A_1257 = arith.constant 3968 : i32
    %dma_start3A_1258 = arith.constant 0 : i32
    %dma_start3A_1259 = tpu.memref_slice %arg1[%dma_start3A_1257, %dma_start3A_1258] : memref<8192x3000xf32, #tpu.memory_space<any>> -> memref<64x3000xf32, #tpu.memory_space<any>>
    tpu.enqueue_dma source(%dma_start3A_1259 : memref<64x3000xf32, #tpu.memory_space<any>>) target(%arg9 : memref<64x3000xf32, #tpu.memory_space<vmem>>) target_semaphore(%arg25 : memref<!tpu.dma_semaphore, #tpu.memory_space<semaphore_mem>>)
    %dma_wait3A_1260 = arith.constant 3520 : i32
    %dma_wait3A_1261 = arith.constant 0 : i32
    %dma_wait3A_1262 = tpu.memref_slice %arg1[%dma_wait3A_1260, %dma_wait3A_1261] : memref<8192x3000xf32, #tpu.memory_space<any>> -> memref<64x3000xf32, #tpu.memory_space<any>>
    tpu.wait_dma2 semaphore(%arg26 : memref<!tpu.dma_semaphore, #tpu.memory_space<semaphore_mem>>) src(%dma_wait3A_1262 : memref<64x3000xf32, #tpu.memory_space<any>>) dst(%arg10 : memref<64x3000xf32, #tpu.memory_space<vmem>>)
    %get3A_1263 = arith.constant 27 : index
    %get3A_1264 = arith.constant 0 : index
    %get3A_1265 = vector.load %arg0[%get3A_1263, %get3A_1264] : memref<64x3000xf32, #tpu.memory_space<vmem>>, vector<1x3000xf32>
    %dma_wait3A_1266 = arith.constant 3008 : i32
    %dma_wait3A_1267 = arith.constant 0 : i32
    %dma_wait3A_1268 = tpu.memref_slice %arg2[%dma_wait3A_1266, %dma_wait3A_1267] : memref<8192x3000xf32, #tpu.memory_space<any>> -> memref<64x3000xf32, #tpu.memory_space<any>>
    tpu.wait_dma2 semaphore(%arg34 : memref<!tpu.dma_semaphore, #tpu.memory_space<semaphore_mem>>) src(%arg18 : memref<64x3000xf32, #tpu.memory_space<vmem>>) dst(%dma_wait3A_1268 : memref<64x3000xf32, #tpu.memory_space<any>>)
    %get3A_1269 = arith.constant 0 : index
    %get3A_1270 = arith.constant 0 : index
    %get3A_1271 = vector.load %arg10[%get3A_1269, %get3A_1270] : memref<64x3000xf32, #tpu.memory_space<vmem>>, vector<64x3000xf32>
    %mul3A_1272 = vector.broadcast %get3A_1265 : vector<1x3000xf32> to vector<64x3000xf32>
    %mul3A_1273 = arith.mulf %get3A_1271, %mul3A_1272 : vector<64x3000xf32>
    %swap3A_1274 = arith.constant 0 : index
    %swap3A_1275 = arith.constant 0 : index
    %swap3A_1276 = vector.load %arg18[%swap3A_1274, %swap3A_1275] : memref<64x3000xf32, #tpu.memory_space<vmem>>, vector<64x3000xf32>
    tpu.vector_store %arg18[%swap3A_1274, %swap3A_1275], %mul3A_1273 {strides = array<i32>} : memref<64x3000xf32, #tpu.memory_space<vmem>>, vector<64x3000xf32>,
    %dma_start3A_1277 = arith.constant 3520 : i32
    %dma_start3A_1278 = arith.constant 0 : i32
    %dma_start3A_1279 = tpu.memref_slice %arg2[%dma_start3A_1277, %dma_start3A_1278] : memref<8192x3000xf32, #tpu.memory_space<any>> -> memref<64x3000xf32, #tpu.memory_space<any>>
    tpu.enqueue_dma source(%arg18 : memref<64x3000xf32, #tpu.memory_space<vmem>>) target(%dma_start3A_1279 : memref<64x3000xf32, #tpu.memory_space<any>>) target_semaphore(%arg34 : memref<!tpu.dma_semaphore, #tpu.memory_space<semaphore_mem>>) {priority = 1 : i32}
    %dma_start3A_1280 = arith.constant 4032 : i32
    %dma_start3A_1281 = arith.constant 0 : i32
    %dma_start3A_1282 = tpu.memref_slice %arg1[%dma_start3A_1280, %dma_start3A_1281] : memref<8192x3000xf32, #tpu.memory_space<any>> -> memref<64x3000xf32, #tpu.memory_space<any>>
    tpu.enqueue_dma source(%dma_start3A_1282 : memref<64x3000xf32, #tpu.memory_space<any>>) target(%arg10 : memref<64x3000xf32, #tpu.memory_space<vmem>>) target_semaphore(%arg26 : memref<!tpu.dma_semaphore, #tpu.memory_space<semaphore_mem>>) {priority = 1 : i32}
    %dma_wait3A_1283 = arith.constant 3584 : i32
    %dma_wait3A_1284 = arith.constant 0 : i32
    %dma_wait3A_1285 = tpu.memref_slice %arg1[%dma_wait3A_1283, %dma_wait3A_1284] : memref<8192x3000xf32, #tpu.memory_space<any>> -> memref<64x3000xf32, #tpu.memory_space<any>>
    tpu.wait_dma2 semaphore(%arg19 : memref<!tpu.dma_semaphore, #tpu.memory_space<semaphore_mem>>) src(%dma_wait3A_1285 : memref<64x3000xf32, #tpu.memory_space<any>>) dst(%arg3 : memref<64x3000xf32, #tpu.memory_space<vmem>>)
    %get3A_1286 = arith.constant 28 : index
    %get3A_1287 = arith.constant 0 : index
    %get3A_1288 = vector.load %arg0[%get3A_1286, %get3A_1287] : memref<64x3000xf32, #tpu.memory_space<vmem>>, vector<1x3000xf32>
    %dma_wait3A_1289 = arith.constant 3072 : i32
    %dma_wait3A_1290 = arith.constant 0 : i32
    %dma_wait3A_1291 = tpu.memref_slice %arg2[%dma_wait3A_1289, %dma_wait3A_1290] : memref<8192x3000xf32, #tpu.memory_space<any>> -> memref<64x3000xf32, #tpu.memory_space<any>>
    tpu.wait_dma2 semaphore(%arg27 : memref<!tpu.dma_semaphore, #tpu.memory_space<semaphore_mem>>) src(%arg11 : memref<64x3000xf32, #tpu.memory_space<vmem>>) dst(%dma_wait3A_1291 : memref<64x3000xf32, #tpu.memory_space<any>>)
    %get3A_1292 = arith.constant 0 : index
    %get3A_1293 = arith.constant 0 : index
    %get3A_1294 = vector.load %arg3[%get3A_1292, %get3A_1293] : memref<64x3000xf32, #tpu.memory_space<vmem>>, vector<64x3000xf32>
    %mul3A_1295 = vector.broadcast %get3A_1288 : vector<1x3000xf32> to vector<64x3000xf32>
    %mul3A_1296 = arith.mulf %get3A_1294, %mul3A_1295 : vector<64x3000xf32>
    %swap3A_1297 = arith.constant 0 : index
    %swap3A_1298 = arith.constant 0 : index
    %swap3A_1299 = vector.load %arg11[%swap3A_1297, %swap3A_1298] : memref<64x3000xf32, #tpu.memory_space<vmem>>, vector<64x3000xf32>
    tpu.vector_store %arg11[%swap3A_1297, %swap3A_1298], %mul3A_1296 {strides = array<i32>} : memref<64x3000xf32, #tpu.memory_space<vmem>>, vector<64x3000xf32>,
    %dma_start3A_1300 = arith.constant 3584 : i32
    %dma_start3A_1301 = arith.constant 0 : i32
    %dma_start3A_1302 = tpu.memref_slice %arg2[%dma_start3A_1300, %dma_start3A_1301] : memref<8192x3000xf32, #tpu.memory_space<any>> -> memref<64x3000xf32, #tpu.memory_space<any>>
    tpu.enqueue_dma source(%arg11 : memref<64x3000xf32, #tpu.memory_space<vmem>>) target(%dma_start3A_1302 : memref<64x3000xf32, #tpu.memory_space<any>>) target_semaphore(%arg27 : memref<!tpu.dma_semaphore, #tpu.memory_space<semaphore_mem>>)
    %dma_start3A_1303 = arith.constant 4096 : i32
    %dma_start3A_1304 = arith.constant 0 : i32
    %dma_start3A_1305 = tpu.memref_slice %arg1[%dma_start3A_1303, %dma_start3A_1304] : memref<8192x3000xf32, #tpu.memory_space<any>> -> memref<64x3000xf32, #tpu.memory_space<any>>
    tpu.enqueue_dma source(%dma_start3A_1305 : memref<64x3000xf32, #tpu.memory_space<any>>) target(%arg3 : memref<64x3000xf32, #tpu.memory_space<vmem>>) target_semaphore(%arg19 : memref<!tpu.dma_semaphore, #tpu.memory_space<semaphore_mem>>)
    %dma_wait3A_1306 = arith.constant 3648 : i32
    %dma_wait3A_1307 = arith.constant 0 : i32
    %dma_wait3A_1308 = tpu.memref_slice %arg1[%dma_wait3A_1306, %dma_wait3A_1307] : memref<8192x3000xf32, #tpu.memory_space<any>> -> memref<64x3000xf32, #tpu.memory_space<any>>
    tpu.wait_dma2 semaphore(%arg20 : memref<!tpu.dma_semaphore, #tpu.memory_space<semaphore_mem>>) src(%dma_wait3A_1308 : memref<64x3000xf32, #tpu.memory_space<any>>) dst(%arg4 : memref<64x3000xf32, #tpu.memory_space<vmem>>)
    %get3A_1309 = arith.constant 28 : index
    %get3A_1310 = arith.constant 0 : index
    %get3A_1311 = vector.load %arg0[%get3A_1309, %get3A_1310] : memref<64x3000xf32, #tpu.memory_space<vmem>>, vector<1x3000xf32>
    %dma_wait3A_1312 = arith.constant 3136 : i32
    %dma_wait3A_1313 = arith.constant 0 : i32
    %dma_wait3A_1314 = tpu.memref_slice %arg2[%dma_wait3A_1312, %dma_wait3A_1313] : memref<8192x3000xf32, #tpu.memory_space<any>> -> memref<64x3000xf32, #tpu.memory_space<any>>
    tpu.wait_dma2 semaphore(%arg28 : memref<!tpu.dma_semaphore, #tpu.memory_space<semaphore_mem>>) src(%arg12 : memref<64x3000xf32, #tpu.memory_space<vmem>>) dst(%dma_wait3A_1314 : memref<64x3000xf32, #tpu.memory_space<any>>)
    %get3A_1315 = arith.constant 0 : index
    %get3A_1316 = arith.constant 0 : index
    %get3A_1317 = vector.load %arg4[%get3A_1315, %get3A_1316] : memref<64x3000xf32, #tpu.memory_space<vmem>>, vector<64x3000xf32>
    %mul3A_1318 = vector.broadcast %get3A_1311 : vector<1x3000xf32> to vector<64x3000xf32>
    %mul3A_1319 = arith.mulf %get3A_1317, %mul3A_1318 : vector<64x3000xf32>
    %swap3A_1320 = arith.constant 0 : index
    %swap3A_1321 = arith.constant 0 : index
    %swap3A_1322 = vector.load %arg12[%swap3A_1320, %swap3A_1321] : memref<64x3000xf32, #tpu.memory_space<vmem>>, vector<64x3000xf32>
    tpu.vector_store %arg12[%swap3A_1320, %swap3A_1321], %mul3A_1319 {strides = array<i32>} : memref<64x3000xf32, #tpu.memory_space<vmem>>, vector<64x3000xf32>,
    %dma_start3A_1323 = arith.constant 3648 : i32
    %dma_start3A_1324 = arith.constant 0 : i32
    %dma_start3A_1325 = tpu.memref_slice %arg2[%dma_start3A_1323, %dma_start3A_1324] : memref<8192x3000xf32, #tpu.memory_space<any>> -> memref<64x3000xf32, #tpu.memory_space<any>>
    tpu.enqueue_dma source(%arg12 : memref<64x3000xf32, #tpu.memory_space<vmem>>) target(%dma_start3A_1325 : memref<64x3000xf32, #tpu.memory_space<any>>) target_semaphore(%arg28 : memref<!tpu.dma_semaphore, #tpu.memory_space<semaphore_mem>>) {priority = 1 : i32}
    %dma_start3A_1326 = arith.constant 4160 : i32
    %dma_start3A_1327 = arith.constant 0 : i32
    %dma_start3A_1328 = tpu.memref_slice %arg1[%dma_start3A_1326, %dma_start3A_1327] : memref<8192x3000xf32, #tpu.memory_space<any>> -> memref<64x3000xf32, #tpu.memory_space<any>>
    tpu.enqueue_dma source(%dma_start3A_1328 : memref<64x3000xf32, #tpu.memory_space<any>>) target(%arg4 : memref<64x3000xf32, #tpu.memory_space<vmem>>) target_semaphore(%arg20 : memref<!tpu.dma_semaphore, #tpu.memory_space<semaphore_mem>>) {priority = 1 : i32}
    %dma_wait3A_1329 = arith.constant 3712 : i32
    %dma_wait3A_1330 = arith.constant 0 : i32
    %dma_wait3A_1331 = tpu.memref_slice %arg1[%dma_wait3A_1329, %dma_wait3A_1330] : memref<8192x3000xf32, #tpu.memory_space<any>> -> memref<64x3000xf32, #tpu.memory_space<any>>
    tpu.wait_dma2 semaphore(%arg21 : memref<!tpu.dma_semaphore, #tpu.memory_space<semaphore_mem>>) src(%dma_wait3A_1331 : memref<64x3000xf32, #tpu.memory_space<any>>) dst(%arg5 : memref<64x3000xf32, #tpu.memory_space<vmem>>)
    %get3A_1332 = arith.constant 29 : index
    %get3A_1333 = arith.constant 0 : index
    %get3A_1334 = vector.load %arg0[%get3A_1332, %get3A_1333] : memref<64x3000xf32, #tpu.memory_space<vmem>>, vector<1x3000xf32>
    %dma_wait3A_1335 = arith.constant 3200 : i32
    %dma_wait3A_1336 = arith.constant 0 : i32
    %dma_wait3A_1337 = tpu.memref_slice %arg2[%dma_wait3A_1335, %dma_wait3A_1336] : memref<8192x3000xf32, #tpu.memory_space<any>> -> memref<64x3000xf32, #tpu.memory_space<any>>
    tpu.wait_dma2 semaphore(%arg29 : memref<!tpu.dma_semaphore, #tpu.memory_space<semaphore_mem>>) src(%arg13 : memref<64x3000xf32, #tpu.memory_space<vmem>>) dst(%dma_wait3A_1337 : memref<64x3000xf32, #tpu.memory_space<any>>)
    %get3A_1338 = arith.constant 0 : index
    %get3A_1339 = arith.constant 0 : index
    %get3A_1340 = vector.load %arg5[%get3A_1338, %get3A_1339] : memref<64x3000xf32, #tpu.memory_space<vmem>>, vector<64x3000xf32>
    %mul3A_1341 = vector.broadcast %get3A_1334 : vector<1x3000xf32> to vector<64x3000xf32>
    %mul3A_1342 = arith.mulf %get3A_1340, %mul3A_1341 : vector<64x3000xf32>
    %swap3A_1343 = arith.constant 0 : index
    %swap3A_1344 = arith.constant 0 : index
    %swap3A_1345 = vector.load %arg13[%swap3A_1343, %swap3A_1344] : memref<64x3000xf32, #tpu.memory_space<vmem>>, vector<64x3000xf32>
    tpu.vector_store %arg13[%swap3A_1343, %swap3A_1344], %mul3A_1342 {strides = array<i32>} : memref<64x3000xf32, #tpu.memory_space<vmem>>, vector<64x3000xf32>,
    %dma_start3A_1346 = arith.constant 3712 : i32
    %dma_start3A_1347 = arith.constant 0 : i32
    %dma_start3A_1348 = tpu.memref_slice %arg2[%dma_start3A_1346, %dma_start3A_1347] : memref<8192x3000xf32, #tpu.memory_space<any>> -> memref<64x3000xf32, #tpu.memory_space<any>>
    tpu.enqueue_dma source(%arg13 : memref<64x3000xf32, #tpu.memory_space<vmem>>) target(%dma_start3A_1348 : memref<64x3000xf32, #tpu.memory_space<any>>) target_semaphore(%arg29 : memref<!tpu.dma_semaphore, #tpu.memory_space<semaphore_mem>>)
    %dma_start3A_1349 = arith.constant 4224 : i32
    %dma_start3A_1350 = arith.constant 0 : i32
    %dma_start3A_1351 = tpu.memref_slice %arg1[%dma_start3A_1349, %dma_start3A_1350] : memref<8192x3000xf32, #tpu.memory_space<any>> -> memref<64x3000xf32, #tpu.memory_space<any>>
    tpu.enqueue_dma source(%dma_start3A_1351 : memref<64x3000xf32, #tpu.memory_space<any>>) target(%arg5 : memref<64x3000xf32, #tpu.memory_space<vmem>>) target_semaphore(%arg21 : memref<!tpu.dma_semaphore, #tpu.memory_space<semaphore_mem>>)
    %dma_wait3A_1352 = arith.constant 3776 : i32
    %dma_wait3A_1353 = arith.constant 0 : i32
    %dma_wait3A_1354 = tpu.memref_slice %arg1[%dma_wait3A_1352, %dma_wait3A_1353] : memref<8192x3000xf32, #tpu.memory_space<any>> -> memref<64x3000xf32, #tpu.memory_space<any>>
    tpu.wait_dma2 semaphore(%arg22 : memref<!tpu.dma_semaphore, #tpu.memory_space<semaphore_mem>>) src(%dma_wait3A_1354 : memref<64x3000xf32, #tpu.memory_space<any>>) dst(%arg6 : memref<64x3000xf32, #tpu.memory_space<vmem>>)
    %get3A_1355 = arith.constant 29 : index
    %get3A_1356 = arith.constant 0 : index
    %get3A_1357 = vector.load %arg0[%get3A_1355, %get3A_1356] : memref<64x3000xf32, #tpu.memory_space<vmem>>, vector<1x3000xf32>
    %dma_wait3A_1358 = arith.constant 3264 : i32
    %dma_wait3A_1359 = arith.constant 0 : i32
    %dma_wait3A_1360 = tpu.memref_slice %arg2[%dma_wait3A_1358, %dma_wait3A_1359] : memref<8192x3000xf32, #tpu.memory_space<any>> -> memref<64x3000xf32, #tpu.memory_space<any>>
    tpu.wait_dma2 semaphore(%arg30 : memref<!tpu.dma_semaphore, #tpu.memory_space<semaphore_mem>>) src(%arg14 : memref<64x3000xf32, #tpu.memory_space<vmem>>) dst(%dma_wait3A_1360 : memref<64x3000xf32, #tpu.memory_space<any>>)
    %get3A_1361 = arith.constant 0 : index
    %get3A_1362 = arith.constant 0 : index
    %get3A_1363 = vector.load %arg6[%get3A_1361, %get3A_1362] : memref<64x3000xf32, #tpu.memory_space<vmem>>, vector<64x3000xf32>
    %mul3A_1364 = vector.broadcast %get3A_1357 : vector<1x3000xf32> to vector<64x3000xf32>
    %mul3A_1365 = arith.mulf %get3A_1363, %mul3A_1364 : vector<64x3000xf32>
    %swap3A_1366 = arith.constant 0 : index
    %swap3A_1367 = arith.constant 0 : index
    %swap3A_1368 = vector.load %arg14[%swap3A_1366, %swap3A_1367] : memref<64x3000xf32, #tpu.memory_space<vmem>>, vector<64x3000xf32>
    tpu.vector_store %arg14[%swap3A_1366, %swap3A_1367], %mul3A_1365 {strides = array<i32>} : memref<64x3000xf32, #tpu.memory_space<vmem>>, vector<64x3000xf32>,
    %dma_start3A_1369 = arith.constant 3776 : i32
    %dma_start3A_1370 = arith.constant 0 : i32
    %dma_start3A_1371 = tpu.memref_slice %arg2[%dma_start3A_1369, %dma_start3A_1370] : memref<8192x3000xf32, #tpu.memory_space<any>> -> memref<64x3000xf32, #tpu.memory_space<any>>
    tpu.enqueue_dma source(%arg14 : memref<64x3000xf32, #tpu.memory_space<vmem>>) target(%dma_start3A_1371 : memref<64x3000xf32, #tpu.memory_space<any>>) target_semaphore(%arg30 : memref<!tpu.dma_semaphore, #tpu.memory_space<semaphore_mem>>) {priority = 1 : i32}
    %dma_start3A_1372 = arith.constant 4288 : i32
    %dma_start3A_1373 = arith.constant 0 : i32
    %dma_start3A_1374 = tpu.memref_slice %arg1[%dma_start3A_1372, %dma_start3A_1373] : memref<8192x3000xf32, #tpu.memory_space<any>> -> memref<64x3000xf32, #tpu.memory_space<any>>
    tpu.enqueue_dma source(%dma_start3A_1374 : memref<64x3000xf32, #tpu.memory_space<any>>) target(%arg6 : memref<64x3000xf32, #tpu.memory_space<vmem>>) target_semaphore(%arg22 : memref<!tpu.dma_semaphore, #tpu.memory_space<semaphore_mem>>) {priority = 1 : i32}
    %dma_wait3A_1375 = arith.constant 3840 : i32
    %dma_wait3A_1376 = arith.constant 0 : i32
    %dma_wait3A_1377 = tpu.memref_slice %arg1[%dma_wait3A_1375, %dma_wait3A_1376] : memref<8192x3000xf32, #tpu.memory_space<any>> -> memref<64x3000xf32, #tpu.memory_space<any>>
    tpu.wait_dma2 semaphore(%arg23 : memref<!tpu.dma_semaphore, #tpu.memory_space<semaphore_mem>>) src(%dma_wait3A_1377 : memref<64x3000xf32, #tpu.memory_space<any>>) dst(%arg7 : memref<64x3000xf32, #tpu.memory_space<vmem>>)
    %get3A_1378 = arith.constant 30 : index
    %get3A_1379 = arith.constant 0 : index
    %get3A_1380 = vector.load %arg0[%get3A_1378, %get3A_1379] : memref<64x3000xf32, #tpu.memory_space<vmem>>, vector<1x3000xf32>
    %dma_wait3A_1381 = arith.constant 3328 : i32
    %dma_wait3A_1382 = arith.constant 0 : i32
    %dma_wait3A_1383 = tpu.memref_slice %arg2[%dma_wait3A_1381, %dma_wait3A_1382] : memref<8192x3000xf32, #tpu.memory_space<any>> -> memref<64x3000xf32, #tpu.memory_space<any>>
    tpu.wait_dma2 semaphore(%arg31 : memref<!tpu.dma_semaphore, #tpu.memory_space<semaphore_mem>>) src(%arg15 : memref<64x3000xf32, #tpu.memory_space<vmem>>) dst(%dma_wait3A_1383 : memref<64x3000xf32, #tpu.memory_space<any>>)
    %get3A_1384 = arith.constant 0 : index
    %get3A_1385 = arith.constant 0 : index
    %get3A_1386 = vector.load %arg7[%get3A_1384, %get3A_1385] : memref<64x3000xf32, #tpu.memory_space<vmem>>, vector<64x3000xf32>
    %mul3A_1387 = vector.broadcast %get3A_1380 : vector<1x3000xf32> to vector<64x3000xf32>
    %mul3A_1388 = arith.mulf %get3A_1386, %mul3A_1387 : vector<64x3000xf32>
    %swap3A_1389 = arith.constant 0 : index
    %swap3A_1390 = arith.constant 0 : index
    %swap3A_1391 = vector.load %arg15[%swap3A_1389, %swap3A_1390] : memref<64x3000xf32, #tpu.memory_space<vmem>>, vector<64x3000xf32>
    tpu.vector_store %arg15[%swap3A_1389, %swap3A_1390], %mul3A_1388 {strides = array<i32>} : memref<64x3000xf32, #tpu.memory_space<vmem>>, vector<64x3000xf32>,
    %dma_start3A_1392 = arith.constant 3840 : i32
    %dma_start3A_1393 = arith.constant 0 : i32
    %dma_start3A_1394 = tpu.memref_slice %arg2[%dma_start3A_1392, %dma_start3A_1393] : memref<8192x3000xf32, #tpu.memory_space<any>> -> memref<64x3000xf32, #tpu.memory_space<any>>
    tpu.enqueue_dma source(%arg15 : memref<64x3000xf32, #tpu.memory_space<vmem>>) target(%dma_start3A_1394 : memref<64x3000xf32, #tpu.memory_space<any>>) target_semaphore(%arg31 : memref<!tpu.dma_semaphore, #tpu.memory_space<semaphore_mem>>)
    %dma_start3A_1395 = arith.constant 4352 : i32
    %dma_start3A_1396 = arith.constant 0 : i32
    %dma_start3A_1397 = tpu.memref_slice %arg1[%dma_start3A_1395, %dma_start3A_1396] : memref<8192x3000xf32, #tpu.memory_space<any>> -> memref<64x3000xf32, #tpu.memory_space<any>>
    tpu.enqueue_dma source(%dma_start3A_1397 : memref<64x3000xf32, #tpu.memory_space<any>>) target(%arg7 : memref<64x3000xf32, #tpu.memory_space<vmem>>) target_semaphore(%arg23 : memref<!tpu.dma_semaphore, #tpu.memory_space<semaphore_mem>>)
    %dma_wait3A_1398 = arith.constant 3904 : i32
    %dma_wait3A_1399 = arith.constant 0 : i32
    %dma_wait3A_1400 = tpu.memref_slice %arg1[%dma_wait3A_1398, %dma_wait3A_1399] : memref<8192x3000xf32, #tpu.memory_space<any>> -> memref<64x3000xf32, #tpu.memory_space<any>>
    tpu.wait_dma2 semaphore(%arg24 : memref<!tpu.dma_semaphore, #tpu.memory_space<semaphore_mem>>) src(%dma_wait3A_1400 : memref<64x3000xf32, #tpu.memory_space<any>>) dst(%arg8 : memref<64x3000xf32, #tpu.memory_space<vmem>>)
    %get3A_1401 = arith.constant 30 : index
    %get3A_1402 = arith.constant 0 : index
    %get3A_1403 = vector.load %arg0[%get3A_1401, %get3A_1402] : memref<64x3000xf32, #tpu.memory_space<vmem>>, vector<1x3000xf32>
    %dma_wait3A_1404 = arith.constant 3392 : i32
    %dma_wait3A_1405 = arith.constant 0 : i32
    %dma_wait3A_1406 = tpu.memref_slice %arg2[%dma_wait3A_1404, %dma_wait3A_1405] : memref<8192x3000xf32, #tpu.memory_space<any>> -> memref<64x3000xf32, #tpu.memory_space<any>>
    tpu.wait_dma2 semaphore(%arg32 : memref<!tpu.dma_semaphore, #tpu.memory_space<semaphore_mem>>) src(%arg16 : memref<64x3000xf32, #tpu.memory_space<vmem>>) dst(%dma_wait3A_1406 : memref<64x3000xf32, #tpu.memory_space<any>>)
    %get3A_1407 = arith.constant 0 : index
    %get3A_1408 = arith.constant 0 : index
    %get3A_1409 = vector.load %arg8[%get3A_1407, %get3A_1408] : memref<64x3000xf32, #tpu.memory_space<vmem>>, vector<64x3000xf32>
    %mul3A_1410 = vector.broadcast %get3A_1403 : vector<1x3000xf32> to vector<64x3000xf32>
    %mul3A_1411 = arith.mulf %get3A_1409, %mul3A_1410 : vector<64x3000xf32>
    %swap3A_1412 = arith.constant 0 : index
    %swap3A_1413 = arith.constant 0 : index
    %swap3A_1414 = vector.load %arg16[%swap3A_1412, %swap3A_1413] : memref<64x3000xf32, #tpu.memory_space<vmem>>, vector<64x3000xf32>
    tpu.vector_store %arg16[%swap3A_1412, %swap3A_1413], %mul3A_1411 {strides = array<i32>} : memref<64x3000xf32, #tpu.memory_space<vmem>>, vector<64x3000xf32>,
    %dma_start3A_1415 = arith.constant 3904 : i32
    %dma_start3A_1416 = arith.constant 0 : i32
    %dma_start3A_1417 = tpu.memref_slice %arg2[%dma_start3A_1415, %dma_start3A_1416] : memref<8192x3000xf32, #tpu.memory_space<any>> -> memref<64x3000xf32, #tpu.memory_space<any>>
    tpu.enqueue_dma source(%arg16 : memref<64x3000xf32, #tpu.memory_space<vmem>>) target(%dma_start3A_1417 : memref<64x3000xf32, #tpu.memory_space<any>>) target_semaphore(%arg32 : memref<!tpu.dma_semaphore, #tpu.memory_space<semaphore_mem>>) {priority = 1 : i32}
    %dma_start3A_1418 = arith.constant 4416 : i32
    %dma_start3A_1419 = arith.constant 0 : i32
    %dma_start3A_1420 = tpu.memref_slice %arg1[%dma_start3A_1418, %dma_start3A_1419] : memref<8192x3000xf32, #tpu.memory_space<any>> -> memref<64x3000xf32, #tpu.memory_space<any>>
    tpu.enqueue_dma source(%dma_start3A_1420 : memref<64x3000xf32, #tpu.memory_space<any>>) target(%arg8 : memref<64x3000xf32, #tpu.memory_space<vmem>>) target_semaphore(%arg24 : memref<!tpu.dma_semaphore, #tpu.memory_space<semaphore_mem>>) {priority = 1 : i32}
    %dma_wait3A_1421 = arith.constant 3968 : i32
    %dma_wait3A_1422 = arith.constant 0 : i32
    %dma_wait3A_1423 = tpu.memref_slice %arg1[%dma_wait3A_1421, %dma_wait3A_1422] : memref<8192x3000xf32, #tpu.memory_space<any>> -> memref<64x3000xf32, #tpu.memory_space<any>>
    tpu.wait_dma2 semaphore(%arg25 : memref<!tpu.dma_semaphore, #tpu.memory_space<semaphore_mem>>) src(%dma_wait3A_1423 : memref<64x3000xf32, #tpu.memory_space<any>>) dst(%arg9 : memref<64x3000xf32, #tpu.memory_space<vmem>>)
    %get3A_1424 = arith.constant 31 : index
    %get3A_1425 = arith.constant 0 : index
    %get3A_1426 = vector.load %arg0[%get3A_1424, %get3A_1425] : memref<64x3000xf32, #tpu.memory_space<vmem>>, vector<1x3000xf32>
    %dma_wait3A_1427 = arith.constant 3456 : i32
    %dma_wait3A_1428 = arith.constant 0 : i32
    %dma_wait3A_1429 = tpu.memref_slice %arg2[%dma_wait3A_1427, %dma_wait3A_1428] : memref<8192x3000xf32, #tpu.memory_space<any>> -> memref<64x3000xf32, #tpu.memory_space<any>>
    tpu.wait_dma2 semaphore(%arg33 : memref<!tpu.dma_semaphore, #tpu.memory_space<semaphore_mem>>) src(%arg17 : memref<64x3000xf32, #tpu.memory_space<vmem>>) dst(%dma_wait3A_1429 : memref<64x3000xf32, #tpu.memory_space<any>>)
    %get3A_1430 = arith.constant 0 : index
    %get3A_1431 = arith.constant 0 : index
    %get3A_1432 = vector.load %arg9[%get3A_1430, %get3A_1431] : memref<64x3000xf32, #tpu.memory_space<vmem>>, vector<64x3000xf32>
    %mul3A_1433 = vector.broadcast %get3A_1426 : vector<1x3000xf32> to vector<64x3000xf32>
    %mul3A_1434 = arith.mulf %get3A_1432, %mul3A_1433 : vector<64x3000xf32>
    %swap3A_1435 = arith.constant 0 : index
    %swap3A_1436 = arith.constant 0 : index
    %swap3A_1437 = vector.load %arg17[%swap3A_1435, %swap3A_1436] : memref<64x3000xf32, #tpu.memory_space<vmem>>, vector<64x3000xf32>
    tpu.vector_store %arg17[%swap3A_1435, %swap3A_1436], %mul3A_1434 {strides = array<i32>} : memref<64x3000xf32, #tpu.memory_space<vmem>>, vector<64x3000xf32>,
    %dma_start3A_1438 = arith.constant 3968 : i32
    %dma_start3A_1439 = arith.constant 0 : i32
    %dma_start3A_1440 = tpu.memref_slice %arg2[%dma_start3A_1438, %dma_start3A_1439] : memref<8192x3000xf32, #tpu.memory_space<any>> -> memref<64x3000xf32, #tpu.memory_space<any>>
    tpu.enqueue_dma source(%arg17 : memref<64x3000xf32, #tpu.memory_space<vmem>>) target(%dma_start3A_1440 : memref<64x3000xf32, #tpu.memory_space<any>>) target_semaphore(%arg33 : memref<!tpu.dma_semaphore, #tpu.memory_space<semaphore_mem>>)
    %dma_start3A_1441 = arith.constant 4480 : i32
    %dma_start3A_1442 = arith.constant 0 : i32
    %dma_start3A_1443 = tpu.memref_slice %arg1[%dma_start3A_1441, %dma_start3A_1442] : memref<8192x3000xf32, #tpu.memory_space<any>> -> memref<64x3000xf32, #tpu.memory_space<any>>
    tpu.enqueue_dma source(%dma_start3A_1443 : memref<64x3000xf32, #tpu.memory_space<any>>) target(%arg9 : memref<64x3000xf32, #tpu.memory_space<vmem>>) target_semaphore(%arg25 : memref<!tpu.dma_semaphore, #tpu.memory_space<semaphore_mem>>)
    %dma_wait3A_1444 = arith.constant 4032 : i32
    %dma_wait3A_1445 = arith.constant 0 : i32
    %dma_wait3A_1446 = tpu.memref_slice %arg1[%dma_wait3A_1444, %dma_wait3A_1445] : memref<8192x3000xf32, #tpu.memory_space<any>> -> memref<64x3000xf32, #tpu.memory_space<any>>
    tpu.wait_dma2 semaphore(%arg26 : memref<!tpu.dma_semaphore, #tpu.memory_space<semaphore_mem>>) src(%dma_wait3A_1446 : memref<64x3000xf32, #tpu.memory_space<any>>) dst(%arg10 : memref<64x3000xf32, #tpu.memory_space<vmem>>)
    %get3A_1447 = arith.constant 31 : index
    %get3A_1448 = arith.constant 0 : index
    %get3A_1449 = vector.load %arg0[%get3A_1447, %get3A_1448] : memref<64x3000xf32, #tpu.memory_space<vmem>>, vector<1x3000xf32>
    %dma_wait3A_1450 = arith.constant 3520 : i32
    %dma_wait3A_1451 = arith.constant 0 : i32
    %dma_wait3A_1452 = tpu.memref_slice %arg2[%dma_wait3A_1450, %dma_wait3A_1451] : memref<8192x3000xf32, #tpu.memory_space<any>> -> memref<64x3000xf32, #tpu.memory_space<any>>
    tpu.wait_dma2 semaphore(%arg34 : memref<!tpu.dma_semaphore, #tpu.memory_space<semaphore_mem>>) src(%arg18 : memref<64x3000xf32, #tpu.memory_space<vmem>>) dst(%dma_wait3A_1452 : memref<64x3000xf32, #tpu.memory_space<any>>)
    %get3A_1453 = arith.constant 0 : index
    %get3A_1454 = arith.constant 0 : index
    %get3A_1455 = vector.load %arg10[%get3A_1453, %get3A_1454] : memref<64x3000xf32, #tpu.memory_space<vmem>>, vector<64x3000xf32>
    %mul3A_1456 = vector.broadcast %get3A_1449 : vector<1x3000xf32> to vector<64x3000xf32>
    %mul3A_1457 = arith.mulf %get3A_1455, %mul3A_1456 : vector<64x3000xf32>
    %swap3A_1458 = arith.constant 0 : index
    %swap3A_1459 = arith.constant 0 : index
    %swap3A_1460 = vector.load %arg18[%swap3A_1458, %swap3A_1459] : memref<64x3000xf32, #tpu.memory_space<vmem>>, vector<64x3000xf32>
    tpu.vector_store %arg18[%swap3A_1458, %swap3A_1459], %mul3A_1457 {strides = array<i32>} : memref<64x3000xf32, #tpu.memory_space<vmem>>, vector<64x3000xf32>,
    %dma_start3A_1461 = arith.constant 4032 : i32
    %dma_start3A_1462 = arith.constant 0 : i32
    %dma_start3A_1463 = tpu.memref_slice %arg2[%dma_start3A_1461, %dma_start3A_1462] : memref<8192x3000xf32, #tpu.memory_space<any>> -> memref<64x3000xf32, #tpu.memory_space<any>>
    tpu.enqueue_dma source(%arg18 : memref<64x3000xf32, #tpu.memory_space<vmem>>) target(%dma_start3A_1463 : memref<64x3000xf32, #tpu.memory_space<any>>) target_semaphore(%arg34 : memref<!tpu.dma_semaphore, #tpu.memory_space<semaphore_mem>>) {priority = 1 : i32}
    %dma_start3A_1464 = arith.constant 4544 : i32
    %dma_start3A_1465 = arith.constant 0 : i32
    %dma_start3A_1466 = tpu.memref_slice %arg1[%dma_start3A_1464, %dma_start3A_1465] : memref<8192x3000xf32, #tpu.memory_space<any>> -> memref<64x3000xf32, #tpu.memory_space<any>>
    tpu.enqueue_dma source(%dma_start3A_1466 : memref<64x3000xf32, #tpu.memory_space<any>>) target(%arg10 : memref<64x3000xf32, #tpu.memory_space<vmem>>) target_semaphore(%arg26 : memref<!tpu.dma_semaphore, #tpu.memory_space<semaphore_mem>>) {priority = 1 : i32}
    %dma_wait3A_1467 = arith.constant 4096 : i32
    %dma_wait3A_1468 = arith.constant 0 : i32
    %dma_wait3A_1469 = tpu.memref_slice %arg1[%dma_wait3A_1467, %dma_wait3A_1468] : memref<8192x3000xf32, #tpu.memory_space<any>> -> memref<64x3000xf32, #tpu.memory_space<any>>
    tpu.wait_dma2 semaphore(%arg19 : memref<!tpu.dma_semaphore, #tpu.memory_space<semaphore_mem>>) src(%dma_wait3A_1469 : memref<64x3000xf32, #tpu.memory_space<any>>) dst(%arg3 : memref<64x3000xf32, #tpu.memory_space<vmem>>)
    %get3A_1470 = arith.constant 32 : index
    %get3A_1471 = arith.constant 0 : index
    %get3A_1472 = vector.load %arg0[%get3A_1470, %get3A_1471] : memref<64x3000xf32, #tpu.memory_space<vmem>>, vector<1x3000xf32>
    %dma_wait3A_1473 = arith.constant 3584 : i32
    %dma_wait3A_1474 = arith.constant 0 : i32
    %dma_wait3A_1475 = tpu.memref_slice %arg2[%dma_wait3A_1473, %dma_wait3A_1474] : memref<8192x3000xf32, #tpu.memory_space<any>> -> memref<64x3000xf32, #tpu.memory_space<any>>
    tpu.wait_dma2 semaphore(%arg27 : memref<!tpu.dma_semaphore, #tpu.memory_space<semaphore_mem>>) src(%arg11 : memref<64x3000xf32, #tpu.memory_space<vmem>>) dst(%dma_wait3A_1475 : memref<64x3000xf32, #tpu.memory_space<any>>)
    %get3A_1476 = arith.constant 0 : index
    %get3A_1477 = arith.constant 0 : index
    %get3A_1478 = vector.load %arg3[%get3A_1476, %get3A_1477] : memref<64x3000xf32, #tpu.memory_space<vmem>>, vector<64x3000xf32>
    %mul3A_1479 = vector.broadcast %get3A_1472 : vector<1x3000xf32> to vector<64x3000xf32>
    %mul3A_1480 = arith.mulf %get3A_1478, %mul3A_1479 : vector<64x3000xf32>
    %swap3A_1481 = arith.constant 0 : index
    %swap3A_1482 = arith.constant 0 : index
    %swap3A_1483 = vector.load %arg11[%swap3A_1481, %swap3A_1482] : memref<64x3000xf32, #tpu.memory_space<vmem>>, vector<64x3000xf32>
    tpu.vector_store %arg11[%swap3A_1481, %swap3A_1482], %mul3A_1480 {strides = array<i32>} : memref<64x3000xf32, #tpu.memory_space<vmem>>, vector<64x3000xf32>,
    %dma_start3A_1484 = arith.constant 4096 : i32
    %dma_start3A_1485 = arith.constant 0 : i32
    %dma_start3A_1486 = tpu.memref_slice %arg2[%dma_start3A_1484, %dma_start3A_1485] : memref<8192x3000xf32, #tpu.memory_space<any>> -> memref<64x3000xf32, #tpu.memory_space<any>>
    tpu.enqueue_dma source(%arg11 : memref<64x3000xf32, #tpu.memory_space<vmem>>) target(%dma_start3A_1486 : memref<64x3000xf32, #tpu.memory_space<any>>) target_semaphore(%arg27 : memref<!tpu.dma_semaphore, #tpu.memory_space<semaphore_mem>>)
    %dma_start3A_1487 = arith.constant 4608 : i32
    %dma_start3A_1488 = arith.constant 0 : i32
    %dma_start3A_1489 = tpu.memref_slice %arg1[%dma_start3A_1487, %dma_start3A_1488] : memref<8192x3000xf32, #tpu.memory_space<any>> -> memref<64x3000xf32, #tpu.memory_space<any>>
    tpu.enqueue_dma source(%dma_start3A_1489 : memref<64x3000xf32, #tpu.memory_space<any>>) target(%arg3 : memref<64x3000xf32, #tpu.memory_space<vmem>>) target_semaphore(%arg19 : memref<!tpu.dma_semaphore, #tpu.memory_space<semaphore_mem>>)
    %dma_wait3A_1490 = arith.constant 4160 : i32
    %dma_wait3A_1491 = arith.constant 0 : i32
    %dma_wait3A_1492 = tpu.memref_slice %arg1[%dma_wait3A_1490, %dma_wait3A_1491] : memref<8192x3000xf32, #tpu.memory_space<any>> -> memref<64x3000xf32, #tpu.memory_space<any>>
    tpu.wait_dma2 semaphore(%arg20 : memref<!tpu.dma_semaphore, #tpu.memory_space<semaphore_mem>>) src(%dma_wait3A_1492 : memref<64x3000xf32, #tpu.memory_space<any>>) dst(%arg4 : memref<64x3000xf32, #tpu.memory_space<vmem>>)
    %get3A_1493 = arith.constant 32 : index
    %get3A_1494 = arith.constant 0 : index
    %get3A_1495 = vector.load %arg0[%get3A_1493, %get3A_1494] : memref<64x3000xf32, #tpu.memory_space<vmem>>, vector<1x3000xf32>
    %dma_wait3A_1496 = arith.constant 3648 : i32
    %dma_wait3A_1497 = arith.constant 0 : i32
    %dma_wait3A_1498 = tpu.memref_slice %arg2[%dma_wait3A_1496, %dma_wait3A_1497] : memref<8192x3000xf32, #tpu.memory_space<any>> -> memref<64x3000xf32, #tpu.memory_space<any>>
    tpu.wait_dma2 semaphore(%arg28 : memref<!tpu.dma_semaphore, #tpu.memory_space<semaphore_mem>>) src(%arg12 : memref<64x3000xf32, #tpu.memory_space<vmem>>) dst(%dma_wait3A_1498 : memref<64x3000xf32, #tpu.memory_space<any>>)
    %get3A_1499 = arith.constant 0 : index
    %get3A_1500 = arith.constant 0 : index
    %get3A_1501 = vector.load %arg4[%get3A_1499, %get3A_1500] : memref<64x3000xf32, #tpu.memory_space<vmem>>, vector<64x3000xf32>
    %mul3A_1502 = vector.broadcast %get3A_1495 : vector<1x3000xf32> to vector<64x3000xf32>
    %mul3A_1503 = arith.mulf %get3A_1501, %mul3A_1502 : vector<64x3000xf32>
    %swap3A_1504 = arith.constant 0 : index
    %swap3A_1505 = arith.constant 0 : index
    %swap3A_1506 = vector.load %arg12[%swap3A_1504, %swap3A_1505] : memref<64x3000xf32, #tpu.memory_space<vmem>>, vector<64x3000xf32>
    tpu.vector_store %arg12[%swap3A_1504, %swap3A_1505], %mul3A_1503 {strides = array<i32>} : memref<64x3000xf32, #tpu.memory_space<vmem>>, vector<64x3000xf32>,
    %dma_start3A_1507 = arith.constant 4160 : i32
    %dma_start3A_1508 = arith.constant 0 : i32
    %dma_start3A_1509 = tpu.memref_slice %arg2[%dma_start3A_1507, %dma_start3A_1508] : memref<8192x3000xf32, #tpu.memory_space<any>> -> memref<64x3000xf32, #tpu.memory_space<any>>
    tpu.enqueue_dma source(%arg12 : memref<64x3000xf32, #tpu.memory_space<vmem>>) target(%dma_start3A_1509 : memref<64x3000xf32, #tpu.memory_space<any>>) target_semaphore(%arg28 : memref<!tpu.dma_semaphore, #tpu.memory_space<semaphore_mem>>) {priority = 1 : i32}
    %dma_start3A_1510 = arith.constant 4672 : i32
    %dma_start3A_1511 = arith.constant 0 : i32
    %dma_start3A_1512 = tpu.memref_slice %arg1[%dma_start3A_1510, %dma_start3A_1511] : memref<8192x3000xf32, #tpu.memory_space<any>> -> memref<64x3000xf32, #tpu.memory_space<any>>
    tpu.enqueue_dma source(%dma_start3A_1512 : memref<64x3000xf32, #tpu.memory_space<any>>) target(%arg4 : memref<64x3000xf32, #tpu.memory_space<vmem>>) target_semaphore(%arg20 : memref<!tpu.dma_semaphore, #tpu.memory_space<semaphore_mem>>) {priority = 1 : i32}
    %dma_wait3A_1513 = arith.constant 4224 : i32
    %dma_wait3A_1514 = arith.constant 0 : i32
    %dma_wait3A_1515 = tpu.memref_slice %arg1[%dma_wait3A_1513, %dma_wait3A_1514] : memref<8192x3000xf32, #tpu.memory_space<any>> -> memref<64x3000xf32, #tpu.memory_space<any>>
    tpu.wait_dma2 semaphore(%arg21 : memref<!tpu.dma_semaphore, #tpu.memory_space<semaphore_mem>>) src(%dma_wait3A_1515 : memref<64x3000xf32, #tpu.memory_space<any>>) dst(%arg5 : memref<64x3000xf32, #tpu.memory_space<vmem>>)
    %get3A_1516 = arith.constant 33 : index
    %get3A_1517 = arith.constant 0 : index
    %get3A_1518 = vector.load %arg0[%get3A_1516, %get3A_1517] : memref<64x3000xf32, #tpu.memory_space<vmem>>, vector<1x3000xf32>
    %dma_wait3A_1519 = arith.constant 3712 : i32
    %dma_wait3A_1520 = arith.constant 0 : i32
    %dma_wait3A_1521 = tpu.memref_slice %arg2[%dma_wait3A_1519, %dma_wait3A_1520] : memref<8192x3000xf32, #tpu.memory_space<any>> -> memref<64x3000xf32, #tpu.memory_space<any>>
    tpu.wait_dma2 semaphore(%arg29 : memref<!tpu.dma_semaphore, #tpu.memory_space<semaphore_mem>>) src(%arg13 : memref<64x3000xf32, #tpu.memory_space<vmem>>) dst(%dma_wait3A_1521 : memref<64x3000xf32, #tpu.memory_space<any>>)
    %get3A_1522 = arith.constant 0 : index
    %get3A_1523 = arith.constant 0 : index
    %get3A_1524 = vector.load %arg5[%get3A_1522, %get3A_1523] : memref<64x3000xf32, #tpu.memory_space<vmem>>, vector<64x3000xf32>
    %mul3A_1525 = vector.broadcast %get3A_1518 : vector<1x3000xf32> to vector<64x3000xf32>
    %mul3A_1526 = arith.mulf %get3A_1524, %mul3A_1525 : vector<64x3000xf32>
    %swap3A_1527 = arith.constant 0 : index
    %swap3A_1528 = arith.constant 0 : index
    %swap3A_1529 = vector.load %arg13[%swap3A_1527, %swap3A_1528] : memref<64x3000xf32, #tpu.memory_space<vmem>>, vector<64x3000xf32>
    tpu.vector_store %arg13[%swap3A_1527, %swap3A_1528], %mul3A_1526 {strides = array<i32>} : memref<64x3000xf32, #tpu.memory_space<vmem>>, vector<64x3000xf32>,
    %dma_start3A_1530 = arith.constant 4224 : i32
    %dma_start3A_1531 = arith.constant 0 : i32
    %dma_start3A_1532 = tpu.memref_slice %arg2[%dma_start3A_1530, %dma_start3A_1531] : memref<8192x3000xf32, #tpu.memory_space<any>> -> memref<64x3000xf32, #tpu.memory_space<any>>
    tpu.enqueue_dma source(%arg13 : memref<64x3000xf32, #tpu.memory_space<vmem>>) target(%dma_start3A_1532 : memref<64x3000xf32, #tpu.memory_space<any>>) target_semaphore(%arg29 : memref<!tpu.dma_semaphore, #tpu.memory_space<semaphore_mem>>)
    %dma_start3A_1533 = arith.constant 4736 : i32
    %dma_start3A_1534 = arith.constant 0 : i32
    %dma_start3A_1535 = tpu.memref_slice %arg1[%dma_start3A_1533, %dma_start3A_1534] : memref<8192x3000xf32, #tpu.memory_space<any>> -> memref<64x3000xf32, #tpu.memory_space<any>>
    tpu.enqueue_dma source(%dma_start3A_1535 : memref<64x3000xf32, #tpu.memory_space<any>>) target(%arg5 : memref<64x3000xf32, #tpu.memory_space<vmem>>) target_semaphore(%arg21 : memref<!tpu.dma_semaphore, #tpu.memory_space<semaphore_mem>>)
    %dma_wait3A_1536 = arith.constant 4288 : i32
    %dma_wait3A_1537 = arith.constant 0 : i32
    %dma_wait3A_1538 = tpu.memref_slice %arg1[%dma_wait3A_1536, %dma_wait3A_1537] : memref<8192x3000xf32, #tpu.memory_space<any>> -> memref<64x3000xf32, #tpu.memory_space<any>>
    tpu.wait_dma2 semaphore(%arg22 : memref<!tpu.dma_semaphore, #tpu.memory_space<semaphore_mem>>) src(%dma_wait3A_1538 : memref<64x3000xf32, #tpu.memory_space<any>>) dst(%arg6 : memref<64x3000xf32, #tpu.memory_space<vmem>>)
    %get3A_1539 = arith.constant 33 : index
    %get3A_1540 = arith.constant 0 : index
    %get3A_1541 = vector.load %arg0[%get3A_1539, %get3A_1540] : memref<64x3000xf32, #tpu.memory_space<vmem>>, vector<1x3000xf32>
    %dma_wait3A_1542 = arith.constant 3776 : i32
    %dma_wait3A_1543 = arith.constant 0 : i32
    %dma_wait3A_1544 = tpu.memref_slice %arg2[%dma_wait3A_1542, %dma_wait3A_1543] : memref<8192x3000xf32, #tpu.memory_space<any>> -> memref<64x3000xf32, #tpu.memory_space<any>>
    tpu.wait_dma2 semaphore(%arg30 : memref<!tpu.dma_semaphore, #tpu.memory_space<semaphore_mem>>) src(%arg14 : memref<64x3000xf32, #tpu.memory_space<vmem>>) dst(%dma_wait3A_1544 : memref<64x3000xf32, #tpu.memory_space<any>>)
    %get3A_1545 = arith.constant 0 : index
    %get3A_1546 = arith.constant 0 : index
    %get3A_1547 = vector.load %arg6[%get3A_1545, %get3A_1546] : memref<64x3000xf32, #tpu.memory_space<vmem>>, vector<64x3000xf32>
    %mul3A_1548 = vector.broadcast %get3A_1541 : vector<1x3000xf32> to vector<64x3000xf32>
    %mul3A_1549 = arith.mulf %get3A_1547, %mul3A_1548 : vector<64x3000xf32>
    %swap3A_1550 = arith.constant 0 : index
    %swap3A_1551 = arith.constant 0 : index
    %swap3A_1552 = vector.load %arg14[%swap3A_1550, %swap3A_1551] : memref<64x3000xf32, #tpu.memory_space<vmem>>, vector<64x3000xf32>
    tpu.vector_store %arg14[%swap3A_1550, %swap3A_1551], %mul3A_1549 {strides = array<i32>} : memref<64x3000xf32, #tpu.memory_space<vmem>>, vector<64x3000xf32>,
    %dma_start3A_1553 = arith.constant 4288 : i32
    %dma_start3A_1554 = arith.constant 0 : i32
    %dma_start3A_1555 = tpu.memref_slice %arg2[%dma_start3A_1553, %dma_start3A_1554] : memref<8192x3000xf32, #tpu.memory_space<any>> -> memref<64x3000xf32, #tpu.memory_space<any>>
    tpu.enqueue_dma source(%arg14 : memref<64x3000xf32, #tpu.memory_space<vmem>>) target(%dma_start3A_1555 : memref<64x3000xf32, #tpu.memory_space<any>>) target_semaphore(%arg30 : memref<!tpu.dma_semaphore, #tpu.memory_space<semaphore_mem>>) {priority = 1 : i32}
    %dma_start3A_1556 = arith.constant 4800 : i32
    %dma_start3A_1557 = arith.constant 0 : i32
    %dma_start3A_1558 = tpu.memref_slice %arg1[%dma_start3A_1556, %dma_start3A_1557] : memref<8192x3000xf32, #tpu.memory_space<any>> -> memref<64x3000xf32, #tpu.memory_space<any>>
    tpu.enqueue_dma source(%dma_start3A_1558 : memref<64x3000xf32, #tpu.memory_space<any>>) target(%arg6 : memref<64x3000xf32, #tpu.memory_space<vmem>>) target_semaphore(%arg22 : memref<!tpu.dma_semaphore, #tpu.memory_space<semaphore_mem>>) {priority = 1 : i32}
    %dma_wait3A_1559 = arith.constant 4352 : i32
    %dma_wait3A_1560 = arith.constant 0 : i32
    %dma_wait3A_1561 = tpu.memref_slice %arg1[%dma_wait3A_1559, %dma_wait3A_1560] : memref<8192x3000xf32, #tpu.memory_space<any>> -> memref<64x3000xf32, #tpu.memory_space<any>>
    tpu.wait_dma2 semaphore(%arg23 : memref<!tpu.dma_semaphore, #tpu.memory_space<semaphore_mem>>) src(%dma_wait3A_1561 : memref<64x3000xf32, #tpu.memory_space<any>>) dst(%arg7 : memref<64x3000xf32, #tpu.memory_space<vmem>>)
    %get3A_1562 = arith.constant 34 : index
    %get3A_1563 = arith.constant 0 : index
    %get3A_1564 = vector.load %arg0[%get3A_1562, %get3A_1563] : memref<64x3000xf32, #tpu.memory_space<vmem>>, vector<1x3000xf32>
    %dma_wait3A_1565 = arith.constant 3840 : i32
    %dma_wait3A_1566 = arith.constant 0 : i32
    %dma_wait3A_1567 = tpu.memref_slice %arg2[%dma_wait3A_1565, %dma_wait3A_1566] : memref<8192x3000xf32, #tpu.memory_space<any>> -> memref<64x3000xf32, #tpu.memory_space<any>>
    tpu.wait_dma2 semaphore(%arg31 : memref<!tpu.dma_semaphore, #tpu.memory_space<semaphore_mem>>) src(%arg15 : memref<64x3000xf32, #tpu.memory_space<vmem>>) dst(%dma_wait3A_1567 : memref<64x3000xf32, #tpu.memory_space<any>>)
    %get3A_1568 = arith.constant 0 : index
    %get3A_1569 = arith.constant 0 : index
    %get3A_1570 = vector.load %arg7[%get3A_1568, %get3A_1569] : memref<64x3000xf32, #tpu.memory_space<vmem>>, vector<64x3000xf32>
    %mul3A_1571 = vector.broadcast %get3A_1564 : vector<1x3000xf32> to vector<64x3000xf32>
    %mul3A_1572 = arith.mulf %get3A_1570, %mul3A_1571 : vector<64x3000xf32>
    %swap3A_1573 = arith.constant 0 : index
    %swap3A_1574 = arith.constant 0 : index
    %swap3A_1575 = vector.load %arg15[%swap3A_1573, %swap3A_1574] : memref<64x3000xf32, #tpu.memory_space<vmem>>, vector<64x3000xf32>
    tpu.vector_store %arg15[%swap3A_1573, %swap3A_1574], %mul3A_1572 {strides = array<i32>} : memref<64x3000xf32, #tpu.memory_space<vmem>>, vector<64x3000xf32>,
    %dma_start3A_1576 = arith.constant 4352 : i32
    %dma_start3A_1577 = arith.constant 0 : i32
    %dma_start3A_1578 = tpu.memref_slice %arg2[%dma_start3A_1576, %dma_start3A_1577] : memref<8192x3000xf32, #tpu.memory_space<any>> -> memref<64x3000xf32, #tpu.memory_space<any>>
    tpu.enqueue_dma source(%arg15 : memref<64x3000xf32, #tpu.memory_space<vmem>>) target(%dma_start3A_1578 : memref<64x3000xf32, #tpu.memory_space<any>>) target_semaphore(%arg31 : memref<!tpu.dma_semaphore, #tpu.memory_space<semaphore_mem>>)
    %dma_start3A_1579 = arith.constant 4864 : i32
    %dma_start3A_1580 = arith.constant 0 : i32
    %dma_start3A_1581 = tpu.memref_slice %arg1[%dma_start3A_1579, %dma_start3A_1580] : memref<8192x3000xf32, #tpu.memory_space<any>> -> memref<64x3000xf32, #tpu.memory_space<any>>
    tpu.enqueue_dma source(%dma_start3A_1581 : memref<64x3000xf32, #tpu.memory_space<any>>) target(%arg7 : memref<64x3000xf32, #tpu.memory_space<vmem>>) target_semaphore(%arg23 : memref<!tpu.dma_semaphore, #tpu.memory_space<semaphore_mem>>)
    %dma_wait3A_1582 = arith.constant 4416 : i32
    %dma_wait3A_1583 = arith.constant 0 : i32
    %dma_wait3A_1584 = tpu.memref_slice %arg1[%dma_wait3A_1582, %dma_wait3A_1583] : memref<8192x3000xf32, #tpu.memory_space<any>> -> memref<64x3000xf32, #tpu.memory_space<any>>
    tpu.wait_dma2 semaphore(%arg24 : memref<!tpu.dma_semaphore, #tpu.memory_space<semaphore_mem>>) src(%dma_wait3A_1584 : memref<64x3000xf32, #tpu.memory_space<any>>) dst(%arg8 : memref<64x3000xf32, #tpu.memory_space<vmem>>)
    %get3A_1585 = arith.constant 34 : index
    %get3A_1586 = arith.constant 0 : index
    %get3A_1587 = vector.load %arg0[%get3A_1585, %get3A_1586] : memref<64x3000xf32, #tpu.memory_space<vmem>>, vector<1x3000xf32>
    %dma_wait3A_1588 = arith.constant 3904 : i32
    %dma_wait3A_1589 = arith.constant 0 : i32
    %dma_wait3A_1590 = tpu.memref_slice %arg2[%dma_wait3A_1588, %dma_wait3A_1589] : memref<8192x3000xf32, #tpu.memory_space<any>> -> memref<64x3000xf32, #tpu.memory_space<any>>
    tpu.wait_dma2 semaphore(%arg32 : memref<!tpu.dma_semaphore, #tpu.memory_space<semaphore_mem>>) src(%arg16 : memref<64x3000xf32, #tpu.memory_space<vmem>>) dst(%dma_wait3A_1590 : memref<64x3000xf32, #tpu.memory_space<any>>)
    %get3A_1591 = arith.constant 0 : index
    %get3A_1592 = arith.constant 0 : index
    %get3A_1593 = vector.load %arg8[%get3A_1591, %get3A_1592] : memref<64x3000xf32, #tpu.memory_space<vmem>>, vector<64x3000xf32>
    %mul3A_1594 = vector.broadcast %get3A_1587 : vector<1x3000xf32> to vector<64x3000xf32>
    %mul3A_1595 = arith.mulf %get3A_1593, %mul3A_1594 : vector<64x3000xf32>
    %swap3A_1596 = arith.constant 0 : index
    %swap3A_1597 = arith.constant 0 : index
    %swap3A_1598 = vector.load %arg16[%swap3A_1596, %swap3A_1597] : memref<64x3000xf32, #tpu.memory_space<vmem>>, vector<64x3000xf32>
    tpu.vector_store %arg16[%swap3A_1596, %swap3A_1597], %mul3A_1595 {strides = array<i32>} : memref<64x3000xf32, #tpu.memory_space<vmem>>, vector<64x3000xf32>,
    %dma_start3A_1599 = arith.constant 4416 : i32
    %dma_start3A_1600 = arith.constant 0 : i32
    %dma_start3A_1601 = tpu.memref_slice %arg2[%dma_start3A_1599, %dma_start3A_1600] : memref<8192x3000xf32, #tpu.memory_space<any>> -> memref<64x3000xf32, #tpu.memory_space<any>>
    tpu.enqueue_dma source(%arg16 : memref<64x3000xf32, #tpu.memory_space<vmem>>) target(%dma_start3A_1601 : memref<64x3000xf32, #tpu.memory_space<any>>) target_semaphore(%arg32 : memref<!tpu.dma_semaphore, #tpu.memory_space<semaphore_mem>>) {priority = 1 : i32}
    %dma_start3A_1602 = arith.constant 4928 : i32
    %dma_start3A_1603 = arith.constant 0 : i32
    %dma_start3A_1604 = tpu.memref_slice %arg1[%dma_start3A_1602, %dma_start3A_1603] : memref<8192x3000xf32, #tpu.memory_space<any>> -> memref<64x3000xf32, #tpu.memory_space<any>>
    tpu.enqueue_dma source(%dma_start3A_1604 : memref<64x3000xf32, #tpu.memory_space<any>>) target(%arg8 : memref<64x3000xf32, #tpu.memory_space<vmem>>) target_semaphore(%arg24 : memref<!tpu.dma_semaphore, #tpu.memory_space<semaphore_mem>>) {priority = 1 : i32}
    %dma_wait3A_1605 = arith.constant 4480 : i32
    %dma_wait3A_1606 = arith.constant 0 : i32
    %dma_wait3A_1607 = tpu.memref_slice %arg1[%dma_wait3A_1605, %dma_wait3A_1606] : memref<8192x3000xf32, #tpu.memory_space<any>> -> memref<64x3000xf32, #tpu.memory_space<any>>
    tpu.wait_dma2 semaphore(%arg25 : memref<!tpu.dma_semaphore, #tpu.memory_space<semaphore_mem>>) src(%dma_wait3A_1607 : memref<64x3000xf32, #tpu.memory_space<any>>) dst(%arg9 : memref<64x3000xf32, #tpu.memory_space<vmem>>)
    %get3A_1608 = arith.constant 35 : index
    %get3A_1609 = arith.constant 0 : index
    %get3A_1610 = vector.load %arg0[%get3A_1608, %get3A_1609] : memref<64x3000xf32, #tpu.memory_space<vmem>>, vector<1x3000xf32>
    %dma_wait3A_1611 = arith.constant 3968 : i32
    %dma_wait3A_1612 = arith.constant 0 : i32
    %dma_wait3A_1613 = tpu.memref_slice %arg2[%dma_wait3A_1611, %dma_wait3A_1612] : memref<8192x3000xf32, #tpu.memory_space<any>> -> memref<64x3000xf32, #tpu.memory_space<any>>
    tpu.wait_dma2 semaphore(%arg33 : memref<!tpu.dma_semaphore, #tpu.memory_space<semaphore_mem>>) src(%arg17 : memref<64x3000xf32, #tpu.memory_space<vmem>>) dst(%dma_wait3A_1613 : memref<64x3000xf32, #tpu.memory_space<any>>)
    %get3A_1614 = arith.constant 0 : index
    %get3A_1615 = arith.constant 0 : index
    %get3A_1616 = vector.load %arg9[%get3A_1614, %get3A_1615] : memref<64x3000xf32, #tpu.memory_space<vmem>>, vector<64x3000xf32>
    %mul3A_1617 = vector.broadcast %get3A_1610 : vector<1x3000xf32> to vector<64x3000xf32>
    %mul3A_1618 = arith.mulf %get3A_1616, %mul3A_1617 : vector<64x3000xf32>
    %swap3A_1619 = arith.constant 0 : index
    %swap3A_1620 = arith.constant 0 : index
    %swap3A_1621 = vector.load %arg17[%swap3A_1619, %swap3A_1620] : memref<64x3000xf32, #tpu.memory_space<vmem>>, vector<64x3000xf32>
    tpu.vector_store %arg17[%swap3A_1619, %swap3A_1620], %mul3A_1618 {strides = array<i32>} : memref<64x3000xf32, #tpu.memory_space<vmem>>, vector<64x3000xf32>,
    %dma_start3A_1622 = arith.constant 4480 : i32
    %dma_start3A_1623 = arith.constant 0 : i32
    %dma_start3A_1624 = tpu.memref_slice %arg2[%dma_start3A_1622, %dma_start3A_1623] : memref<8192x3000xf32, #tpu.memory_space<any>> -> memref<64x3000xf32, #tpu.memory_space<any>>
    tpu.enqueue_dma source(%arg17 : memref<64x3000xf32, #tpu.memory_space<vmem>>) target(%dma_start3A_1624 : memref<64x3000xf32, #tpu.memory_space<any>>) target_semaphore(%arg33 : memref<!tpu.dma_semaphore, #tpu.memory_space<semaphore_mem>>)
    %dma_start3A_1625 = arith.constant 4992 : i32
    %dma_start3A_1626 = arith.constant 0 : i32
    %dma_start3A_1627 = tpu.memref_slice %arg1[%dma_start3A_1625, %dma_start3A_1626] : memref<8192x3000xf32, #tpu.memory_space<any>> -> memref<64x3000xf32, #tpu.memory_space<any>>
    tpu.enqueue_dma source(%dma_start3A_1627 : memref<64x3000xf32, #tpu.memory_space<any>>) target(%arg9 : memref<64x3000xf32, #tpu.memory_space<vmem>>) target_semaphore(%arg25 : memref<!tpu.dma_semaphore, #tpu.memory_space<semaphore_mem>>)
    %dma_wait3A_1628 = arith.constant 4544 : i32
    %dma_wait3A_1629 = arith.constant 0 : i32
    %dma_wait3A_1630 = tpu.memref_slice %arg1[%dma_wait3A_1628, %dma_wait3A_1629] : memref<8192x3000xf32, #tpu.memory_space<any>> -> memref<64x3000xf32, #tpu.memory_space<any>>
    tpu.wait_dma2 semaphore(%arg26 : memref<!tpu.dma_semaphore, #tpu.memory_space<semaphore_mem>>) src(%dma_wait3A_1630 : memref<64x3000xf32, #tpu.memory_space<any>>) dst(%arg10 : memref<64x3000xf32, #tpu.memory_space<vmem>>)
    %get3A_1631 = arith.constant 35 : index
    %get3A_1632 = arith.constant 0 : index
    %get3A_1633 = vector.load %arg0[%get3A_1631, %get3A_1632] : memref<64x3000xf32, #tpu.memory_space<vmem>>, vector<1x3000xf32>
    %dma_wait3A_1634 = arith.constant 4032 : i32
    %dma_wait3A_1635 = arith.constant 0 : i32
    %dma_wait3A_1636 = tpu.memref_slice %arg2[%dma_wait3A_1634, %dma_wait3A_1635] : memref<8192x3000xf32, #tpu.memory_space<any>> -> memref<64x3000xf32, #tpu.memory_space<any>>
    tpu.wait_dma2 semaphore(%arg34 : memref<!tpu.dma_semaphore, #tpu.memory_space<semaphore_mem>>) src(%arg18 : memref<64x3000xf32, #tpu.memory_space<vmem>>) dst(%dma_wait3A_1636 : memref<64x3000xf32, #tpu.memory_space<any>>)
    %get3A_1637 = arith.constant 0 : index
    %get3A_1638 = arith.constant 0 : index
    %get3A_1639 = vector.load %arg10[%get3A_1637, %get3A_1638] : memref<64x3000xf32, #tpu.memory_space<vmem>>, vector<64x3000xf32>
    %mul3A_1640 = vector.broadcast %get3A_1633 : vector<1x3000xf32> to vector<64x3000xf32>
    %mul3A_1641 = arith.mulf %get3A_1639, %mul3A_1640 : vector<64x3000xf32>
    %swap3A_1642 = arith.constant 0 : index
    %swap3A_1643 = arith.constant 0 : index
    %swap3A_1644 = vector.load %arg18[%swap3A_1642, %swap3A_1643] : memref<64x3000xf32, #tpu.memory_space<vmem>>, vector<64x3000xf32>
    tpu.vector_store %arg18[%swap3A_1642, %swap3A_1643], %mul3A_1641 {strides = array<i32>} : memref<64x3000xf32, #tpu.memory_space<vmem>>, vector<64x3000xf32>,
    %dma_start3A_1645 = arith.constant 4544 : i32
    %dma_start3A_1646 = arith.constant 0 : i32
    %dma_start3A_1647 = tpu.memref_slice %arg2[%dma_start3A_1645, %dma_start3A_1646] : memref<8192x3000xf32, #tpu.memory_space<any>> -> memref<64x3000xf32, #tpu.memory_space<any>>
    tpu.enqueue_dma source(%arg18 : memref<64x3000xf32, #tpu.memory_space<vmem>>) target(%dma_start3A_1647 : memref<64x3000xf32, #tpu.memory_space<any>>) target_semaphore(%arg34 : memref<!tpu.dma_semaphore, #tpu.memory_space<semaphore_mem>>) {priority = 1 : i32}
    %dma_start3A_1648 = arith.constant 5056 : i32
    %dma_start3A_1649 = arith.constant 0 : i32
    %dma_start3A_1650 = tpu.memref_slice %arg1[%dma_start3A_1648, %dma_start3A_1649] : memref<8192x3000xf32, #tpu.memory_space<any>> -> memref<64x3000xf32, #tpu.memory_space<any>>
    tpu.enqueue_dma source(%dma_start3A_1650 : memref<64x3000xf32, #tpu.memory_space<any>>) target(%arg10 : memref<64x3000xf32, #tpu.memory_space<vmem>>) target_semaphore(%arg26 : memref<!tpu.dma_semaphore, #tpu.memory_space<semaphore_mem>>) {priority = 1 : i32}
    %dma_wait3A_1651 = arith.constant 4608 : i32
    %dma_wait3A_1652 = arith.constant 0 : i32
    %dma_wait3A_1653 = tpu.memref_slice %arg1[%dma_wait3A_1651, %dma_wait3A_1652] : memref<8192x3000xf32, #tpu.memory_space<any>> -> memref<64x3000xf32, #tpu.memory_space<any>>
    tpu.wait_dma2 semaphore(%arg19 : memref<!tpu.dma_semaphore, #tpu.memory_space<semaphore_mem>>) src(%dma_wait3A_1653 : memref<64x3000xf32, #tpu.memory_space<any>>) dst(%arg3 : memref<64x3000xf32, #tpu.memory_space<vmem>>)
    %get3A_1654 = arith.constant 36 : index
    %get3A_1655 = arith.constant 0 : index
    %get3A_1656 = vector.load %arg0[%get3A_1654, %get3A_1655] : memref<64x3000xf32, #tpu.memory_space<vmem>>, vector<1x3000xf32>
    %dma_wait3A_1657 = arith.constant 4096 : i32
    %dma_wait3A_1658 = arith.constant 0 : i32
    %dma_wait3A_1659 = tpu.memref_slice %arg2[%dma_wait3A_1657, %dma_wait3A_1658] : memref<8192x3000xf32, #tpu.memory_space<any>> -> memref<64x3000xf32, #tpu.memory_space<any>>
    tpu.wait_dma2 semaphore(%arg27 : memref<!tpu.dma_semaphore, #tpu.memory_space<semaphore_mem>>) src(%arg11 : memref<64x3000xf32, #tpu.memory_space<vmem>>) dst(%dma_wait3A_1659 : memref<64x3000xf32, #tpu.memory_space<any>>)
    %get3A_1660 = arith.constant 0 : index
    %get3A_1661 = arith.constant 0 : index
    %get3A_1662 = vector.load %arg3[%get3A_1660, %get3A_1661] : memref<64x3000xf32, #tpu.memory_space<vmem>>, vector<64x3000xf32>
    %mul3A_1663 = vector.broadcast %get3A_1656 : vector<1x3000xf32> to vector<64x3000xf32>
    %mul3A_1664 = arith.mulf %get3A_1662, %mul3A_1663 : vector<64x3000xf32>
    %swap3A_1665 = arith.constant 0 : index
    %swap3A_1666 = arith.constant 0 : index
    %swap3A_1667 = vector.load %arg11[%swap3A_1665, %swap3A_1666] : memref<64x3000xf32, #tpu.memory_space<vmem>>, vector<64x3000xf32>
    tpu.vector_store %arg11[%swap3A_1665, %swap3A_1666], %mul3A_1664 {strides = array<i32>} : memref<64x3000xf32, #tpu.memory_space<vmem>>, vector<64x3000xf32>,
    %dma_start3A_1668 = arith.constant 4608 : i32
    %dma_start3A_1669 = arith.constant 0 : i32
    %dma_start3A_1670 = tpu.memref_slice %arg2[%dma_start3A_1668, %dma_start3A_1669] : memref<8192x3000xf32, #tpu.memory_space<any>> -> memref<64x3000xf32, #tpu.memory_space<any>>
    tpu.enqueue_dma source(%arg11 : memref<64x3000xf32, #tpu.memory_space<vmem>>) target(%dma_start3A_1670 : memref<64x3000xf32, #tpu.memory_space<any>>) target_semaphore(%arg27 : memref<!tpu.dma_semaphore, #tpu.memory_space<semaphore_mem>>)
    %dma_start3A_1671 = arith.constant 5120 : i32
    %dma_start3A_1672 = arith.constant 0 : i32
    %dma_start3A_1673 = tpu.memref_slice %arg1[%dma_start3A_1671, %dma_start3A_1672] : memref<8192x3000xf32, #tpu.memory_space<any>> -> memref<64x3000xf32, #tpu.memory_space<any>>
    tpu.enqueue_dma source(%dma_start3A_1673 : memref<64x3000xf32, #tpu.memory_space<any>>) target(%arg3 : memref<64x3000xf32, #tpu.memory_space<vmem>>) target_semaphore(%arg19 : memref<!tpu.dma_semaphore, #tpu.memory_space<semaphore_mem>>)
    %dma_wait3A_1674 = arith.constant 4672 : i32
    %dma_wait3A_1675 = arith.constant 0 : i32
    %dma_wait3A_1676 = tpu.memref_slice %arg1[%dma_wait3A_1674, %dma_wait3A_1675] : memref<8192x3000xf32, #tpu.memory_space<any>> -> memref<64x3000xf32, #tpu.memory_space<any>>
    tpu.wait_dma2 semaphore(%arg20 : memref<!tpu.dma_semaphore, #tpu.memory_space<semaphore_mem>>) src(%dma_wait3A_1676 : memref<64x3000xf32, #tpu.memory_space<any>>) dst(%arg4 : memref<64x3000xf32, #tpu.memory_space<vmem>>)
    %get3A_1677 = arith.constant 36 : index
    %get3A_1678 = arith.constant 0 : index
    %get3A_1679 = vector.load %arg0[%get3A_1677, %get3A_1678] : memref<64x3000xf32, #tpu.memory_space<vmem>>, vector<1x3000xf32>
    %dma_wait3A_1680 = arith.constant 4160 : i32
    %dma_wait3A_1681 = arith.constant 0 : i32
    %dma_wait3A_1682 = tpu.memref_slice %arg2[%dma_wait3A_1680, %dma_wait3A_1681] : memref<8192x3000xf32, #tpu.memory_space<any>> -> memref<64x3000xf32, #tpu.memory_space<any>>
    tpu.wait_dma2 semaphore(%arg28 : memref<!tpu.dma_semaphore, #tpu.memory_space<semaphore_mem>>) src(%arg12 : memref<64x3000xf32, #tpu.memory_space<vmem>>) dst(%dma_wait3A_1682 : memref<64x3000xf32, #tpu.memory_space<any>>)
    %get3A_1683 = arith.constant 0 : index
    %get3A_1684 = arith.constant 0 : index
    %get3A_1685 = vector.load %arg4[%get3A_1683, %get3A_1684] : memref<64x3000xf32, #tpu.memory_space<vmem>>, vector<64x3000xf32>
    %mul3A_1686 = vector.broadcast %get3A_1679 : vector<1x3000xf32> to vector<64x3000xf32>
    %mul3A_1687 = arith.mulf %get3A_1685, %mul3A_1686 : vector<64x3000xf32>
    %swap3A_1688 = arith.constant 0 : index
    %swap3A_1689 = arith.constant 0 : index
    %swap3A_1690 = vector.load %arg12[%swap3A_1688, %swap3A_1689] : memref<64x3000xf32, #tpu.memory_space<vmem>>, vector<64x3000xf32>
    tpu.vector_store %arg12[%swap3A_1688, %swap3A_1689], %mul3A_1687 {strides = array<i32>} : memref<64x3000xf32, #tpu.memory_space<vmem>>, vector<64x3000xf32>,
    %dma_start3A_1691 = arith.constant 4672 : i32
    %dma_start3A_1692 = arith.constant 0 : i32
    %dma_start3A_1693 = tpu.memref_slice %arg2[%dma_start3A_1691, %dma_start3A_1692] : memref<8192x3000xf32, #tpu.memory_space<any>> -> memref<64x3000xf32, #tpu.memory_space<any>>
    tpu.enqueue_dma source(%arg12 : memref<64x3000xf32, #tpu.memory_space<vmem>>) target(%dma_start3A_1693 : memref<64x3000xf32, #tpu.memory_space<any>>) target_semaphore(%arg28 : memref<!tpu.dma_semaphore, #tpu.memory_space<semaphore_mem>>) {priority = 1 : i32}
    %dma_start3A_1694 = arith.constant 5184 : i32
    %dma_start3A_1695 = arith.constant 0 : i32
    %dma_start3A_1696 = tpu.memref_slice %arg1[%dma_start3A_1694, %dma_start3A_1695] : memref<8192x3000xf32, #tpu.memory_space<any>> -> memref<64x3000xf32, #tpu.memory_space<any>>
    tpu.enqueue_dma source(%dma_start3A_1696 : memref<64x3000xf32, #tpu.memory_space<any>>) target(%arg4 : memref<64x3000xf32, #tpu.memory_space<vmem>>) target_semaphore(%arg20 : memref<!tpu.dma_semaphore, #tpu.memory_space<semaphore_mem>>) {priority = 1 : i32}
    %dma_wait3A_1697 = arith.constant 4736 : i32
    %dma_wait3A_1698 = arith.constant 0 : i32
    %dma_wait3A_1699 = tpu.memref_slice %arg1[%dma_wait3A_1697, %dma_wait3A_1698] : memref<8192x3000xf32, #tpu.memory_space<any>> -> memref<64x3000xf32, #tpu.memory_space<any>>
    tpu.wait_dma2 semaphore(%arg21 : memref<!tpu.dma_semaphore, #tpu.memory_space<semaphore_mem>>) src(%dma_wait3A_1699 : memref<64x3000xf32, #tpu.memory_space<any>>) dst(%arg5 : memref<64x3000xf32, #tpu.memory_space<vmem>>)
    %get3A_1700 = arith.constant 37 : index
    %get3A_1701 = arith.constant 0 : index
    %get3A_1702 = vector.load %arg0[%get3A_1700, %get3A_1701] : memref<64x3000xf32, #tpu.memory_space<vmem>>, vector<1x3000xf32>
    %dma_wait3A_1703 = arith.constant 4224 : i32
    %dma_wait3A_1704 = arith.constant 0 : i32
    %dma_wait3A_1705 = tpu.memref_slice %arg2[%dma_wait3A_1703, %dma_wait3A_1704] : memref<8192x3000xf32, #tpu.memory_space<any>> -> memref<64x3000xf32, #tpu.memory_space<any>>
    tpu.wait_dma2 semaphore(%arg29 : memref<!tpu.dma_semaphore, #tpu.memory_space<semaphore_mem>>) src(%arg13 : memref<64x3000xf32, #tpu.memory_space<vmem>>) dst(%dma_wait3A_1705 : memref<64x3000xf32, #tpu.memory_space<any>>)
    %get3A_1706 = arith.constant 0 : index
    %get3A_1707 = arith.constant 0 : index
    %get3A_1708 = vector.load %arg5[%get3A_1706, %get3A_1707] : memref<64x3000xf32, #tpu.memory_space<vmem>>, vector<64x3000xf32>
    %mul3A_1709 = vector.broadcast %get3A_1702 : vector<1x3000xf32> to vector<64x3000xf32>
    %mul3A_1710 = arith.mulf %get3A_1708, %mul3A_1709 : vector<64x3000xf32>
    %swap3A_1711 = arith.constant 0 : index
    %swap3A_1712 = arith.constant 0 : index
    %swap3A_1713 = vector.load %arg13[%swap3A_1711, %swap3A_1712] : memref<64x3000xf32, #tpu.memory_space<vmem>>, vector<64x3000xf32>
    tpu.vector_store %arg13[%swap3A_1711, %swap3A_1712], %mul3A_1710 {strides = array<i32>} : memref<64x3000xf32, #tpu.memory_space<vmem>>, vector<64x3000xf32>,
    %dma_start3A_1714 = arith.constant 4736 : i32
    %dma_start3A_1715 = arith.constant 0 : i32
    %dma_start3A_1716 = tpu.memref_slice %arg2[%dma_start3A_1714, %dma_start3A_1715] : memref<8192x3000xf32, #tpu.memory_space<any>> -> memref<64x3000xf32, #tpu.memory_space<any>>
    tpu.enqueue_dma source(%arg13 : memref<64x3000xf32, #tpu.memory_space<vmem>>) target(%dma_start3A_1716 : memref<64x3000xf32, #tpu.memory_space<any>>) target_semaphore(%arg29 : memref<!tpu.dma_semaphore, #tpu.memory_space<semaphore_mem>>)
    %dma_start3A_1717 = arith.constant 5248 : i32
    %dma_start3A_1718 = arith.constant 0 : i32
    %dma_start3A_1719 = tpu.memref_slice %arg1[%dma_start3A_1717, %dma_start3A_1718] : memref<8192x3000xf32, #tpu.memory_space<any>> -> memref<64x3000xf32, #tpu.memory_space<any>>
    tpu.enqueue_dma source(%dma_start3A_1719 : memref<64x3000xf32, #tpu.memory_space<any>>) target(%arg5 : memref<64x3000xf32, #tpu.memory_space<vmem>>) target_semaphore(%arg21 : memref<!tpu.dma_semaphore, #tpu.memory_space<semaphore_mem>>)
    %dma_wait3A_1720 = arith.constant 4800 : i32
    %dma_wait3A_1721 = arith.constant 0 : i32
    %dma_wait3A_1722 = tpu.memref_slice %arg1[%dma_wait3A_1720, %dma_wait3A_1721] : memref<8192x3000xf32, #tpu.memory_space<any>> -> memref<64x3000xf32, #tpu.memory_space<any>>
    tpu.wait_dma2 semaphore(%arg22 : memref<!tpu.dma_semaphore, #tpu.memory_space<semaphore_mem>>) src(%dma_wait3A_1722 : memref<64x3000xf32, #tpu.memory_space<any>>) dst(%arg6 : memref<64x3000xf32, #tpu.memory_space<vmem>>)
    %get3A_1723 = arith.constant 37 : index
    %get3A_1724 = arith.constant 0 : index
    %get3A_1725 = vector.load %arg0[%get3A_1723, %get3A_1724] : memref<64x3000xf32, #tpu.memory_space<vmem>>, vector<1x3000xf32>
    %dma_wait3A_1726 = arith.constant 4288 : i32
    %dma_wait3A_1727 = arith.constant 0 : i32
    %dma_wait3A_1728 = tpu.memref_slice %arg2[%dma_wait3A_1726, %dma_wait3A_1727] : memref<8192x3000xf32, #tpu.memory_space<any>> -> memref<64x3000xf32, #tpu.memory_space<any>>
    tpu.wait_dma2 semaphore(%arg30 : memref<!tpu.dma_semaphore, #tpu.memory_space<semaphore_mem>>) src(%arg14 : memref<64x3000xf32, #tpu.memory_space<vmem>>) dst(%dma_wait3A_1728 : memref<64x3000xf32, #tpu.memory_space<any>>)
    %get3A_1729 = arith.constant 0 : index
    %get3A_1730 = arith.constant 0 : index
    %get3A_1731 = vector.load %arg6[%get3A_1729, %get3A_1730] : memref<64x3000xf32, #tpu.memory_space<vmem>>, vector<64x3000xf32>
    %mul3A_1732 = vector.broadcast %get3A_1725 : vector<1x3000xf32> to vector<64x3000xf32>
    %mul3A_1733 = arith.mulf %get3A_1731, %mul3A_1732 : vector<64x3000xf32>
    %swap3A_1734 = arith.constant 0 : index
    %swap3A_1735 = arith.constant 0 : index
    %swap3A_1736 = vector.load %arg14[%swap3A_1734, %swap3A_1735] : memref<64x3000xf32, #tpu.memory_space<vmem>>, vector<64x3000xf32>
    tpu.vector_store %arg14[%swap3A_1734, %swap3A_1735], %mul3A_1733 {strides = array<i32>} : memref<64x3000xf32, #tpu.memory_space<vmem>>, vector<64x3000xf32>,
    %dma_start3A_1737 = arith.constant 4800 : i32
    %dma_start3A_1738 = arith.constant 0 : i32
    %dma_start3A_1739 = tpu.memref_slice %arg2[%dma_start3A_1737, %dma_start3A_1738] : memref<8192x3000xf32, #tpu.memory_space<any>> -> memref<64x3000xf32, #tpu.memory_space<any>>
    tpu.enqueue_dma source(%arg14 : memref<64x3000xf32, #tpu.memory_space<vmem>>) target(%dma_start3A_1739 : memref<64x3000xf32, #tpu.memory_space<any>>) target_semaphore(%arg30 : memref<!tpu.dma_semaphore, #tpu.memory_space<semaphore_mem>>) {priority = 1 : i32}
    %dma_start3A_1740 = arith.constant 5312 : i32
    %dma_start3A_1741 = arith.constant 0 : i32
    %dma_start3A_1742 = tpu.memref_slice %arg1[%dma_start3A_1740, %dma_start3A_1741] : memref<8192x3000xf32, #tpu.memory_space<any>> -> memref<64x3000xf32, #tpu.memory_space<any>>
    tpu.enqueue_dma source(%dma_start3A_1742 : memref<64x3000xf32, #tpu.memory_space<any>>) target(%arg6 : memref<64x3000xf32, #tpu.memory_space<vmem>>) target_semaphore(%arg22 : memref<!tpu.dma_semaphore, #tpu.memory_space<semaphore_mem>>) {priority = 1 : i32}
    %dma_wait3A_1743 = arith.constant 4864 : i32
    %dma_wait3A_1744 = arith.constant 0 : i32
    %dma_wait3A_1745 = tpu.memref_slice %arg1[%dma_wait3A_1743, %dma_wait3A_1744] : memref<8192x3000xf32, #tpu.memory_space<any>> -> memref<64x3000xf32, #tpu.memory_space<any>>
    tpu.wait_dma2 semaphore(%arg23 : memref<!tpu.dma_semaphore, #tpu.memory_space<semaphore_mem>>) src(%dma_wait3A_1745 : memref<64x3000xf32, #tpu.memory_space<any>>) dst(%arg7 : memref<64x3000xf32, #tpu.memory_space<vmem>>)
    %get3A_1746 = arith.constant 38 : index
    %get3A_1747 = arith.constant 0 : index
    %get3A_1748 = vector.load %arg0[%get3A_1746, %get3A_1747] : memref<64x3000xf32, #tpu.memory_space<vmem>>, vector<1x3000xf32>
    %dma_wait3A_1749 = arith.constant 4352 : i32
    %dma_wait3A_1750 = arith.constant 0 : i32
    %dma_wait3A_1751 = tpu.memref_slice %arg2[%dma_wait3A_1749, %dma_wait3A_1750] : memref<8192x3000xf32, #tpu.memory_space<any>> -> memref<64x3000xf32, #tpu.memory_space<any>>
    tpu.wait_dma2 semaphore(%arg31 : memref<!tpu.dma_semaphore, #tpu.memory_space<semaphore_mem>>) src(%arg15 : memref<64x3000xf32, #tpu.memory_space<vmem>>) dst(%dma_wait3A_1751 : memref<64x3000xf32, #tpu.memory_space<any>>)
    %get3A_1752 = arith.constant 0 : index
    %get3A_1753 = arith.constant 0 : index
    %get3A_1754 = vector.load %arg7[%get3A_1752, %get3A_1753] : memref<64x3000xf32, #tpu.memory_space<vmem>>, vector<64x3000xf32>
    %mul3A_1755 = vector.broadcast %get3A_1748 : vector<1x3000xf32> to vector<64x3000xf32>
    %mul3A_1756 = arith.mulf %get3A_1754, %mul3A_1755 : vector<64x3000xf32>
    %swap3A_1757 = arith.constant 0 : index
    %swap3A_1758 = arith.constant 0 : index
    %swap3A_1759 = vector.load %arg15[%swap3A_1757, %swap3A_1758] : memref<64x3000xf32, #tpu.memory_space<vmem>>, vector<64x3000xf32>
    tpu.vector_store %arg15[%swap3A_1757, %swap3A_1758], %mul3A_1756 {strides = array<i32>} : memref<64x3000xf32, #tpu.memory_space<vmem>>, vector<64x3000xf32>,
    %dma_start3A_1760 = arith.constant 4864 : i32
    %dma_start3A_1761 = arith.constant 0 : i32
    %dma_start3A_1762 = tpu.memref_slice %arg2[%dma_start3A_1760, %dma_start3A_1761] : memref<8192x3000xf32, #tpu.memory_space<any>> -> memref<64x3000xf32, #tpu.memory_space<any>>
    tpu.enqueue_dma source(%arg15 : memref<64x3000xf32, #tpu.memory_space<vmem>>) target(%dma_start3A_1762 : memref<64x3000xf32, #tpu.memory_space<any>>) target_semaphore(%arg31 : memref<!tpu.dma_semaphore, #tpu.memory_space<semaphore_mem>>)
    %dma_start3A_1763 = arith.constant 5376 : i32
    %dma_start3A_1764 = arith.constant 0 : i32
    %dma_start3A_1765 = tpu.memref_slice %arg1[%dma_start3A_1763, %dma_start3A_1764] : memref<8192x3000xf32, #tpu.memory_space<any>> -> memref<64x3000xf32, #tpu.memory_space<any>>
    tpu.enqueue_dma source(%dma_start3A_1765 : memref<64x3000xf32, #tpu.memory_space<any>>) target(%arg7 : memref<64x3000xf32, #tpu.memory_space<vmem>>) target_semaphore(%arg23 : memref<!tpu.dma_semaphore, #tpu.memory_space<semaphore_mem>>)
    %dma_wait3A_1766 = arith.constant 4928 : i32
    %dma_wait3A_1767 = arith.constant 0 : i32
    %dma_wait3A_1768 = tpu.memref_slice %arg1[%dma_wait3A_1766, %dma_wait3A_1767] : memref<8192x3000xf32, #tpu.memory_space<any>> -> memref<64x3000xf32, #tpu.memory_space<any>>
    tpu.wait_dma2 semaphore(%arg24 : memref<!tpu.dma_semaphore, #tpu.memory_space<semaphore_mem>>) src(%dma_wait3A_1768 : memref<64x3000xf32, #tpu.memory_space<any>>) dst(%arg8 : memref<64x3000xf32, #tpu.memory_space<vmem>>)
    %get3A_1769 = arith.constant 38 : index
    %get3A_1770 = arith.constant 0 : index
    %get3A_1771 = vector.load %arg0[%get3A_1769, %get3A_1770] : memref<64x3000xf32, #tpu.memory_space<vmem>>, vector<1x3000xf32>
    %dma_wait3A_1772 = arith.constant 4416 : i32
    %dma_wait3A_1773 = arith.constant 0 : i32
    %dma_wait3A_1774 = tpu.memref_slice %arg2[%dma_wait3A_1772, %dma_wait3A_1773] : memref<8192x3000xf32, #tpu.memory_space<any>> -> memref<64x3000xf32, #tpu.memory_space<any>>
    tpu.wait_dma2 semaphore(%arg32 : memref<!tpu.dma_semaphore, #tpu.memory_space<semaphore_mem>>) src(%arg16 : memref<64x3000xf32, #tpu.memory_space<vmem>>) dst(%dma_wait3A_1774 : memref<64x3000xf32, #tpu.memory_space<any>>)
    %get3A_1775 = arith.constant 0 : index
    %get3A_1776 = arith.constant 0 : index
    %get3A_1777 = vector.load %arg8[%get3A_1775, %get3A_1776] : memref<64x3000xf32, #tpu.memory_space<vmem>>, vector<64x3000xf32>
    %mul3A_1778 = vector.broadcast %get3A_1771 : vector<1x3000xf32> to vector<64x3000xf32>
    %mul3A_1779 = arith.mulf %get3A_1777, %mul3A_1778 : vector<64x3000xf32>
    %swap3A_1780 = arith.constant 0 : index
    %swap3A_1781 = arith.constant 0 : index
    %swap3A_1782 = vector.load %arg16[%swap3A_1780, %swap3A_1781] : memref<64x3000xf32, #tpu.memory_space<vmem>>, vector<64x3000xf32>
    tpu.vector_store %arg16[%swap3A_1780, %swap3A_1781], %mul3A_1779 {strides = array<i32>} : memref<64x3000xf32, #tpu.memory_space<vmem>>, vector<64x3000xf32>,
    %dma_start3A_1783 = arith.constant 4928 : i32
    %dma_start3A_1784 = arith.constant 0 : i32
    %dma_start3A_1785 = tpu.memref_slice %arg2[%dma_start3A_1783, %dma_start3A_1784] : memref<8192x3000xf32, #tpu.memory_space<any>> -> memref<64x3000xf32, #tpu.memory_space<any>>
    tpu.enqueue_dma source(%arg16 : memref<64x3000xf32, #tpu.memory_space<vmem>>) target(%dma_start3A_1785 : memref<64x3000xf32, #tpu.memory_space<any>>) target_semaphore(%arg32 : memref<!tpu.dma_semaphore, #tpu.memory_space<semaphore_mem>>) {priority = 1 : i32}
    %dma_start3A_1786 = arith.constant 5440 : i32
    %dma_start3A_1787 = arith.constant 0 : i32
    %dma_start3A_1788 = tpu.memref_slice %arg1[%dma_start3A_1786, %dma_start3A_1787] : memref<8192x3000xf32, #tpu.memory_space<any>> -> memref<64x3000xf32, #tpu.memory_space<any>>
    tpu.enqueue_dma source(%dma_start3A_1788 : memref<64x3000xf32, #tpu.memory_space<any>>) target(%arg8 : memref<64x3000xf32, #tpu.memory_space<vmem>>) target_semaphore(%arg24 : memref<!tpu.dma_semaphore, #tpu.memory_space<semaphore_mem>>) {priority = 1 : i32}
    %dma_wait3A_1789 = arith.constant 4992 : i32
    %dma_wait3A_1790 = arith.constant 0 : i32
    %dma_wait3A_1791 = tpu.memref_slice %arg1[%dma_wait3A_1789, %dma_wait3A_1790] : memref<8192x3000xf32, #tpu.memory_space<any>> -> memref<64x3000xf32, #tpu.memory_space<any>>
    tpu.wait_dma2 semaphore(%arg25 : memref<!tpu.dma_semaphore, #tpu.memory_space<semaphore_mem>>) src(%dma_wait3A_1791 : memref<64x3000xf32, #tpu.memory_space<any>>) dst(%arg9 : memref<64x3000xf32, #tpu.memory_space<vmem>>)
    %get3A_1792 = arith.constant 39 : index
    %get3A_1793 = arith.constant 0 : index
    %get3A_1794 = vector.load %arg0[%get3A_1792, %get3A_1793] : memref<64x3000xf32, #tpu.memory_space<vmem>>, vector<1x3000xf32>
    %dma_wait3A_1795 = arith.constant 4480 : i32
    %dma_wait3A_1796 = arith.constant 0 : i32
    %dma_wait3A_1797 = tpu.memref_slice %arg2[%dma_wait3A_1795, %dma_wait3A_1796] : memref<8192x3000xf32, #tpu.memory_space<any>> -> memref<64x3000xf32, #tpu.memory_space<any>>
    tpu.wait_dma2 semaphore(%arg33 : memref<!tpu.dma_semaphore, #tpu.memory_space<semaphore_mem>>) src(%arg17 : memref<64x3000xf32, #tpu.memory_space<vmem>>) dst(%dma_wait3A_1797 : memref<64x3000xf32, #tpu.memory_space<any>>)
    %get3A_1798 = arith.constant 0 : index
    %get3A_1799 = arith.constant 0 : index
    %get3A_1800 = vector.load %arg9[%get3A_1798, %get3A_1799] : memref<64x3000xf32, #tpu.memory_space<vmem>>, vector<64x3000xf32>
    %mul3A_1801 = vector.broadcast %get3A_1794 : vector<1x3000xf32> to vector<64x3000xf32>
    %mul3A_1802 = arith.mulf %get3A_1800, %mul3A_1801 : vector<64x3000xf32>
    %swap3A_1803 = arith.constant 0 : index
    %swap3A_1804 = arith.constant 0 : index
    %swap3A_1805 = vector.load %arg17[%swap3A_1803, %swap3A_1804] : memref<64x3000xf32, #tpu.memory_space<vmem>>, vector<64x3000xf32>
    tpu.vector_store %arg17[%swap3A_1803, %swap3A_1804], %mul3A_1802 {strides = array<i32>} : memref<64x3000xf32, #tpu.memory_space<vmem>>, vector<64x3000xf32>,
    %dma_start3A_1806 = arith.constant 4992 : i32
    %dma_start3A_1807 = arith.constant 0 : i32
    %dma_start3A_1808 = tpu.memref_slice %arg2[%dma_start3A_1806, %dma_start3A_1807] : memref<8192x3000xf32, #tpu.memory_space<any>> -> memref<64x3000xf32, #tpu.memory_space<any>>
    tpu.enqueue_dma source(%arg17 : memref<64x3000xf32, #tpu.memory_space<vmem>>) target(%dma_start3A_1808 : memref<64x3000xf32, #tpu.memory_space<any>>) target_semaphore(%arg33 : memref<!tpu.dma_semaphore, #tpu.memory_space<semaphore_mem>>)
    %dma_start3A_1809 = arith.constant 5504 : i32
    %dma_start3A_1810 = arith.constant 0 : i32
    %dma_start3A_1811 = tpu.memref_slice %arg1[%dma_start3A_1809, %dma_start3A_1810] : memref<8192x3000xf32, #tpu.memory_space<any>> -> memref<64x3000xf32, #tpu.memory_space<any>>
    tpu.enqueue_dma source(%dma_start3A_1811 : memref<64x3000xf32, #tpu.memory_space<any>>) target(%arg9 : memref<64x3000xf32, #tpu.memory_space<vmem>>) target_semaphore(%arg25 : memref<!tpu.dma_semaphore, #tpu.memory_space<semaphore_mem>>)
    %dma_wait3A_1812 = arith.constant 5056 : i32
    %dma_wait3A_1813 = arith.constant 0 : i32
    %dma_wait3A_1814 = tpu.memref_slice %arg1[%dma_wait3A_1812, %dma_wait3A_1813] : memref<8192x3000xf32, #tpu.memory_space<any>> -> memref<64x3000xf32, #tpu.memory_space<any>>
    tpu.wait_dma2 semaphore(%arg26 : memref<!tpu.dma_semaphore, #tpu.memory_space<semaphore_mem>>) src(%dma_wait3A_1814 : memref<64x3000xf32, #tpu.memory_space<any>>) dst(%arg10 : memref<64x3000xf32, #tpu.memory_space<vmem>>)
    %get3A_1815 = arith.constant 39 : index
    %get3A_1816 = arith.constant 0 : index
    %get3A_1817 = vector.load %arg0[%get3A_1815, %get3A_1816] : memref<64x3000xf32, #tpu.memory_space<vmem>>, vector<1x3000xf32>
    %dma_wait3A_1818 = arith.constant 4544 : i32
    %dma_wait3A_1819 = arith.constant 0 : i32
    %dma_wait3A_1820 = tpu.memref_slice %arg2[%dma_wait3A_1818, %dma_wait3A_1819] : memref<8192x3000xf32, #tpu.memory_space<any>> -> memref<64x3000xf32, #tpu.memory_space<any>>
    tpu.wait_dma2 semaphore(%arg34 : memref<!tpu.dma_semaphore, #tpu.memory_space<semaphore_mem>>) src(%arg18 : memref<64x3000xf32, #tpu.memory_space<vmem>>) dst(%dma_wait3A_1820 : memref<64x3000xf32, #tpu.memory_space<any>>)
    %get3A_1821 = arith.constant 0 : index
    %get3A_1822 = arith.constant 0 : index
    %get3A_1823 = vector.load %arg10[%get3A_1821, %get3A_1822] : memref<64x3000xf32, #tpu.memory_space<vmem>>, vector<64x3000xf32>
    %mul3A_1824 = vector.broadcast %get3A_1817 : vector<1x3000xf32> to vector<64x3000xf32>
    %mul3A_1825 = arith.mulf %get3A_1823, %mul3A_1824 : vector<64x3000xf32>
    %swap3A_1826 = arith.constant 0 : index
    %swap3A_1827 = arith.constant 0 : index
    %swap3A_1828 = vector.load %arg18[%swap3A_1826, %swap3A_1827] : memref<64x3000xf32, #tpu.memory_space<vmem>>, vector<64x3000xf32>
    tpu.vector_store %arg18[%swap3A_1826, %swap3A_1827], %mul3A_1825 {strides = array<i32>} : memref<64x3000xf32, #tpu.memory_space<vmem>>, vector<64x3000xf32>,
    %dma_start3A_1829 = arith.constant 5056 : i32
    %dma_start3A_1830 = arith.constant 0 : i32
    %dma_start3A_1831 = tpu.memref_slice %arg2[%dma_start3A_1829, %dma_start3A_1830] : memref<8192x3000xf32, #tpu.memory_space<any>> -> memref<64x3000xf32, #tpu.memory_space<any>>
    tpu.enqueue_dma source(%arg18 : memref<64x3000xf32, #tpu.memory_space<vmem>>) target(%dma_start3A_1831 : memref<64x3000xf32, #tpu.memory_space<any>>) target_semaphore(%arg34 : memref<!tpu.dma_semaphore, #tpu.memory_space<semaphore_mem>>) {priority = 1 : i32}
    %dma_start3A_1832 = arith.constant 5568 : i32
    %dma_start3A_1833 = arith.constant 0 : i32
    %dma_start3A_1834 = tpu.memref_slice %arg1[%dma_start3A_1832, %dma_start3A_1833] : memref<8192x3000xf32, #tpu.memory_space<any>> -> memref<64x3000xf32, #tpu.memory_space<any>>
    tpu.enqueue_dma source(%dma_start3A_1834 : memref<64x3000xf32, #tpu.memory_space<any>>) target(%arg10 : memref<64x3000xf32, #tpu.memory_space<vmem>>) target_semaphore(%arg26 : memref<!tpu.dma_semaphore, #tpu.memory_space<semaphore_mem>>) {priority = 1 : i32}
    %dma_wait3A_1835 = arith.constant 5120 : i32
    %dma_wait3A_1836 = arith.constant 0 : i32
    %dma_wait3A_1837 = tpu.memref_slice %arg1[%dma_wait3A_1835, %dma_wait3A_1836] : memref<8192x3000xf32, #tpu.memory_space<any>> -> memref<64x3000xf32, #tpu.memory_space<any>>
    tpu.wait_dma2 semaphore(%arg19 : memref<!tpu.dma_semaphore, #tpu.memory_space<semaphore_mem>>) src(%dma_wait3A_1837 : memref<64x3000xf32, #tpu.memory_space<any>>) dst(%arg3 : memref<64x3000xf32, #tpu.memory_space<vmem>>)
    %get3A_1838 = arith.constant 40 : index
    %get3A_1839 = arith.constant 0 : index
    %get3A_1840 = vector.load %arg0[%get3A_1838, %get3A_1839] : memref<64x3000xf32, #tpu.memory_space<vmem>>, vector<1x3000xf32>
    %dma_wait3A_1841 = arith.constant 4608 : i32
    %dma_wait3A_1842 = arith.constant 0 : i32
    %dma_wait3A_1843 = tpu.memref_slice %arg2[%dma_wait3A_1841, %dma_wait3A_1842] : memref<8192x3000xf32, #tpu.memory_space<any>> -> memref<64x3000xf32, #tpu.memory_space<any>>
    tpu.wait_dma2 semaphore(%arg27 : memref<!tpu.dma_semaphore, #tpu.memory_space<semaphore_mem>>) src(%arg11 : memref<64x3000xf32, #tpu.memory_space<vmem>>) dst(%dma_wait3A_1843 : memref<64x3000xf32, #tpu.memory_space<any>>)
    %get3A_1844 = arith.constant 0 : index
    %get3A_1845 = arith.constant 0 : index
    %get3A_1846 = vector.load %arg3[%get3A_1844, %get3A_1845] : memref<64x3000xf32, #tpu.memory_space<vmem>>, vector<64x3000xf32>
    %mul3A_1847 = vector.broadcast %get3A_1840 : vector<1x3000xf32> to vector<64x3000xf32>
    %mul3A_1848 = arith.mulf %get3A_1846, %mul3A_1847 : vector<64x3000xf32>
    %swap3A_1849 = arith.constant 0 : index
    %swap3A_1850 = arith.constant 0 : index
    %swap3A_1851 = vector.load %arg11[%swap3A_1849, %swap3A_1850] : memref<64x3000xf32, #tpu.memory_space<vmem>>, vector<64x3000xf32>
    tpu.vector_store %arg11[%swap3A_1849, %swap3A_1850], %mul3A_1848 {strides = array<i32>} : memref<64x3000xf32, #tpu.memory_space<vmem>>, vector<64x3000xf32>,
    %dma_start3A_1852 = arith.constant 5120 : i32
    %dma_start3A_1853 = arith.constant 0 : i32
    %dma_start3A_1854 = tpu.memref_slice %arg2[%dma_start3A_1852, %dma_start3A_1853] : memref<8192x3000xf32, #tpu.memory_space<any>> -> memref<64x3000xf32, #tpu.memory_space<any>>
    tpu.enqueue_dma source(%arg11 : memref<64x3000xf32, #tpu.memory_space<vmem>>) target(%dma_start3A_1854 : memref<64x3000xf32, #tpu.memory_space<any>>) target_semaphore(%arg27 : memref<!tpu.dma_semaphore, #tpu.memory_space<semaphore_mem>>)
    %dma_start3A_1855 = arith.constant 5632 : i32
    %dma_start3A_1856 = arith.constant 0 : i32
    %dma_start3A_1857 = tpu.memref_slice %arg1[%dma_start3A_1855, %dma_start3A_1856] : memref<8192x3000xf32, #tpu.memory_space<any>> -> memref<64x3000xf32, #tpu.memory_space<any>>
    tpu.enqueue_dma source(%dma_start3A_1857 : memref<64x3000xf32, #tpu.memory_space<any>>) target(%arg3 : memref<64x3000xf32, #tpu.memory_space<vmem>>) target_semaphore(%arg19 : memref<!tpu.dma_semaphore, #tpu.memory_space<semaphore_mem>>)
    %dma_wait3A_1858 = arith.constant 5184 : i32
    %dma_wait3A_1859 = arith.constant 0 : i32
    %dma_wait3A_1860 = tpu.memref_slice %arg1[%dma_wait3A_1858, %dma_wait3A_1859] : memref<8192x3000xf32, #tpu.memory_space<any>> -> memref<64x3000xf32, #tpu.memory_space<any>>
    tpu.wait_dma2 semaphore(%arg20 : memref<!tpu.dma_semaphore, #tpu.memory_space<semaphore_mem>>) src(%dma_wait3A_1860 : memref<64x3000xf32, #tpu.memory_space<any>>) dst(%arg4 : memref<64x3000xf32, #tpu.memory_space<vmem>>)
    %get3A_1861 = arith.constant 40 : index
    %get3A_1862 = arith.constant 0 : index
    %get3A_1863 = vector.load %arg0[%get3A_1861, %get3A_1862] : memref<64x3000xf32, #tpu.memory_space<vmem>>, vector<1x3000xf32>
    %dma_wait3A_1864 = arith.constant 4672 : i32
    %dma_wait3A_1865 = arith.constant 0 : i32
    %dma_wait3A_1866 = tpu.memref_slice %arg2[%dma_wait3A_1864, %dma_wait3A_1865] : memref<8192x3000xf32, #tpu.memory_space<any>> -> memref<64x3000xf32, #tpu.memory_space<any>>
    tpu.wait_dma2 semaphore(%arg28 : memref<!tpu.dma_semaphore, #tpu.memory_space<semaphore_mem>>) src(%arg12 : memref<64x3000xf32, #tpu.memory_space<vmem>>) dst(%dma_wait3A_1866 : memref<64x3000xf32, #tpu.memory_space<any>>)
    %get3A_1867 = arith.constant 0 : index
    %get3A_1868 = arith.constant 0 : index
    %get3A_1869 = vector.load %arg4[%get3A_1867, %get3A_1868] : memref<64x3000xf32, #tpu.memory_space<vmem>>, vector<64x3000xf32>
    %mul3A_1870 = vector.broadcast %get3A_1863 : vector<1x3000xf32> to vector<64x3000xf32>
    %mul3A_1871 = arith.mulf %get3A_1869, %mul3A_1870 : vector<64x3000xf32>
    %swap3A_1872 = arith.constant 0 : index
    %swap3A_1873 = arith.constant 0 : index
    %swap3A_1874 = vector.load %arg12[%swap3A_1872, %swap3A_1873] : memref<64x3000xf32, #tpu.memory_space<vmem>>, vector<64x3000xf32>
    tpu.vector_store %arg12[%swap3A_1872, %swap3A_1873], %mul3A_1871 {strides = array<i32>} : memref<64x3000xf32, #tpu.memory_space<vmem>>, vector<64x3000xf32>,
    %dma_start3A_1875 = arith.constant 5184 : i32
    %dma_start3A_1876 = arith.constant 0 : i32
    %dma_start3A_1877 = tpu.memref_slice %arg2[%dma_start3A_1875, %dma_start3A_1876] : memref<8192x3000xf32, #tpu.memory_space<any>> -> memref<64x3000xf32, #tpu.memory_space<any>>
    tpu.enqueue_dma source(%arg12 : memref<64x3000xf32, #tpu.memory_space<vmem>>) target(%dma_start3A_1877 : memref<64x3000xf32, #tpu.memory_space<any>>) target_semaphore(%arg28 : memref<!tpu.dma_semaphore, #tpu.memory_space<semaphore_mem>>) {priority = 1 : i32}
    %dma_start3A_1878 = arith.constant 5696 : i32
    %dma_start3A_1879 = arith.constant 0 : i32
    %dma_start3A_1880 = tpu.memref_slice %arg1[%dma_start3A_1878, %dma_start3A_1879] : memref<8192x3000xf32, #tpu.memory_space<any>> -> memref<64x3000xf32, #tpu.memory_space<any>>
    tpu.enqueue_dma source(%dma_start3A_1880 : memref<64x3000xf32, #tpu.memory_space<any>>) target(%arg4 : memref<64x3000xf32, #tpu.memory_space<vmem>>) target_semaphore(%arg20 : memref<!tpu.dma_semaphore, #tpu.memory_space<semaphore_mem>>) {priority = 1 : i32}
    %dma_wait3A_1881 = arith.constant 5248 : i32
    %dma_wait3A_1882 = arith.constant 0 : i32
    %dma_wait3A_1883 = tpu.memref_slice %arg1[%dma_wait3A_1881, %dma_wait3A_1882] : memref<8192x3000xf32, #tpu.memory_space<any>> -> memref<64x3000xf32, #tpu.memory_space<any>>
    tpu.wait_dma2 semaphore(%arg21 : memref<!tpu.dma_semaphore, #tpu.memory_space<semaphore_mem>>) src(%dma_wait3A_1883 : memref<64x3000xf32, #tpu.memory_space<any>>) dst(%arg5 : memref<64x3000xf32, #tpu.memory_space<vmem>>)
    %get3A_1884 = arith.constant 41 : index
    %get3A_1885 = arith.constant 0 : index
    %get3A_1886 = vector.load %arg0[%get3A_1884, %get3A_1885] : memref<64x3000xf32, #tpu.memory_space<vmem>>, vector<1x3000xf32>
    %dma_wait3A_1887 = arith.constant 4736 : i32
    %dma_wait3A_1888 = arith.constant 0 : i32
    %dma_wait3A_1889 = tpu.memref_slice %arg2[%dma_wait3A_1887, %dma_wait3A_1888] : memref<8192x3000xf32, #tpu.memory_space<any>> -> memref<64x3000xf32, #tpu.memory_space<any>>
    tpu.wait_dma2 semaphore(%arg29 : memref<!tpu.dma_semaphore, #tpu.memory_space<semaphore_mem>>) src(%arg13 : memref<64x3000xf32, #tpu.memory_space<vmem>>) dst(%dma_wait3A_1889 : memref<64x3000xf32, #tpu.memory_space<any>>)
    %get3A_1890 = arith.constant 0 : index
    %get3A_1891 = arith.constant 0 : index
    %get3A_1892 = vector.load %arg5[%get3A_1890, %get3A_1891] : memref<64x3000xf32, #tpu.memory_space<vmem>>, vector<64x3000xf32>
    %mul3A_1893 = vector.broadcast %get3A_1886 : vector<1x3000xf32> to vector<64x3000xf32>
    %mul3A_1894 = arith.mulf %get3A_1892, %mul3A_1893 : vector<64x3000xf32>
    %swap3A_1895 = arith.constant 0 : index
    %swap3A_1896 = arith.constant 0 : index
    %swap3A_1897 = vector.load %arg13[%swap3A_1895, %swap3A_1896] : memref<64x3000xf32, #tpu.memory_space<vmem>>, vector<64x3000xf32>
    tpu.vector_store %arg13[%swap3A_1895, %swap3A_1896], %mul3A_1894 {strides = array<i32>} : memref<64x3000xf32, #tpu.memory_space<vmem>>, vector<64x3000xf32>,
    %dma_start3A_1898 = arith.constant 5248 : i32
    %dma_start3A_1899 = arith.constant 0 : i32
    %dma_start3A_1900 = tpu.memref_slice %arg2[%dma_start3A_1898, %dma_start3A_1899] : memref<8192x3000xf32, #tpu.memory_space<any>> -> memref<64x3000xf32, #tpu.memory_space<any>>
    tpu.enqueue_dma source(%arg13 : memref<64x3000xf32, #tpu.memory_space<vmem>>) target(%dma_start3A_1900 : memref<64x3000xf32, #tpu.memory_space<any>>) target_semaphore(%arg29 : memref<!tpu.dma_semaphore, #tpu.memory_space<semaphore_mem>>)
    %dma_start3A_1901 = arith.constant 5760 : i32
    %dma_start3A_1902 = arith.constant 0 : i32
    %dma_start3A_1903 = tpu.memref_slice %arg1[%dma_start3A_1901, %dma_start3A_1902] : memref<8192x3000xf32, #tpu.memory_space<any>> -> memref<64x3000xf32, #tpu.memory_space<any>>
    tpu.enqueue_dma source(%dma_start3A_1903 : memref<64x3000xf32, #tpu.memory_space<any>>) target(%arg5 : memref<64x3000xf32, #tpu.memory_space<vmem>>) target_semaphore(%arg21 : memref<!tpu.dma_semaphore, #tpu.memory_space<semaphore_mem>>)
    %dma_wait3A_1904 = arith.constant 5312 : i32
    %dma_wait3A_1905 = arith.constant 0 : i32
    %dma_wait3A_1906 = tpu.memref_slice %arg1[%dma_wait3A_1904, %dma_wait3A_1905] : memref<8192x3000xf32, #tpu.memory_space<any>> -> memref<64x3000xf32, #tpu.memory_space<any>>
    tpu.wait_dma2 semaphore(%arg22 : memref<!tpu.dma_semaphore, #tpu.memory_space<semaphore_mem>>) src(%dma_wait3A_1906 : memref<64x3000xf32, #tpu.memory_space<any>>) dst(%arg6 : memref<64x3000xf32, #tpu.memory_space<vmem>>)
    %get3A_1907 = arith.constant 41 : index
    %get3A_1908 = arith.constant 0 : index
    %get3A_1909 = vector.load %arg0[%get3A_1907, %get3A_1908] : memref<64x3000xf32, #tpu.memory_space<vmem>>, vector<1x3000xf32>
    %dma_wait3A_1910 = arith.constant 4800 : i32
    %dma_wait3A_1911 = arith.constant 0 : i32
    %dma_wait3A_1912 = tpu.memref_slice %arg2[%dma_wait3A_1910, %dma_wait3A_1911] : memref<8192x3000xf32, #tpu.memory_space<any>> -> memref<64x3000xf32, #tpu.memory_space<any>>
    tpu.wait_dma2 semaphore(%arg30 : memref<!tpu.dma_semaphore, #tpu.memory_space<semaphore_mem>>) src(%arg14 : memref<64x3000xf32, #tpu.memory_space<vmem>>) dst(%dma_wait3A_1912 : memref<64x3000xf32, #tpu.memory_space<any>>)
    %get3A_1913 = arith.constant 0 : index
    %get3A_1914 = arith.constant 0 : index
    %get3A_1915 = vector.load %arg6[%get3A_1913, %get3A_1914] : memref<64x3000xf32, #tpu.memory_space<vmem>>, vector<64x3000xf32>
    %mul3A_1916 = vector.broadcast %get3A_1909 : vector<1x3000xf32> to vector<64x3000xf32>
    %mul3A_1917 = arith.mulf %get3A_1915, %mul3A_1916 : vector<64x3000xf32>
    %swap3A_1918 = arith.constant 0 : index
    %swap3A_1919 = arith.constant 0 : index
    %swap3A_1920 = vector.load %arg14[%swap3A_1918, %swap3A_1919] : memref<64x3000xf32, #tpu.memory_space<vmem>>, vector<64x3000xf32>
    tpu.vector_store %arg14[%swap3A_1918, %swap3A_1919], %mul3A_1917 {strides = array<i32>} : memref<64x3000xf32, #tpu.memory_space<vmem>>, vector<64x3000xf32>,
    %dma_start3A_1921 = arith.constant 5312 : i32
    %dma_start3A_1922 = arith.constant 0 : i32
    %dma_start3A_1923 = tpu.memref_slice %arg2[%dma_start3A_1921, %dma_start3A_1922] : memref<8192x3000xf32, #tpu.memory_space<any>> -> memref<64x3000xf32, #tpu.memory_space<any>>
    tpu.enqueue_dma source(%arg14 : memref<64x3000xf32, #tpu.memory_space<vmem>>) target(%dma_start3A_1923 : memref<64x3000xf32, #tpu.memory_space<any>>) target_semaphore(%arg30 : memref<!tpu.dma_semaphore, #tpu.memory_space<semaphore_mem>>) {priority = 1 : i32}
    %dma_start3A_1924 = arith.constant 5824 : i32
    %dma_start3A_1925 = arith.constant 0 : i32
    %dma_start3A_1926 = tpu.memref_slice %arg1[%dma_start3A_1924, %dma_start3A_1925] : memref<8192x3000xf32, #tpu.memory_space<any>> -> memref<64x3000xf32, #tpu.memory_space<any>>
    tpu.enqueue_dma source(%dma_start3A_1926 : memref<64x3000xf32, #tpu.memory_space<any>>) target(%arg6 : memref<64x3000xf32, #tpu.memory_space<vmem>>) target_semaphore(%arg22 : memref<!tpu.dma_semaphore, #tpu.memory_space<semaphore_mem>>) {priority = 1 : i32}
    %dma_wait3A_1927 = arith.constant 5376 : i32
    %dma_wait3A_1928 = arith.constant 0 : i32
    %dma_wait3A_1929 = tpu.memref_slice %arg1[%dma_wait3A_1927, %dma_wait3A_1928] : memref<8192x3000xf32, #tpu.memory_space<any>> -> memref<64x3000xf32, #tpu.memory_space<any>>
    tpu.wait_dma2 semaphore(%arg23 : memref<!tpu.dma_semaphore, #tpu.memory_space<semaphore_mem>>) src(%dma_wait3A_1929 : memref<64x3000xf32, #tpu.memory_space<any>>) dst(%arg7 : memref<64x3000xf32, #tpu.memory_space<vmem>>)
    %get3A_1930 = arith.constant 42 : index
    %get3A_1931 = arith.constant 0 : index
    %get3A_1932 = vector.load %arg0[%get3A_1930, %get3A_1931] : memref<64x3000xf32, #tpu.memory_space<vmem>>, vector<1x3000xf32>
    %dma_wait3A_1933 = arith.constant 4864 : i32
    %dma_wait3A_1934 = arith.constant 0 : i32
    %dma_wait3A_1935 = tpu.memref_slice %arg2[%dma_wait3A_1933, %dma_wait3A_1934] : memref<8192x3000xf32, #tpu.memory_space<any>> -> memref<64x3000xf32, #tpu.memory_space<any>>
    tpu.wait_dma2 semaphore(%arg31 : memref<!tpu.dma_semaphore, #tpu.memory_space<semaphore_mem>>) src(%arg15 : memref<64x3000xf32, #tpu.memory_space<vmem>>) dst(%dma_wait3A_1935 : memref<64x3000xf32, #tpu.memory_space<any>>)
    %get3A_1936 = arith.constant 0 : index
    %get3A_1937 = arith.constant 0 : index
    %get3A_1938 = vector.load %arg7[%get3A_1936, %get3A_1937] : memref<64x3000xf32, #tpu.memory_space<vmem>>, vector<64x3000xf32>
    %mul3A_1939 = vector.broadcast %get3A_1932 : vector<1x3000xf32> to vector<64x3000xf32>
    %mul3A_1940 = arith.mulf %get3A_1938, %mul3A_1939 : vector<64x3000xf32>
    %swap3A_1941 = arith.constant 0 : index
    %swap3A_1942 = arith.constant 0 : index
    %swap3A_1943 = vector.load %arg15[%swap3A_1941, %swap3A_1942] : memref<64x3000xf32, #tpu.memory_space<vmem>>, vector<64x3000xf32>
    tpu.vector_store %arg15[%swap3A_1941, %swap3A_1942], %mul3A_1940 {strides = array<i32>} : memref<64x3000xf32, #tpu.memory_space<vmem>>, vector<64x3000xf32>,
    %dma_start3A_1944 = arith.constant 5376 : i32
    %dma_start3A_1945 = arith.constant 0 : i32
    %dma_start3A_1946 = tpu.memref_slice %arg2[%dma_start3A_1944, %dma_start3A_1945] : memref<8192x3000xf32, #tpu.memory_space<any>> -> memref<64x3000xf32, #tpu.memory_space<any>>
    tpu.enqueue_dma source(%arg15 : memref<64x3000xf32, #tpu.memory_space<vmem>>) target(%dma_start3A_1946 : memref<64x3000xf32, #tpu.memory_space<any>>) target_semaphore(%arg31 : memref<!tpu.dma_semaphore, #tpu.memory_space<semaphore_mem>>)
    %dma_start3A_1947 = arith.constant 5888 : i32
    %dma_start3A_1948 = arith.constant 0 : i32
    %dma_start3A_1949 = tpu.memref_slice %arg1[%dma_start3A_1947, %dma_start3A_1948] : memref<8192x3000xf32, #tpu.memory_space<any>> -> memref<64x3000xf32, #tpu.memory_space<any>>
    tpu.enqueue_dma source(%dma_start3A_1949 : memref<64x3000xf32, #tpu.memory_space<any>>) target(%arg7 : memref<64x3000xf32, #tpu.memory_space<vmem>>) target_semaphore(%arg23 : memref<!tpu.dma_semaphore, #tpu.memory_space<semaphore_mem>>)
    %dma_wait3A_1950 = arith.constant 5440 : i32
    %dma_wait3A_1951 = arith.constant 0 : i32
    %dma_wait3A_1952 = tpu.memref_slice %arg1[%dma_wait3A_1950, %dma_wait3A_1951] : memref<8192x3000xf32, #tpu.memory_space<any>> -> memref<64x3000xf32, #tpu.memory_space<any>>
    tpu.wait_dma2 semaphore(%arg24 : memref<!tpu.dma_semaphore, #tpu.memory_space<semaphore_mem>>) src(%dma_wait3A_1952 : memref<64x3000xf32, #tpu.memory_space<any>>) dst(%arg8 : memref<64x3000xf32, #tpu.memory_space<vmem>>)
    %get3A_1953 = arith.constant 42 : index
    %get3A_1954 = arith.constant 0 : index
    %get3A_1955 = vector.load %arg0[%get3A_1953, %get3A_1954] : memref<64x3000xf32, #tpu.memory_space<vmem>>, vector<1x3000xf32>
    %dma_wait3A_1956 = arith.constant 4928 : i32
    %dma_wait3A_1957 = arith.constant 0 : i32
    %dma_wait3A_1958 = tpu.memref_slice %arg2[%dma_wait3A_1956, %dma_wait3A_1957] : memref<8192x3000xf32, #tpu.memory_space<any>> -> memref<64x3000xf32, #tpu.memory_space<any>>
    tpu.wait_dma2 semaphore(%arg32 : memref<!tpu.dma_semaphore, #tpu.memory_space<semaphore_mem>>) src(%arg16 : memref<64x3000xf32, #tpu.memory_space<vmem>>) dst(%dma_wait3A_1958 : memref<64x3000xf32, #tpu.memory_space<any>>)
    %get3A_1959 = arith.constant 0 : index
    %get3A_1960 = arith.constant 0 : index
    %get3A_1961 = vector.load %arg8[%get3A_1959, %get3A_1960] : memref<64x3000xf32, #tpu.memory_space<vmem>>, vector<64x3000xf32>
    %mul3A_1962 = vector.broadcast %get3A_1955 : vector<1x3000xf32> to vector<64x3000xf32>
    %mul3A_1963 = arith.mulf %get3A_1961, %mul3A_1962 : vector<64x3000xf32>
    %swap3A_1964 = arith.constant 0 : index
    %swap3A_1965 = arith.constant 0 : index
    %swap3A_1966 = vector.load %arg16[%swap3A_1964, %swap3A_1965] : memref<64x3000xf32, #tpu.memory_space<vmem>>, vector<64x3000xf32>
    tpu.vector_store %arg16[%swap3A_1964, %swap3A_1965], %mul3A_1963 {strides = array<i32>} : memref<64x3000xf32, #tpu.memory_space<vmem>>, vector<64x3000xf32>,
    %dma_start3A_1967 = arith.constant 5440 : i32
    %dma_start3A_1968 = arith.constant 0 : i32
    %dma_start3A_1969 = tpu.memref_slice %arg2[%dma_start3A_1967, %dma_start3A_1968] : memref<8192x3000xf32, #tpu.memory_space<any>> -> memref<64x3000xf32, #tpu.memory_space<any>>
    tpu.enqueue_dma source(%arg16 : memref<64x3000xf32, #tpu.memory_space<vmem>>) target(%dma_start3A_1969 : memref<64x3000xf32, #tpu.memory_space<any>>) target_semaphore(%arg32 : memref<!tpu.dma_semaphore, #tpu.memory_space<semaphore_mem>>) {priority = 1 : i32}
    %dma_start3A_1970 = arith.constant 5952 : i32
    %dma_start3A_1971 = arith.constant 0 : i32
    %dma_start3A_1972 = tpu.memref_slice %arg1[%dma_start3A_1970, %dma_start3A_1971] : memref<8192x3000xf32, #tpu.memory_space<any>> -> memref<64x3000xf32, #tpu.memory_space<any>>
    tpu.enqueue_dma source(%dma_start3A_1972 : memref<64x3000xf32, #tpu.memory_space<any>>) target(%arg8 : memref<64x3000xf32, #tpu.memory_space<vmem>>) target_semaphore(%arg24 : memref<!tpu.dma_semaphore, #tpu.memory_space<semaphore_mem>>) {priority = 1 : i32}
    %dma_wait3A_1973 = arith.constant 5504 : i32
    %dma_wait3A_1974 = arith.constant 0 : i32
    %dma_wait3A_1975 = tpu.memref_slice %arg1[%dma_wait3A_1973, %dma_wait3A_1974] : memref<8192x3000xf32, #tpu.memory_space<any>> -> memref<64x3000xf32, #tpu.memory_space<any>>
    tpu.wait_dma2 semaphore(%arg25 : memref<!tpu.dma_semaphore, #tpu.memory_space<semaphore_mem>>) src(%dma_wait3A_1975 : memref<64x3000xf32, #tpu.memory_space<any>>) dst(%arg9 : memref<64x3000xf32, #tpu.memory_space<vmem>>)
    %get3A_1976 = arith.constant 43 : index
    %get3A_1977 = arith.constant 0 : index
    %get3A_1978 = vector.load %arg0[%get3A_1976, %get3A_1977] : memref<64x3000xf32, #tpu.memory_space<vmem>>, vector<1x3000xf32>
    %dma_wait3A_1979 = arith.constant 4992 : i32
    %dma_wait3A_1980 = arith.constant 0 : i32
    %dma_wait3A_1981 = tpu.memref_slice %arg2[%dma_wait3A_1979, %dma_wait3A_1980] : memref<8192x3000xf32, #tpu.memory_space<any>> -> memref<64x3000xf32, #tpu.memory_space<any>>
    tpu.wait_dma2 semaphore(%arg33 : memref<!tpu.dma_semaphore, #tpu.memory_space<semaphore_mem>>) src(%arg17 : memref<64x3000xf32, #tpu.memory_space<vmem>>) dst(%dma_wait3A_1981 : memref<64x3000xf32, #tpu.memory_space<any>>)
    %get3A_1982 = arith.constant 0 : index
    %get3A_1983 = arith.constant 0 : index
    %get3A_1984 = vector.load %arg9[%get3A_1982, %get3A_1983] : memref<64x3000xf32, #tpu.memory_space<vmem>>, vector<64x3000xf32>
    %mul3A_1985 = vector.broadcast %get3A_1978 : vector<1x3000xf32> to vector<64x3000xf32>
    %mul3A_1986 = arith.mulf %get3A_1984, %mul3A_1985 : vector<64x3000xf32>
    %swap3A_1987 = arith.constant 0 : index
    %swap3A_1988 = arith.constant 0 : index
    %swap3A_1989 = vector.load %arg17[%swap3A_1987, %swap3A_1988] : memref<64x3000xf32, #tpu.memory_space<vmem>>, vector<64x3000xf32>
    tpu.vector_store %arg17[%swap3A_1987, %swap3A_1988], %mul3A_1986 {strides = array<i32>} : memref<64x3000xf32, #tpu.memory_space<vmem>>, vector<64x3000xf32>,
    %dma_start3A_1990 = arith.constant 5504 : i32
    %dma_start3A_1991 = arith.constant 0 : i32
    %dma_start3A_1992 = tpu.memref_slice %arg2[%dma_start3A_1990, %dma_start3A_1991] : memref<8192x3000xf32, #tpu.memory_space<any>> -> memref<64x3000xf32, #tpu.memory_space<any>>
    tpu.enqueue_dma source(%arg17 : memref<64x3000xf32, #tpu.memory_space<vmem>>) target(%dma_start3A_1992 : memref<64x3000xf32, #tpu.memory_space<any>>) target_semaphore(%arg33 : memref<!tpu.dma_semaphore, #tpu.memory_space<semaphore_mem>>)
    %dma_start3A_1993 = arith.constant 6016 : i32
    %dma_start3A_1994 = arith.constant 0 : i32
    %dma_start3A_1995 = tpu.memref_slice %arg1[%dma_start3A_1993, %dma_start3A_1994] : memref<8192x3000xf32, #tpu.memory_space<any>> -> memref<64x3000xf32, #tpu.memory_space<any>>
    tpu.enqueue_dma source(%dma_start3A_1995 : memref<64x3000xf32, #tpu.memory_space<any>>) target(%arg9 : memref<64x3000xf32, #tpu.memory_space<vmem>>) target_semaphore(%arg25 : memref<!tpu.dma_semaphore, #tpu.memory_space<semaphore_mem>>)
    %dma_wait3A_1996 = arith.constant 5568 : i32
    %dma_wait3A_1997 = arith.constant 0 : i32
    %dma_wait3A_1998 = tpu.memref_slice %arg1[%dma_wait3A_1996, %dma_wait3A_1997] : memref<8192x3000xf32, #tpu.memory_space<any>> -> memref<64x3000xf32, #tpu.memory_space<any>>
    tpu.wait_dma2 semaphore(%arg26 : memref<!tpu.dma_semaphore, #tpu.memory_space<semaphore_mem>>) src(%dma_wait3A_1998 : memref<64x3000xf32, #tpu.memory_space<any>>) dst(%arg10 : memref<64x3000xf32, #tpu.memory_space<vmem>>)
    %get3A_1999 = arith.constant 43 : index
    %get3A_2000 = arith.constant 0 : index
    %get3A_2001 = vector.load %arg0[%get3A_1999, %get3A_2000] : memref<64x3000xf32, #tpu.memory_space<vmem>>, vector<1x3000xf32>
    %dma_wait3A_2002 = arith.constant 5056 : i32
    %dma_wait3A_2003 = arith.constant 0 : i32
    %dma_wait3A_2004 = tpu.memref_slice %arg2[%dma_wait3A_2002, %dma_wait3A_2003] : memref<8192x3000xf32, #tpu.memory_space<any>> -> memref<64x3000xf32, #tpu.memory_space<any>>
    tpu.wait_dma2 semaphore(%arg34 : memref<!tpu.dma_semaphore, #tpu.memory_space<semaphore_mem>>) src(%arg18 : memref<64x3000xf32, #tpu.memory_space<vmem>>) dst(%dma_wait3A_2004 : memref<64x3000xf32, #tpu.memory_space<any>>)
    %get3A_2005 = arith.constant 0 : index
    %get3A_2006 = arith.constant 0 : index
    %get3A_2007 = vector.load %arg10[%get3A_2005, %get3A_2006] : memref<64x3000xf32, #tpu.memory_space<vmem>>, vector<64x3000xf32>
    %mul3A_2008 = vector.broadcast %get3A_2001 : vector<1x3000xf32> to vector<64x3000xf32>
    %mul3A_2009 = arith.mulf %get3A_2007, %mul3A_2008 : vector<64x3000xf32>
    %swap3A_2010 = arith.constant 0 : index
    %swap3A_2011 = arith.constant 0 : index
    %swap3A_2012 = vector.load %arg18[%swap3A_2010, %swap3A_2011] : memref<64x3000xf32, #tpu.memory_space<vmem>>, vector<64x3000xf32>
    tpu.vector_store %arg18[%swap3A_2010, %swap3A_2011], %mul3A_2009 {strides = array<i32>} : memref<64x3000xf32, #tpu.memory_space<vmem>>, vector<64x3000xf32>,
    %dma_start3A_2013 = arith.constant 5568 : i32
    %dma_start3A_2014 = arith.constant 0 : i32
    %dma_start3A_2015 = tpu.memref_slice %arg2[%dma_start3A_2013, %dma_start3A_2014] : memref<8192x3000xf32, #tpu.memory_space<any>> -> memref<64x3000xf32, #tpu.memory_space<any>>
    tpu.enqueue_dma source(%arg18 : memref<64x3000xf32, #tpu.memory_space<vmem>>) target(%dma_start3A_2015 : memref<64x3000xf32, #tpu.memory_space<any>>) target_semaphore(%arg34 : memref<!tpu.dma_semaphore, #tpu.memory_space<semaphore_mem>>) {priority = 1 : i32}
    %dma_start3A_2016 = arith.constant 6080 : i32
    %dma_start3A_2017 = arith.constant 0 : i32
    %dma_start3A_2018 = tpu.memref_slice %arg1[%dma_start3A_2016, %dma_start3A_2017] : memref<8192x3000xf32, #tpu.memory_space<any>> -> memref<64x3000xf32, #tpu.memory_space<any>>
    tpu.enqueue_dma source(%dma_start3A_2018 : memref<64x3000xf32, #tpu.memory_space<any>>) target(%arg10 : memref<64x3000xf32, #tpu.memory_space<vmem>>) target_semaphore(%arg26 : memref<!tpu.dma_semaphore, #tpu.memory_space<semaphore_mem>>) {priority = 1 : i32}
    %dma_wait3A_2019 = arith.constant 5632 : i32
    %dma_wait3A_2020 = arith.constant 0 : i32
    %dma_wait3A_2021 = tpu.memref_slice %arg1[%dma_wait3A_2019, %dma_wait3A_2020] : memref<8192x3000xf32, #tpu.memory_space<any>> -> memref<64x3000xf32, #tpu.memory_space<any>>
    tpu.wait_dma2 semaphore(%arg19 : memref<!tpu.dma_semaphore, #tpu.memory_space<semaphore_mem>>) src(%dma_wait3A_2021 : memref<64x3000xf32, #tpu.memory_space<any>>) dst(%arg3 : memref<64x3000xf32, #tpu.memory_space<vmem>>)
    %get3A_2022 = arith.constant 44 : index
    %get3A_2023 = arith.constant 0 : index
    %get3A_2024 = vector.load %arg0[%get3A_2022, %get3A_2023] : memref<64x3000xf32, #tpu.memory_space<vmem>>, vector<1x3000xf32>
    %dma_wait3A_2025 = arith.constant 5120 : i32
    %dma_wait3A_2026 = arith.constant 0 : i32
    %dma_wait3A_2027 = tpu.memref_slice %arg2[%dma_wait3A_2025, %dma_wait3A_2026] : memref<8192x3000xf32, #tpu.memory_space<any>> -> memref<64x3000xf32, #tpu.memory_space<any>>
    tpu.wait_dma2 semaphore(%arg27 : memref<!tpu.dma_semaphore, #tpu.memory_space<semaphore_mem>>) src(%arg11 : memref<64x3000xf32, #tpu.memory_space<vmem>>) dst(%dma_wait3A_2027 : memref<64x3000xf32, #tpu.memory_space<any>>)
    %get3A_2028 = arith.constant 0 : index
    %get3A_2029 = arith.constant 0 : index
    %get3A_2030 = vector.load %arg3[%get3A_2028, %get3A_2029] : memref<64x3000xf32, #tpu.memory_space<vmem>>, vector<64x3000xf32>
    %mul3A_2031 = vector.broadcast %get3A_2024 : vector<1x3000xf32> to vector<64x3000xf32>
    %mul3A_2032 = arith.mulf %get3A_2030, %mul3A_2031 : vector<64x3000xf32>
    %swap3A_2033 = arith.constant 0 : index
    %swap3A_2034 = arith.constant 0 : index
    %swap3A_2035 = vector.load %arg11[%swap3A_2033, %swap3A_2034] : memref<64x3000xf32, #tpu.memory_space<vmem>>, vector<64x3000xf32>
    tpu.vector_store %arg11[%swap3A_2033, %swap3A_2034], %mul3A_2032 {strides = array<i32>} : memref<64x3000xf32, #tpu.memory_space<vmem>>, vector<64x3000xf32>,
    %dma_start3A_2036 = arith.constant 5632 : i32
    %dma_start3A_2037 = arith.constant 0 : i32
    %dma_start3A_2038 = tpu.memref_slice %arg2[%dma_start3A_2036, %dma_start3A_2037] : memref<8192x3000xf32, #tpu.memory_space<any>> -> memref<64x3000xf32, #tpu.memory_space<any>>
    tpu.enqueue_dma source(%arg11 : memref<64x3000xf32, #tpu.memory_space<vmem>>) target(%dma_start3A_2038 : memref<64x3000xf32, #tpu.memory_space<any>>) target_semaphore(%arg27 : memref<!tpu.dma_semaphore, #tpu.memory_space<semaphore_mem>>)
    %dma_start3A_2039 = arith.constant 6144 : i32
    %dma_start3A_2040 = arith.constant 0 : i32
    %dma_start3A_2041 = tpu.memref_slice %arg1[%dma_start3A_2039, %dma_start3A_2040] : memref<8192x3000xf32, #tpu.memory_space<any>> -> memref<64x3000xf32, #tpu.memory_space<any>>
    tpu.enqueue_dma source(%dma_start3A_2041 : memref<64x3000xf32, #tpu.memory_space<any>>) target(%arg3 : memref<64x3000xf32, #tpu.memory_space<vmem>>) target_semaphore(%arg19 : memref<!tpu.dma_semaphore, #tpu.memory_space<semaphore_mem>>)
    %dma_wait3A_2042 = arith.constant 5696 : i32
    %dma_wait3A_2043 = arith.constant 0 : i32
    %dma_wait3A_2044 = tpu.memref_slice %arg1[%dma_wait3A_2042, %dma_wait3A_2043] : memref<8192x3000xf32, #tpu.memory_space<any>> -> memref<64x3000xf32, #tpu.memory_space<any>>
    tpu.wait_dma2 semaphore(%arg20 : memref<!tpu.dma_semaphore, #tpu.memory_space<semaphore_mem>>) src(%dma_wait3A_2044 : memref<64x3000xf32, #tpu.memory_space<any>>) dst(%arg4 : memref<64x3000xf32, #tpu.memory_space<vmem>>)
    %get3A_2045 = arith.constant 44 : index
    %get3A_2046 = arith.constant 0 : index
    %get3A_2047 = vector.load %arg0[%get3A_2045, %get3A_2046] : memref<64x3000xf32, #tpu.memory_space<vmem>>, vector<1x3000xf32>
    %dma_wait3A_2048 = arith.constant 5184 : i32
    %dma_wait3A_2049 = arith.constant 0 : i32
    %dma_wait3A_2050 = tpu.memref_slice %arg2[%dma_wait3A_2048, %dma_wait3A_2049] : memref<8192x3000xf32, #tpu.memory_space<any>> -> memref<64x3000xf32, #tpu.memory_space<any>>
    tpu.wait_dma2 semaphore(%arg28 : memref<!tpu.dma_semaphore, #tpu.memory_space<semaphore_mem>>) src(%arg12 : memref<64x3000xf32, #tpu.memory_space<vmem>>) dst(%dma_wait3A_2050 : memref<64x3000xf32, #tpu.memory_space<any>>)
    %get3A_2051 = arith.constant 0 : index
    %get3A_2052 = arith.constant 0 : index
    %get3A_2053 = vector.load %arg4[%get3A_2051, %get3A_2052] : memref<64x3000xf32, #tpu.memory_space<vmem>>, vector<64x3000xf32>
    %mul3A_2054 = vector.broadcast %get3A_2047 : vector<1x3000xf32> to vector<64x3000xf32>
    %mul3A_2055 = arith.mulf %get3A_2053, %mul3A_2054 : vector<64x3000xf32>
    %swap3A_2056 = arith.constant 0 : index
    %swap3A_2057 = arith.constant 0 : index
    %swap3A_2058 = vector.load %arg12[%swap3A_2056, %swap3A_2057] : memref<64x3000xf32, #tpu.memory_space<vmem>>, vector<64x3000xf32>
    tpu.vector_store %arg12[%swap3A_2056, %swap3A_2057], %mul3A_2055 {strides = array<i32>} : memref<64x3000xf32, #tpu.memory_space<vmem>>, vector<64x3000xf32>,
    %dma_start3A_2059 = arith.constant 5696 : i32
    %dma_start3A_2060 = arith.constant 0 : i32
    %dma_start3A_2061 = tpu.memref_slice %arg2[%dma_start3A_2059, %dma_start3A_2060] : memref<8192x3000xf32, #tpu.memory_space<any>> -> memref<64x3000xf32, #tpu.memory_space<any>>
    tpu.enqueue_dma source(%arg12 : memref<64x3000xf32, #tpu.memory_space<vmem>>) target(%dma_start3A_2061 : memref<64x3000xf32, #tpu.memory_space<any>>) target_semaphore(%arg28 : memref<!tpu.dma_semaphore, #tpu.memory_space<semaphore_mem>>) {priority = 1 : i32}
    %dma_start3A_2062 = arith.constant 6208 : i32
    %dma_start3A_2063 = arith.constant 0 : i32
    %dma_start3A_2064 = tpu.memref_slice %arg1[%dma_start3A_2062, %dma_start3A_2063] : memref<8192x3000xf32, #tpu.memory_space<any>> -> memref<64x3000xf32, #tpu.memory_space<any>>
    tpu.enqueue_dma source(%dma_start3A_2064 : memref<64x3000xf32, #tpu.memory_space<any>>) target(%arg4 : memref<64x3000xf32, #tpu.memory_space<vmem>>) target_semaphore(%arg20 : memref<!tpu.dma_semaphore, #tpu.memory_space<semaphore_mem>>) {priority = 1 : i32}
    %dma_wait3A_2065 = arith.constant 5760 : i32
    %dma_wait3A_2066 = arith.constant 0 : i32
    %dma_wait3A_2067 = tpu.memref_slice %arg1[%dma_wait3A_2065, %dma_wait3A_2066] : memref<8192x3000xf32, #tpu.memory_space<any>> -> memref<64x3000xf32, #tpu.memory_space<any>>
    tpu.wait_dma2 semaphore(%arg21 : memref<!tpu.dma_semaphore, #tpu.memory_space<semaphore_mem>>) src(%dma_wait3A_2067 : memref<64x3000xf32, #tpu.memory_space<any>>) dst(%arg5 : memref<64x3000xf32, #tpu.memory_space<vmem>>)
    %get3A_2068 = arith.constant 45 : index
    %get3A_2069 = arith.constant 0 : index
    %get3A_2070 = vector.load %arg0[%get3A_2068, %get3A_2069] : memref<64x3000xf32, #tpu.memory_space<vmem>>, vector<1x3000xf32>
    %dma_wait3A_2071 = arith.constant 5248 : i32
    %dma_wait3A_2072 = arith.constant 0 : i32
    %dma_wait3A_2073 = tpu.memref_slice %arg2[%dma_wait3A_2071, %dma_wait3A_2072] : memref<8192x3000xf32, #tpu.memory_space<any>> -> memref<64x3000xf32, #tpu.memory_space<any>>
    tpu.wait_dma2 semaphore(%arg29 : memref<!tpu.dma_semaphore, #tpu.memory_space<semaphore_mem>>) src(%arg13 : memref<64x3000xf32, #tpu.memory_space<vmem>>) dst(%dma_wait3A_2073 : memref<64x3000xf32, #tpu.memory_space<any>>)
    %get3A_2074 = arith.constant 0 : index
    %get3A_2075 = arith.constant 0 : index
    %get3A_2076 = vector.load %arg5[%get3A_2074, %get3A_2075] : memref<64x3000xf32, #tpu.memory_space<vmem>>, vector<64x3000xf32>
    %mul3A_2077 = vector.broadcast %get3A_2070 : vector<1x3000xf32> to vector<64x3000xf32>
    %mul3A_2078 = arith.mulf %get3A_2076, %mul3A_2077 : vector<64x3000xf32>
    %swap3A_2079 = arith.constant 0 : index
    %swap3A_2080 = arith.constant 0 : index
    %swap3A_2081 = vector.load %arg13[%swap3A_2079, %swap3A_2080] : memref<64x3000xf32, #tpu.memory_space<vmem>>, vector<64x3000xf32>
    tpu.vector_store %arg13[%swap3A_2079, %swap3A_2080], %mul3A_2078 {strides = array<i32>} : memref<64x3000xf32, #tpu.memory_space<vmem>>, vector<64x3000xf32>,
    %dma_start3A_2082 = arith.constant 5760 : i32
    %dma_start3A_2083 = arith.constant 0 : i32
    %dma_start3A_2084 = tpu.memref_slice %arg2[%dma_start3A_2082, %dma_start3A_2083] : memref<8192x3000xf32, #tpu.memory_space<any>> -> memref<64x3000xf32, #tpu.memory_space<any>>
    tpu.enqueue_dma source(%arg13 : memref<64x3000xf32, #tpu.memory_space<vmem>>) target(%dma_start3A_2084 : memref<64x3000xf32, #tpu.memory_space<any>>) target_semaphore(%arg29 : memref<!tpu.dma_semaphore, #tpu.memory_space<semaphore_mem>>)
    %dma_start3A_2085 = arith.constant 6272 : i32
    %dma_start3A_2086 = arith.constant 0 : i32
    %dma_start3A_2087 = tpu.memref_slice %arg1[%dma_start3A_2085, %dma_start3A_2086] : memref<8192x3000xf32, #tpu.memory_space<any>> -> memref<64x3000xf32, #tpu.memory_space<any>>
    tpu.enqueue_dma source(%dma_start3A_2087 : memref<64x3000xf32, #tpu.memory_space<any>>) target(%arg5 : memref<64x3000xf32, #tpu.memory_space<vmem>>) target_semaphore(%arg21 : memref<!tpu.dma_semaphore, #tpu.memory_space<semaphore_mem>>)
    %dma_wait3A_2088 = arith.constant 5824 : i32
    %dma_wait3A_2089 = arith.constant 0 : i32
    %dma_wait3A_2090 = tpu.memref_slice %arg1[%dma_wait3A_2088, %dma_wait3A_2089] : memref<8192x3000xf32, #tpu.memory_space<any>> -> memref<64x3000xf32, #tpu.memory_space<any>>
    tpu.wait_dma2 semaphore(%arg22 : memref<!tpu.dma_semaphore, #tpu.memory_space<semaphore_mem>>) src(%dma_wait3A_2090 : memref<64x3000xf32, #tpu.memory_space<any>>) dst(%arg6 : memref<64x3000xf32, #tpu.memory_space<vmem>>)
    %get3A_2091 = arith.constant 45 : index
    %get3A_2092 = arith.constant 0 : index
    %get3A_2093 = vector.load %arg0[%get3A_2091, %get3A_2092] : memref<64x3000xf32, #tpu.memory_space<vmem>>, vector<1x3000xf32>
    %dma_wait3A_2094 = arith.constant 5312 : i32
    %dma_wait3A_2095 = arith.constant 0 : i32
    %dma_wait3A_2096 = tpu.memref_slice %arg2[%dma_wait3A_2094, %dma_wait3A_2095] : memref<8192x3000xf32, #tpu.memory_space<any>> -> memref<64x3000xf32, #tpu.memory_space<any>>
    tpu.wait_dma2 semaphore(%arg30 : memref<!tpu.dma_semaphore, #tpu.memory_space<semaphore_mem>>) src(%arg14 : memref<64x3000xf32, #tpu.memory_space<vmem>>) dst(%dma_wait3A_2096 : memref<64x3000xf32, #tpu.memory_space<any>>)
    %get3A_2097 = arith.constant 0 : index
    %get3A_2098 = arith.constant 0 : index
    %get3A_2099 = vector.load %arg6[%get3A_2097, %get3A_2098] : memref<64x3000xf32, #tpu.memory_space<vmem>>, vector<64x3000xf32>
    %mul3A_2100 = vector.broadcast %get3A_2093 : vector<1x3000xf32> to vector<64x3000xf32>
    %mul3A_2101 = arith.mulf %get3A_2099, %mul3A_2100 : vector<64x3000xf32>
    %swap3A_2102 = arith.constant 0 : index
    %swap3A_2103 = arith.constant 0 : index
    %swap3A_2104 = vector.load %arg14[%swap3A_2102, %swap3A_2103] : memref<64x3000xf32, #tpu.memory_space<vmem>>, vector<64x3000xf32>
    tpu.vector_store %arg14[%swap3A_2102, %swap3A_2103], %mul3A_2101 {strides = array<i32>} : memref<64x3000xf32, #tpu.memory_space<vmem>>, vector<64x3000xf32>,
    %dma_start3A_2105 = arith.constant 5824 : i32
    %dma_start3A_2106 = arith.constant 0 : i32
    %dma_start3A_2107 = tpu.memref_slice %arg2[%dma_start3A_2105, %dma_start3A_2106] : memref<8192x3000xf32, #tpu.memory_space<any>> -> memref<64x3000xf32, #tpu.memory_space<any>>
    tpu.enqueue_dma source(%arg14 : memref<64x3000xf32, #tpu.memory_space<vmem>>) target(%dma_start3A_2107 : memref<64x3000xf32, #tpu.memory_space<any>>) target_semaphore(%arg30 : memref<!tpu.dma_semaphore, #tpu.memory_space<semaphore_mem>>) {priority = 1 : i32}
    %dma_start3A_2108 = arith.constant 6336 : i32
    %dma_start3A_2109 = arith.constant 0 : i32
    %dma_start3A_2110 = tpu.memref_slice %arg1[%dma_start3A_2108, %dma_start3A_2109] : memref<8192x3000xf32, #tpu.memory_space<any>> -> memref<64x3000xf32, #tpu.memory_space<any>>
    tpu.enqueue_dma source(%dma_start3A_2110 : memref<64x3000xf32, #tpu.memory_space<any>>) target(%arg6 : memref<64x3000xf32, #tpu.memory_space<vmem>>) target_semaphore(%arg22 : memref<!tpu.dma_semaphore, #tpu.memory_space<semaphore_mem>>) {priority = 1 : i32}
    %dma_wait3A_2111 = arith.constant 5888 : i32
    %dma_wait3A_2112 = arith.constant 0 : i32
    %dma_wait3A_2113 = tpu.memref_slice %arg1[%dma_wait3A_2111, %dma_wait3A_2112] : memref<8192x3000xf32, #tpu.memory_space<any>> -> memref<64x3000xf32, #tpu.memory_space<any>>
    tpu.wait_dma2 semaphore(%arg23 : memref<!tpu.dma_semaphore, #tpu.memory_space<semaphore_mem>>) src(%dma_wait3A_2113 : memref<64x3000xf32, #tpu.memory_space<any>>) dst(%arg7 : memref<64x3000xf32, #tpu.memory_space<vmem>>)
    %get3A_2114 = arith.constant 46 : index
    %get3A_2115 = arith.constant 0 : index
    %get3A_2116 = vector.load %arg0[%get3A_2114, %get3A_2115] : memref<64x3000xf32, #tpu.memory_space<vmem>>, vector<1x3000xf32>
    %dma_wait3A_2117 = arith.constant 5376 : i32
    %dma_wait3A_2118 = arith.constant 0 : i32
    %dma_wait3A_2119 = tpu.memref_slice %arg2[%dma_wait3A_2117, %dma_wait3A_2118] : memref<8192x3000xf32, #tpu.memory_space<any>> -> memref<64x3000xf32, #tpu.memory_space<any>>
    tpu.wait_dma2 semaphore(%arg31 : memref<!tpu.dma_semaphore, #tpu.memory_space<semaphore_mem>>) src(%arg15 : memref<64x3000xf32, #tpu.memory_space<vmem>>) dst(%dma_wait3A_2119 : memref<64x3000xf32, #tpu.memory_space<any>>)
    %get3A_2120 = arith.constant 0 : index
    %get3A_2121 = arith.constant 0 : index
    %get3A_2122 = vector.load %arg7[%get3A_2120, %get3A_2121] : memref<64x3000xf32, #tpu.memory_space<vmem>>, vector<64x3000xf32>
    %mul3A_2123 = vector.broadcast %get3A_2116 : vector<1x3000xf32> to vector<64x3000xf32>
    %mul3A_2124 = arith.mulf %get3A_2122, %mul3A_2123 : vector<64x3000xf32>
    %swap3A_2125 = arith.constant 0 : index
    %swap3A_2126 = arith.constant 0 : index
    %swap3A_2127 = vector.load %arg15[%swap3A_2125, %swap3A_2126] : memref<64x3000xf32, #tpu.memory_space<vmem>>, vector<64x3000xf32>
    tpu.vector_store %arg15[%swap3A_2125, %swap3A_2126], %mul3A_2124 {strides = array<i32>} : memref<64x3000xf32, #tpu.memory_space<vmem>>, vector<64x3000xf32>,
    %dma_start3A_2128 = arith.constant 5888 : i32
    %dma_start3A_2129 = arith.constant 0 : i32
    %dma_start3A_2130 = tpu.memref_slice %arg2[%dma_start3A_2128, %dma_start3A_2129] : memref<8192x3000xf32, #tpu.memory_space<any>> -> memref<64x3000xf32, #tpu.memory_space<any>>
    tpu.enqueue_dma source(%arg15 : memref<64x3000xf32, #tpu.memory_space<vmem>>) target(%dma_start3A_2130 : memref<64x3000xf32, #tpu.memory_space<any>>) target_semaphore(%arg31 : memref<!tpu.dma_semaphore, #tpu.memory_space<semaphore_mem>>)
    %dma_start3A_2131 = arith.constant 6400 : i32
    %dma_start3A_2132 = arith.constant 0 : i32
    %dma_start3A_2133 = tpu.memref_slice %arg1[%dma_start3A_2131, %dma_start3A_2132] : memref<8192x3000xf32, #tpu.memory_space<any>> -> memref<64x3000xf32, #tpu.memory_space<any>>
    tpu.enqueue_dma source(%dma_start3A_2133 : memref<64x3000xf32, #tpu.memory_space<any>>) target(%arg7 : memref<64x3000xf32, #tpu.memory_space<vmem>>) target_semaphore(%arg23 : memref<!tpu.dma_semaphore, #tpu.memory_space<semaphore_mem>>)
    %dma_wait3A_2134 = arith.constant 5952 : i32
    %dma_wait3A_2135 = arith.constant 0 : i32
    %dma_wait3A_2136 = tpu.memref_slice %arg1[%dma_wait3A_2134, %dma_wait3A_2135] : memref<8192x3000xf32, #tpu.memory_space<any>> -> memref<64x3000xf32, #tpu.memory_space<any>>
    tpu.wait_dma2 semaphore(%arg24 : memref<!tpu.dma_semaphore, #tpu.memory_space<semaphore_mem>>) src(%dma_wait3A_2136 : memref<64x3000xf32, #tpu.memory_space<any>>) dst(%arg8 : memref<64x3000xf32, #tpu.memory_space<vmem>>)
    %get3A_2137 = arith.constant 46 : index
    %get3A_2138 = arith.constant 0 : index
    %get3A_2139 = vector.load %arg0[%get3A_2137, %get3A_2138] : memref<64x3000xf32, #tpu.memory_space<vmem>>, vector<1x3000xf32>
    %dma_wait3A_2140 = arith.constant 5440 : i32
    %dma_wait3A_2141 = arith.constant 0 : i32
    %dma_wait3A_2142 = tpu.memref_slice %arg2[%dma_wait3A_2140, %dma_wait3A_2141] : memref<8192x3000xf32, #tpu.memory_space<any>> -> memref<64x3000xf32, #tpu.memory_space<any>>
    tpu.wait_dma2 semaphore(%arg32 : memref<!tpu.dma_semaphore, #tpu.memory_space<semaphore_mem>>) src(%arg16 : memref<64x3000xf32, #tpu.memory_space<vmem>>) dst(%dma_wait3A_2142 : memref<64x3000xf32, #tpu.memory_space<any>>)
    %get3A_2143 = arith.constant 0 : index
    %get3A_2144 = arith.constant 0 : index
    %get3A_2145 = vector.load %arg8[%get3A_2143, %get3A_2144] : memref<64x3000xf32, #tpu.memory_space<vmem>>, vector<64x3000xf32>
    %mul3A_2146 = vector.broadcast %get3A_2139 : vector<1x3000xf32> to vector<64x3000xf32>
    %mul3A_2147 = arith.mulf %get3A_2145, %mul3A_2146 : vector<64x3000xf32>
    %swap3A_2148 = arith.constant 0 : index
    %swap3A_2149 = arith.constant 0 : index
    %swap3A_2150 = vector.load %arg16[%swap3A_2148, %swap3A_2149] : memref<64x3000xf32, #tpu.memory_space<vmem>>, vector<64x3000xf32>
    tpu.vector_store %arg16[%swap3A_2148, %swap3A_2149], %mul3A_2147 {strides = array<i32>} : memref<64x3000xf32, #tpu.memory_space<vmem>>, vector<64x3000xf32>,
    %dma_start3A_2151 = arith.constant 5952 : i32
    %dma_start3A_2152 = arith.constant 0 : i32
    %dma_start3A_2153 = tpu.memref_slice %arg2[%dma_start3A_2151, %dma_start3A_2152] : memref<8192x3000xf32, #tpu.memory_space<any>> -> memref<64x3000xf32, #tpu.memory_space<any>>
    tpu.enqueue_dma source(%arg16 : memref<64x3000xf32, #tpu.memory_space<vmem>>) target(%dma_start3A_2153 : memref<64x3000xf32, #tpu.memory_space<any>>) target_semaphore(%arg32 : memref<!tpu.dma_semaphore, #tpu.memory_space<semaphore_mem>>) {priority = 1 : i32}
    %dma_start3A_2154 = arith.constant 6464 : i32
    %dma_start3A_2155 = arith.constant 0 : i32
    %dma_start3A_2156 = tpu.memref_slice %arg1[%dma_start3A_2154, %dma_start3A_2155] : memref<8192x3000xf32, #tpu.memory_space<any>> -> memref<64x3000xf32, #tpu.memory_space<any>>
    tpu.enqueue_dma source(%dma_start3A_2156 : memref<64x3000xf32, #tpu.memory_space<any>>) target(%arg8 : memref<64x3000xf32, #tpu.memory_space<vmem>>) target_semaphore(%arg24 : memref<!tpu.dma_semaphore, #tpu.memory_space<semaphore_mem>>) {priority = 1 : i32}
    %dma_wait3A_2157 = arith.constant 6016 : i32
    %dma_wait3A_2158 = arith.constant 0 : i32
    %dma_wait3A_2159 = tpu.memref_slice %arg1[%dma_wait3A_2157, %dma_wait3A_2158] : memref<8192x3000xf32, #tpu.memory_space<any>> -> memref<64x3000xf32, #tpu.memory_space<any>>
    tpu.wait_dma2 semaphore(%arg25 : memref<!tpu.dma_semaphore, #tpu.memory_space<semaphore_mem>>) src(%dma_wait3A_2159 : memref<64x3000xf32, #tpu.memory_space<any>>) dst(%arg9 : memref<64x3000xf32, #tpu.memory_space<vmem>>)
    %get3A_2160 = arith.constant 47 : index
    %get3A_2161 = arith.constant 0 : index
    %get3A_2162 = vector.load %arg0[%get3A_2160, %get3A_2161] : memref<64x3000xf32, #tpu.memory_space<vmem>>, vector<1x3000xf32>
    %dma_wait3A_2163 = arith.constant 5504 : i32
    %dma_wait3A_2164 = arith.constant 0 : i32
    %dma_wait3A_2165 = tpu.memref_slice %arg2[%dma_wait3A_2163, %dma_wait3A_2164] : memref<8192x3000xf32, #tpu.memory_space<any>> -> memref<64x3000xf32, #tpu.memory_space<any>>
    tpu.wait_dma2 semaphore(%arg33 : memref<!tpu.dma_semaphore, #tpu.memory_space<semaphore_mem>>) src(%arg17 : memref<64x3000xf32, #tpu.memory_space<vmem>>) dst(%dma_wait3A_2165 : memref<64x3000xf32, #tpu.memory_space<any>>)
    %get3A_2166 = arith.constant 0 : index
    %get3A_2167 = arith.constant 0 : index
    %get3A_2168 = vector.load %arg9[%get3A_2166, %get3A_2167] : memref<64x3000xf32, #tpu.memory_space<vmem>>, vector<64x3000xf32>
    %mul3A_2169 = vector.broadcast %get3A_2162 : vector<1x3000xf32> to vector<64x3000xf32>
    %mul3A_2170 = arith.mulf %get3A_2168, %mul3A_2169 : vector<64x3000xf32>
    %swap3A_2171 = arith.constant 0 : index
    %swap3A_2172 = arith.constant 0 : index
    %swap3A_2173 = vector.load %arg17[%swap3A_2171, %swap3A_2172] : memref<64x3000xf32, #tpu.memory_space<vmem>>, vector<64x3000xf32>
    tpu.vector_store %arg17[%swap3A_2171, %swap3A_2172], %mul3A_2170 {strides = array<i32>} : memref<64x3000xf32, #tpu.memory_space<vmem>>, vector<64x3000xf32>,
    %dma_start3A_2174 = arith.constant 6016 : i32
    %dma_start3A_2175 = arith.constant 0 : i32
    %dma_start3A_2176 = tpu.memref_slice %arg2[%dma_start3A_2174, %dma_start3A_2175] : memref<8192x3000xf32, #tpu.memory_space<any>> -> memref<64x3000xf32, #tpu.memory_space<any>>
    tpu.enqueue_dma source(%arg17 : memref<64x3000xf32, #tpu.memory_space<vmem>>) target(%dma_start3A_2176 : memref<64x3000xf32, #tpu.memory_space<any>>) target_semaphore(%arg33 : memref<!tpu.dma_semaphore, #tpu.memory_space<semaphore_mem>>)
    %dma_start3A_2177 = arith.constant 6528 : i32
    %dma_start3A_2178 = arith.constant 0 : i32
    %dma_start3A_2179 = tpu.memref_slice %arg1[%dma_start3A_2177, %dma_start3A_2178] : memref<8192x3000xf32, #tpu.memory_space<any>> -> memref<64x3000xf32, #tpu.memory_space<any>>
    tpu.enqueue_dma source(%dma_start3A_2179 : memref<64x3000xf32, #tpu.memory_space<any>>) target(%arg9 : memref<64x3000xf32, #tpu.memory_space<vmem>>) target_semaphore(%arg25 : memref<!tpu.dma_semaphore, #tpu.memory_space<semaphore_mem>>)
    %dma_wait3A_2180 = arith.constant 6080 : i32
    %dma_wait3A_2181 = arith.constant 0 : i32
    %dma_wait3A_2182 = tpu.memref_slice %arg1[%dma_wait3A_2180, %dma_wait3A_2181] : memref<8192x3000xf32, #tpu.memory_space<any>> -> memref<64x3000xf32, #tpu.memory_space<any>>
    tpu.wait_dma2 semaphore(%arg26 : memref<!tpu.dma_semaphore, #tpu.memory_space<semaphore_mem>>) src(%dma_wait3A_2182 : memref<64x3000xf32, #tpu.memory_space<any>>) dst(%arg10 : memref<64x3000xf32, #tpu.memory_space<vmem>>)
    %get3A_2183 = arith.constant 47 : index
    %get3A_2184 = arith.constant 0 : index
    %get3A_2185 = vector.load %arg0[%get3A_2183, %get3A_2184] : memref<64x3000xf32, #tpu.memory_space<vmem>>, vector<1x3000xf32>
    %dma_wait3A_2186 = arith.constant 5568 : i32
    %dma_wait3A_2187 = arith.constant 0 : i32
    %dma_wait3A_2188 = tpu.memref_slice %arg2[%dma_wait3A_2186, %dma_wait3A_2187] : memref<8192x3000xf32, #tpu.memory_space<any>> -> memref<64x3000xf32, #tpu.memory_space<any>>
    tpu.wait_dma2 semaphore(%arg34 : memref<!tpu.dma_semaphore, #tpu.memory_space<semaphore_mem>>) src(%arg18 : memref<64x3000xf32, #tpu.memory_space<vmem>>) dst(%dma_wait3A_2188 : memref<64x3000xf32, #tpu.memory_space<any>>)
    %get3A_2189 = arith.constant 0 : index
    %get3A_2190 = arith.constant 0 : index
    %get3A_2191 = vector.load %arg10[%get3A_2189, %get3A_2190] : memref<64x3000xf32, #tpu.memory_space<vmem>>, vector<64x3000xf32>
    %mul3A_2192 = vector.broadcast %get3A_2185 : vector<1x3000xf32> to vector<64x3000xf32>
    %mul3A_2193 = arith.mulf %get3A_2191, %mul3A_2192 : vector<64x3000xf32>
    %swap3A_2194 = arith.constant 0 : index
    %swap3A_2195 = arith.constant 0 : index
    %swap3A_2196 = vector.load %arg18[%swap3A_2194, %swap3A_2195] : memref<64x3000xf32, #tpu.memory_space<vmem>>, vector<64x3000xf32>
    tpu.vector_store %arg18[%swap3A_2194, %swap3A_2195], %mul3A_2193 {strides = array<i32>} : memref<64x3000xf32, #tpu.memory_space<vmem>>, vector<64x3000xf32>,
    %dma_start3A_2197 = arith.constant 6080 : i32
    %dma_start3A_2198 = arith.constant 0 : i32
    %dma_start3A_2199 = tpu.memref_slice %arg2[%dma_start3A_2197, %dma_start3A_2198] : memref<8192x3000xf32, #tpu.memory_space<any>> -> memref<64x3000xf32, #tpu.memory_space<any>>
    tpu.enqueue_dma source(%arg18 : memref<64x3000xf32, #tpu.memory_space<vmem>>) target(%dma_start3A_2199 : memref<64x3000xf32, #tpu.memory_space<any>>) target_semaphore(%arg34 : memref<!tpu.dma_semaphore, #tpu.memory_space<semaphore_mem>>) {priority = 1 : i32}
    %dma_start3A_2200 = arith.constant 6592 : i32
    %dma_start3A_2201 = arith.constant 0 : i32
    %dma_start3A_2202 = tpu.memref_slice %arg1[%dma_start3A_2200, %dma_start3A_2201] : memref<8192x3000xf32, #tpu.memory_space<any>> -> memref<64x3000xf32, #tpu.memory_space<any>>
    tpu.enqueue_dma source(%dma_start3A_2202 : memref<64x3000xf32, #tpu.memory_space<any>>) target(%arg10 : memref<64x3000xf32, #tpu.memory_space<vmem>>) target_semaphore(%arg26 : memref<!tpu.dma_semaphore, #tpu.memory_space<semaphore_mem>>) {priority = 1 : i32}
    %dma_wait3A_2203 = arith.constant 6144 : i32
    %dma_wait3A_2204 = arith.constant 0 : i32
    %dma_wait3A_2205 = tpu.memref_slice %arg1[%dma_wait3A_2203, %dma_wait3A_2204] : memref<8192x3000xf32, #tpu.memory_space<any>> -> memref<64x3000xf32, #tpu.memory_space<any>>
    tpu.wait_dma2 semaphore(%arg19 : memref<!tpu.dma_semaphore, #tpu.memory_space<semaphore_mem>>) src(%dma_wait3A_2205 : memref<64x3000xf32, #tpu.memory_space<any>>) dst(%arg3 : memref<64x3000xf32, #tpu.memory_space<vmem>>)
    %get3A_2206 = arith.constant 48 : index
    %get3A_2207 = arith.constant 0 : index
    %get3A_2208 = vector.load %arg0[%get3A_2206, %get3A_2207] : memref<64x3000xf32, #tpu.memory_space<vmem>>, vector<1x3000xf32>
    %dma_wait3A_2209 = arith.constant 5632 : i32
    %dma_wait3A_2210 = arith.constant 0 : i32
    %dma_wait3A_2211 = tpu.memref_slice %arg2[%dma_wait3A_2209, %dma_wait3A_2210] : memref<8192x3000xf32, #tpu.memory_space<any>> -> memref<64x3000xf32, #tpu.memory_space<any>>
    tpu.wait_dma2 semaphore(%arg27 : memref<!tpu.dma_semaphore, #tpu.memory_space<semaphore_mem>>) src(%arg11 : memref<64x3000xf32, #tpu.memory_space<vmem>>) dst(%dma_wait3A_2211 : memref<64x3000xf32, #tpu.memory_space<any>>)
    %get3A_2212 = arith.constant 0 : index
    %get3A_2213 = arith.constant 0 : index
    %get3A_2214 = vector.load %arg3[%get3A_2212, %get3A_2213] : memref<64x3000xf32, #tpu.memory_space<vmem>>, vector<64x3000xf32>
    %mul3A_2215 = vector.broadcast %get3A_2208 : vector<1x3000xf32> to vector<64x3000xf32>
    %mul3A_2216 = arith.mulf %get3A_2214, %mul3A_2215 : vector<64x3000xf32>
    %swap3A_2217 = arith.constant 0 : index
    %swap3A_2218 = arith.constant 0 : index
    %swap3A_2219 = vector.load %arg11[%swap3A_2217, %swap3A_2218] : memref<64x3000xf32, #tpu.memory_space<vmem>>, vector<64x3000xf32>
    tpu.vector_store %arg11[%swap3A_2217, %swap3A_2218], %mul3A_2216 {strides = array<i32>} : memref<64x3000xf32, #tpu.memory_space<vmem>>, vector<64x3000xf32>,
    %dma_start3A_2220 = arith.constant 6144 : i32
    %dma_start3A_2221 = arith.constant 0 : i32
    %dma_start3A_2222 = tpu.memref_slice %arg2[%dma_start3A_2220, %dma_start3A_2221] : memref<8192x3000xf32, #tpu.memory_space<any>> -> memref<64x3000xf32, #tpu.memory_space<any>>
    tpu.enqueue_dma source(%arg11 : memref<64x3000xf32, #tpu.memory_space<vmem>>) target(%dma_start3A_2222 : memref<64x3000xf32, #tpu.memory_space<any>>) target_semaphore(%arg27 : memref<!tpu.dma_semaphore, #tpu.memory_space<semaphore_mem>>)
    %dma_start3A_2223 = arith.constant 6656 : i32
    %dma_start3A_2224 = arith.constant 0 : i32
    %dma_start3A_2225 = tpu.memref_slice %arg1[%dma_start3A_2223, %dma_start3A_2224] : memref<8192x3000xf32, #tpu.memory_space<any>> -> memref<64x3000xf32, #tpu.memory_space<any>>
    tpu.enqueue_dma source(%dma_start3A_2225 : memref<64x3000xf32, #tpu.memory_space<any>>) target(%arg3 : memref<64x3000xf32, #tpu.memory_space<vmem>>) target_semaphore(%arg19 : memref<!tpu.dma_semaphore, #tpu.memory_space<semaphore_mem>>)
    %dma_wait3A_2226 = arith.constant 6208 : i32
    %dma_wait3A_2227 = arith.constant 0 : i32
    %dma_wait3A_2228 = tpu.memref_slice %arg1[%dma_wait3A_2226, %dma_wait3A_2227] : memref<8192x3000xf32, #tpu.memory_space<any>> -> memref<64x3000xf32, #tpu.memory_space<any>>
    tpu.wait_dma2 semaphore(%arg20 : memref<!tpu.dma_semaphore, #tpu.memory_space<semaphore_mem>>) src(%dma_wait3A_2228 : memref<64x3000xf32, #tpu.memory_space<any>>) dst(%arg4 : memref<64x3000xf32, #tpu.memory_space<vmem>>)
    %get3A_2229 = arith.constant 48 : index
    %get3A_2230 = arith.constant 0 : index
    %get3A_2231 = vector.load %arg0[%get3A_2229, %get3A_2230] : memref<64x3000xf32, #tpu.memory_space<vmem>>, vector<1x3000xf32>
    %dma_wait3A_2232 = arith.constant 5696 : i32
    %dma_wait3A_2233 = arith.constant 0 : i32
    %dma_wait3A_2234 = tpu.memref_slice %arg2[%dma_wait3A_2232, %dma_wait3A_2233] : memref<8192x3000xf32, #tpu.memory_space<any>> -> memref<64x3000xf32, #tpu.memory_space<any>>
    tpu.wait_dma2 semaphore(%arg28 : memref<!tpu.dma_semaphore, #tpu.memory_space<semaphore_mem>>) src(%arg12 : memref<64x3000xf32, #tpu.memory_space<vmem>>) dst(%dma_wait3A_2234 : memref<64x3000xf32, #tpu.memory_space<any>>)
    %get3A_2235 = arith.constant 0 : index
    %get3A_2236 = arith.constant 0 : index
    %get3A_2237 = vector.load %arg4[%get3A_2235, %get3A_2236] : memref<64x3000xf32, #tpu.memory_space<vmem>>, vector<64x3000xf32>
    %mul3A_2238 = vector.broadcast %get3A_2231 : vector<1x3000xf32> to vector<64x3000xf32>
    %mul3A_2239 = arith.mulf %get3A_2237, %mul3A_2238 : vector<64x3000xf32>
    %swap3A_2240 = arith.constant 0 : index
    %swap3A_2241 = arith.constant 0 : index
    %swap3A_2242 = vector.load %arg12[%swap3A_2240, %swap3A_2241] : memref<64x3000xf32, #tpu.memory_space<vmem>>, vector<64x3000xf32>
    tpu.vector_store %arg12[%swap3A_2240, %swap3A_2241], %mul3A_2239 {strides = array<i32>} : memref<64x3000xf32, #tpu.memory_space<vmem>>, vector<64x3000xf32>,
    %dma_start3A_2243 = arith.constant 6208 : i32
    %dma_start3A_2244 = arith.constant 0 : i32
    %dma_start3A_2245 = tpu.memref_slice %arg2[%dma_start3A_2243, %dma_start3A_2244] : memref<8192x3000xf32, #tpu.memory_space<any>> -> memref<64x3000xf32, #tpu.memory_space<any>>
    tpu.enqueue_dma source(%arg12 : memref<64x3000xf32, #tpu.memory_space<vmem>>) target(%dma_start3A_2245 : memref<64x3000xf32, #tpu.memory_space<any>>) target_semaphore(%arg28 : memref<!tpu.dma_semaphore, #tpu.memory_space<semaphore_mem>>) {priority = 1 : i32}
    %dma_start3A_2246 = arith.constant 6720 : i32
    %dma_start3A_2247 = arith.constant 0 : i32
    %dma_start3A_2248 = tpu.memref_slice %arg1[%dma_start3A_2246, %dma_start3A_2247] : memref<8192x3000xf32, #tpu.memory_space<any>> -> memref<64x3000xf32, #tpu.memory_space<any>>
    tpu.enqueue_dma source(%dma_start3A_2248 : memref<64x3000xf32, #tpu.memory_space<any>>) target(%arg4 : memref<64x3000xf32, #tpu.memory_space<vmem>>) target_semaphore(%arg20 : memref<!tpu.dma_semaphore, #tpu.memory_space<semaphore_mem>>) {priority = 1 : i32}
    %dma_wait3A_2249 = arith.constant 6272 : i32
    %dma_wait3A_2250 = arith.constant 0 : i32
    %dma_wait3A_2251 = tpu.memref_slice %arg1[%dma_wait3A_2249, %dma_wait3A_2250] : memref<8192x3000xf32, #tpu.memory_space<any>> -> memref<64x3000xf32, #tpu.memory_space<any>>
    tpu.wait_dma2 semaphore(%arg21 : memref<!tpu.dma_semaphore, #tpu.memory_space<semaphore_mem>>) src(%dma_wait3A_2251 : memref<64x3000xf32, #tpu.memory_space<any>>) dst(%arg5 : memref<64x3000xf32, #tpu.memory_space<vmem>>)
    %get3A_2252 = arith.constant 49 : index
    %get3A_2253 = arith.constant 0 : index
    %get3A_2254 = vector.load %arg0[%get3A_2252, %get3A_2253] : memref<64x3000xf32, #tpu.memory_space<vmem>>, vector<1x3000xf32>
    %dma_wait3A_2255 = arith.constant 5760 : i32
    %dma_wait3A_2256 = arith.constant 0 : i32
    %dma_wait3A_2257 = tpu.memref_slice %arg2[%dma_wait3A_2255, %dma_wait3A_2256] : memref<8192x3000xf32, #tpu.memory_space<any>> -> memref<64x3000xf32, #tpu.memory_space<any>>
    tpu.wait_dma2 semaphore(%arg29 : memref<!tpu.dma_semaphore, #tpu.memory_space<semaphore_mem>>) src(%arg13 : memref<64x3000xf32, #tpu.memory_space<vmem>>) dst(%dma_wait3A_2257 : memref<64x3000xf32, #tpu.memory_space<any>>)
    %get3A_2258 = arith.constant 0 : index
    %get3A_2259 = arith.constant 0 : index
    %get3A_2260 = vector.load %arg5[%get3A_2258, %get3A_2259] : memref<64x3000xf32, #tpu.memory_space<vmem>>, vector<64x3000xf32>
    %mul3A_2261 = vector.broadcast %get3A_2254 : vector<1x3000xf32> to vector<64x3000xf32>
    %mul3A_2262 = arith.mulf %get3A_2260, %mul3A_2261 : vector<64x3000xf32>
    %swap3A_2263 = arith.constant 0 : index
    %swap3A_2264 = arith.constant 0 : index
    %swap3A_2265 = vector.load %arg13[%swap3A_2263, %swap3A_2264] : memref<64x3000xf32, #tpu.memory_space<vmem>>, vector<64x3000xf32>
    tpu.vector_store %arg13[%swap3A_2263, %swap3A_2264], %mul3A_2262 {strides = array<i32>} : memref<64x3000xf32, #tpu.memory_space<vmem>>, vector<64x3000xf32>,
    %dma_start3A_2266 = arith.constant 6272 : i32
    %dma_start3A_2267 = arith.constant 0 : i32
    %dma_start3A_2268 = tpu.memref_slice %arg2[%dma_start3A_2266, %dma_start3A_2267] : memref<8192x3000xf32, #tpu.memory_space<any>> -> memref<64x3000xf32, #tpu.memory_space<any>>
    tpu.enqueue_dma source(%arg13 : memref<64x3000xf32, #tpu.memory_space<vmem>>) target(%dma_start3A_2268 : memref<64x3000xf32, #tpu.memory_space<any>>) target_semaphore(%arg29 : memref<!tpu.dma_semaphore, #tpu.memory_space<semaphore_mem>>)
    %dma_start3A_2269 = arith.constant 6784 : i32
    %dma_start3A_2270 = arith.constant 0 : i32
    %dma_start3A_2271 = tpu.memref_slice %arg1[%dma_start3A_2269, %dma_start3A_2270] : memref<8192x3000xf32, #tpu.memory_space<any>> -> memref<64x3000xf32, #tpu.memory_space<any>>
    tpu.enqueue_dma source(%dma_start3A_2271 : memref<64x3000xf32, #tpu.memory_space<any>>) target(%arg5 : memref<64x3000xf32, #tpu.memory_space<vmem>>) target_semaphore(%arg21 : memref<!tpu.dma_semaphore, #tpu.memory_space<semaphore_mem>>)
    %dma_wait3A_2272 = arith.constant 6336 : i32
    %dma_wait3A_2273 = arith.constant 0 : i32
    %dma_wait3A_2274 = tpu.memref_slice %arg1[%dma_wait3A_2272, %dma_wait3A_2273] : memref<8192x3000xf32, #tpu.memory_space<any>> -> memref<64x3000xf32, #tpu.memory_space<any>>
    tpu.wait_dma2 semaphore(%arg22 : memref<!tpu.dma_semaphore, #tpu.memory_space<semaphore_mem>>) src(%dma_wait3A_2274 : memref<64x3000xf32, #tpu.memory_space<any>>) dst(%arg6 : memref<64x3000xf32, #tpu.memory_space<vmem>>)
    %get3A_2275 = arith.constant 49 : index
    %get3A_2276 = arith.constant 0 : index
    %get3A_2277 = vector.load %arg0[%get3A_2275, %get3A_2276] : memref<64x3000xf32, #tpu.memory_space<vmem>>, vector<1x3000xf32>
    %dma_wait3A_2278 = arith.constant 5824 : i32
    %dma_wait3A_2279 = arith.constant 0 : i32
    %dma_wait3A_2280 = tpu.memref_slice %arg2[%dma_wait3A_2278, %dma_wait3A_2279] : memref<8192x3000xf32, #tpu.memory_space<any>> -> memref<64x3000xf32, #tpu.memory_space<any>>
    tpu.wait_dma2 semaphore(%arg30 : memref<!tpu.dma_semaphore, #tpu.memory_space<semaphore_mem>>) src(%arg14 : memref<64x3000xf32, #tpu.memory_space<vmem>>) dst(%dma_wait3A_2280 : memref<64x3000xf32, #tpu.memory_space<any>>)
    %get3A_2281 = arith.constant 0 : index
    %get3A_2282 = arith.constant 0 : index
    %get3A_2283 = vector.load %arg6[%get3A_2281, %get3A_2282] : memref<64x3000xf32, #tpu.memory_space<vmem>>, vector<64x3000xf32>
    %mul3A_2284 = vector.broadcast %get3A_2277 : vector<1x3000xf32> to vector<64x3000xf32>
    %mul3A_2285 = arith.mulf %get3A_2283, %mul3A_2284 : vector<64x3000xf32>
    %swap3A_2286 = arith.constant 0 : index
    %swap3A_2287 = arith.constant 0 : index
    %swap3A_2288 = vector.load %arg14[%swap3A_2286, %swap3A_2287] : memref<64x3000xf32, #tpu.memory_space<vmem>>, vector<64x3000xf32>
    tpu.vector_store %arg14[%swap3A_2286, %swap3A_2287], %mul3A_2285 {strides = array<i32>} : memref<64x3000xf32, #tpu.memory_space<vmem>>, vector<64x3000xf32>,
    %dma_start3A_2289 = arith.constant 6336 : i32
    %dma_start3A_2290 = arith.constant 0 : i32
    %dma_start3A_2291 = tpu.memref_slice %arg2[%dma_start3A_2289, %dma_start3A_2290] : memref<8192x3000xf32, #tpu.memory_space<any>> -> memref<64x3000xf32, #tpu.memory_space<any>>
    tpu.enqueue_dma source(%arg14 : memref<64x3000xf32, #tpu.memory_space<vmem>>) target(%dma_start3A_2291 : memref<64x3000xf32, #tpu.memory_space<any>>) target_semaphore(%arg30 : memref<!tpu.dma_semaphore, #tpu.memory_space<semaphore_mem>>) {priority = 1 : i32}
    %dma_start3A_2292 = arith.constant 6848 : i32
    %dma_start3A_2293 = arith.constant 0 : i32
    %dma_start3A_2294 = tpu.memref_slice %arg1[%dma_start3A_2292, %dma_start3A_2293] : memref<8192x3000xf32, #tpu.memory_space<any>> -> memref<64x3000xf32, #tpu.memory_space<any>>
    tpu.enqueue_dma source(%dma_start3A_2294 : memref<64x3000xf32, #tpu.memory_space<any>>) target(%arg6 : memref<64x3000xf32, #tpu.memory_space<vmem>>) target_semaphore(%arg22 : memref<!tpu.dma_semaphore, #tpu.memory_space<semaphore_mem>>) {priority = 1 : i32}
    %dma_wait3A_2295 = arith.constant 6400 : i32
    %dma_wait3A_2296 = arith.constant 0 : i32
    %dma_wait3A_2297 = tpu.memref_slice %arg1[%dma_wait3A_2295, %dma_wait3A_2296] : memref<8192x3000xf32, #tpu.memory_space<any>> -> memref<64x3000xf32, #tpu.memory_space<any>>
    tpu.wait_dma2 semaphore(%arg23 : memref<!tpu.dma_semaphore, #tpu.memory_space<semaphore_mem>>) src(%dma_wait3A_2297 : memref<64x3000xf32, #tpu.memory_space<any>>) dst(%arg7 : memref<64x3000xf32, #tpu.memory_space<vmem>>)
    %get3A_2298 = arith.constant 50 : index
    %get3A_2299 = arith.constant 0 : index
    %get3A_2300 = vector.load %arg0[%get3A_2298, %get3A_2299] : memref<64x3000xf32, #tpu.memory_space<vmem>>, vector<1x3000xf32>
    %dma_wait3A_2301 = arith.constant 5888 : i32
    %dma_wait3A_2302 = arith.constant 0 : i32
    %dma_wait3A_2303 = tpu.memref_slice %arg2[%dma_wait3A_2301, %dma_wait3A_2302] : memref<8192x3000xf32, #tpu.memory_space<any>> -> memref<64x3000xf32, #tpu.memory_space<any>>
    tpu.wait_dma2 semaphore(%arg31 : memref<!tpu.dma_semaphore, #tpu.memory_space<semaphore_mem>>) src(%arg15 : memref<64x3000xf32, #tpu.memory_space<vmem>>) dst(%dma_wait3A_2303 : memref<64x3000xf32, #tpu.memory_space<any>>)
    %get3A_2304 = arith.constant 0 : index
    %get3A_2305 = arith.constant 0 : index
    %get3A_2306 = vector.load %arg7[%get3A_2304, %get3A_2305] : memref<64x3000xf32, #tpu.memory_space<vmem>>, vector<64x3000xf32>
    %mul3A_2307 = vector.broadcast %get3A_2300 : vector<1x3000xf32> to vector<64x3000xf32>
    %mul3A_2308 = arith.mulf %get3A_2306, %mul3A_2307 : vector<64x3000xf32>
    %swap3A_2309 = arith.constant 0 : index
    %swap3A_2310 = arith.constant 0 : index
    %swap3A_2311 = vector.load %arg15[%swap3A_2309, %swap3A_2310] : memref<64x3000xf32, #tpu.memory_space<vmem>>, vector<64x3000xf32>
    tpu.vector_store %arg15[%swap3A_2309, %swap3A_2310], %mul3A_2308 {strides = array<i32>} : memref<64x3000xf32, #tpu.memory_space<vmem>>, vector<64x3000xf32>,
    %dma_start3A_2312 = arith.constant 6400 : i32
    %dma_start3A_2313 = arith.constant 0 : i32
    %dma_start3A_2314 = tpu.memref_slice %arg2[%dma_start3A_2312, %dma_start3A_2313] : memref<8192x3000xf32, #tpu.memory_space<any>> -> memref<64x3000xf32, #tpu.memory_space<any>>
    tpu.enqueue_dma source(%arg15 : memref<64x3000xf32, #tpu.memory_space<vmem>>) target(%dma_start3A_2314 : memref<64x3000xf32, #tpu.memory_space<any>>) target_semaphore(%arg31 : memref<!tpu.dma_semaphore, #tpu.memory_space<semaphore_mem>>)
    %dma_start3A_2315 = arith.constant 6912 : i32
    %dma_start3A_2316 = arith.constant 0 : i32
    %dma_start3A_2317 = tpu.memref_slice %arg1[%dma_start3A_2315, %dma_start3A_2316] : memref<8192x3000xf32, #tpu.memory_space<any>> -> memref<64x3000xf32, #tpu.memory_space<any>>
    tpu.enqueue_dma source(%dma_start3A_2317 : memref<64x3000xf32, #tpu.memory_space<any>>) target(%arg7 : memref<64x3000xf32, #tpu.memory_space<vmem>>) target_semaphore(%arg23 : memref<!tpu.dma_semaphore, #tpu.memory_space<semaphore_mem>>)
    %dma_wait3A_2318 = arith.constant 6464 : i32
    %dma_wait3A_2319 = arith.constant 0 : i32
    %dma_wait3A_2320 = tpu.memref_slice %arg1[%dma_wait3A_2318, %dma_wait3A_2319] : memref<8192x3000xf32, #tpu.memory_space<any>> -> memref<64x3000xf32, #tpu.memory_space<any>>
    tpu.wait_dma2 semaphore(%arg24 : memref<!tpu.dma_semaphore, #tpu.memory_space<semaphore_mem>>) src(%dma_wait3A_2320 : memref<64x3000xf32, #tpu.memory_space<any>>) dst(%arg8 : memref<64x3000xf32, #tpu.memory_space<vmem>>)
    %get3A_2321 = arith.constant 50 : index
    %get3A_2322 = arith.constant 0 : index
    %get3A_2323 = vector.load %arg0[%get3A_2321, %get3A_2322] : memref<64x3000xf32, #tpu.memory_space<vmem>>, vector<1x3000xf32>
    %dma_wait3A_2324 = arith.constant 5952 : i32
    %dma_wait3A_2325 = arith.constant 0 : i32
    %dma_wait3A_2326 = tpu.memref_slice %arg2[%dma_wait3A_2324, %dma_wait3A_2325] : memref<8192x3000xf32, #tpu.memory_space<any>> -> memref<64x3000xf32, #tpu.memory_space<any>>
    tpu.wait_dma2 semaphore(%arg32 : memref<!tpu.dma_semaphore, #tpu.memory_space<semaphore_mem>>) src(%arg16 : memref<64x3000xf32, #tpu.memory_space<vmem>>) dst(%dma_wait3A_2326 : memref<64x3000xf32, #tpu.memory_space<any>>)
    %get3A_2327 = arith.constant 0 : index
    %get3A_2328 = arith.constant 0 : index
    %get3A_2329 = vector.load %arg8[%get3A_2327, %get3A_2328] : memref<64x3000xf32, #tpu.memory_space<vmem>>, vector<64x3000xf32>
    %mul3A_2330 = vector.broadcast %get3A_2323 : vector<1x3000xf32> to vector<64x3000xf32>
    %mul3A_2331 = arith.mulf %get3A_2329, %mul3A_2330 : vector<64x3000xf32>
    %swap3A_2332 = arith.constant 0 : index
    %swap3A_2333 = arith.constant 0 : index
    %swap3A_2334 = vector.load %arg16[%swap3A_2332, %swap3A_2333] : memref<64x3000xf32, #tpu.memory_space<vmem>>, vector<64x3000xf32>
    tpu.vector_store %arg16[%swap3A_2332, %swap3A_2333], %mul3A_2331 {strides = array<i32>} : memref<64x3000xf32, #tpu.memory_space<vmem>>, vector<64x3000xf32>,
    %dma_start3A_2335 = arith.constant 6464 : i32
    %dma_start3A_2336 = arith.constant 0 : i32
    %dma_start3A_2337 = tpu.memref_slice %arg2[%dma_start3A_2335, %dma_start3A_2336] : memref<8192x3000xf32, #tpu.memory_space<any>> -> memref<64x3000xf32, #tpu.memory_space<any>>
    tpu.enqueue_dma source(%arg16 : memref<64x3000xf32, #tpu.memory_space<vmem>>) target(%dma_start3A_2337 : memref<64x3000xf32, #tpu.memory_space<any>>) target_semaphore(%arg32 : memref<!tpu.dma_semaphore, #tpu.memory_space<semaphore_mem>>) {priority = 1 : i32}
    %dma_start3A_2338 = arith.constant 6976 : i32
    %dma_start3A_2339 = arith.constant 0 : i32
    %dma_start3A_2340 = tpu.memref_slice %arg1[%dma_start3A_2338, %dma_start3A_2339] : memref<8192x3000xf32, #tpu.memory_space<any>> -> memref<64x3000xf32, #tpu.memory_space<any>>
    tpu.enqueue_dma source(%dma_start3A_2340 : memref<64x3000xf32, #tpu.memory_space<any>>) target(%arg8 : memref<64x3000xf32, #tpu.memory_space<vmem>>) target_semaphore(%arg24 : memref<!tpu.dma_semaphore, #tpu.memory_space<semaphore_mem>>) {priority = 1 : i32}
    %dma_wait3A_2341 = arith.constant 6528 : i32
    %dma_wait3A_2342 = arith.constant 0 : i32
    %dma_wait3A_2343 = tpu.memref_slice %arg1[%dma_wait3A_2341, %dma_wait3A_2342] : memref<8192x3000xf32, #tpu.memory_space<any>> -> memref<64x3000xf32, #tpu.memory_space<any>>
    tpu.wait_dma2 semaphore(%arg25 : memref<!tpu.dma_semaphore, #tpu.memory_space<semaphore_mem>>) src(%dma_wait3A_2343 : memref<64x3000xf32, #tpu.memory_space<any>>) dst(%arg9 : memref<64x3000xf32, #tpu.memory_space<vmem>>)
    %get3A_2344 = arith.constant 51 : index
    %get3A_2345 = arith.constant 0 : index
    %get3A_2346 = vector.load %arg0[%get3A_2344, %get3A_2345] : memref<64x3000xf32, #tpu.memory_space<vmem>>, vector<1x3000xf32>
    %dma_wait3A_2347 = arith.constant 6016 : i32
    %dma_wait3A_2348 = arith.constant 0 : i32
    %dma_wait3A_2349 = tpu.memref_slice %arg2[%dma_wait3A_2347, %dma_wait3A_2348] : memref<8192x3000xf32, #tpu.memory_space<any>> -> memref<64x3000xf32, #tpu.memory_space<any>>
    tpu.wait_dma2 semaphore(%arg33 : memref<!tpu.dma_semaphore, #tpu.memory_space<semaphore_mem>>) src(%arg17 : memref<64x3000xf32, #tpu.memory_space<vmem>>) dst(%dma_wait3A_2349 : memref<64x3000xf32, #tpu.memory_space<any>>)
    %get3A_2350 = arith.constant 0 : index
    %get3A_2351 = arith.constant 0 : index
    %get3A_2352 = vector.load %arg9[%get3A_2350, %get3A_2351] : memref<64x3000xf32, #tpu.memory_space<vmem>>, vector<64x3000xf32>
    %mul3A_2353 = vector.broadcast %get3A_2346 : vector<1x3000xf32> to vector<64x3000xf32>
    %mul3A_2354 = arith.mulf %get3A_2352, %mul3A_2353 : vector<64x3000xf32>
    %swap3A_2355 = arith.constant 0 : index
    %swap3A_2356 = arith.constant 0 : index
    %swap3A_2357 = vector.load %arg17[%swap3A_2355, %swap3A_2356] : memref<64x3000xf32, #tpu.memory_space<vmem>>, vector<64x3000xf32>
    tpu.vector_store %arg17[%swap3A_2355, %swap3A_2356], %mul3A_2354 {strides = array<i32>} : memref<64x3000xf32, #tpu.memory_space<vmem>>, vector<64x3000xf32>,
    %dma_start3A_2358 = arith.constant 6528 : i32
    %dma_start3A_2359 = arith.constant 0 : i32
    %dma_start3A_2360 = tpu.memref_slice %arg2[%dma_start3A_2358, %dma_start3A_2359] : memref<8192x3000xf32, #tpu.memory_space<any>> -> memref<64x3000xf32, #tpu.memory_space<any>>
    tpu.enqueue_dma source(%arg17 : memref<64x3000xf32, #tpu.memory_space<vmem>>) target(%dma_start3A_2360 : memref<64x3000xf32, #tpu.memory_space<any>>) target_semaphore(%arg33 : memref<!tpu.dma_semaphore, #tpu.memory_space<semaphore_mem>>)
    %dma_start3A_2361 = arith.constant 7040 : i32
    %dma_start3A_2362 = arith.constant 0 : i32
    %dma_start3A_2363 = tpu.memref_slice %arg1[%dma_start3A_2361, %dma_start3A_2362] : memref<8192x3000xf32, #tpu.memory_space<any>> -> memref<64x3000xf32, #tpu.memory_space<any>>
    tpu.enqueue_dma source(%dma_start3A_2363 : memref<64x3000xf32, #tpu.memory_space<any>>) target(%arg9 : memref<64x3000xf32, #tpu.memory_space<vmem>>) target_semaphore(%arg25 : memref<!tpu.dma_semaphore, #tpu.memory_space<semaphore_mem>>)
    %dma_wait3A_2364 = arith.constant 6592 : i32
    %dma_wait3A_2365 = arith.constant 0 : i32
    %dma_wait3A_2366 = tpu.memref_slice %arg1[%dma_wait3A_2364, %dma_wait3A_2365] : memref<8192x3000xf32, #tpu.memory_space<any>> -> memref<64x3000xf32, #tpu.memory_space<any>>
    tpu.wait_dma2 semaphore(%arg26 : memref<!tpu.dma_semaphore, #tpu.memory_space<semaphore_mem>>) src(%dma_wait3A_2366 : memref<64x3000xf32, #tpu.memory_space<any>>) dst(%arg10 : memref<64x3000xf32, #tpu.memory_space<vmem>>)
    %get3A_2367 = arith.constant 51 : index
    %get3A_2368 = arith.constant 0 : index
    %get3A_2369 = vector.load %arg0[%get3A_2367, %get3A_2368] : memref<64x3000xf32, #tpu.memory_space<vmem>>, vector<1x3000xf32>
    %dma_wait3A_2370 = arith.constant 6080 : i32
    %dma_wait3A_2371 = arith.constant 0 : i32
    %dma_wait3A_2372 = tpu.memref_slice %arg2[%dma_wait3A_2370, %dma_wait3A_2371] : memref<8192x3000xf32, #tpu.memory_space<any>> -> memref<64x3000xf32, #tpu.memory_space<any>>
    tpu.wait_dma2 semaphore(%arg34 : memref<!tpu.dma_semaphore, #tpu.memory_space<semaphore_mem>>) src(%arg18 : memref<64x3000xf32, #tpu.memory_space<vmem>>) dst(%dma_wait3A_2372 : memref<64x3000xf32, #tpu.memory_space<any>>)
    %get3A_2373 = arith.constant 0 : index
    %get3A_2374 = arith.constant 0 : index
    %get3A_2375 = vector.load %arg10[%get3A_2373, %get3A_2374] : memref<64x3000xf32, #tpu.memory_space<vmem>>, vector<64x3000xf32>
    %mul3A_2376 = vector.broadcast %get3A_2369 : vector<1x3000xf32> to vector<64x3000xf32>
    %mul3A_2377 = arith.mulf %get3A_2375, %mul3A_2376 : vector<64x3000xf32>
    %swap3A_2378 = arith.constant 0 : index
    %swap3A_2379 = arith.constant 0 : index
    %swap3A_2380 = vector.load %arg18[%swap3A_2378, %swap3A_2379] : memref<64x3000xf32, #tpu.memory_space<vmem>>, vector<64x3000xf32>
    tpu.vector_store %arg18[%swap3A_2378, %swap3A_2379], %mul3A_2377 {strides = array<i32>} : memref<64x3000xf32, #tpu.memory_space<vmem>>, vector<64x3000xf32>,
    %dma_start3A_2381 = arith.constant 6592 : i32
    %dma_start3A_2382 = arith.constant 0 : i32
    %dma_start3A_2383 = tpu.memref_slice %arg2[%dma_start3A_2381, %dma_start3A_2382] : memref<8192x3000xf32, #tpu.memory_space<any>> -> memref<64x3000xf32, #tpu.memory_space<any>>
    tpu.enqueue_dma source(%arg18 : memref<64x3000xf32, #tpu.memory_space<vmem>>) target(%dma_start3A_2383 : memref<64x3000xf32, #tpu.memory_space<any>>) target_semaphore(%arg34 : memref<!tpu.dma_semaphore, #tpu.memory_space<semaphore_mem>>) {priority = 1 : i32}
    %dma_start3A_2384 = arith.constant 7104 : i32
    %dma_start3A_2385 = arith.constant 0 : i32
    %dma_start3A_2386 = tpu.memref_slice %arg1[%dma_start3A_2384, %dma_start3A_2385] : memref<8192x3000xf32, #tpu.memory_space<any>> -> memref<64x3000xf32, #tpu.memory_space<any>>
    tpu.enqueue_dma source(%dma_start3A_2386 : memref<64x3000xf32, #tpu.memory_space<any>>) target(%arg10 : memref<64x3000xf32, #tpu.memory_space<vmem>>) target_semaphore(%arg26 : memref<!tpu.dma_semaphore, #tpu.memory_space<semaphore_mem>>) {priority = 1 : i32}
    %dma_wait3A_2387 = arith.constant 6656 : i32
    %dma_wait3A_2388 = arith.constant 0 : i32
    %dma_wait3A_2389 = tpu.memref_slice %arg1[%dma_wait3A_2387, %dma_wait3A_2388] : memref<8192x3000xf32, #tpu.memory_space<any>> -> memref<64x3000xf32, #tpu.memory_space<any>>
    tpu.wait_dma2 semaphore(%arg19 : memref<!tpu.dma_semaphore, #tpu.memory_space<semaphore_mem>>) src(%dma_wait3A_2389 : memref<64x3000xf32, #tpu.memory_space<any>>) dst(%arg3 : memref<64x3000xf32, #tpu.memory_space<vmem>>)
    %get3A_2390 = arith.constant 52 : index
    %get3A_2391 = arith.constant 0 : index
    %get3A_2392 = vector.load %arg0[%get3A_2390, %get3A_2391] : memref<64x3000xf32, #tpu.memory_space<vmem>>, vector<1x3000xf32>
    %dma_wait3A_2393 = arith.constant 6144 : i32
    %dma_wait3A_2394 = arith.constant 0 : i32
    %dma_wait3A_2395 = tpu.memref_slice %arg2[%dma_wait3A_2393, %dma_wait3A_2394] : memref<8192x3000xf32, #tpu.memory_space<any>> -> memref<64x3000xf32, #tpu.memory_space<any>>
    tpu.wait_dma2 semaphore(%arg27 : memref<!tpu.dma_semaphore, #tpu.memory_space<semaphore_mem>>) src(%arg11 : memref<64x3000xf32, #tpu.memory_space<vmem>>) dst(%dma_wait3A_2395 : memref<64x3000xf32, #tpu.memory_space<any>>)
    %get3A_2396 = arith.constant 0 : index
    %get3A_2397 = arith.constant 0 : index
    %get3A_2398 = vector.load %arg3[%get3A_2396, %get3A_2397] : memref<64x3000xf32, #tpu.memory_space<vmem>>, vector<64x3000xf32>
    %mul3A_2399 = vector.broadcast %get3A_2392 : vector<1x3000xf32> to vector<64x3000xf32>
    %mul3A_2400 = arith.mulf %get3A_2398, %mul3A_2399 : vector<64x3000xf32>
    %swap3A_2401 = arith.constant 0 : index
    %swap3A_2402 = arith.constant 0 : index
    %swap3A_2403 = vector.load %arg11[%swap3A_2401, %swap3A_2402] : memref<64x3000xf32, #tpu.memory_space<vmem>>, vector<64x3000xf32>
    tpu.vector_store %arg11[%swap3A_2401, %swap3A_2402], %mul3A_2400 {strides = array<i32>} : memref<64x3000xf32, #tpu.memory_space<vmem>>, vector<64x3000xf32>,
    %dma_start3A_2404 = arith.constant 6656 : i32
    %dma_start3A_2405 = arith.constant 0 : i32
    %dma_start3A_2406 = tpu.memref_slice %arg2[%dma_start3A_2404, %dma_start3A_2405] : memref<8192x3000xf32, #tpu.memory_space<any>> -> memref<64x3000xf32, #tpu.memory_space<any>>
    tpu.enqueue_dma source(%arg11 : memref<64x3000xf32, #tpu.memory_space<vmem>>) target(%dma_start3A_2406 : memref<64x3000xf32, #tpu.memory_space<any>>) target_semaphore(%arg27 : memref<!tpu.dma_semaphore, #tpu.memory_space<semaphore_mem>>)
    %dma_start3A_2407 = arith.constant 7168 : i32
    %dma_start3A_2408 = arith.constant 0 : i32
    %dma_start3A_2409 = tpu.memref_slice %arg1[%dma_start3A_2407, %dma_start3A_2408] : memref<8192x3000xf32, #tpu.memory_space<any>> -> memref<64x3000xf32, #tpu.memory_space<any>>
    tpu.enqueue_dma source(%dma_start3A_2409 : memref<64x3000xf32, #tpu.memory_space<any>>) target(%arg3 : memref<64x3000xf32, #tpu.memory_space<vmem>>) target_semaphore(%arg19 : memref<!tpu.dma_semaphore, #tpu.memory_space<semaphore_mem>>)
    %dma_wait3A_2410 = arith.constant 6720 : i32
    %dma_wait3A_2411 = arith.constant 0 : i32
    %dma_wait3A_2412 = tpu.memref_slice %arg1[%dma_wait3A_2410, %dma_wait3A_2411] : memref<8192x3000xf32, #tpu.memory_space<any>> -> memref<64x3000xf32, #tpu.memory_space<any>>
    tpu.wait_dma2 semaphore(%arg20 : memref<!tpu.dma_semaphore, #tpu.memory_space<semaphore_mem>>) src(%dma_wait3A_2412 : memref<64x3000xf32, #tpu.memory_space<any>>) dst(%arg4 : memref<64x3000xf32, #tpu.memory_space<vmem>>)
    %get3A_2413 = arith.constant 52 : index
    %get3A_2414 = arith.constant 0 : index
    %get3A_2415 = vector.load %arg0[%get3A_2413, %get3A_2414] : memref<64x3000xf32, #tpu.memory_space<vmem>>, vector<1x3000xf32>
    %dma_wait3A_2416 = arith.constant 6208 : i32
    %dma_wait3A_2417 = arith.constant 0 : i32
    %dma_wait3A_2418 = tpu.memref_slice %arg2[%dma_wait3A_2416, %dma_wait3A_2417] : memref<8192x3000xf32, #tpu.memory_space<any>> -> memref<64x3000xf32, #tpu.memory_space<any>>
    tpu.wait_dma2 semaphore(%arg28 : memref<!tpu.dma_semaphore, #tpu.memory_space<semaphore_mem>>) src(%arg12 : memref<64x3000xf32, #tpu.memory_space<vmem>>) dst(%dma_wait3A_2418 : memref<64x3000xf32, #tpu.memory_space<any>>)
    %get3A_2419 = arith.constant 0 : index
    %get3A_2420 = arith.constant 0 : index
    %get3A_2421 = vector.load %arg4[%get3A_2419, %get3A_2420] : memref<64x3000xf32, #tpu.memory_space<vmem>>, vector<64x3000xf32>
    %mul3A_2422 = vector.broadcast %get3A_2415 : vector<1x3000xf32> to vector<64x3000xf32>
    %mul3A_2423 = arith.mulf %get3A_2421, %mul3A_2422 : vector<64x3000xf32>
    %swap3A_2424 = arith.constant 0 : index
    %swap3A_2425 = arith.constant 0 : index
    %swap3A_2426 = vector.load %arg12[%swap3A_2424, %swap3A_2425] : memref<64x3000xf32, #tpu.memory_space<vmem>>, vector<64x3000xf32>
    tpu.vector_store %arg12[%swap3A_2424, %swap3A_2425], %mul3A_2423 {strides = array<i32>} : memref<64x3000xf32, #tpu.memory_space<vmem>>, vector<64x3000xf32>,
    %dma_start3A_2427 = arith.constant 6720 : i32
    %dma_start3A_2428 = arith.constant 0 : i32
    %dma_start3A_2429 = tpu.memref_slice %arg2[%dma_start3A_2427, %dma_start3A_2428] : memref<8192x3000xf32, #tpu.memory_space<any>> -> memref<64x3000xf32, #tpu.memory_space<any>>
    tpu.enqueue_dma source(%arg12 : memref<64x3000xf32, #tpu.memory_space<vmem>>) target(%dma_start3A_2429 : memref<64x3000xf32, #tpu.memory_space<any>>) target_semaphore(%arg28 : memref<!tpu.dma_semaphore, #tpu.memory_space<semaphore_mem>>) {priority = 1 : i32}
    %dma_start3A_2430 = arith.constant 7232 : i32
    %dma_start3A_2431 = arith.constant 0 : i32
    %dma_start3A_2432 = tpu.memref_slice %arg1[%dma_start3A_2430, %dma_start3A_2431] : memref<8192x3000xf32, #tpu.memory_space<any>> -> memref<64x3000xf32, #tpu.memory_space<any>>
    tpu.enqueue_dma source(%dma_start3A_2432 : memref<64x3000xf32, #tpu.memory_space<any>>) target(%arg4 : memref<64x3000xf32, #tpu.memory_space<vmem>>) target_semaphore(%arg20 : memref<!tpu.dma_semaphore, #tpu.memory_space<semaphore_mem>>) {priority = 1 : i32}
    %dma_wait3A_2433 = arith.constant 6784 : i32
    %dma_wait3A_2434 = arith.constant 0 : i32
    %dma_wait3A_2435 = tpu.memref_slice %arg1[%dma_wait3A_2433, %dma_wait3A_2434] : memref<8192x3000xf32, #tpu.memory_space<any>> -> memref<64x3000xf32, #tpu.memory_space<any>>
    tpu.wait_dma2 semaphore(%arg21 : memref<!tpu.dma_semaphore, #tpu.memory_space<semaphore_mem>>) src(%dma_wait3A_2435 : memref<64x3000xf32, #tpu.memory_space<any>>) dst(%arg5 : memref<64x3000xf32, #tpu.memory_space<vmem>>)
    %get3A_2436 = arith.constant 53 : index
    %get3A_2437 = arith.constant 0 : index
    %get3A_2438 = vector.load %arg0[%get3A_2436, %get3A_2437] : memref<64x3000xf32, #tpu.memory_space<vmem>>, vector<1x3000xf32>
    %dma_wait3A_2439 = arith.constant 6272 : i32
    %dma_wait3A_2440 = arith.constant 0 : i32
    %dma_wait3A_2441 = tpu.memref_slice %arg2[%dma_wait3A_2439, %dma_wait3A_2440] : memref<8192x3000xf32, #tpu.memory_space<any>> -> memref<64x3000xf32, #tpu.memory_space<any>>
    tpu.wait_dma2 semaphore(%arg29 : memref<!tpu.dma_semaphore, #tpu.memory_space<semaphore_mem>>) src(%arg13 : memref<64x3000xf32, #tpu.memory_space<vmem>>) dst(%dma_wait3A_2441 : memref<64x3000xf32, #tpu.memory_space<any>>)
    %get3A_2442 = arith.constant 0 : index
    %get3A_2443 = arith.constant 0 : index
    %get3A_2444 = vector.load %arg5[%get3A_2442, %get3A_2443] : memref<64x3000xf32, #tpu.memory_space<vmem>>, vector<64x3000xf32>
    %mul3A_2445 = vector.broadcast %get3A_2438 : vector<1x3000xf32> to vector<64x3000xf32>
    %mul3A_2446 = arith.mulf %get3A_2444, %mul3A_2445 : vector<64x3000xf32>
    %swap3A_2447 = arith.constant 0 : index
    %swap3A_2448 = arith.constant 0 : index
    %swap3A_2449 = vector.load %arg13[%swap3A_2447, %swap3A_2448] : memref<64x3000xf32, #tpu.memory_space<vmem>>, vector<64x3000xf32>
    tpu.vector_store %arg13[%swap3A_2447, %swap3A_2448], %mul3A_2446 {strides = array<i32>} : memref<64x3000xf32, #tpu.memory_space<vmem>>, vector<64x3000xf32>,
    %dma_start3A_2450 = arith.constant 6784 : i32
    %dma_start3A_2451 = arith.constant 0 : i32
    %dma_start3A_2452 = tpu.memref_slice %arg2[%dma_start3A_2450, %dma_start3A_2451] : memref<8192x3000xf32, #tpu.memory_space<any>> -> memref<64x3000xf32, #tpu.memory_space<any>>
    tpu.enqueue_dma source(%arg13 : memref<64x3000xf32, #tpu.memory_space<vmem>>) target(%dma_start3A_2452 : memref<64x3000xf32, #tpu.memory_space<any>>) target_semaphore(%arg29 : memref<!tpu.dma_semaphore, #tpu.memory_space<semaphore_mem>>)
    %dma_start3A_2453 = arith.constant 7296 : i32
    %dma_start3A_2454 = arith.constant 0 : i32
    %dma_start3A_2455 = tpu.memref_slice %arg1[%dma_start3A_2453, %dma_start3A_2454] : memref<8192x3000xf32, #tpu.memory_space<any>> -> memref<64x3000xf32, #tpu.memory_space<any>>
    tpu.enqueue_dma source(%dma_start3A_2455 : memref<64x3000xf32, #tpu.memory_space<any>>) target(%arg5 : memref<64x3000xf32, #tpu.memory_space<vmem>>) target_semaphore(%arg21 : memref<!tpu.dma_semaphore, #tpu.memory_space<semaphore_mem>>)
    %dma_wait3A_2456 = arith.constant 6848 : i32
    %dma_wait3A_2457 = arith.constant 0 : i32
    %dma_wait3A_2458 = tpu.memref_slice %arg1[%dma_wait3A_2456, %dma_wait3A_2457] : memref<8192x3000xf32, #tpu.memory_space<any>> -> memref<64x3000xf32, #tpu.memory_space<any>>
    tpu.wait_dma2 semaphore(%arg22 : memref<!tpu.dma_semaphore, #tpu.memory_space<semaphore_mem>>) src(%dma_wait3A_2458 : memref<64x3000xf32, #tpu.memory_space<any>>) dst(%arg6 : memref<64x3000xf32, #tpu.memory_space<vmem>>)
    %get3A_2459 = arith.constant 53 : index
    %get3A_2460 = arith.constant 0 : index
    %get3A_2461 = vector.load %arg0[%get3A_2459, %get3A_2460] : memref<64x3000xf32, #tpu.memory_space<vmem>>, vector<1x3000xf32>
    %dma_wait3A_2462 = arith.constant 6336 : i32
    %dma_wait3A_2463 = arith.constant 0 : i32
    %dma_wait3A_2464 = tpu.memref_slice %arg2[%dma_wait3A_2462, %dma_wait3A_2463] : memref<8192x3000xf32, #tpu.memory_space<any>> -> memref<64x3000xf32, #tpu.memory_space<any>>
    tpu.wait_dma2 semaphore(%arg30 : memref<!tpu.dma_semaphore, #tpu.memory_space<semaphore_mem>>) src(%arg14 : memref<64x3000xf32, #tpu.memory_space<vmem>>) dst(%dma_wait3A_2464 : memref<64x3000xf32, #tpu.memory_space<any>>)
    %get3A_2465 = arith.constant 0 : index
    %get3A_2466 = arith.constant 0 : index
    %get3A_2467 = vector.load %arg6[%get3A_2465, %get3A_2466] : memref<64x3000xf32, #tpu.memory_space<vmem>>, vector<64x3000xf32>
    %mul3A_2468 = vector.broadcast %get3A_2461 : vector<1x3000xf32> to vector<64x3000xf32>
    %mul3A_2469 = arith.mulf %get3A_2467, %mul3A_2468 : vector<64x3000xf32>
    %swap3A_2470 = arith.constant 0 : index
    %swap3A_2471 = arith.constant 0 : index
    %swap3A_2472 = vector.load %arg14[%swap3A_2470, %swap3A_2471] : memref<64x3000xf32, #tpu.memory_space<vmem>>, vector<64x3000xf32>
    tpu.vector_store %arg14[%swap3A_2470, %swap3A_2471], %mul3A_2469 {strides = array<i32>} : memref<64x3000xf32, #tpu.memory_space<vmem>>, vector<64x3000xf32>,
    %dma_start3A_2473 = arith.constant 6848 : i32
    %dma_start3A_2474 = arith.constant 0 : i32
    %dma_start3A_2475 = tpu.memref_slice %arg2[%dma_start3A_2473, %dma_start3A_2474] : memref<8192x3000xf32, #tpu.memory_space<any>> -> memref<64x3000xf32, #tpu.memory_space<any>>
    tpu.enqueue_dma source(%arg14 : memref<64x3000xf32, #tpu.memory_space<vmem>>) target(%dma_start3A_2475 : memref<64x3000xf32, #tpu.memory_space<any>>) target_semaphore(%arg30 : memref<!tpu.dma_semaphore, #tpu.memory_space<semaphore_mem>>) {priority = 1 : i32}
    %dma_start3A_2476 = arith.constant 7360 : i32
    %dma_start3A_2477 = arith.constant 0 : i32
    %dma_start3A_2478 = tpu.memref_slice %arg1[%dma_start3A_2476, %dma_start3A_2477] : memref<8192x3000xf32, #tpu.memory_space<any>> -> memref<64x3000xf32, #tpu.memory_space<any>>
    tpu.enqueue_dma source(%dma_start3A_2478 : memref<64x3000xf32, #tpu.memory_space<any>>) target(%arg6 : memref<64x3000xf32, #tpu.memory_space<vmem>>) target_semaphore(%arg22 : memref<!tpu.dma_semaphore, #tpu.memory_space<semaphore_mem>>) {priority = 1 : i32}
    %dma_wait3A_2479 = arith.constant 6912 : i32
    %dma_wait3A_2480 = arith.constant 0 : i32
    %dma_wait3A_2481 = tpu.memref_slice %arg1[%dma_wait3A_2479, %dma_wait3A_2480] : memref<8192x3000xf32, #tpu.memory_space<any>> -> memref<64x3000xf32, #tpu.memory_space<any>>
    tpu.wait_dma2 semaphore(%arg23 : memref<!tpu.dma_semaphore, #tpu.memory_space<semaphore_mem>>) src(%dma_wait3A_2481 : memref<64x3000xf32, #tpu.memory_space<any>>) dst(%arg7 : memref<64x3000xf32, #tpu.memory_space<vmem>>)
    %get3A_2482 = arith.constant 54 : index
    %get3A_2483 = arith.constant 0 : index
    %get3A_2484 = vector.load %arg0[%get3A_2482, %get3A_2483] : memref<64x3000xf32, #tpu.memory_space<vmem>>, vector<1x3000xf32>
    %dma_wait3A_2485 = arith.constant 6400 : i32
    %dma_wait3A_2486 = arith.constant 0 : i32
    %dma_wait3A_2487 = tpu.memref_slice %arg2[%dma_wait3A_2485, %dma_wait3A_2486] : memref<8192x3000xf32, #tpu.memory_space<any>> -> memref<64x3000xf32, #tpu.memory_space<any>>
    tpu.wait_dma2 semaphore(%arg31 : memref<!tpu.dma_semaphore, #tpu.memory_space<semaphore_mem>>) src(%arg15 : memref<64x3000xf32, #tpu.memory_space<vmem>>) dst(%dma_wait3A_2487 : memref<64x3000xf32, #tpu.memory_space<any>>)
    %get3A_2488 = arith.constant 0 : index
    %get3A_2489 = arith.constant 0 : index
    %get3A_2490 = vector.load %arg7[%get3A_2488, %get3A_2489] : memref<64x3000xf32, #tpu.memory_space<vmem>>, vector<64x3000xf32>
    %mul3A_2491 = vector.broadcast %get3A_2484 : vector<1x3000xf32> to vector<64x3000xf32>
    %mul3A_2492 = arith.mulf %get3A_2490, %mul3A_2491 : vector<64x3000xf32>
    %swap3A_2493 = arith.constant 0 : index
    %swap3A_2494 = arith.constant 0 : index
    %swap3A_2495 = vector.load %arg15[%swap3A_2493, %swap3A_2494] : memref<64x3000xf32, #tpu.memory_space<vmem>>, vector<64x3000xf32>
    tpu.vector_store %arg15[%swap3A_2493, %swap3A_2494], %mul3A_2492 {strides = array<i32>} : memref<64x3000xf32, #tpu.memory_space<vmem>>, vector<64x3000xf32>,
    %dma_start3A_2496 = arith.constant 6912 : i32
    %dma_start3A_2497 = arith.constant 0 : i32
    %dma_start3A_2498 = tpu.memref_slice %arg2[%dma_start3A_2496, %dma_start3A_2497] : memref<8192x3000xf32, #tpu.memory_space<any>> -> memref<64x3000xf32, #tpu.memory_space<any>>
    tpu.enqueue_dma source(%arg15 : memref<64x3000xf32, #tpu.memory_space<vmem>>) target(%dma_start3A_2498 : memref<64x3000xf32, #tpu.memory_space<any>>) target_semaphore(%arg31 : memref<!tpu.dma_semaphore, #tpu.memory_space<semaphore_mem>>)
    %dma_start3A_2499 = arith.constant 7424 : i32
    %dma_start3A_2500 = arith.constant 0 : i32
    %dma_start3A_2501 = tpu.memref_slice %arg1[%dma_start3A_2499, %dma_start3A_2500] : memref<8192x3000xf32, #tpu.memory_space<any>> -> memref<64x3000xf32, #tpu.memory_space<any>>
    tpu.enqueue_dma source(%dma_start3A_2501 : memref<64x3000xf32, #tpu.memory_space<any>>) target(%arg7 : memref<64x3000xf32, #tpu.memory_space<vmem>>) target_semaphore(%arg23 : memref<!tpu.dma_semaphore, #tpu.memory_space<semaphore_mem>>)
    %dma_wait3A_2502 = arith.constant 6976 : i32
    %dma_wait3A_2503 = arith.constant 0 : i32
    %dma_wait3A_2504 = tpu.memref_slice %arg1[%dma_wait3A_2502, %dma_wait3A_2503] : memref<8192x3000xf32, #tpu.memory_space<any>> -> memref<64x3000xf32, #tpu.memory_space<any>>
    tpu.wait_dma2 semaphore(%arg24 : memref<!tpu.dma_semaphore, #tpu.memory_space<semaphore_mem>>) src(%dma_wait3A_2504 : memref<64x3000xf32, #tpu.memory_space<any>>) dst(%arg8 : memref<64x3000xf32, #tpu.memory_space<vmem>>)
    %get3A_2505 = arith.constant 54 : index
    %get3A_2506 = arith.constant 0 : index
    %get3A_2507 = vector.load %arg0[%get3A_2505, %get3A_2506] : memref<64x3000xf32, #tpu.memory_space<vmem>>, vector<1x3000xf32>
    %dma_wait3A_2508 = arith.constant 6464 : i32
    %dma_wait3A_2509 = arith.constant 0 : i32
    %dma_wait3A_2510 = tpu.memref_slice %arg2[%dma_wait3A_2508, %dma_wait3A_2509] : memref<8192x3000xf32, #tpu.memory_space<any>> -> memref<64x3000xf32, #tpu.memory_space<any>>
    tpu.wait_dma2 semaphore(%arg32 : memref<!tpu.dma_semaphore, #tpu.memory_space<semaphore_mem>>) src(%arg16 : memref<64x3000xf32, #tpu.memory_space<vmem>>) dst(%dma_wait3A_2510 : memref<64x3000xf32, #tpu.memory_space<any>>)
    %get3A_2511 = arith.constant 0 : index
    %get3A_2512 = arith.constant 0 : index
    %get3A_2513 = vector.load %arg8[%get3A_2511, %get3A_2512] : memref<64x3000xf32, #tpu.memory_space<vmem>>, vector<64x3000xf32>
    %mul3A_2514 = vector.broadcast %get3A_2507 : vector<1x3000xf32> to vector<64x3000xf32>
    %mul3A_2515 = arith.mulf %get3A_2513, %mul3A_2514 : vector<64x3000xf32>
    %swap3A_2516 = arith.constant 0 : index
    %swap3A_2517 = arith.constant 0 : index
    %swap3A_2518 = vector.load %arg16[%swap3A_2516, %swap3A_2517] : memref<64x3000xf32, #tpu.memory_space<vmem>>, vector<64x3000xf32>
    tpu.vector_store %arg16[%swap3A_2516, %swap3A_2517], %mul3A_2515 {strides = array<i32>} : memref<64x3000xf32, #tpu.memory_space<vmem>>, vector<64x3000xf32>,
    %dma_start3A_2519 = arith.constant 6976 : i32
    %dma_start3A_2520 = arith.constant 0 : i32
    %dma_start3A_2521 = tpu.memref_slice %arg2[%dma_start3A_2519, %dma_start3A_2520] : memref<8192x3000xf32, #tpu.memory_space<any>> -> memref<64x3000xf32, #tpu.memory_space<any>>
    tpu.enqueue_dma source(%arg16 : memref<64x3000xf32, #tpu.memory_space<vmem>>) target(%dma_start3A_2521 : memref<64x3000xf32, #tpu.memory_space<any>>) target_semaphore(%arg32 : memref<!tpu.dma_semaphore, #tpu.memory_space<semaphore_mem>>) {priority = 1 : i32}
    %dma_start3A_2522 = arith.constant 7488 : i32
    %dma_start3A_2523 = arith.constant 0 : i32
    %dma_start3A_2524 = tpu.memref_slice %arg1[%dma_start3A_2522, %dma_start3A_2523] : memref<8192x3000xf32, #tpu.memory_space<any>> -> memref<64x3000xf32, #tpu.memory_space<any>>
    tpu.enqueue_dma source(%dma_start3A_2524 : memref<64x3000xf32, #tpu.memory_space<any>>) target(%arg8 : memref<64x3000xf32, #tpu.memory_space<vmem>>) target_semaphore(%arg24 : memref<!tpu.dma_semaphore, #tpu.memory_space<semaphore_mem>>) {priority = 1 : i32}
    %dma_wait3A_2525 = arith.constant 7040 : i32
    %dma_wait3A_2526 = arith.constant 0 : i32
    %dma_wait3A_2527 = tpu.memref_slice %arg1[%dma_wait3A_2525, %dma_wait3A_2526] : memref<8192x3000xf32, #tpu.memory_space<any>> -> memref<64x3000xf32, #tpu.memory_space<any>>
    tpu.wait_dma2 semaphore(%arg25 : memref<!tpu.dma_semaphore, #tpu.memory_space<semaphore_mem>>) src(%dma_wait3A_2527 : memref<64x3000xf32, #tpu.memory_space<any>>) dst(%arg9 : memref<64x3000xf32, #tpu.memory_space<vmem>>)
    %get3A_2528 = arith.constant 55 : index
    %get3A_2529 = arith.constant 0 : index
    %get3A_2530 = vector.load %arg0[%get3A_2528, %get3A_2529] : memref<64x3000xf32, #tpu.memory_space<vmem>>, vector<1x3000xf32>
    %dma_wait3A_2531 = arith.constant 6528 : i32
    %dma_wait3A_2532 = arith.constant 0 : i32
    %dma_wait3A_2533 = tpu.memref_slice %arg2[%dma_wait3A_2531, %dma_wait3A_2532] : memref<8192x3000xf32, #tpu.memory_space<any>> -> memref<64x3000xf32, #tpu.memory_space<any>>
    tpu.wait_dma2 semaphore(%arg33 : memref<!tpu.dma_semaphore, #tpu.memory_space<semaphore_mem>>) src(%arg17 : memref<64x3000xf32, #tpu.memory_space<vmem>>) dst(%dma_wait3A_2533 : memref<64x3000xf32, #tpu.memory_space<any>>)
    %get3A_2534 = arith.constant 0 : index
    %get3A_2535 = arith.constant 0 : index
    %get3A_2536 = vector.load %arg9[%get3A_2534, %get3A_2535] : memref<64x3000xf32, #tpu.memory_space<vmem>>, vector<64x3000xf32>
    %mul3A_2537 = vector.broadcast %get3A_2530 : vector<1x3000xf32> to vector<64x3000xf32>
    %mul3A_2538 = arith.mulf %get3A_2536, %mul3A_2537 : vector<64x3000xf32>
    %swap3A_2539 = arith.constant 0 : index
    %swap3A_2540 = arith.constant 0 : index
    %swap3A_2541 = vector.load %arg17[%swap3A_2539, %swap3A_2540] : memref<64x3000xf32, #tpu.memory_space<vmem>>, vector<64x3000xf32>
    tpu.vector_store %arg17[%swap3A_2539, %swap3A_2540], %mul3A_2538 {strides = array<i32>} : memref<64x3000xf32, #tpu.memory_space<vmem>>, vector<64x3000xf32>,
    %dma_start3A_2542 = arith.constant 7040 : i32
    %dma_start3A_2543 = arith.constant 0 : i32
    %dma_start3A_2544 = tpu.memref_slice %arg2[%dma_start3A_2542, %dma_start3A_2543] : memref<8192x3000xf32, #tpu.memory_space<any>> -> memref<64x3000xf32, #tpu.memory_space<any>>
    tpu.enqueue_dma source(%arg17 : memref<64x3000xf32, #tpu.memory_space<vmem>>) target(%dma_start3A_2544 : memref<64x3000xf32, #tpu.memory_space<any>>) target_semaphore(%arg33 : memref<!tpu.dma_semaphore, #tpu.memory_space<semaphore_mem>>)
    %dma_start3A_2545 = arith.constant 7552 : i32
    %dma_start3A_2546 = arith.constant 0 : i32
    %dma_start3A_2547 = tpu.memref_slice %arg1[%dma_start3A_2545, %dma_start3A_2546] : memref<8192x3000xf32, #tpu.memory_space<any>> -> memref<64x3000xf32, #tpu.memory_space<any>>
    tpu.enqueue_dma source(%dma_start3A_2547 : memref<64x3000xf32, #tpu.memory_space<any>>) target(%arg9 : memref<64x3000xf32, #tpu.memory_space<vmem>>) target_semaphore(%arg25 : memref<!tpu.dma_semaphore, #tpu.memory_space<semaphore_mem>>)
    %dma_wait3A_2548 = arith.constant 7104 : i32
    %dma_wait3A_2549 = arith.constant 0 : i32
    %dma_wait3A_2550 = tpu.memref_slice %arg1[%dma_wait3A_2548, %dma_wait3A_2549] : memref<8192x3000xf32, #tpu.memory_space<any>> -> memref<64x3000xf32, #tpu.memory_space<any>>
    tpu.wait_dma2 semaphore(%arg26 : memref<!tpu.dma_semaphore, #tpu.memory_space<semaphore_mem>>) src(%dma_wait3A_2550 : memref<64x3000xf32, #tpu.memory_space<any>>) dst(%arg10 : memref<64x3000xf32, #tpu.memory_space<vmem>>)
    %get3A_2551 = arith.constant 55 : index
    %get3A_2552 = arith.constant 0 : index
    %get3A_2553 = vector.load %arg0[%get3A_2551, %get3A_2552] : memref<64x3000xf32, #tpu.memory_space<vmem>>, vector<1x3000xf32>
    %dma_wait3A_2554 = arith.constant 6592 : i32
    %dma_wait3A_2555 = arith.constant 0 : i32
    %dma_wait3A_2556 = tpu.memref_slice %arg2[%dma_wait3A_2554, %dma_wait3A_2555] : memref<8192x3000xf32, #tpu.memory_space<any>> -> memref<64x3000xf32, #tpu.memory_space<any>>
    tpu.wait_dma2 semaphore(%arg34 : memref<!tpu.dma_semaphore, #tpu.memory_space<semaphore_mem>>) src(%arg18 : memref<64x3000xf32, #tpu.memory_space<vmem>>) dst(%dma_wait3A_2556 : memref<64x3000xf32, #tpu.memory_space<any>>)
    %get3A_2557 = arith.constant 0 : index
    %get3A_2558 = arith.constant 0 : index
    %get3A_2559 = vector.load %arg10[%get3A_2557, %get3A_2558] : memref<64x3000xf32, #tpu.memory_space<vmem>>, vector<64x3000xf32>
    %mul3A_2560 = vector.broadcast %get3A_2553 : vector<1x3000xf32> to vector<64x3000xf32>
    %mul3A_2561 = arith.mulf %get3A_2559, %mul3A_2560 : vector<64x3000xf32>
    %swap3A_2562 = arith.constant 0 : index
    %swap3A_2563 = arith.constant 0 : index
    %swap3A_2564 = vector.load %arg18[%swap3A_2562, %swap3A_2563] : memref<64x3000xf32, #tpu.memory_space<vmem>>, vector<64x3000xf32>
    tpu.vector_store %arg18[%swap3A_2562, %swap3A_2563], %mul3A_2561 {strides = array<i32>} : memref<64x3000xf32, #tpu.memory_space<vmem>>, vector<64x3000xf32>,
    %dma_start3A_2565 = arith.constant 7104 : i32
    %dma_start3A_2566 = arith.constant 0 : i32
    %dma_start3A_2567 = tpu.memref_slice %arg2[%dma_start3A_2565, %dma_start3A_2566] : memref<8192x3000xf32, #tpu.memory_space<any>> -> memref<64x3000xf32, #tpu.memory_space<any>>
    tpu.enqueue_dma source(%arg18 : memref<64x3000xf32, #tpu.memory_space<vmem>>) target(%dma_start3A_2567 : memref<64x3000xf32, #tpu.memory_space<any>>) target_semaphore(%arg34 : memref<!tpu.dma_semaphore, #tpu.memory_space<semaphore_mem>>) {priority = 1 : i32}
    %dma_start3A_2568 = arith.constant 7616 : i32
    %dma_start3A_2569 = arith.constant 0 : i32
    %dma_start3A_2570 = tpu.memref_slice %arg1[%dma_start3A_2568, %dma_start3A_2569] : memref<8192x3000xf32, #tpu.memory_space<any>> -> memref<64x3000xf32, #tpu.memory_space<any>>
    tpu.enqueue_dma source(%dma_start3A_2570 : memref<64x3000xf32, #tpu.memory_space<any>>) target(%arg10 : memref<64x3000xf32, #tpu.memory_space<vmem>>) target_semaphore(%arg26 : memref<!tpu.dma_semaphore, #tpu.memory_space<semaphore_mem>>) {priority = 1 : i32}
    %dma_wait3A_2571 = arith.constant 7168 : i32
    %dma_wait3A_2572 = arith.constant 0 : i32
    %dma_wait3A_2573 = tpu.memref_slice %arg1[%dma_wait3A_2571, %dma_wait3A_2572] : memref<8192x3000xf32, #tpu.memory_space<any>> -> memref<64x3000xf32, #tpu.memory_space<any>>
    tpu.wait_dma2 semaphore(%arg19 : memref<!tpu.dma_semaphore, #tpu.memory_space<semaphore_mem>>) src(%dma_wait3A_2573 : memref<64x3000xf32, #tpu.memory_space<any>>) dst(%arg3 : memref<64x3000xf32, #tpu.memory_space<vmem>>)
    %get3A_2574 = arith.constant 56 : index
    %get3A_2575 = arith.constant 0 : index
    %get3A_2576 = vector.load %arg0[%get3A_2574, %get3A_2575] : memref<64x3000xf32, #tpu.memory_space<vmem>>, vector<1x3000xf32>
    %dma_wait3A_2577 = arith.constant 6656 : i32
    %dma_wait3A_2578 = arith.constant 0 : i32
    %dma_wait3A_2579 = tpu.memref_slice %arg2[%dma_wait3A_2577, %dma_wait3A_2578] : memref<8192x3000xf32, #tpu.memory_space<any>> -> memref<64x3000xf32, #tpu.memory_space<any>>
    tpu.wait_dma2 semaphore(%arg27 : memref<!tpu.dma_semaphore, #tpu.memory_space<semaphore_mem>>) src(%arg11 : memref<64x3000xf32, #tpu.memory_space<vmem>>) dst(%dma_wait3A_2579 : memref<64x3000xf32, #tpu.memory_space<any>>)
    %get3A_2580 = arith.constant 0 : index
    %get3A_2581 = arith.constant 0 : index
    %get3A_2582 = vector.load %arg3[%get3A_2580, %get3A_2581] : memref<64x3000xf32, #tpu.memory_space<vmem>>, vector<64x3000xf32>
    %mul3A_2583 = vector.broadcast %get3A_2576 : vector<1x3000xf32> to vector<64x3000xf32>
    %mul3A_2584 = arith.mulf %get3A_2582, %mul3A_2583 : vector<64x3000xf32>
    %swap3A_2585 = arith.constant 0 : index
    %swap3A_2586 = arith.constant 0 : index
    %swap3A_2587 = vector.load %arg11[%swap3A_2585, %swap3A_2586] : memref<64x3000xf32, #tpu.memory_space<vmem>>, vector<64x3000xf32>
    tpu.vector_store %arg11[%swap3A_2585, %swap3A_2586], %mul3A_2584 {strides = array<i32>} : memref<64x3000xf32, #tpu.memory_space<vmem>>, vector<64x3000xf32>,
    %dma_start3A_2588 = arith.constant 7168 : i32
    %dma_start3A_2589 = arith.constant 0 : i32
    %dma_start3A_2590 = tpu.memref_slice %arg2[%dma_start3A_2588, %dma_start3A_2589] : memref<8192x3000xf32, #tpu.memory_space<any>> -> memref<64x3000xf32, #tpu.memory_space<any>>
    tpu.enqueue_dma source(%arg11 : memref<64x3000xf32, #tpu.memory_space<vmem>>) target(%dma_start3A_2590 : memref<64x3000xf32, #tpu.memory_space<any>>) target_semaphore(%arg27 : memref<!tpu.dma_semaphore, #tpu.memory_space<semaphore_mem>>)
    %dma_start3A_2591 = arith.constant 7680 : i32
    %dma_start3A_2592 = arith.constant 0 : i32
    %dma_start3A_2593 = tpu.memref_slice %arg1[%dma_start3A_2591, %dma_start3A_2592] : memref<8192x3000xf32, #tpu.memory_space<any>> -> memref<64x3000xf32, #tpu.memory_space<any>>
    tpu.enqueue_dma source(%dma_start3A_2593 : memref<64x3000xf32, #tpu.memory_space<any>>) target(%arg3 : memref<64x3000xf32, #tpu.memory_space<vmem>>) target_semaphore(%arg19 : memref<!tpu.dma_semaphore, #tpu.memory_space<semaphore_mem>>)
    %dma_wait3A_2594 = arith.constant 7232 : i32
    %dma_wait3A_2595 = arith.constant 0 : i32
    %dma_wait3A_2596 = tpu.memref_slice %arg1[%dma_wait3A_2594, %dma_wait3A_2595] : memref<8192x3000xf32, #tpu.memory_space<any>> -> memref<64x3000xf32, #tpu.memory_space<any>>
    tpu.wait_dma2 semaphore(%arg20 : memref<!tpu.dma_semaphore, #tpu.memory_space<semaphore_mem>>) src(%dma_wait3A_2596 : memref<64x3000xf32, #tpu.memory_space<any>>) dst(%arg4 : memref<64x3000xf32, #tpu.memory_space<vmem>>)
    %get3A_2597 = arith.constant 56 : index
    %get3A_2598 = arith.constant 0 : index
    %get3A_2599 = vector.load %arg0[%get3A_2597, %get3A_2598] : memref<64x3000xf32, #tpu.memory_space<vmem>>, vector<1x3000xf32>
    %dma_wait3A_2600 = arith.constant 6720 : i32
    %dma_wait3A_2601 = arith.constant 0 : i32
    %dma_wait3A_2602 = tpu.memref_slice %arg2[%dma_wait3A_2600, %dma_wait3A_2601] : memref<8192x3000xf32, #tpu.memory_space<any>> -> memref<64x3000xf32, #tpu.memory_space<any>>
    tpu.wait_dma2 semaphore(%arg28 : memref<!tpu.dma_semaphore, #tpu.memory_space<semaphore_mem>>) src(%arg12 : memref<64x3000xf32, #tpu.memory_space<vmem>>) dst(%dma_wait3A_2602 : memref<64x3000xf32, #tpu.memory_space<any>>)
    %get3A_2603 = arith.constant 0 : index
    %get3A_2604 = arith.constant 0 : index
    %get3A_2605 = vector.load %arg4[%get3A_2603, %get3A_2604] : memref<64x3000xf32, #tpu.memory_space<vmem>>, vector<64x3000xf32>
    %mul3A_2606 = vector.broadcast %get3A_2599 : vector<1x3000xf32> to vector<64x3000xf32>
    %mul3A_2607 = arith.mulf %get3A_2605, %mul3A_2606 : vector<64x3000xf32>
    %swap3A_2608 = arith.constant 0 : index
    %swap3A_2609 = arith.constant 0 : index
    %swap3A_2610 = vector.load %arg12[%swap3A_2608, %swap3A_2609] : memref<64x3000xf32, #tpu.memory_space<vmem>>, vector<64x3000xf32>
    tpu.vector_store %arg12[%swap3A_2608, %swap3A_2609], %mul3A_2607 {strides = array<i32>} : memref<64x3000xf32, #tpu.memory_space<vmem>>, vector<64x3000xf32>,
    %dma_start3A_2611 = arith.constant 7232 : i32
    %dma_start3A_2612 = arith.constant 0 : i32
    %dma_start3A_2613 = tpu.memref_slice %arg2[%dma_start3A_2611, %dma_start3A_2612] : memref<8192x3000xf32, #tpu.memory_space<any>> -> memref<64x3000xf32, #tpu.memory_space<any>>
    tpu.enqueue_dma source(%arg12 : memref<64x3000xf32, #tpu.memory_space<vmem>>) target(%dma_start3A_2613 : memref<64x3000xf32, #tpu.memory_space<any>>) target_semaphore(%arg28 : memref<!tpu.dma_semaphore, #tpu.memory_space<semaphore_mem>>) {priority = 1 : i32}
    %dma_start3A_2614 = arith.constant 7744 : i32
    %dma_start3A_2615 = arith.constant 0 : i32
    %dma_start3A_2616 = tpu.memref_slice %arg1[%dma_start3A_2614, %dma_start3A_2615] : memref<8192x3000xf32, #tpu.memory_space<any>> -> memref<64x3000xf32, #tpu.memory_space<any>>
    tpu.enqueue_dma source(%dma_start3A_2616 : memref<64x3000xf32, #tpu.memory_space<any>>) target(%arg4 : memref<64x3000xf32, #tpu.memory_space<vmem>>) target_semaphore(%arg20 : memref<!tpu.dma_semaphore, #tpu.memory_space<semaphore_mem>>) {priority = 1 : i32}
    %dma_wait3A_2617 = arith.constant 7296 : i32
    %dma_wait3A_2618 = arith.constant 0 : i32
    %dma_wait3A_2619 = tpu.memref_slice %arg1[%dma_wait3A_2617, %dma_wait3A_2618] : memref<8192x3000xf32, #tpu.memory_space<any>> -> memref<64x3000xf32, #tpu.memory_space<any>>
    tpu.wait_dma2 semaphore(%arg21 : memref<!tpu.dma_semaphore, #tpu.memory_space<semaphore_mem>>) src(%dma_wait3A_2619 : memref<64x3000xf32, #tpu.memory_space<any>>) dst(%arg5 : memref<64x3000xf32, #tpu.memory_space<vmem>>)
    %get3A_2620 = arith.constant 57 : index
    %get3A_2621 = arith.constant 0 : index
    %get3A_2622 = vector.load %arg0[%get3A_2620, %get3A_2621] : memref<64x3000xf32, #tpu.memory_space<vmem>>, vector<1x3000xf32>
    %dma_wait3A_2623 = arith.constant 6784 : i32
    %dma_wait3A_2624 = arith.constant 0 : i32
    %dma_wait3A_2625 = tpu.memref_slice %arg2[%dma_wait3A_2623, %dma_wait3A_2624] : memref<8192x3000xf32, #tpu.memory_space<any>> -> memref<64x3000xf32, #tpu.memory_space<any>>
    tpu.wait_dma2 semaphore(%arg29 : memref<!tpu.dma_semaphore, #tpu.memory_space<semaphore_mem>>) src(%arg13 : memref<64x3000xf32, #tpu.memory_space<vmem>>) dst(%dma_wait3A_2625 : memref<64x3000xf32, #tpu.memory_space<any>>)
    %get3A_2626 = arith.constant 0 : index
    %get3A_2627 = arith.constant 0 : index
    %get3A_2628 = vector.load %arg5[%get3A_2626, %get3A_2627] : memref<64x3000xf32, #tpu.memory_space<vmem>>, vector<64x3000xf32>
    %mul3A_2629 = vector.broadcast %get3A_2622 : vector<1x3000xf32> to vector<64x3000xf32>
    %mul3A_2630 = arith.mulf %get3A_2628, %mul3A_2629 : vector<64x3000xf32>
    %swap3A_2631 = arith.constant 0 : index
    %swap3A_2632 = arith.constant 0 : index
    %swap3A_2633 = vector.load %arg13[%swap3A_2631, %swap3A_2632] : memref<64x3000xf32, #tpu.memory_space<vmem>>, vector<64x3000xf32>
    tpu.vector_store %arg13[%swap3A_2631, %swap3A_2632], %mul3A_2630 {strides = array<i32>} : memref<64x3000xf32, #tpu.memory_space<vmem>>, vector<64x3000xf32>,
    %dma_start3A_2634 = arith.constant 7296 : i32
    %dma_start3A_2635 = arith.constant 0 : i32
    %dma_start3A_2636 = tpu.memref_slice %arg2[%dma_start3A_2634, %dma_start3A_2635] : memref<8192x3000xf32, #tpu.memory_space<any>> -> memref<64x3000xf32, #tpu.memory_space<any>>
    tpu.enqueue_dma source(%arg13 : memref<64x3000xf32, #tpu.memory_space<vmem>>) target(%dma_start3A_2636 : memref<64x3000xf32, #tpu.memory_space<any>>) target_semaphore(%arg29 : memref<!tpu.dma_semaphore, #tpu.memory_space<semaphore_mem>>)
    %dma_start3A_2637 = arith.constant 7808 : i32
    %dma_start3A_2638 = arith.constant 0 : i32
    %dma_start3A_2639 = tpu.memref_slice %arg1[%dma_start3A_2637, %dma_start3A_2638] : memref<8192x3000xf32, #tpu.memory_space<any>> -> memref<64x3000xf32, #tpu.memory_space<any>>
    tpu.enqueue_dma source(%dma_start3A_2639 : memref<64x3000xf32, #tpu.memory_space<any>>) target(%arg5 : memref<64x3000xf32, #tpu.memory_space<vmem>>) target_semaphore(%arg21 : memref<!tpu.dma_semaphore, #tpu.memory_space<semaphore_mem>>)
    %dma_wait3A_2640 = arith.constant 7360 : i32
    %dma_wait3A_2641 = arith.constant 0 : i32
    %dma_wait3A_2642 = tpu.memref_slice %arg1[%dma_wait3A_2640, %dma_wait3A_2641] : memref<8192x3000xf32, #tpu.memory_space<any>> -> memref<64x3000xf32, #tpu.memory_space<any>>
    tpu.wait_dma2 semaphore(%arg22 : memref<!tpu.dma_semaphore, #tpu.memory_space<semaphore_mem>>) src(%dma_wait3A_2642 : memref<64x3000xf32, #tpu.memory_space<any>>) dst(%arg6 : memref<64x3000xf32, #tpu.memory_space<vmem>>)
    %get3A_2643 = arith.constant 57 : index
    %get3A_2644 = arith.constant 0 : index
    %get3A_2645 = vector.load %arg0[%get3A_2643, %get3A_2644] : memref<64x3000xf32, #tpu.memory_space<vmem>>, vector<1x3000xf32>
    %dma_wait3A_2646 = arith.constant 6848 : i32
    %dma_wait3A_2647 = arith.constant 0 : i32
    %dma_wait3A_2648 = tpu.memref_slice %arg2[%dma_wait3A_2646, %dma_wait3A_2647] : memref<8192x3000xf32, #tpu.memory_space<any>> -> memref<64x3000xf32, #tpu.memory_space<any>>
    tpu.wait_dma2 semaphore(%arg30 : memref<!tpu.dma_semaphore, #tpu.memory_space<semaphore_mem>>) src(%arg14 : memref<64x3000xf32, #tpu.memory_space<vmem>>) dst(%dma_wait3A_2648 : memref<64x3000xf32, #tpu.memory_space<any>>)
    %get3A_2649 = arith.constant 0 : index
    %get3A_2650 = arith.constant 0 : index
    %get3A_2651 = vector.load %arg6[%get3A_2649, %get3A_2650] : memref<64x3000xf32, #tpu.memory_space<vmem>>, vector<64x3000xf32>
    %mul3A_2652 = vector.broadcast %get3A_2645 : vector<1x3000xf32> to vector<64x3000xf32>
    %mul3A_2653 = arith.mulf %get3A_2651, %mul3A_2652 : vector<64x3000xf32>
    %swap3A_2654 = arith.constant 0 : index
    %swap3A_2655 = arith.constant 0 : index
    %swap3A_2656 = vector.load %arg14[%swap3A_2654, %swap3A_2655] : memref<64x3000xf32, #tpu.memory_space<vmem>>, vector<64x3000xf32>
    tpu.vector_store %arg14[%swap3A_2654, %swap3A_2655], %mul3A_2653 {strides = array<i32>} : memref<64x3000xf32, #tpu.memory_space<vmem>>, vector<64x3000xf32>,
    %dma_start3A_2657 = arith.constant 7360 : i32
    %dma_start3A_2658 = arith.constant 0 : i32
    %dma_start3A_2659 = tpu.memref_slice %arg2[%dma_start3A_2657, %dma_start3A_2658] : memref<8192x3000xf32, #tpu.memory_space<any>> -> memref<64x3000xf32, #tpu.memory_space<any>>
    tpu.enqueue_dma source(%arg14 : memref<64x3000xf32, #tpu.memory_space<vmem>>) target(%dma_start3A_2659 : memref<64x3000xf32, #tpu.memory_space<any>>) target_semaphore(%arg30 : memref<!tpu.dma_semaphore, #tpu.memory_space<semaphore_mem>>) {priority = 1 : i32}
    %dma_start3A_2660 = arith.constant 7872 : i32
    %dma_start3A_2661 = arith.constant 0 : i32
    %dma_start3A_2662 = tpu.memref_slice %arg1[%dma_start3A_2660, %dma_start3A_2661] : memref<8192x3000xf32, #tpu.memory_space<any>> -> memref<64x3000xf32, #tpu.memory_space<any>>
    tpu.enqueue_dma source(%dma_start3A_2662 : memref<64x3000xf32, #tpu.memory_space<any>>) target(%arg6 : memref<64x3000xf32, #tpu.memory_space<vmem>>) target_semaphore(%arg22 : memref<!tpu.dma_semaphore, #tpu.memory_space<semaphore_mem>>) {priority = 1 : i32}
    %dma_wait3A_2663 = arith.constant 7424 : i32
    %dma_wait3A_2664 = arith.constant 0 : i32
    %dma_wait3A_2665 = tpu.memref_slice %arg1[%dma_wait3A_2663, %dma_wait3A_2664] : memref<8192x3000xf32, #tpu.memory_space<any>> -> memref<64x3000xf32, #tpu.memory_space<any>>
    tpu.wait_dma2 semaphore(%arg23 : memref<!tpu.dma_semaphore, #tpu.memory_space<semaphore_mem>>) src(%dma_wait3A_2665 : memref<64x3000xf32, #tpu.memory_space<any>>) dst(%arg7 : memref<64x3000xf32, #tpu.memory_space<vmem>>)
    %get3A_2666 = arith.constant 58 : index
    %get3A_2667 = arith.constant 0 : index
    %get3A_2668 = vector.load %arg0[%get3A_2666, %get3A_2667] : memref<64x3000xf32, #tpu.memory_space<vmem>>, vector<1x3000xf32>
    %dma_wait3A_2669 = arith.constant 6912 : i32
    %dma_wait3A_2670 = arith.constant 0 : i32
    %dma_wait3A_2671 = tpu.memref_slice %arg2[%dma_wait3A_2669, %dma_wait3A_2670] : memref<8192x3000xf32, #tpu.memory_space<any>> -> memref<64x3000xf32, #tpu.memory_space<any>>
    tpu.wait_dma2 semaphore(%arg31 : memref<!tpu.dma_semaphore, #tpu.memory_space<semaphore_mem>>) src(%arg15 : memref<64x3000xf32, #tpu.memory_space<vmem>>) dst(%dma_wait3A_2671 : memref<64x3000xf32, #tpu.memory_space<any>>)
    %get3A_2672 = arith.constant 0 : index
    %get3A_2673 = arith.constant 0 : index
    %get3A_2674 = vector.load %arg7[%get3A_2672, %get3A_2673] : memref<64x3000xf32, #tpu.memory_space<vmem>>, vector<64x3000xf32>
    %mul3A_2675 = vector.broadcast %get3A_2668 : vector<1x3000xf32> to vector<64x3000xf32>
    %mul3A_2676 = arith.mulf %get3A_2674, %mul3A_2675 : vector<64x3000xf32>
    %swap3A_2677 = arith.constant 0 : index
    %swap3A_2678 = arith.constant 0 : index
    %swap3A_2679 = vector.load %arg15[%swap3A_2677, %swap3A_2678] : memref<64x3000xf32, #tpu.memory_space<vmem>>, vector<64x3000xf32>
    tpu.vector_store %arg15[%swap3A_2677, %swap3A_2678], %mul3A_2676 {strides = array<i32>} : memref<64x3000xf32, #tpu.memory_space<vmem>>, vector<64x3000xf32>,
    %dma_start3A_2680 = arith.constant 7424 : i32
    %dma_start3A_2681 = arith.constant 0 : i32
    %dma_start3A_2682 = tpu.memref_slice %arg2[%dma_start3A_2680, %dma_start3A_2681] : memref<8192x3000xf32, #tpu.memory_space<any>> -> memref<64x3000xf32, #tpu.memory_space<any>>
    tpu.enqueue_dma source(%arg15 : memref<64x3000xf32, #tpu.memory_space<vmem>>) target(%dma_start3A_2682 : memref<64x3000xf32, #tpu.memory_space<any>>) target_semaphore(%arg31 : memref<!tpu.dma_semaphore, #tpu.memory_space<semaphore_mem>>)
    %dma_start3A_2683 = arith.constant 7936 : i32
    %dma_start3A_2684 = arith.constant 0 : i32
    %dma_start3A_2685 = tpu.memref_slice %arg1[%dma_start3A_2683, %dma_start3A_2684] : memref<8192x3000xf32, #tpu.memory_space<any>> -> memref<64x3000xf32, #tpu.memory_space<any>>
    tpu.enqueue_dma source(%dma_start3A_2685 : memref<64x3000xf32, #tpu.memory_space<any>>) target(%arg7 : memref<64x3000xf32, #tpu.memory_space<vmem>>) target_semaphore(%arg23 : memref<!tpu.dma_semaphore, #tpu.memory_space<semaphore_mem>>)
    %dma_wait3A_2686 = arith.constant 7488 : i32
    %dma_wait3A_2687 = arith.constant 0 : i32
    %dma_wait3A_2688 = tpu.memref_slice %arg1[%dma_wait3A_2686, %dma_wait3A_2687] : memref<8192x3000xf32, #tpu.memory_space<any>> -> memref<64x3000xf32, #tpu.memory_space<any>>
    tpu.wait_dma2 semaphore(%arg24 : memref<!tpu.dma_semaphore, #tpu.memory_space<semaphore_mem>>) src(%dma_wait3A_2688 : memref<64x3000xf32, #tpu.memory_space<any>>) dst(%arg8 : memref<64x3000xf32, #tpu.memory_space<vmem>>)
    %get3A_2689 = arith.constant 58 : index
    %get3A_2690 = arith.constant 0 : index
    %get3A_2691 = vector.load %arg0[%get3A_2689, %get3A_2690] : memref<64x3000xf32, #tpu.memory_space<vmem>>, vector<1x3000xf32>
    %dma_wait3A_2692 = arith.constant 6976 : i32
    %dma_wait3A_2693 = arith.constant 0 : i32
    %dma_wait3A_2694 = tpu.memref_slice %arg2[%dma_wait3A_2692, %dma_wait3A_2693] : memref<8192x3000xf32, #tpu.memory_space<any>> -> memref<64x3000xf32, #tpu.memory_space<any>>
    tpu.wait_dma2 semaphore(%arg32 : memref<!tpu.dma_semaphore, #tpu.memory_space<semaphore_mem>>) src(%arg16 : memref<64x3000xf32, #tpu.memory_space<vmem>>) dst(%dma_wait3A_2694 : memref<64x3000xf32, #tpu.memory_space<any>>)
    %get3A_2695 = arith.constant 0 : index
    %get3A_2696 = arith.constant 0 : index
    %get3A_2697 = vector.load %arg8[%get3A_2695, %get3A_2696] : memref<64x3000xf32, #tpu.memory_space<vmem>>, vector<64x3000xf32>
    %mul3A_2698 = vector.broadcast %get3A_2691 : vector<1x3000xf32> to vector<64x3000xf32>
    %mul3A_2699 = arith.mulf %get3A_2697, %mul3A_2698 : vector<64x3000xf32>
    %swap3A_2700 = arith.constant 0 : index
    %swap3A_2701 = arith.constant 0 : index
    %swap3A_2702 = vector.load %arg16[%swap3A_2700, %swap3A_2701] : memref<64x3000xf32, #tpu.memory_space<vmem>>, vector<64x3000xf32>
    tpu.vector_store %arg16[%swap3A_2700, %swap3A_2701], %mul3A_2699 {strides = array<i32>} : memref<64x3000xf32, #tpu.memory_space<vmem>>, vector<64x3000xf32>,
    %dma_start3A_2703 = arith.constant 7488 : i32
    %dma_start3A_2704 = arith.constant 0 : i32
    %dma_start3A_2705 = tpu.memref_slice %arg2[%dma_start3A_2703, %dma_start3A_2704] : memref<8192x3000xf32, #tpu.memory_space<any>> -> memref<64x3000xf32, #tpu.memory_space<any>>
    tpu.enqueue_dma source(%arg16 : memref<64x3000xf32, #tpu.memory_space<vmem>>) target(%dma_start3A_2705 : memref<64x3000xf32, #tpu.memory_space<any>>) target_semaphore(%arg32 : memref<!tpu.dma_semaphore, #tpu.memory_space<semaphore_mem>>) {priority = 1 : i32}
    %dma_start3A_2706 = arith.constant 8000 : i32
    %dma_start3A_2707 = arith.constant 0 : i32
    %dma_start3A_2708 = tpu.memref_slice %arg1[%dma_start3A_2706, %dma_start3A_2707] : memref<8192x3000xf32, #tpu.memory_space<any>> -> memref<64x3000xf32, #tpu.memory_space<any>>
    tpu.enqueue_dma source(%dma_start3A_2708 : memref<64x3000xf32, #tpu.memory_space<any>>) target(%arg8 : memref<64x3000xf32, #tpu.memory_space<vmem>>) target_semaphore(%arg24 : memref<!tpu.dma_semaphore, #tpu.memory_space<semaphore_mem>>) {priority = 1 : i32}
    %dma_wait3A_2709 = arith.constant 7552 : i32
    %dma_wait3A_2710 = arith.constant 0 : i32
    %dma_wait3A_2711 = tpu.memref_slice %arg1[%dma_wait3A_2709, %dma_wait3A_2710] : memref<8192x3000xf32, #tpu.memory_space<any>> -> memref<64x3000xf32, #tpu.memory_space<any>>
    tpu.wait_dma2 semaphore(%arg25 : memref<!tpu.dma_semaphore, #tpu.memory_space<semaphore_mem>>) src(%dma_wait3A_2711 : memref<64x3000xf32, #tpu.memory_space<any>>) dst(%arg9 : memref<64x3000xf32, #tpu.memory_space<vmem>>)
    %get3A_2712 = arith.constant 59 : index
    %get3A_2713 = arith.constant 0 : index
    %get3A_2714 = vector.load %arg0[%get3A_2712, %get3A_2713] : memref<64x3000xf32, #tpu.memory_space<vmem>>, vector<1x3000xf32>
    %dma_wait3A_2715 = arith.constant 7040 : i32
    %dma_wait3A_2716 = arith.constant 0 : i32
    %dma_wait3A_2717 = tpu.memref_slice %arg2[%dma_wait3A_2715, %dma_wait3A_2716] : memref<8192x3000xf32, #tpu.memory_space<any>> -> memref<64x3000xf32, #tpu.memory_space<any>>
    tpu.wait_dma2 semaphore(%arg33 : memref<!tpu.dma_semaphore, #tpu.memory_space<semaphore_mem>>) src(%arg17 : memref<64x3000xf32, #tpu.memory_space<vmem>>) dst(%dma_wait3A_2717 : memref<64x3000xf32, #tpu.memory_space<any>>)
    %get3A_2718 = arith.constant 0 : index
    %get3A_2719 = arith.constant 0 : index
    %get3A_2720 = vector.load %arg9[%get3A_2718, %get3A_2719] : memref<64x3000xf32, #tpu.memory_space<vmem>>, vector<64x3000xf32>
    %mul3A_2721 = vector.broadcast %get3A_2714 : vector<1x3000xf32> to vector<64x3000xf32>
    %mul3A_2722 = arith.mulf %get3A_2720, %mul3A_2721 : vector<64x3000xf32>
    %swap3A_2723 = arith.constant 0 : index
    %swap3A_2724 = arith.constant 0 : index
    %swap3A_2725 = vector.load %arg17[%swap3A_2723, %swap3A_2724] : memref<64x3000xf32, #tpu.memory_space<vmem>>, vector<64x3000xf32>
    tpu.vector_store %arg17[%swap3A_2723, %swap3A_2724], %mul3A_2722 {strides = array<i32>} : memref<64x3000xf32, #tpu.memory_space<vmem>>, vector<64x3000xf32>,
    %dma_start3A_2726 = arith.constant 7552 : i32
    %dma_start3A_2727 = arith.constant 0 : i32
    %dma_start3A_2728 = tpu.memref_slice %arg2[%dma_start3A_2726, %dma_start3A_2727] : memref<8192x3000xf32, #tpu.memory_space<any>> -> memref<64x3000xf32, #tpu.memory_space<any>>
    tpu.enqueue_dma source(%arg17 : memref<64x3000xf32, #tpu.memory_space<vmem>>) target(%dma_start3A_2728 : memref<64x3000xf32, #tpu.memory_space<any>>) target_semaphore(%arg33 : memref<!tpu.dma_semaphore, #tpu.memory_space<semaphore_mem>>)
    %dma_start3A_2729 = arith.constant 8064 : i32
    %dma_start3A_2730 = arith.constant 0 : i32
    %dma_start3A_2731 = tpu.memref_slice %arg1[%dma_start3A_2729, %dma_start3A_2730] : memref<8192x3000xf32, #tpu.memory_space<any>> -> memref<64x3000xf32, #tpu.memory_space<any>>
    tpu.enqueue_dma source(%dma_start3A_2731 : memref<64x3000xf32, #tpu.memory_space<any>>) target(%arg9 : memref<64x3000xf32, #tpu.memory_space<vmem>>) target_semaphore(%arg25 : memref<!tpu.dma_semaphore, #tpu.memory_space<semaphore_mem>>)
    %dma_wait3A_2732 = arith.constant 7616 : i32
    %dma_wait3A_2733 = arith.constant 0 : i32
    %dma_wait3A_2734 = tpu.memref_slice %arg1[%dma_wait3A_2732, %dma_wait3A_2733] : memref<8192x3000xf32, #tpu.memory_space<any>> -> memref<64x3000xf32, #tpu.memory_space<any>>
    tpu.wait_dma2 semaphore(%arg26 : memref<!tpu.dma_semaphore, #tpu.memory_space<semaphore_mem>>) src(%dma_wait3A_2734 : memref<64x3000xf32, #tpu.memory_space<any>>) dst(%arg10 : memref<64x3000xf32, #tpu.memory_space<vmem>>)
    %get3A_2735 = arith.constant 59 : index
    %get3A_2736 = arith.constant 0 : index
    %get3A_2737 = vector.load %arg0[%get3A_2735, %get3A_2736] : memref<64x3000xf32, #tpu.memory_space<vmem>>, vector<1x3000xf32>
    %dma_wait3A_2738 = arith.constant 7104 : i32
    %dma_wait3A_2739 = arith.constant 0 : i32
    %dma_wait3A_2740 = tpu.memref_slice %arg2[%dma_wait3A_2738, %dma_wait3A_2739] : memref<8192x3000xf32, #tpu.memory_space<any>> -> memref<64x3000xf32, #tpu.memory_space<any>>
    tpu.wait_dma2 semaphore(%arg34 : memref<!tpu.dma_semaphore, #tpu.memory_space<semaphore_mem>>) src(%arg18 : memref<64x3000xf32, #tpu.memory_space<vmem>>) dst(%dma_wait3A_2740 : memref<64x3000xf32, #tpu.memory_space<any>>)
    %get3A_2741 = arith.constant 0 : index
    %get3A_2742 = arith.constant 0 : index
    %get3A_2743 = vector.load %arg10[%get3A_2741, %get3A_2742] : memref<64x3000xf32, #tpu.memory_space<vmem>>, vector<64x3000xf32>
    %mul3A_2744 = vector.broadcast %get3A_2737 : vector<1x3000xf32> to vector<64x3000xf32>
    %mul3A_2745 = arith.mulf %get3A_2743, %mul3A_2744 : vector<64x3000xf32>
    %swap3A_2746 = arith.constant 0 : index
    %swap3A_2747 = arith.constant 0 : index
    %swap3A_2748 = vector.load %arg18[%swap3A_2746, %swap3A_2747] : memref<64x3000xf32, #tpu.memory_space<vmem>>, vector<64x3000xf32>
    tpu.vector_store %arg18[%swap3A_2746, %swap3A_2747], %mul3A_2745 {strides = array<i32>} : memref<64x3000xf32, #tpu.memory_space<vmem>>, vector<64x3000xf32>,
    %dma_start3A_2749 = arith.constant 7616 : i32
    %dma_start3A_2750 = arith.constant 0 : i32
    %dma_start3A_2751 = tpu.memref_slice %arg2[%dma_start3A_2749, %dma_start3A_2750] : memref<8192x3000xf32, #tpu.memory_space<any>> -> memref<64x3000xf32, #tpu.memory_space<any>>
    tpu.enqueue_dma source(%arg18 : memref<64x3000xf32, #tpu.memory_space<vmem>>) target(%dma_start3A_2751 : memref<64x3000xf32, #tpu.memory_space<any>>) target_semaphore(%arg34 : memref<!tpu.dma_semaphore, #tpu.memory_space<semaphore_mem>>) {priority = 1 : i32}
    %dma_start3A_2752 = arith.constant 8128 : i32
    %dma_start3A_2753 = arith.constant 0 : i32
    %dma_start3A_2754 = tpu.memref_slice %arg1[%dma_start3A_2752, %dma_start3A_2753] : memref<8192x3000xf32, #tpu.memory_space<any>> -> memref<64x3000xf32, #tpu.memory_space<any>>
    tpu.enqueue_dma source(%dma_start3A_2754 : memref<64x3000xf32, #tpu.memory_space<any>>) target(%arg10 : memref<64x3000xf32, #tpu.memory_space<vmem>>) target_semaphore(%arg26 : memref<!tpu.dma_semaphore, #tpu.memory_space<semaphore_mem>>) {priority = 1 : i32}
    %dma_wait3A_2755 = arith.constant 7680 : i32
    %dma_wait3A_2756 = arith.constant 0 : i32
    %dma_wait3A_2757 = tpu.memref_slice %arg1[%dma_wait3A_2755, %dma_wait3A_2756] : memref<8192x3000xf32, #tpu.memory_space<any>> -> memref<64x3000xf32, #tpu.memory_space<any>>
    tpu.wait_dma2 semaphore(%arg19 : memref<!tpu.dma_semaphore, #tpu.memory_space<semaphore_mem>>) src(%dma_wait3A_2757 : memref<64x3000xf32, #tpu.memory_space<any>>) dst(%arg3 : memref<64x3000xf32, #tpu.memory_space<vmem>>)
    %get3A_2758 = arith.constant 60 : index
    %get3A_2759 = arith.constant 0 : index
    %get3A_2760 = vector.load %arg0[%get3A_2758, %get3A_2759] : memref<64x3000xf32, #tpu.memory_space<vmem>>, vector<1x3000xf32>
    %dma_wait3A_2761 = arith.constant 7168 : i32
    %dma_wait3A_2762 = arith.constant 0 : i32
    %dma_wait3A_2763 = tpu.memref_slice %arg2[%dma_wait3A_2761, %dma_wait3A_2762] : memref<8192x3000xf32, #tpu.memory_space<any>> -> memref<64x3000xf32, #tpu.memory_space<any>>
    tpu.wait_dma2 semaphore(%arg27 : memref<!tpu.dma_semaphore, #tpu.memory_space<semaphore_mem>>) src(%arg11 : memref<64x3000xf32, #tpu.memory_space<vmem>>) dst(%dma_wait3A_2763 : memref<64x3000xf32, #tpu.memory_space<any>>)
    %get3A_2764 = arith.constant 0 : index
    %get3A_2765 = arith.constant 0 : index
    %get3A_2766 = vector.load %arg3[%get3A_2764, %get3A_2765] : memref<64x3000xf32, #tpu.memory_space<vmem>>, vector<64x3000xf32>
    %mul3A_2767 = vector.broadcast %get3A_2760 : vector<1x3000xf32> to vector<64x3000xf32>
    %mul3A_2768 = arith.mulf %get3A_2766, %mul3A_2767 : vector<64x3000xf32>
    %swap3A_2769 = arith.constant 0 : index
    %swap3A_2770 = arith.constant 0 : index
    %swap3A_2771 = vector.load %arg11[%swap3A_2769, %swap3A_2770] : memref<64x3000xf32, #tpu.memory_space<vmem>>, vector<64x3000xf32>
    tpu.vector_store %arg11[%swap3A_2769, %swap3A_2770], %mul3A_2768 {strides = array<i32>} : memref<64x3000xf32, #tpu.memory_space<vmem>>, vector<64x3000xf32>,
    %dma_start3A_2772 = arith.constant 7680 : i32
    %dma_start3A_2773 = arith.constant 0 : i32
    %dma_start3A_2774 = tpu.memref_slice %arg2[%dma_start3A_2772, %dma_start3A_2773] : memref<8192x3000xf32, #tpu.memory_space<any>> -> memref<64x3000xf32, #tpu.memory_space<any>>
    tpu.enqueue_dma source(%arg11 : memref<64x3000xf32, #tpu.memory_space<vmem>>) target(%dma_start3A_2774 : memref<64x3000xf32, #tpu.memory_space<any>>) target_semaphore(%arg27 : memref<!tpu.dma_semaphore, #tpu.memory_space<semaphore_mem>>)
    %dma_wait3A_2775 = arith.constant 7744 : i32
    %dma_wait3A_2776 = arith.constant 0 : i32
    %dma_wait3A_2777 = tpu.memref_slice %arg1[%dma_wait3A_2775, %dma_wait3A_2776] : memref<8192x3000xf32, #tpu.memory_space<any>> -> memref<64x3000xf32, #tpu.memory_space<any>>
    tpu.wait_dma2 semaphore(%arg20 : memref<!tpu.dma_semaphore, #tpu.memory_space<semaphore_mem>>) src(%dma_wait3A_2777 : memref<64x3000xf32, #tpu.memory_space<any>>) dst(%arg4 : memref<64x3000xf32, #tpu.memory_space<vmem>>)
    %get3A_2778 = arith.constant 60 : index
    %get3A_2779 = arith.constant 0 : index
    %get3A_2780 = vector.load %arg0[%get3A_2778, %get3A_2779] : memref<64x3000xf32, #tpu.memory_space<vmem>>, vector<1x3000xf32>
    %dma_wait3A_2781 = arith.constant 7232 : i32
    %dma_wait3A_2782 = arith.constant 0 : i32
    %dma_wait3A_2783 = tpu.memref_slice %arg2[%dma_wait3A_2781, %dma_wait3A_2782] : memref<8192x3000xf32, #tpu.memory_space<any>> -> memref<64x3000xf32, #tpu.memory_space<any>>
    tpu.wait_dma2 semaphore(%arg28 : memref<!tpu.dma_semaphore, #tpu.memory_space<semaphore_mem>>) src(%arg12 : memref<64x3000xf32, #tpu.memory_space<vmem>>) dst(%dma_wait3A_2783 : memref<64x3000xf32, #tpu.memory_space<any>>)
    %get3A_2784 = arith.constant 0 : index
    %get3A_2785 = arith.constant 0 : index
    %get3A_2786 = vector.load %arg4[%get3A_2784, %get3A_2785] : memref<64x3000xf32, #tpu.memory_space<vmem>>, vector<64x3000xf32>
    %mul3A_2787 = vector.broadcast %get3A_2780 : vector<1x3000xf32> to vector<64x3000xf32>
    %mul3A_2788 = arith.mulf %get3A_2786, %mul3A_2787 : vector<64x3000xf32>
    %swap3A_2789 = arith.constant 0 : index
    %swap3A_2790 = arith.constant 0 : index
    %swap3A_2791 = vector.load %arg12[%swap3A_2789, %swap3A_2790] : memref<64x3000xf32, #tpu.memory_space<vmem>>, vector<64x3000xf32>
    tpu.vector_store %arg12[%swap3A_2789, %swap3A_2790], %mul3A_2788 {strides = array<i32>} : memref<64x3000xf32, #tpu.memory_space<vmem>>, vector<64x3000xf32>,
    %dma_start3A_2792 = arith.constant 7744 : i32
    %dma_start3A_2793 = arith.constant 0 : i32
    %dma_start3A_2794 = tpu.memref_slice %arg2[%dma_start3A_2792, %dma_start3A_2793] : memref<8192x3000xf32, #tpu.memory_space<any>> -> memref<64x3000xf32, #tpu.memory_space<any>>
    tpu.enqueue_dma source(%arg12 : memref<64x3000xf32, #tpu.memory_space<vmem>>) target(%dma_start3A_2794 : memref<64x3000xf32, #tpu.memory_space<any>>) target_semaphore(%arg28 : memref<!tpu.dma_semaphore, #tpu.memory_space<semaphore_mem>>) {priority = 1 : i32}
    %dma_wait3A_2795 = arith.constant 7808 : i32
    %dma_wait3A_2796 = arith.constant 0 : i32
    %dma_wait3A_2797 = tpu.memref_slice %arg1[%dma_wait3A_2795, %dma_wait3A_2796] : memref<8192x3000xf32, #tpu.memory_space<any>> -> memref<64x3000xf32, #tpu.memory_space<any>>
    tpu.wait_dma2 semaphore(%arg21 : memref<!tpu.dma_semaphore, #tpu.memory_space<semaphore_mem>>) src(%dma_wait3A_2797 : memref<64x3000xf32, #tpu.memory_space<any>>) dst(%arg5 : memref<64x3000xf32, #tpu.memory_space<vmem>>)
    %get3A_2798 = arith.constant 61 : index
    %get3A_2799 = arith.constant 0 : index
    %get3A_2800 = vector.load %arg0[%get3A_2798, %get3A_2799] : memref<64x3000xf32, #tpu.memory_space<vmem>>, vector<1x3000xf32>
    %dma_wait3A_2801 = arith.constant 7296 : i32
    %dma_wait3A_2802 = arith.constant 0 : i32
    %dma_wait3A_2803 = tpu.memref_slice %arg2[%dma_wait3A_2801, %dma_wait3A_2802] : memref<8192x3000xf32, #tpu.memory_space<any>> -> memref<64x3000xf32, #tpu.memory_space<any>>
    tpu.wait_dma2 semaphore(%arg29 : memref<!tpu.dma_semaphore, #tpu.memory_space<semaphore_mem>>) src(%arg13 : memref<64x3000xf32, #tpu.memory_space<vmem>>) dst(%dma_wait3A_2803 : memref<64x3000xf32, #tpu.memory_space<any>>)
    %get3A_2804 = arith.constant 0 : index
    %get3A_2805 = arith.constant 0 : index
    %get3A_2806 = vector.load %arg5[%get3A_2804, %get3A_2805] : memref<64x3000xf32, #tpu.memory_space<vmem>>, vector<64x3000xf32>
    %mul3A_2807 = vector.broadcast %get3A_2800 : vector<1x3000xf32> to vector<64x3000xf32>
    %mul3A_2808 = arith.mulf %get3A_2806, %mul3A_2807 : vector<64x3000xf32>
    %swap3A_2809 = arith.constant 0 : index
    %swap3A_2810 = arith.constant 0 : index
    %swap3A_2811 = vector.load %arg13[%swap3A_2809, %swap3A_2810] : memref<64x3000xf32, #tpu.memory_space<vmem>>, vector<64x3000xf32>
    tpu.vector_store %arg13[%swap3A_2809, %swap3A_2810], %mul3A_2808 {strides = array<i32>} : memref<64x3000xf32, #tpu.memory_space<vmem>>, vector<64x3000xf32>,
    %dma_start3A_2812 = arith.constant 7808 : i32
    %dma_start3A_2813 = arith.constant 0 : i32
    %dma_start3A_2814 = tpu.memref_slice %arg2[%dma_start3A_2812, %dma_start3A_2813] : memref<8192x3000xf32, #tpu.memory_space<any>> -> memref<64x3000xf32, #tpu.memory_space<any>>
    tpu.enqueue_dma source(%arg13 : memref<64x3000xf32, #tpu.memory_space<vmem>>) target(%dma_start3A_2814 : memref<64x3000xf32, #tpu.memory_space<any>>) target_semaphore(%arg29 : memref<!tpu.dma_semaphore, #tpu.memory_space<semaphore_mem>>)
    %dma_wait3A_2815 = arith.constant 7872 : i32
    %dma_wait3A_2816 = arith.constant 0 : i32
    %dma_wait3A_2817 = tpu.memref_slice %arg1[%dma_wait3A_2815, %dma_wait3A_2816] : memref<8192x3000xf32, #tpu.memory_space<any>> -> memref<64x3000xf32, #tpu.memory_space<any>>
    tpu.wait_dma2 semaphore(%arg22 : memref<!tpu.dma_semaphore, #tpu.memory_space<semaphore_mem>>) src(%dma_wait3A_2817 : memref<64x3000xf32, #tpu.memory_space<any>>) dst(%arg6 : memref<64x3000xf32, #tpu.memory_space<vmem>>)
    %get3A_2818 = arith.constant 61 : index
    %get3A_2819 = arith.constant 0 : index
    %get3A_2820 = vector.load %arg0[%get3A_2818, %get3A_2819] : memref<64x3000xf32, #tpu.memory_space<vmem>>, vector<1x3000xf32>
    %dma_wait3A_2821 = arith.constant 7360 : i32
    %dma_wait3A_2822 = arith.constant 0 : i32
    %dma_wait3A_2823 = tpu.memref_slice %arg2[%dma_wait3A_2821, %dma_wait3A_2822] : memref<8192x3000xf32, #tpu.memory_space<any>> -> memref<64x3000xf32, #tpu.memory_space<any>>
    tpu.wait_dma2 semaphore(%arg30 : memref<!tpu.dma_semaphore, #tpu.memory_space<semaphore_mem>>) src(%arg14 : memref<64x3000xf32, #tpu.memory_space<vmem>>) dst(%dma_wait3A_2823 : memref<64x3000xf32, #tpu.memory_space<any>>)
    %get3A_2824 = arith.constant 0 : index
    %get3A_2825 = arith.constant 0 : index
    %get3A_2826 = vector.load %arg6[%get3A_2824, %get3A_2825] : memref<64x3000xf32, #tpu.memory_space<vmem>>, vector<64x3000xf32>
    %mul3A_2827 = vector.broadcast %get3A_2820 : vector<1x3000xf32> to vector<64x3000xf32>
    %mul3A_2828 = arith.mulf %get3A_2826, %mul3A_2827 : vector<64x3000xf32>
    %swap3A_2829 = arith.constant 0 : index
    %swap3A_2830 = arith.constant 0 : index
    %swap3A_2831 = vector.load %arg14[%swap3A_2829, %swap3A_2830] : memref<64x3000xf32, #tpu.memory_space<vmem>>, vector<64x3000xf32>
    tpu.vector_store %arg14[%swap3A_2829, %swap3A_2830], %mul3A_2828 {strides = array<i32>} : memref<64x3000xf32, #tpu.memory_space<vmem>>, vector<64x3000xf32>,
    %dma_start3A_2832 = arith.constant 7872 : i32
    %dma_start3A_2833 = arith.constant 0 : i32
    %dma_start3A_2834 = tpu.memref_slice %arg2[%dma_start3A_2832, %dma_start3A_2833] : memref<8192x3000xf32, #tpu.memory_space<any>> -> memref<64x3000xf32, #tpu.memory_space<any>>
    tpu.enqueue_dma source(%arg14 : memref<64x3000xf32, #tpu.memory_space<vmem>>) target(%dma_start3A_2834 : memref<64x3000xf32, #tpu.memory_space<any>>) target_semaphore(%arg30 : memref<!tpu.dma_semaphore, #tpu.memory_space<semaphore_mem>>) {priority = 1 : i32}
    %dma_wait3A_2835 = arith.constant 7936 : i32
    %dma_wait3A_2836 = arith.constant 0 : i32
    %dma_wait3A_2837 = tpu.memref_slice %arg1[%dma_wait3A_2835, %dma_wait3A_2836] : memref<8192x3000xf32, #tpu.memory_space<any>> -> memref<64x3000xf32, #tpu.memory_space<any>>
    tpu.wait_dma2 semaphore(%arg23 : memref<!tpu.dma_semaphore, #tpu.memory_space<semaphore_mem>>) src(%dma_wait3A_2837 : memref<64x3000xf32, #tpu.memory_space<any>>) dst(%arg7 : memref<64x3000xf32, #tpu.memory_space<vmem>>)
    %get3A_2838 = arith.constant 62 : index
    %get3A_2839 = arith.constant 0 : index
    %get3A_2840 = vector.load %arg0[%get3A_2838, %get3A_2839] : memref<64x3000xf32, #tpu.memory_space<vmem>>, vector<1x3000xf32>
    %dma_wait3A_2841 = arith.constant 7424 : i32
    %dma_wait3A_2842 = arith.constant 0 : i32
    %dma_wait3A_2843 = tpu.memref_slice %arg2[%dma_wait3A_2841, %dma_wait3A_2842] : memref<8192x3000xf32, #tpu.memory_space<any>> -> memref<64x3000xf32, #tpu.memory_space<any>>
    tpu.wait_dma2 semaphore(%arg31 : memref<!tpu.dma_semaphore, #tpu.memory_space<semaphore_mem>>) src(%arg15 : memref<64x3000xf32, #tpu.memory_space<vmem>>) dst(%dma_wait3A_2843 : memref<64x3000xf32, #tpu.memory_space<any>>)
    %get3A_2844 = arith.constant 0 : index
    %get3A_2845 = arith.constant 0 : index
    %get3A_2846 = vector.load %arg7[%get3A_2844, %get3A_2845] : memref<64x3000xf32, #tpu.memory_space<vmem>>, vector<64x3000xf32>
    %mul3A_2847 = vector.broadcast %get3A_2840 : vector<1x3000xf32> to vector<64x3000xf32>
    %mul3A_2848 = arith.mulf %get3A_2846, %mul3A_2847 : vector<64x3000xf32>
    %swap3A_2849 = arith.constant 0 : index
    %swap3A_2850 = arith.constant 0 : index
    %swap3A_2851 = vector.load %arg15[%swap3A_2849, %swap3A_2850] : memref<64x3000xf32, #tpu.memory_space<vmem>>, vector<64x3000xf32>
    tpu.vector_store %arg15[%swap3A_2849, %swap3A_2850], %mul3A_2848 {strides = array<i32>} : memref<64x3000xf32, #tpu.memory_space<vmem>>, vector<64x3000xf32>,
    %dma_start3A_2852 = arith.constant 7936 : i32
    %dma_start3A_2853 = arith.constant 0 : i32
    %dma_start3A_2854 = tpu.memref_slice %arg2[%dma_start3A_2852, %dma_start3A_2853] : memref<8192x3000xf32, #tpu.memory_space<any>> -> memref<64x3000xf32, #tpu.memory_space<any>>
    tpu.enqueue_dma source(%arg15 : memref<64x3000xf32, #tpu.memory_space<vmem>>) target(%dma_start3A_2854 : memref<64x3000xf32, #tpu.memory_space<any>>) target_semaphore(%arg31 : memref<!tpu.dma_semaphore, #tpu.memory_space<semaphore_mem>>)
    %dma_wait3A_2855 = arith.constant 8000 : i32
    %dma_wait3A_2856 = arith.constant 0 : i32
    %dma_wait3A_2857 = tpu.memref_slice %arg1[%dma_wait3A_2855, %dma_wait3A_2856] : memref<8192x3000xf32, #tpu.memory_space<any>> -> memref<64x3000xf32, #tpu.memory_space<any>>
    tpu.wait_dma2 semaphore(%arg24 : memref<!tpu.dma_semaphore, #tpu.memory_space<semaphore_mem>>) src(%dma_wait3A_2857 : memref<64x3000xf32, #tpu.memory_space<any>>) dst(%arg8 : memref<64x3000xf32, #tpu.memory_space<vmem>>)
    %get3A_2858 = arith.constant 62 : index
    %get3A_2859 = arith.constant 0 : index
    %get3A_2860 = vector.load %arg0[%get3A_2858, %get3A_2859] : memref<64x3000xf32, #tpu.memory_space<vmem>>, vector<1x3000xf32>
    %dma_wait3A_2861 = arith.constant 7488 : i32
    %dma_wait3A_2862 = arith.constant 0 : i32
    %dma_wait3A_2863 = tpu.memref_slice %arg2[%dma_wait3A_2861, %dma_wait3A_2862] : memref<8192x3000xf32, #tpu.memory_space<any>> -> memref<64x3000xf32, #tpu.memory_space<any>>
    tpu.wait_dma2 semaphore(%arg32 : memref<!tpu.dma_semaphore, #tpu.memory_space<semaphore_mem>>) src(%arg16 : memref<64x3000xf32, #tpu.memory_space<vmem>>) dst(%dma_wait3A_2863 : memref<64x3000xf32, #tpu.memory_space<any>>)
    %get3A_2864 = arith.constant 0 : index
    %get3A_2865 = arith.constant 0 : index
    %get3A_2866 = vector.load %arg8[%get3A_2864, %get3A_2865] : memref<64x3000xf32, #tpu.memory_space<vmem>>, vector<64x3000xf32>
    %mul3A_2867 = vector.broadcast %get3A_2860 : vector<1x3000xf32> to vector<64x3000xf32>
    %mul3A_2868 = arith.mulf %get3A_2866, %mul3A_2867 : vector<64x3000xf32>
    %swap3A_2869 = arith.constant 0 : index
    %swap3A_2870 = arith.constant 0 : index
    %swap3A_2871 = vector.load %arg16[%swap3A_2869, %swap3A_2870] : memref<64x3000xf32, #tpu.memory_space<vmem>>, vector<64x3000xf32>
    tpu.vector_store %arg16[%swap3A_2869, %swap3A_2870], %mul3A_2868 {strides = array<i32>} : memref<64x3000xf32, #tpu.memory_space<vmem>>, vector<64x3000xf32>,
    %dma_start3A_2872 = arith.constant 8000 : i32
    %dma_start3A_2873 = arith.constant 0 : i32
    %dma_start3A_2874 = tpu.memref_slice %arg2[%dma_start3A_2872, %dma_start3A_2873] : memref<8192x3000xf32, #tpu.memory_space<any>> -> memref<64x3000xf32, #tpu.memory_space<any>>
    tpu.enqueue_dma source(%arg16 : memref<64x3000xf32, #tpu.memory_space<vmem>>) target(%dma_start3A_2874 : memref<64x3000xf32, #tpu.memory_space<any>>) target_semaphore(%arg32 : memref<!tpu.dma_semaphore, #tpu.memory_space<semaphore_mem>>) {priority = 1 : i32}
    %dma_wait3A_2875 = arith.constant 8064 : i32
    %dma_wait3A_2876 = arith.constant 0 : i32
    %dma_wait3A_2877 = tpu.memref_slice %arg1[%dma_wait3A_2875, %dma_wait3A_2876] : memref<8192x3000xf32, #tpu.memory_space<any>> -> memref<64x3000xf32, #tpu.memory_space<any>>
    tpu.wait_dma2 semaphore(%arg25 : memref<!tpu.dma_semaphore, #tpu.memory_space<semaphore_mem>>) src(%dma_wait3A_2877 : memref<64x3000xf32, #tpu.memory_space<any>>) dst(%arg9 : memref<64x3000xf32, #tpu.memory_space<vmem>>)
    %get3A_2878 = arith.constant 63 : index
    %get3A_2879 = arith.constant 0 : index
    %get3A_2880 = vector.load %arg0[%get3A_2878, %get3A_2879] : memref<64x3000xf32, #tpu.memory_space<vmem>>, vector<1x3000xf32>
    %dma_wait3A_2881 = arith.constant 7552 : i32
    %dma_wait3A_2882 = arith.constant 0 : i32
    %dma_wait3A_2883 = tpu.memref_slice %arg2[%dma_wait3A_2881, %dma_wait3A_2882] : memref<8192x3000xf32, #tpu.memory_space<any>> -> memref<64x3000xf32, #tpu.memory_space<any>>
    tpu.wait_dma2 semaphore(%arg33 : memref<!tpu.dma_semaphore, #tpu.memory_space<semaphore_mem>>) src(%arg17 : memref<64x3000xf32, #tpu.memory_space<vmem>>) dst(%dma_wait3A_2883 : memref<64x3000xf32, #tpu.memory_space<any>>)
    %get3A_2884 = arith.constant 0 : index
    %get3A_2885 = arith.constant 0 : index
    %get3A_2886 = vector.load %arg9[%get3A_2884, %get3A_2885] : memref<64x3000xf32, #tpu.memory_space<vmem>>, vector<64x3000xf32>
    %mul3A_2887 = vector.broadcast %get3A_2880 : vector<1x3000xf32> to vector<64x3000xf32>
    %mul3A_2888 = arith.mulf %get3A_2886, %mul3A_2887 : vector<64x3000xf32>
    %swap3A_2889 = arith.constant 0 : index
    %swap3A_2890 = arith.constant 0 : index
    %swap3A_2891 = vector.load %arg17[%swap3A_2889, %swap3A_2890] : memref<64x3000xf32, #tpu.memory_space<vmem>>, vector<64x3000xf32>
    tpu.vector_store %arg17[%swap3A_2889, %swap3A_2890], %mul3A_2888 {strides = array<i32>} : memref<64x3000xf32, #tpu.memory_space<vmem>>, vector<64x3000xf32>,
    %dma_start3A_2892 = arith.constant 8064 : i32
    %dma_start3A_2893 = arith.constant 0 : i32
    %dma_start3A_2894 = tpu.memref_slice %arg2[%dma_start3A_2892, %dma_start3A_2893] : memref<8192x3000xf32, #tpu.memory_space<any>> -> memref<64x3000xf32, #tpu.memory_space<any>>
    tpu.enqueue_dma source(%arg17 : memref<64x3000xf32, #tpu.memory_space<vmem>>) target(%dma_start3A_2894 : memref<64x3000xf32, #tpu.memory_space<any>>) target_semaphore(%arg33 : memref<!tpu.dma_semaphore, #tpu.memory_space<semaphore_mem>>)
    %dma_wait3A_2895 = arith.constant 8128 : i32
    %dma_wait3A_2896 = arith.constant 0 : i32
    %dma_wait3A_2897 = tpu.memref_slice %arg1[%dma_wait3A_2895, %dma_wait3A_2896] : memref<8192x3000xf32, #tpu.memory_space<any>> -> memref<64x3000xf32, #tpu.memory_space<any>>
    tpu.wait_dma2 semaphore(%arg26 : memref<!tpu.dma_semaphore, #tpu.memory_space<semaphore_mem>>) src(%dma_wait3A_2897 : memref<64x3000xf32, #tpu.memory_space<any>>) dst(%arg10 : memref<64x3000xf32, #tpu.memory_space<vmem>>)
    %get3A_2898 = arith.constant 63 : index
    %get3A_2899 = arith.constant 0 : index
    %get3A_2900 = vector.load %arg0[%get3A_2898, %get3A_2899] : memref<64x3000xf32, #tpu.memory_space<vmem>>, vector<1x3000xf32>
    %dma_wait3A_2901 = arith.constant 7616 : i32
    %dma_wait3A_2902 = arith.constant 0 : i32
    %dma_wait3A_2903 = tpu.memref_slice %arg2[%dma_wait3A_2901, %dma_wait3A_2902] : memref<8192x3000xf32, #tpu.memory_space<any>> -> memref<64x3000xf32, #tpu.memory_space<any>>
    tpu.wait_dma2 semaphore(%arg34 : memref<!tpu.dma_semaphore, #tpu.memory_space<semaphore_mem>>) src(%arg18 : memref<64x3000xf32, #tpu.memory_space<vmem>>) dst(%dma_wait3A_2903 : memref<64x3000xf32, #tpu.memory_space<any>>)
    %get3A_2904 = arith.constant 0 : index
    %get3A_2905 = arith.constant 0 : index
    %get3A_2906 = vector.load %arg10[%get3A_2904, %get3A_2905] : memref<64x3000xf32, #tpu.memory_space<vmem>>, vector<64x3000xf32>
    %mul3A_2907 = vector.broadcast %get3A_2900 : vector<1x3000xf32> to vector<64x3000xf32>
    %mul3A_2908 = arith.mulf %get3A_2906, %mul3A_2907 : vector<64x3000xf32>
    %swap3A_2909 = arith.constant 0 : index
    %swap3A_2910 = arith.constant 0 : index
    %swap3A_2911 = vector.load %arg18[%swap3A_2909, %swap3A_2910] : memref<64x3000xf32, #tpu.memory_space<vmem>>, vector<64x3000xf32>
    tpu.vector_store %arg18[%swap3A_2909, %swap3A_2910], %mul3A_2908 {strides = array<i32>} : memref<64x3000xf32, #tpu.memory_space<vmem>>, vector<64x3000xf32>,
    %dma_start3A_2912 = arith.constant 8128 : i32
    %dma_start3A_2913 = arith.constant 0 : i32
    %dma_start3A_2914 = tpu.memref_slice %arg2[%dma_start3A_2912, %dma_start3A_2913] : memref<8192x3000xf32, #tpu.memory_space<any>> -> memref<64x3000xf32, #tpu.memory_space<any>>
    tpu.enqueue_dma source(%arg18 : memref<64x3000xf32, #tpu.memory_space<vmem>>) target(%dma_start3A_2914 : memref<64x3000xf32, #tpu.memory_space<any>>) target_semaphore(%arg34 : memref<!tpu.dma_semaphore, #tpu.memory_space<semaphore_mem>>) {priority = 1 : i32}
    %dma_wait3A_2915 = arith.constant 7680 : i32
    %dma_wait3A_2916 = arith.constant 0 : i32
    %dma_wait3A_2917 = tpu.memref_slice %arg2[%dma_wait3A_2915, %dma_wait3A_2916] : memref<8192x3000xf32, #tpu.memory_space<any>> -> memref<64x3000xf32, #tpu.memory_space<any>>
    tpu.wait_dma2 semaphore(%arg27 : memref<!tpu.dma_semaphore, #tpu.memory_space<semaphore_mem>>) src(%arg11 : memref<64x3000xf32, #tpu.memory_space<vmem>>) dst(%dma_wait3A_2917 : memref<64x3000xf32, #tpu.memory_space<any>>)
    %dma_wait3A_2918 = arith.constant 7744 : i32
    %dma_wait3A_2919 = arith.constant 0 : i32
    %dma_wait3A_2920 = tpu.memref_slice %arg2[%dma_wait3A_2918, %dma_wait3A_2919] : memref<8192x3000xf32, #tpu.memory_space<any>> -> memref<64x3000xf32, #tpu.memory_space<any>>
    tpu.wait_dma2 semaphore(%arg28 : memref<!tpu.dma_semaphore, #tpu.memory_space<semaphore_mem>>) src(%arg12 : memref<64x3000xf32, #tpu.memory_space<vmem>>) dst(%dma_wait3A_2920 : memref<64x3000xf32, #tpu.memory_space<any>>)
    %dma_wait3A_2921 = arith.constant 7808 : i32
    %dma_wait3A_2922 = arith.constant 0 : i32
    %dma_wait3A_2923 = tpu.memref_slice %arg2[%dma_wait3A_2921, %dma_wait3A_2922] : memref<8192x3000xf32, #tpu.memory_space<any>> -> memref<64x3000xf32, #tpu.memory_space<any>>
    tpu.wait_dma2 semaphore(%arg29 : memref<!tpu.dma_semaphore, #tpu.memory_space<semaphore_mem>>) src(%arg13 : memref<64x3000xf32, #tpu.memory_space<vmem>>) dst(%dma_wait3A_2923 : memref<64x3000xf32, #tpu.memory_space<any>>)
    %dma_wait3A_2924 = arith.constant 7872 : i32
    %dma_wait3A_2925 = arith.constant 0 : i32
    %dma_wait3A_2926 = tpu.memref_slice %arg2[%dma_wait3A_2924, %dma_wait3A_2925] : memref<8192x3000xf32, #tpu.memory_space<any>> -> memref<64x3000xf32, #tpu.memory_space<any>>
    tpu.wait_dma2 semaphore(%arg30 : memref<!tpu.dma_semaphore, #tpu.memory_space<semaphore_mem>>) src(%arg14 : memref<64x3000xf32, #tpu.memory_space<vmem>>) dst(%dma_wait3A_2926 : memref<64x3000xf32, #tpu.memory_space<any>>)
    %dma_wait3A_2927 = arith.constant 7936 : i32
    %dma_wait3A_2928 = arith.constant 0 : i32
    %dma_wait3A_2929 = tpu.memref_slice %arg2[%dma_wait3A_2927, %dma_wait3A_2928] : memref<8192x3000xf32, #tpu.memory_space<any>> -> memref<64x3000xf32, #tpu.memory_space<any>>
    tpu.wait_dma2 semaphore(%arg31 : memref<!tpu.dma_semaphore, #tpu.memory_space<semaphore_mem>>) src(%arg15 : memref<64x3000xf32, #tpu.memory_space<vmem>>) dst(%dma_wait3A_2929 : memref<64x3000xf32, #tpu.memory_space<any>>)
    %dma_wait3A_2930 = arith.constant 8000 : i32
    %dma_wait3A_2931 = arith.constant 0 : i32
    %dma_wait3A_2932 = tpu.memref_slice %arg2[%dma_wait3A_2930, %dma_wait3A_2931] : memref<8192x3000xf32, #tpu.memory_space<any>> -> memref<64x3000xf32, #tpu.memory_space<any>>
    tpu.wait_dma2 semaphore(%arg32 : memref<!tpu.dma_semaphore, #tpu.memory_space<semaphore_mem>>) src(%arg16 : memref<64x3000xf32, #tpu.memory_space<vmem>>) dst(%dma_wait3A_2932 : memref<64x3000xf32, #tpu.memory_space<any>>)
    %dma_wait3A_2933 = arith.constant 8064 : i32
    %dma_wait3A_2934 = arith.constant 0 : i32
    %dma_wait3A_2935 = tpu.memref_slice %arg2[%dma_wait3A_2933, %dma_wait3A_2934] : memref<8192x3000xf32, #tpu.memory_space<any>> -> memref<64x3000xf32, #tpu.memory_space<any>>
    tpu.wait_dma2 semaphore(%arg33 : memref<!tpu.dma_semaphore, #tpu.memory_space<semaphore_mem>>) src(%arg17 : memref<64x3000xf32, #tpu.memory_space<vmem>>) dst(%dma_wait3A_2935 : memref<64x3000xf32, #tpu.memory_space<any>>)
    %dma_wait3A_2936 = arith.constant 8128 : i32
    %dma_wait3A_2937 = arith.constant 0 : i32
    %dma_wait3A_2938 = tpu.memref_slice %arg2[%dma_wait3A_2936, %dma_wait3A_2937] : memref<8192x3000xf32, #tpu.memory_space<any>> -> memref<64x3000xf32, #tpu.memory_space<any>>
    tpu.wait_dma2 semaphore(%arg34 : memref<!tpu.dma_semaphore, #tpu.memory_space<semaphore_mem>>) src(%arg18 : memref<64x3000xf32, #tpu.memory_space<vmem>>) dst(%dma_wait3A_2938 : memref<64x3000xf32, #tpu.memory_space<any>>)
    return
  }
}

</mosaic_0001>

<sc_bundles>
// kernel: sparse-core-data-format-call.cloned.1.call-start
scs
called_computation_lowered:
.L_overlay_start_0:
0x0: {  	s2 =	sld [smem:$0x3FD9]  }
0x1: {  	s3 =	sld [smem:$0x3FFE];
	_ =	sdelay $0x1  }
0x2: {  	s1 =	srdreg.scid  }
0x3: {  	s0 =	sand.u32 $0x1, s1  }
0x4: {  	s18 =	sshll.u32 s0, $0xA;
	s2 =	sadd.s32 s3, s2  }
0x5: {  	s2 =	sadd.s32 s2, s18  }
0x6: {  	[smem:$0x3FC7] =	sst s2  }
0x7: {  	_ = 	snop  }
0x8: {  	s2 =	sld [smem:$0x3FD0];
	(tm) =	ssettm $0x1  }
0x9: {  	s19 =	sld [smem:$0x3FFB];
	_ =	sdelay $0x3  }
0xa: {  	_ =	strace s19  }
0xb: {  	s3 =	sld [smem:$0x3FFC];
	_ =	sdelay $0x3  }
0xc: {  	_ =	strace s3  }
0xd: {  	s3 =	sld [smem:$0x3FFD];
	_ =	sdelay $0x3  }
0xe: {  	_ =	strace s3  }
0xf: {  	_ =	strace $0x8FFFFFFF  }
0x10: {  	s20 =	sld [smem:$0x3FDB];
	_ =	sdelay $0x1  }
0x11: {  	s4 =	simm.s32 $_scs_section_size  }
0x12: {  	s5 =	simm.s32 $_size__tile_overlayer_lowered;
	s6 =	simm.s32 $_tile_overlayer_lowered  }
0x13: {  	s23 =	simm.s32 $0x1BFF;
	s22 =	sshll.u32 s6, $0x1;
	s3 =	sadd.s32 s4, s20  }
0x14: {  	s7 =	simm.s32 $0x0;
	s21 =	sshll.u32 s5, $0x1;
	s5 =	sadd.s32 s22, s3  }
0x15: {  	[timem:s7], [sflag:s23] =	dma.local [hbm:s5], s21  }
0x16: {  	_ =	swait.ge [sflag:s23], s21  }
0x17: {  	s4 =	ssub.s32 $0x0, s21;
	[sflag:s23] =	ssyncset.done $0x0  }
0x18: {  	[sflag:s23] =	ssyncadd.s32 s4;
	_ =	sdelay $0x1  }
0x19: {  	s24 =	simm.s32 $0x1B8B  }
0x1a: {  	_ =	swait.ge [sflag:s24], $0x1  }
0x1b: {  	[sflag:s24] =	ssyncset.done $0x0  }
0x1c: {  	s26 =	simm.s32 $0x1B8E;
	s25 =	sld [smem:$0x3FFE];
	[sflag:s24] =	ssyncadd.s32 $0xFFFFFFFF  }
0x1d: {  	s27 =	simm.s32 $execute0_lowered;
	[smem:$0x3FD2] =	sst s26  }
0x1e: {  	s5 =	sshll.u32 s27, $0x1;
	_ =	strace $0x80000046;
	[dreg:$0x1] =	wrdreg $0xFFFFFFFF  }
0x1f: {  	s28 =	simm.s32 $_size_execute0_lowered;
	s3 =	sadd.s32 s3, s5;
	[dreg:$0x0] =	wrdreg $0x0  }
0x20: {  	s5 =	sshll.u32 s28, $0x1;
	[dreg:$0x2] =	wrdreg s3  }
0x21: {  	[dreg:$0x3] =	wrdreg s5  }
0x22: {  	[dreg:$0x4] =	wrdreg $0xC0  }
0x23: {  	_ =	task [dreg:s7], $0x5FFFF  }
0x24: {  	[dreg:$0x1] =	wrdreg $0xFFFFFFFF  }
0x25: {  	[dreg:$0x0] =	wrdreg $0x60  }
0x26: {  	[dreg:$0x2] =	wrdreg s25  }
0x27: {  	[dreg:$0x3] =	wrdreg s2  }
0x28: {  	[dreg:$0x4] =	wrdreg $0x9  }
0x29: {  	_ =	task.clear_ibuf [dreg:s7], $0x5FFFF;
	_ =	strace $0x90000046  }
0x2a: {  	s29 =	simm.s32 $0x9;
	_ =	strace $0x80000048  }
0x2b: {  	_ =	swait.ge [sflag:s29], $0x1  }
0x2c: {  	[sflag:s29] =	ssyncadd.s32 $0xFFFFFFFF  }
0x2d: {  	_ =	strace $0x90000048  }
0x2e: {  	_ =	sfence  }
0x2f: {  	s30 =	sld [smem:$0x0];
	_ =	sdelay $0x2  }
0x30: {  	s31 =	sshll.u32 s1, $0xD;
	s1 =	sshrl.u32 s1, $0x2  }
0x31: {  	s3 =	sand.u32 $0x4000, s31;
	s1 =	sadd.s32 s1, s30  }
0x32: {  	s0 =	sor.u32 s3, s0;
	s1 =	sshll.u32 s1, $0x11  }
0x33: {  	s0 =	sor.u32 s1, s0  }
0x34: {  	s0 =	sadd.s32 $0x8F2B, s0  }
0x35: {  	[sflag:s0] =	ssyncadd.remote.s32 $0x1  }
0x36: {  	_ =	sfence.sel $0xFFFF  }
0x37: {  	[dreg:$0x0] =	wrdreg $0xFFFFFFFF;
	(pc) =	sbr.abs _section_cstart, $3  }
0x38: {  	[dreg:$0x1] =	wrdreg $0xFFFFFFFF  }
0x39: {  	_ =	task.clear_ibuf [dreg:s7], $0x2FFFF;
	_ =	strace $0x9FFFFFFF  }
0x3a: {  	(tm) =	ssettm $0x7FFFFFFF  }
0x3b: {  	_ =	shalt  }
tec
execute0_lowered:
.L_overlay_start_1:
0x0: {  	(tag) =	ssettag $0x1  }
0x1: {  	s1 =	rddreg [dreg:$0x0]  }
0x2: {  	s2 =	rddreg [dreg:$0x1]  }
0x3: {  	s0 =	rddreg [dreg:$0x2];
	_ =	strace $0x80000047;
	s4 =	srdreg.scid  }
0x4: {  	s6 =	simm.s32 $0x2;
	s14 =	simm.s32 $0x0;
	p0 =	por $0x0, $0x0  }
0x5: {  	s13 =	simm.s32 $0x0;
	s15 =	simm.s32 $0x0;
	s8 =	simm.s32 $0x0  }
.Ltmp0:
0x6: {  	s9 =	simm.s32 $0x0;
	s10 =	simm.s32 $0x0;
	(pc) =	sbr.rel .LBB1_1-.Ltmp0, $4  }
0x7: {  	s11 =	simm.s32 $0x0;
	s3 =	sadd.s32 $0x302600, s1;
	s5 =	sshll.u32 s4, $0x4  }
0x8: {  	s1 =	stileid.u32;
	s4 =	simm.s32 $0x1;
	s5 =	sand.u32 $0x10, s5  }
0x9: {  	s7 =	simm.s32 $0x0;
	[sflag:s4] =	ssyncpa.u1 $0x0;
	s5 =	sor.u32 s1, s5  }
0xa: {  	[sflag:s6] =	ssyncpa.u1 $0x0;
	s6 =	simm.s32 $0x0;
	s12 =	smov.u32 s5  }
.LBB1_5:
0xb: {  	p1 =	slt.u32 s7, $0x2  }
0xc: {  	p2 =	sgt.s32 @!p1 s15, $0x3F  }
0xd: {  	s16 =	smov.u32 s15;
	s17 =	sshra.s32 @!p1 s15, $0x1F;
	p2 =	por !p2, p1  }
0xe: {  	s15 =	sand.u32 @!p1 s17, s15;
	s16 =	simm.s32 @p2 $0x3F  }
0xf: {  	p3 =	sgt.s32 @!p1 s14, $0xB38;
	s15 =	ssub.s32 @!p1 s16, s15  }
0x10: {  	p3 =	por !p3, p1;
	s17 =	smov.u32 s14;
	s16 =	sadd.s32 @!p1 $0xFFFFFFC1, s15  }
0x11: {  	s15 =	ssub.s32 @!p1 $0x40, s15;
	p2 =	sgt.s32 @!p1 s16, $0x0;
	s16 =	sshra.s32 @!p1 s14, $0x1F  }
0x12: {  	s14 =	sand.u32 @!p1 s16, s14;
	s16 =	ssub.s32 @!p1 $0x0, s13;
	p2 =	por !p2, p1  }
0x13: {  	s17 =	simm.s32 @p3 $0xB38;
	s13 =	smin.u32 @!p1 s13, s16;
	s15 =	simm.s32 @!p2 $0x0  }
0x14: {  	s14 =	ssub.s32 @!p1 s17, s14;
	s17 =	smov.u32 s11;
	p2 =	sgt.s32 @!p1 s13, $0x7F  }
0x15: {  	s16 =	sadd.s32 @!p1 $0xFFFFF4C8, s14;
	s13 =	ssub.s32 @!p1 $0x80, s13;
	p2 =	por !p2, p1  }
0x16: {  	s14 =	ssub.s32 @!p1 $0xBB8, s14;
	p3 =	sgt.s32 @!p1 s16, $0x7F;
	s13 =	simm.s32 @!p2 $0x0  }
0x17: {  	s16 =	sadd.s32 $0x80, s10;
	p2 =	por !p3, p1;
	s13 =	smul.u32 @!p1 s15, s13  }
0x18: {  	s14 =	simm.s32 @!p2 $0x0;
	p2 =	sgt.s32 s16, $0xBB7;
	s15 =	sadd.s32 $0x80, s11  }
0x19: {  	s18 =	smov.u32 s12;
	s17 =	smov.u32 @p2 s15  }
0x1a: {  	s13 =	smul.u32 @!p1 s14, s13;
	p3 =	sgt.s32 s17, $0x7F;
	s14 =	sadd.s32 $0x20, s12  }
0x1b: {  	s7 =	sadd.s32 $0x1, s7;
	p0 =	por !p0, !p0;
	s18 =	smov.u32 @p3 s14  }
0x1c: {  	s19 =	simm.s32 @!p1 $0x2;
	s16 =	simm.s32 @p2 $0x0;
	p2 =	sgt.s32 s18, $0x3F  }
0x1d: {  	s15 =	smov.u32 s9;
	s18 =	smov.u32 @p2 s5;
	p2 =	sne.s32 s7, $0x32  }
.Ltmp1:
0x1e: {  	s9 =	smov.u32 s12;
	s17 =	simm.s32 @p3 $0x0;
	(pc) =	sbr.rel @!p2 .LBB1_6-.Ltmp1, $4  }
0x1f: {  	s14 =	smov.u32 s6;
	s6 =	smov.u32 s10;
	s13 =	sand.u32 @!p1 $0x3FFFFFFF, s13  }
0x20: {  	s10 =	smov.u32 s16;
	_ =	swait.ge @!p1 [sflag:s19], s13;
	s20 =	ssub.s32 @!p1 $0x0, s13  }
0x21: {  	s13 =	smov.u32 s8;
	s8 =	smov.u32 s11;
	[sflag:s19] =	ssyncset.done @!p1 $0x0  }
0x22: {  	s11 =	smov.u32 s17;
	s12 =	smov.u32 s18;
	[sflag:s19] =	ssyncadd.s32 @!p1 s20  }
.LBB1_1:
0x23: {  	p1 =	sgt.u32 s7, $0x2F  }
0x24: {  	s16 =	sshrl.u32 @!p1 s11, $0x3  }
0x25: {  	s17 =	sshll.u32 @!p1 s10, $0x3;
	s18 =	sshll.u32 @!p1 s11, $0x7;
	s16 =	smul.u32 @!p1 $0x6000, s16  }
0x26: {  	s19 =	sand.u32 @!p1 $0x7F, s10;
	s17 =	sand.u32 @!p1 $0xFFFFFC00, s17;
	s18 =	sand.u32 @!p1 $0x380, s18  }
0x27: {  	s16 =	sadd.s32 @!p1 s16, s17;
	s17 =	sor.u32 @!p1 s19, s18  }
0x28: {  	s17 =	sor.u32 @!p1 s16, s17  }
0x29: {  	s18 =	smulhi.u32 @!p1 $0xAAAAAAAB, s17  }
0x2a: {  	s16 =	smulhi.u32 @!p1 $0xAAAAAAAB, s16  }
0x2b: {  	s18 =	sshrl.u32 @!p1 s18, $0xB  }
0x2c: {  	s16 =	sshrl.u32 @!p1 s16, $0xB;
	s18 =	smul.u32 @!p1 $0xC00, s18  }
0x2d: {  	s20 =	smul.u32 @!p1 $0xC000, s12;
	s19 =	sxor.u32 @!p1 $0xFFFFFFFF, s7;
	s16 =	sand.u32 @!p1 $0x7F, s16  }
0x2e: {  	s19 =	sshll.u32 @!p1 s19, $0xE;
	s16 =	smul.u32 @!p1 $0x180, s16;
	s17 =	ssub.s32 @!p1 s17, s18  }
0x2f: {  	s18 =	sand.u32 @!p1 $0x4000, s19;
	s19 =	sadd.s32 @!p1 s3, s20;
	s20 =	sand.u32 @!p1 $0x7, s17  }
0x30: {  	s17 =	sshrl.u32 @!p1 s17, $0x3;
	s16 =	sadd.s32 @!p1 s16, s19;
	s19 =	sshll.u32 @!p1 s20, $0x12  }
0x31: {  	s16 =	sadd.s32 @!p1 s17, s16;
	s17 =	sor.u32 @!p1 $0x400, s19;
	s19 =	simm.s32 @!p1 $0x6000  }
0x32: {  	[tilespmem:s18], [sflag:$0x1] =	stream.strided.gather @!p1 [hbm4b:s16+s17], $0x4000, s19, s17, $0x38;
	[tilespmem:$0x10100] =	vst v63  }
0x33: {  	p1 =	seq.s32 s7, $0x0  }
0x34: {  	p2 =	seq.s32 @!p1 s7, $0x31  }
0x35: {  	p1 =	por p1, p2  }
.Ltmp2:
0x36: {  	_ = 	snop;
	(pc) =	sbr.rel @p1 .LBB1_5-.Ltmp2, $1  }
0x37: {  	_ =	sdelay $0x3  }
0x38: {  	s16 =	simm.s32 $0x1  }
0x39: {  	_ =	swait.ge [sflag:s4], $0x4000;
	s16 =	simm.s32 @!p0 $0x0  }
0x3a: {  	[sflag:s4] =	ssyncset.done $0x0;
	s17 =	sshll.u32 s16, $0xE  }
0x3b: {  	[sflag:s4] =	ssyncadd.s32 $0xFFFFC000;
	s17 =	sor.u32 $0x40, s17  }
0x3c: {  	s16 =	smul.u32 $0x10200, s16;
	v0 =	vld [tilespmem:s17+$0x30]  }
0x3d: {  	v1 =	vld [tilespmem:s17+$0xFFFFFFD0]  }
0x3e: {  	s16 =	sshrl.u32 s16, $0x2;
	v5 =	vld [tilespmem:s17+$0xFFFFFFE0]  }
0x3f: {  	v6 =	vld [tilespmem:s17+$0xFFFFFFF0];
	s19 =	sor.u32 $0x8000, s16  }
0x40: {  	s31 =	sand.u32 $0x1, s7;
	v4 =	vld [tilespmem:s17+$0x0];
	s18 =	sadd.s32 $0x0, s19  }
0x41: {  	v3 =	vld [tilespmem:s17+$0x10];
	s16 =	smul.u32 $0x10200, s31;
	[tilespmem:s18+$0x3870 ss:$0x81] =	vst.msk $0xffff, v0  }
0x42: {  	v2 =	vld [tilespmem:s17+$0x20];
	[tilespmem:s18+$0x810 ss:$0x81] =	vst.msk $0xffff, v1  }
0x43: {  	s16 =	sshrl.u32 s16, $0x2;
	v0 =	vld [tilespmem:s17+$0xFFFFFFC0];
	[tilespmem:s18+$0x1020 ss:$0x81] =	vst.msk $0xffff, v5;
	s17 =	sadd.s32 $0x80, s17  }
0x44: {  	s20 =	simm.s32 $0x4;
	s21 =	simm.s32 $0x8;
	s16 =	sor.u32 $0x8000, s16;
	[tilespmem:s18+$0x1830 ss:$0x81] =	vst.msk $0xffff, v6;
	v1 =	vld [tilespmem:s17+$0x30]  }
.LBB1_3:
0x45: {  	p1 =	sne.s32 s21, $0x1FC;
	v5 =	vld [tilespmem:s17+$0xFFFFFFD0];
	[tilespmem:s18+$0x2040 ss:$0x81] =	vst.msk $0xffff, v4  }
0x46: {  	v6 =	vld [tilespmem:s17+$0xFFFFFFE0];
	[tilespmem:s18+$0x2850 ss:$0x81] =	vst.msk $0xffff, v3  }
0x47: {  	s22 =	sshra.s32 s20, $0x2;
	s20 =	smov.u32 s21;
	v7 =	vld [tilespmem:s17+$0xFFFFFFF0];
	[tilespmem:s18+$0x3060 ss:$0x81] =	vst.msk $0xffff, v2  }
.Ltmp3:
0x48: {  	v4 =	vld [tilespmem:s17+$0x0];
	[tilespmem:s18+$0x0 ss:$0x81] =	vst.msk $0xffff, v0;
	s18 =	sadd.s32 s22, s19;
	(pc) =	sbr.rel @p1 .LBB1_3-.Ltmp3, $4  }
0x49: {  	v3 =	vld [tilespmem:s17+$0x10];
	[tilespmem:s18+$0x3870 ss:$0x81] =	vst.msk $0xffff, v1  }
0x4a: {  	[tilespmem:s18+$0x810 ss:$0x81] =	vst.msk $0xffff, v5;
	v2 =	vld [tilespmem:s17+$0x20]  }
0x4b: {  	v0 =	vld [tilespmem:s17+$0xFFFFFFC0];
	[tilespmem:s18+$0x1020 ss:$0x81] =	vst.msk $0xffff, v6;
	s17 =	sadd.s32 $0x80, s17  }
0x4c: {  	s21 =	sadd.s32 $0x4, s21;
	v1 =	vld [tilespmem:s17+$0x30];
	[tilespmem:s18+$0x1830 ss:$0x81] =	vst.msk $0xffff, v7  }
0x4d: {  	s21 =	sshll.u32 s6, $0x7  }
0x4e: {  	s22 =	sshll.u32 s8, $0x3;
	p1 =	sgt.s32 s9, $0x3F;
	s27 =	sshra.s32 s9, $0x1F  }
0x4f: {  	s20 =	sshra.s32 s20, $0x2;
	s23 =	sand.u32 $0xFFFFFC00, s21;
	s22 =	sand.u32 $0xFFFFFC00, s22  }
0x50: {  	s30 =	ssub.s32 $0x0, s8;
	s21 =	sand.u32 $0x380, s21;
	s22 =	sadd.s32 s22, s23  }
0x51: {  	[tilespmem:s18+$0x2040 ss:$0x81] =	vst.msk $0xffff, v4;
	s31 =	sshra.s32 s6, $0x1F;
	s21 =	sor.u32 s21, s22;
	s22 =	smov.u32 s9  }
0x52: {  	s19 =	sadd.s32 s20, s19;
	[tilespmem:s18+$0x2850 ss:$0x81] =	vst.msk $0xffff, v3;
	s23 =	sand.u32 s27, s9;
	s22 =	simm.s32 @!p1 $0x3F  }
0x53: {  	v5 =	vld [tilespmem:s17+$0xFFFFFFD0];
	[tilespmem:s18+$0x3060 ss:$0x81] =	vst.msk $0xffff, v2;
	s27 =	smul.u32 $0xBB80, s9;
	s21 =	sshrl.u32 s21, $0x7;
	s22 =	ssub.s32 s22, s23  }
0x54: {  	v58 =	vld [tilespmem:s17+$0xFFFFFFE0];
	[tilespmem:s18+$0x0 ss:$0x81] =	vst.msk $0xffff, v0;
	s18 =	sand.u32 s31, s6;
	s24 =	smulhi.u32 $0x2BB0CF9, s21;
	s28 =	sadd.s32 $0xFFFFFFC1, s22  }
0x55: {  	v59 =	vld [tilespmem:s17+$0xFFFFFFF0];
	s20 =	ssub.s32 $0x40, s22;
	s22 =	smov.u32 s6;
	p1 =	sgt.s32 s28, $0x0  }
0x56: {  	v60 =	vld [tilespmem:s17+$0x0];
	s29 =	sshrl.u32 s24, $0x5;
	s20 =	simm.s32 @p1 $0x0;
	p1 =	sgt.s32 s6, $0xB38  }
0x57: {  	v61 =	vld [tilespmem:s17+$0x10];
	[tilespmem:s19+$0x3870 ss:$0x81] =	vst.msk $0xffff, v1;
	s24 =	smin.u32 s8, s30;
	s28 =	sshrl.u32 s8, $0x3;
	s22 =	simm.s32 @!p1 $0xB38  }
0x58: {  	v62 =	vld [tilespmem:s17+$0x20];
	[tilespmem:s19+$0x810 ss:$0x81] =	vst.msk $0xffff, v5;
	p1 =	sgt.s32 s24, $0x7F;
	s24 =	ssub.s32 $0x80, s24;
	s18 =	ssub.s32 s22, s18  }
0x59: {  	v63 =	vld [tilespmem:s17+$0xFFFFFFC0];
	[tilespmem:s19+$0x1020 ss:$0x81] =	vst.msk $0xffff, v58;
	s23 =	smul.u32 $0xBB8, s29;
	s24 =	simm.s32 @p1 $0x0;
	s26 =	sadd.s32 $0xFFFFF4C8, s18  }
0x5a: {  	[tilespmem:s19+$0x1830 ss:$0x81] =	vst.msk $0xffff, v59;
	s25 =	smul.u32 s20, s24;
	s18 =	ssub.s32 $0xBB8, s18;
	p1 =	sgt.s32 s26, $0x7F  }
.Ltmp4:
0x5b: {  	[tilespmem:s19+$0x2040 ss:$0x81] =	vst.msk $0xffff, v60;
	s29 =	sand.u32 $0xF, s28;
	s18 =	simm.s32 @p1 $0x0;
	(pc) =	sbr.rel .LBB1_5-.Ltmp4, $4  }
0x5c: {  	[tilespmem:s19+$0x2850 ss:$0x81] =	vst.msk $0xffff, v61;
	s21 =	ssub.s32 s21, s23;
	s20 =	sadd.s32 s2, s27;
	s17 =	smul.u32 s18, s25  }
0x5d: {  	[tilespmem:s19+$0x3060 ss:$0x81] =	vst.msk $0xffff, v62;
	s30 =	sshll.u32 s21, $0x4;
	s18 =	sadd.s32 s29, s20  }
0x5e: {  	s31 =	sand.u32 $0x7, s8;
	[tilespmem:s19+$0x0 ss:$0x81] =	vst.msk $0xffff, v63;
	s18 =	sadd.s32 s30, s18;
	s17 =	sand.u32 $0x3FFFFFFF, s17  }
0x5f: {  	[hbm4b:s18+s31] =	stream.linear.scatter [tilespmem:s16], [sflag:$0x2], s17, $0x20;
	[tilespmem:$0x10100] =	vst v63  }
.LBB1_6:
0x60: {  	_ =	sfence.sel $0x180000  }
0x61: {  	s2 =	simm.s32 $0x1;
	[bflag:$0x0] =	sbarrier.arrive $0xFFFF  }
0x62: {  	s31 =	simm.s32 $0x2;
	[sflag:s2] =	ssyncpa.u1 $0x1  }
0x63: {  	[sflag:s31] =	ssyncpa.u1 $0x1  }
0x64: {  	p0 =	sne.s32 s1, $0x0;
	_ =	strace $0x90000047  }
0x65: {  	s0 =	sadd.s32 @!p0 $0x100000, s0;
	[bflag:$0x2] =	sbarrier.arrive $0xFFFF  }
0x66: {  	[sflag:s0] =	ssyncadd.tile.s32 @!p0 $0x1;
	_ =	shalt  }
.Lfunc_end1:
_tile_overlayer_lowered:
.L_overlay_start_2:
0x67: {  	(tag) =	ssettag $0x2  }
0x68: {  	s0 =	rddreg [dreg:$0x0];
	s2 =	stileid.u32  }
0x69: {  	s1 =	rddreg [dreg:$0x1];
	p0 =	sne.s32 s2, $0x0  }
0x6a: {  	s3 =	rddreg [dreg:$0x2];
	[bflag:$0x3] =	sbarrier.arrive $0xFFFF;
	s2 =	simm.s32 @!p0 $0x1C01  }
0x6b: {  	[timem:s3], [sflag:s2] =	dma.local @!p0 [hbm:s0], s1  }
0x6c: {  	s0 =	simm.s32 @!p0 $0x1  }
0x6d: {  	_ =	swait.ge @!p0 [sflag:s0], s1  }
0x6e: {  	s1 =	ssub.s32 @!p0 $0x0, s1;
	[sflag:s0] =	ssyncset.done @!p0 $0x0  }
0x6f: {  	[sflag:s0] =	ssyncadd.s32 @!p0 s1  }
0x70: {  	[bflag:$0x3] =	sbarrier.arrive $0xFFFF  }
0x71: {  	_ =	shalt  }

</sc_bundles>
